<compile_context>
chip_gen: v7x
topology: tpu7x:2x2x1
jax: 0.10.2.dev20260603
libtpu: 0.0.44.dev20260713+nightly
codegen_flags: <defaults>
</compile_context>

<pallas_src>
import functools

import jax
import jax.numpy as jnp
from jax import lax
from jax.experimental import pallas as pl
from jax.experimental.pallas import tpu as pltpu
from jax.experimental.pallas import tpu_sc as plsc

_DIM = 2048
_N_EXPERTS = 64
_TOPK = 8
_ROWS = 8192
_BLOCK_R = 1024

_NC = 2
_NS = 16
_NW = _NC * _NS
_ROWS_PER_W = _ROWS // _NW
_GROUPS_PER_W = _ROWS_PER_W // 16


def _probs_block(x_ref, w_ref, p_ref):
    st = jax.lax.dot_general(
        w_ref[...], x_ref[...],
        (((1,), (1,)), ((), ())),
        preferred_element_type=jnp.float32,
    )
    m = jnp.max(st, axis=0, keepdims=True)
    e = jnp.exp(st - m)
    p_ref[...] = e * (1.0 / jnp.sum(e, axis=0, keepdims=True))


def _probs(x, weight):
    grid = (_ROWS // _BLOCK_R,)
    return pl.pallas_call(
        _probs_block,
        grid=grid,
        in_specs=[
            pl.BlockSpec((_BLOCK_R, _DIM), lambda i: (i, 0)),
            pl.BlockSpec((_N_EXPERTS, _DIM), lambda i: (0, 0)),
        ],
        out_specs=pl.BlockSpec((_N_EXPERTS, _BLOCK_R), lambda i: (0, i)),
        out_shape=jax.ShapeDtypeStruct((_N_EXPERTS, _ROWS), jnp.float32),
    )(x, weight)


def _topk_sc_body(p_hbm, wts_hbm, idx_hbm, p_v, wts_v, idx_v):
    wid = lax.axis_index("s") * _NC + lax.axis_index("c")
    base = wid * _ROWS_PER_W
    pltpu.sync_copy(p_hbm.at[:, pl.ds(base, _ROWS_PER_W)], p_v)

    for g in range(_GROUPS_PER_W):
        goff = g * 16

        def step(e, carry):
            ws, ids = carry
            v = p_v[e, pl.ds(goff, 16)]
            ie = jnp.full((16,), 1.0, jnp.float32) * e.astype(jnp.float32)
            cs = [v > w for w in ws]
            new_ws = list(ws)
            new_ids = list(ids)
            new_ws[0] = jnp.where(cs[0], v, ws[0])
            new_ids[0] = jnp.where(cs[0], ie, ids[0])
            for j in range(1, _TOPK):
                tw = jnp.where(cs[j - 1], ws[j - 1], v)
                ti = jnp.where(cs[j - 1], ids[j - 1], ie)
                new_ws[j] = jnp.where(cs[j], tw, ws[j])
                new_ids[j] = jnp.where(cs[j], ti, ids[j])
            return tuple(new_ws), tuple(new_ids)

        init_w = tuple(jnp.full((16,), -1.0, jnp.float32)
                       for _ in range(_TOPK))
        init_i = tuple(jnp.full((16,), 0.0, jnp.float32)
                       for _ in range(_TOPK))
        ws, ids = lax.fori_loop(0, _N_EXPERTS, step, (init_w, init_i))
        for j in range(_TOPK):
            wts_v[j, pl.ds(goff, 16)] = ws[j]
            idx_v[j, pl.ds(goff, 16)] = ids[j].astype(jnp.int32)

    pltpu.sync_copy(wts_v, wts_hbm.at[:, pl.ds(base, _ROWS_PER_W)])
    pltpu.sync_copy(idx_v, idx_hbm.at[:, pl.ds(base, _ROWS_PER_W)])


def _topk_sc(p):
    mesh = plsc.VectorSubcoreMesh(core_axis_name="c", subcore_axis_name="s")
    f = functools.partial(
        pl.kernel,
        mesh=mesh,
        out_type=[
            jax.ShapeDtypeStruct((_TOPK, _ROWS), jnp.float32),
            jax.ShapeDtypeStruct((_TOPK, _ROWS), jnp.int32),
        ],
        scratch_types=[
            pltpu.VMEM((_N_EXPERTS, _ROWS_PER_W), jnp.float32),
            pltpu.VMEM((_TOPK, _ROWS_PER_W), jnp.float32),
            pltpu.VMEM((_TOPK, _ROWS_PER_W), jnp.int32),
        ],
    )(_topk_sc_body)
    return f(p)


def kernel(x, weight):
    p = _probs(x, weight)
    wts_t, idx_t = _topk_sc(p)
    return wts_t.T, idx_t.T

# --- scband reference (transcript-rebuilt; emitter-appended) ---
"""Pipeline reference for scband-gate-50946902065664 (READ-ONLY COPY).

The authoritative reference and input builder live on the scoring server;
editing this copy changes nothing except your own understanding.
"""

import jax, jax.numpy as jnp
import numpy as np

DIM = 2048
N_EXPERTS = 64
TOPK = 8
ROUTE_SCALE = 1.0

def setup_inputs(seed: int = 0) -> dict:
    key = jax.random.key(seed)
    kx, kw = jax.random.split(key)
    x = jax.random.normal(kx, (8192, DIM), dtype=jnp.float32)
    # xavier_uniform init for weight [n_routed_experts, dim]
    limit = float(np.sqrt(6.0 / (N_EXPERTS + DIM)))
    weight = jax.random.uniform(kw, (N_EXPERTS, DIM), dtype=jnp.float32, minval=-limit, maxval=limit)
    return {"x": x, "weight": weight}

def reference(x, weight):
    # Gate.forward with n_groups=1, bias=None (dim != 7168), score_func='softmax'
    scores = jnp.dot(x, weight.T)
    scores = jax.nn.softmax(scores.astype(jnp.float32), axis=-1)
    original_scores = scores
    # n_groups == 1 -> no group masking path
    _, indices = jax.lax.top_k(scores, TOPK)
    weights = jnp.take_along_axis(original_scores, indices, axis=1)
    weights = weights * ROUTE_SCALE
    return (weights.astype(x.dtype), indices)

if __name__ == "__main__":
    import jax
    _d = setup_inputs()
    print(jax.jit(kernel)(*tuple(_d.values())))

</pallas_src>

<mosaic_0001>
#map = affine_map<(d0, d1) -> (0, 0)>
module attributes {stable_mosaic.version = 14 : i64} {
  func.func @_topk_sc_body(%arg0: i32, %arg1: i32, %arg2: memref<64x8192xf32, #tpu.memory_space<hbm>>, %arg3: memref<8x8192xf32, #tpu.memory_space<hbm>>, %arg4: memref<8x8192xi32, #tpu.memory_space<hbm>>, %arg5: memref<64x256xf32, #tpu.memory_space<vmem>>, %arg6: memref<8x256xf32, #tpu.memory_space<vmem>>, %arg7: memref<8x256xi32, #tpu.memory_space<vmem>>) attributes {dimension_semantics = [#tpu.dimension_semantics<core_parallel>, #tpu.dimension_semantics<subcore_parallel>], iteration_bounds = array<i64: 2, 16>, scalar_prefetch = 0 : i64, scratch_operands = 3 : i64, tpu.core_type = #tpu.core_type<sc_vector_subcore>, window_params = [{transform_indices = #map}, {transform_indices = #map}, {transform_indices = #map}]} {
    %mul3A = arith.constant 2 : i32
    %mul3A_0 = arith.muli %arg1, %mul3A : i32
    %add3A = arith.addi %mul3A_0, %arg0 : i32
    %mul3A_1 = arith.constant 256 : i32
    %mul3A_2 = arith.muli %add3A, %mul3A_1 : i32
    "tpu.region"() ({
      %run_scoped3A = tpu.sem_alloc : memref<!tpu.dma_semaphore, #tpu.memory_space<semaphore_mem>>
      %dma_start3A = arith.constant 0 : i32
      %dma_start3A_2271 = tpu.memref_slice %arg2[%dma_start3A, %mul3A_2] : memref<64x8192xf32, #tpu.memory_space<hbm>> -> memref<64x256xf32, #tpu.memory_space<hbm>>
      %dma_start3A_2272 = arith.constant 0 : i32
      %dma_start3A_2273 = tpu.memref_slice %arg2[%dma_start3A_2272, %mul3A_2] : memref<64x8192xf32, #tpu.memory_space<hbm>> -> memref<64x256xf32, #tpu.memory_space<hbm>>
      tpu.enqueue_dma source(%dma_start3A_2273 : memref<64x256xf32, #tpu.memory_space<hbm>>) target(%arg5 : memref<64x256xf32, #tpu.memory_space<vmem>>) target_semaphore(%run_scoped3A : memref<!tpu.dma_semaphore, #tpu.memory_space<semaphore_mem>>)
      %dma_wait3A = arith.constant 0 : i32
      %dma_wait3A_2274 = tpu.memref_slice %arg2[%dma_wait3A, %mul3A_2] : memref<64x8192xf32, #tpu.memory_space<hbm>> -> memref<64x256xf32, #tpu.memory_space<hbm>>
      %dma_wait3A_2275 = arith.constant 0 : i32
      %dma_wait3A_2276 = tpu.memref_slice %arg2[%dma_wait3A_2275, %mul3A_2] : memref<64x8192xf32, #tpu.memory_space<hbm>> -> memref<64x256xf32, #tpu.memory_space<hbm>>
      tpu.wait_dma2 semaphore(%run_scoped3A : memref<!tpu.dma_semaphore, #tpu.memory_space<semaphore_mem>>) src(%dma_wait3A_2276 : memref<64x256xf32, #tpu.memory_space<hbm>>) dst(%arg5 : memref<64x256xf32, #tpu.memory_space<vmem>>)
      tpu.yield
    }) : () -> ()
    %broadcast_in_dim3A = arith.constant -1.000000e+00 : f32
    %broadcast_in_dim3A_3 = vector.broadcast %broadcast_in_dim3A : f32 to vector<16xf32>
    %broadcast_in_dim3A_4 = arith.constant -1.000000e+00 : f32
    %broadcast_in_dim3A_5 = vector.broadcast %broadcast_in_dim3A_4 : f32 to vector<16xf32>
    %broadcast_in_dim3A_6 = arith.constant -1.000000e+00 : f32
    %broadcast_in_dim3A_7 = vector.broadcast %broadcast_in_dim3A_6 : f32 to vector<16xf32>
    %broadcast_in_dim3A_8 = arith.constant -1.000000e+00 : f32
    %broadcast_in_dim3A_9 = vector.broadcast %broadcast_in_dim3A_8 : f32 to vector<16xf32>
    %broadcast_in_dim3A_10 = arith.constant -1.000000e+00 : f32
    %broadcast_in_dim3A_11 = vector.broadcast %broadcast_in_dim3A_10 : f32 to vector<16xf32>
    %broadcast_in_dim3A_12 = arith.constant -1.000000e+00 : f32
    %broadcast_in_dim3A_13 = vector.broadcast %broadcast_in_dim3A_12 : f32 to vector<16xf32>
    %broadcast_in_dim3A_14 = arith.constant -1.000000e+00 : f32
    %broadcast_in_dim3A_15 = vector.broadcast %broadcast_in_dim3A_14 : f32 to vector<16xf32>
    %broadcast_in_dim3A_16 = arith.constant -1.000000e+00 : f32
    %broadcast_in_dim3A_17 = vector.broadcast %broadcast_in_dim3A_16 : f32 to vector<16xf32>
    %broadcast_in_dim3A_18 = arith.constant 0.000000e+00 : f32
    %broadcast_in_dim3A_19 = vector.broadcast %broadcast_in_dim3A_18 : f32 to vector<16xf32>
    %broadcast_in_dim3A_20 = arith.constant 0.000000e+00 : f32
    %broadcast_in_dim3A_21 = vector.broadcast %broadcast_in_dim3A_20 : f32 to vector<16xf32>
    %broadcast_in_dim3A_22 = arith.constant 0.000000e+00 : f32
    %broadcast_in_dim3A_23 = vector.broadcast %broadcast_in_dim3A_22 : f32 to vector<16xf32>
    %broadcast_in_dim3A_24 = arith.constant 0.000000e+00 : f32
    %broadcast_in_dim3A_25 = vector.broadcast %broadcast_in_dim3A_24 : f32 to vector<16xf32>
    %broadcast_in_dim3A_26 = arith.constant 0.000000e+00 : f32
    %broadcast_in_dim3A_27 = vector.broadcast %broadcast_in_dim3A_26 : f32 to vector<16xf32>
    %broadcast_in_dim3A_28 = arith.constant 0.000000e+00 : f32
    %broadcast_in_dim3A_29 = vector.broadcast %broadcast_in_dim3A_28 : f32 to vector<16xf32>
    %broadcast_in_dim3A_30 = arith.constant 0.000000e+00 : f32
    %broadcast_in_dim3A_31 = vector.broadcast %broadcast_in_dim3A_30 : f32 to vector<16xf32>
    %broadcast_in_dim3A_32 = arith.constant 0.000000e+00 : f32
    %broadcast_in_dim3A_33 = vector.broadcast %broadcast_in_dim3A_32 : f32 to vector<16xf32>
    %scan3A = arith.constant 0 : i32
    %scan3A_34 = arith.constant 64 : i32
    %scan3A_35 = arith.addi %scan3A, %scan3A_34 : i32
    %scan3A_36 = arith.constant 1 : i32
    %scan3A_37:16 = scf.for %scan3A_2271 = %scan3A to %scan3A_35 step %scan3A_36 iter_args(%scan3A_2272 = %broadcast_in_dim3A_3, %scan3A_2273 = %broadcast_in_dim3A_5, %scan3A_2274 = %broadcast_in_dim3A_7, %scan3A_2275 = %broadcast_in_dim3A_9, %scan3A_2276 = %broadcast_in_dim3A_11, %scan3A_2277 = %broadcast_in_dim3A_13, %scan3A_2278 = %broadcast_in_dim3A_15, %scan3A_2279 = %broadcast_in_dim3A_17, %scan3A_2280 = %broadcast_in_dim3A_19, %scan3A_2281 = %broadcast_in_dim3A_21, %scan3A_2282 = %broadcast_in_dim3A_23, %scan3A_2283 = %broadcast_in_dim3A_25, %scan3A_2284 = %broadcast_in_dim3A_27, %scan3A_2285 = %broadcast_in_dim3A_29, %scan3A_2286 = %broadcast_in_dim3A_31, %scan3A_2287 = %broadcast_in_dim3A_33) -> (vector<16xf32>, vector<16xf32>, vector<16xf32>, vector<16xf32>, vector<16xf32>, vector<16xf32>, vector<16xf32>, vector<16xf32>, vector<16xf32>, vector<16xf32>, vector<16xf32>, vector<16xf32>, vector<16xf32>, vector<16xf32>, vector<16xf32>, vector<16xf32>)  : i32 {
      %get3A = arith.index_cast %scan3A_2271 : i32 to index
      %get3A_2288 = arith.constant 0 : index
      %get3A_2289 = tpu.vector_load %arg5[%get3A, %get3A_2288] {strides = array<i32>} : memref<64x256xf32, #tpu.memory_space<vmem>>, vector<1x16xf32>,
      %get3A_2290 = vector.shape_cast %get3A_2289 : vector<1x16xf32> to vector<16xf32>
      %broadcast_in_dim3A_2291 = arith.constant 1.000000e+00 : f32
      %broadcast_in_dim3A_2292 = vector.broadcast %broadcast_in_dim3A_2291 : f32 to vector<16xf32>
      %convert_element_type3A_2293 = arith.sitofp %scan3A_2271 : i32 to f32
      %mul3A_2294 = vector.broadcast %convert_element_type3A_2293 : f32 to vector<16xf32>
      %mul3A_2295 = arith.mulf %broadcast_in_dim3A_2292, %mul3A_2294 : vector<16xf32>
      %gt3A = arith.cmpf ogt, %get3A_2290, %scan3A_2272 : vector<16xf32>
      %gt3A_2296 = arith.cmpf ogt, %get3A_2290, %scan3A_2273 : vector<16xf32>
      %gt3A_2297 = arith.cmpf ogt, %get3A_2290, %scan3A_2274 : vector<16xf32>
      %gt3A_2298 = arith.cmpf ogt, %get3A_2290, %scan3A_2275 : vector<16xf32>
      %gt3A_2299 = arith.cmpf ogt, %get3A_2290, %scan3A_2276 : vector<16xf32>
      %gt3A_2300 = arith.cmpf ogt, %get3A_2290, %scan3A_2277 : vector<16xf32>
      %gt3A_2301 = arith.cmpf ogt, %get3A_2290, %scan3A_2278 : vector<16xf32>
      %gt3A_2302 = arith.cmpf ogt, %get3A_2290, %scan3A_2279 : vector<16xf32>
      %select_n3A = arith.select %gt3A, %get3A_2290, %scan3A_2272 : vector<16xi1>, vector<16xf32>
      %select_n3A_2303 = arith.select %gt3A, %mul3A_2295, %scan3A_2280 : vector<16xi1>, vector<16xf32>
      %select_n3A_2304 = arith.select %gt3A, %scan3A_2272, %get3A_2290 : vector<16xi1>, vector<16xf32>
      %select_n3A_2305 = arith.select %gt3A, %scan3A_2280, %mul3A_2295 : vector<16xi1>, vector<16xf32>
      %select_n3A_2306 = arith.select %gt3A_2296, %select_n3A_2304, %scan3A_2273 : vector<16xi1>, vector<16xf32>
      %select_n3A_2307 = arith.select %gt3A_2296, %select_n3A_2305, %scan3A_2281 : vector<16xi1>, vector<16xf32>
      %select_n3A_2308 = arith.select %gt3A_2296, %scan3A_2273, %get3A_2290 : vector<16xi1>, vector<16xf32>
      %select_n3A_2309 = arith.select %gt3A_2296, %scan3A_2281, %mul3A_2295 : vector<16xi1>, vector<16xf32>
      %select_n3A_2310 = arith.select %gt3A_2297, %select_n3A_2308, %scan3A_2274 : vector<16xi1>, vector<16xf32>
      %select_n3A_2311 = arith.select %gt3A_2297, %select_n3A_2309, %scan3A_2282 : vector<16xi1>, vector<16xf32>
      %select_n3A_2312 = arith.select %gt3A_2297, %scan3A_2274, %get3A_2290 : vector<16xi1>, vector<16xf32>
      %select_n3A_2313 = arith.select %gt3A_2297, %scan3A_2282, %mul3A_2295 : vector<16xi1>, vector<16xf32>
      %select_n3A_2314 = arith.select %gt3A_2298, %select_n3A_2312, %scan3A_2275 : vector<16xi1>, vector<16xf32>
      %select_n3A_2315 = arith.select %gt3A_2298, %select_n3A_2313, %scan3A_2283 : vector<16xi1>, vector<16xf32>
      %select_n3A_2316 = arith.select %gt3A_2298, %scan3A_2275, %get3A_2290 : vector<16xi1>, vector<16xf32>
      %select_n3A_2317 = arith.select %gt3A_2298, %scan3A_2283, %mul3A_2295 : vector<16xi1>, vector<16xf32>
      %select_n3A_2318 = arith.select %gt3A_2299, %select_n3A_2316, %scan3A_2276 : vector<16xi1>, vector<16xf32>
      %select_n3A_2319 = arith.select %gt3A_2299, %select_n3A_2317, %scan3A_2284 : vector<16xi1>, vector<16xf32>
      %select_n3A_2320 = arith.select %gt3A_2299, %scan3A_2276, %get3A_2290 : vector<16xi1>, vector<16xf32>
      %select_n3A_2321 = arith.select %gt3A_2299, %scan3A_2284, %mul3A_2295 : vector<16xi1>, vector<16xf32>
      %select_n3A_2322 = arith.select %gt3A_2300, %select_n3A_2320, %scan3A_2277 : vector<16xi1>, vector<16xf32>
      %select_n3A_2323 = arith.select %gt3A_2300, %select_n3A_2321, %scan3A_2285 : vector<16xi1>, vector<16xf32>
      %select_n3A_2324 = arith.select %gt3A_2300, %scan3A_2277, %get3A_2290 : vector<16xi1>, vector<16xf32>
      %select_n3A_2325 = arith.select %gt3A_2300, %scan3A_2285, %mul3A_2295 : vector<16xi1>, vector<16xf32>
      %select_n3A_2326 = arith.select %gt3A_2301, %select_n3A_2324, %scan3A_2278 : vector<16xi1>, vector<16xf32>
      %select_n3A_2327 = arith.select %gt3A_2301, %select_n3A_2325, %scan3A_2286 : vector<16xi1>, vector<16xf32>
      %select_n3A_2328 = arith.select %gt3A_2301, %scan3A_2278, %get3A_2290 : vector<16xi1>, vector<16xf32>
      %select_n3A_2329 = arith.select %gt3A_2301, %scan3A_2286, %mul3A_2295 : vector<16xi1>, vector<16xf32>
      %select_n3A_2330 = arith.select %gt3A_2302, %select_n3A_2328, %scan3A_2279 : vector<16xi1>, vector<16xf32>
      %select_n3A_2331 = arith.select %gt3A_2302, %select_n3A_2329, %scan3A_2287 : vector<16xi1>, vector<16xf32>
      scf.yield %select_n3A, %select_n3A_2306, %select_n3A_2310, %select_n3A_2314, %select_n3A_2318, %select_n3A_2322, %select_n3A_2326, %select_n3A_2330, %select_n3A_2303, %select_n3A_2307, %select_n3A_2311, %select_n3A_2315, %select_n3A_2319, %select_n3A_2323, %select_n3A_2327, %select_n3A_2331 : vector<16xf32>, vector<16xf32>, vector<16xf32>, vector<16xf32>, vector<16xf32>, vector<16xf32>, vector<16xf32>, vector<16xf32>, vector<16xf32>, vector<16xf32>, vector<16xf32>, vector<16xf32>, vector<16xf32>, vector<16xf32>, vector<16xf32>, vector<16xf32>
    }
    %scan3A_38 = arith.constant 64 : i32
    %swap3A = arith.constant 0 : i32
    %swap3A_39 = arith.index_cast %swap3A : i32 to index
    %swap3A_40 = arith.constant 0 : index
    %swap3A_41 = tpu.vector_load %arg6[%swap3A_39, %swap3A_40] {strides = array<i32>} : memref<8x256xf32, #tpu.memory_space<vmem>>, vector<1x16xf32>,
    %swap3A_42 = vector.shape_cast %swap3A_41 : vector<1x16xf32> to vector<16xf32>
    %swap3A_43 = vector.shape_cast %scan3A_37#0 : vector<16xf32> to vector<1x16xf32>
    tpu.vector_store %arg6[%swap3A_39, %swap3A_40], %swap3A_43 {strides = array<i32>} : memref<8x256xf32, #tpu.memory_space<vmem>>, vector<1x16xf32>,
    %convert_element_type3A = arith.fptosi %scan3A_37#8 : vector<16xf32> to vector<16xi32>
    %swap3A_44 = arith.constant 0 : i32
    %swap3A_45 = arith.index_cast %swap3A_44 : i32 to index
    %swap3A_46 = arith.constant 0 : index
    %swap3A_47 = tpu.vector_load %arg7[%swap3A_45, %swap3A_46] {strides = array<i32>} : memref<8x256xi32, #tpu.memory_space<vmem>>, vector<1x16xi32>,
    %swap3A_48 = vector.shape_cast %swap3A_47 : vector<1x16xi32> to vector<16xi32>
    %swap3A_49 = vector.shape_cast %convert_element_type3A : vector<16xi32> to vector<1x16xi32>
    tpu.vector_store %arg7[%swap3A_45, %swap3A_46], %swap3A_49 {strides = array<i32>} : memref<8x256xi32, #tpu.memory_space<vmem>>, vector<1x16xi32>,
    %swap3A_50 = arith.constant 1 : i32
    %swap3A_51 = arith.index_cast %swap3A_50 : i32 to index
    %swap3A_52 = arith.constant 0 : index
    %swap3A_53 = tpu.vector_load %arg6[%swap3A_51, %swap3A_52] {strides = array<i32>} : memref<8x256xf32, #tpu.memory_space<vmem>>, vector<1x16xf32>,
    %swap3A_54 = vector.shape_cast %swap3A_53 : vector<1x16xf32> to vector<16xf32>
    %swap3A_55 = vector.shape_cast %scan3A_37#1 : vector<16xf32> to vector<1x16xf32>
    tpu.vector_store %arg6[%swap3A_51, %swap3A_52], %swap3A_55 {strides = array<i32>} : memref<8x256xf32, #tpu.memory_space<vmem>>, vector<1x16xf32>,
    %convert_element_type3A_56 = arith.fptosi %scan3A_37#9 : vector<16xf32> to vector<16xi32>
    %swap3A_57 = arith.constant 1 : i32
    %swap3A_58 = arith.index_cast %swap3A_57 : i32 to index
    %swap3A_59 = arith.constant 0 : index
    %swap3A_60 = tpu.vector_load %arg7[%swap3A_58, %swap3A_59] {strides = array<i32>} : memref<8x256xi32, #tpu.memory_space<vmem>>, vector<1x16xi32>,
    %swap3A_61 = vector.shape_cast %swap3A_60 : vector<1x16xi32> to vector<16xi32>
    %swap3A_62 = vector.shape_cast %convert_element_type3A_56 : vector<16xi32> to vector<1x16xi32>
    tpu.vector_store %arg7[%swap3A_58, %swap3A_59], %swap3A_62 {strides = array<i32>} : memref<8x256xi32, #tpu.memory_space<vmem>>, vector<1x16xi32>,
    %swap3A_63 = arith.constant 2 : i32
    %swap3A_64 = arith.index_cast %swap3A_63 : i32 to index
    %swap3A_65 = arith.constant 0 : index
    %swap3A_66 = tpu.vector_load %arg6[%swap3A_64, %swap3A_65] {strides = array<i32>} : memref<8x256xf32, #tpu.memory_space<vmem>>, vector<1x16xf32>,
    %swap3A_67 = vector.shape_cast %swap3A_66 : vector<1x16xf32> to vector<16xf32>
    %swap3A_68 = vector.shape_cast %scan3A_37#2 : vector<16xf32> to vector<1x16xf32>
    tpu.vector_store %arg6[%swap3A_64, %swap3A_65], %swap3A_68 {strides = array<i32>} : memref<8x256xf32, #tpu.memory_space<vmem>>, vector<1x16xf32>,
    %convert_element_type3A_69 = arith.fptosi %scan3A_37#10 : vector<16xf32> to vector<16xi32>
    %swap3A_70 = arith.constant 2 : i32
    %swap3A_71 = arith.index_cast %swap3A_70 : i32 to index
    %swap3A_72 = arith.constant 0 : index
    %swap3A_73 = tpu.vector_load %arg7[%swap3A_71, %swap3A_72] {strides = array<i32>} : memref<8x256xi32, #tpu.memory_space<vmem>>, vector<1x16xi32>,
    %swap3A_74 = vector.shape_cast %swap3A_73 : vector<1x16xi32> to vector<16xi32>
    %swap3A_75 = vector.shape_cast %convert_element_type3A_69 : vector<16xi32> to vector<1x16xi32>
    tpu.vector_store %arg7[%swap3A_71, %swap3A_72], %swap3A_75 {strides = array<i32>} : memref<8x256xi32, #tpu.memory_space<vmem>>, vector<1x16xi32>,
    %swap3A_76 = arith.constant 3 : i32
    %swap3A_77 = arith.index_cast %swap3A_76 : i32 to index
    %swap3A_78 = arith.constant 0 : index
    %swap3A_79 = tpu.vector_load %arg6[%swap3A_77, %swap3A_78] {strides = array<i32>} : memref<8x256xf32, #tpu.memory_space<vmem>>, vector<1x16xf32>,
    %swap3A_80 = vector.shape_cast %swap3A_79 : vector<1x16xf32> to vector<16xf32>
    %swap3A_81 = vector.shape_cast %scan3A_37#3 : vector<16xf32> to vector<1x16xf32>
    tpu.vector_store %arg6[%swap3A_77, %swap3A_78], %swap3A_81 {strides = array<i32>} : memref<8x256xf32, #tpu.memory_space<vmem>>, vector<1x16xf32>,
    %convert_element_type3A_82 = arith.fptosi %scan3A_37#11 : vector<16xf32> to vector<16xi32>
    %swap3A_83 = arith.constant 3 : i32
    %swap3A_84 = arith.index_cast %swap3A_83 : i32 to index
    %swap3A_85 = arith.constant 0 : index
    %swap3A_86 = tpu.vector_load %arg7[%swap3A_84, %swap3A_85] {strides = array<i32>} : memref<8x256xi32, #tpu.memory_space<vmem>>, vector<1x16xi32>,
    %swap3A_87 = vector.shape_cast %swap3A_86 : vector<1x16xi32> to vector<16xi32>
    %swap3A_88 = vector.shape_cast %convert_element_type3A_82 : vector<16xi32> to vector<1x16xi32>
    tpu.vector_store %arg7[%swap3A_84, %swap3A_85], %swap3A_88 {strides = array<i32>} : memref<8x256xi32, #tpu.memory_space<vmem>>, vector<1x16xi32>,
    %swap3A_89 = arith.constant 4 : i32
    %swap3A_90 = arith.index_cast %swap3A_89 : i32 to index
    %swap3A_91 = arith.constant 0 : index
    %swap3A_92 = tpu.vector_load %arg6[%swap3A_90, %swap3A_91] {strides = array<i32>} : memref<8x256xf32, #tpu.memory_space<vmem>>, vector<1x16xf32>,
    %swap3A_93 = vector.shape_cast %swap3A_92 : vector<1x16xf32> to vector<16xf32>
    %swap3A_94 = vector.shape_cast %scan3A_37#4 : vector<16xf32> to vector<1x16xf32>
    tpu.vector_store %arg6[%swap3A_90, %swap3A_91], %swap3A_94 {strides = array<i32>} : memref<8x256xf32, #tpu.memory_space<vmem>>, vector<1x16xf32>,
    %convert_element_type3A_95 = arith.fptosi %scan3A_37#12 : vector<16xf32> to vector<16xi32>
    %swap3A_96 = arith.constant 4 : i32
    %swap3A_97 = arith.index_cast %swap3A_96 : i32 to index
    %swap3A_98 = arith.constant 0 : index
    %swap3A_99 = tpu.vector_load %arg7[%swap3A_97, %swap3A_98] {strides = array<i32>} : memref<8x256xi32, #tpu.memory_space<vmem>>, vector<1x16xi32>,
    %swap3A_100 = vector.shape_cast %swap3A_99 : vector<1x16xi32> to vector<16xi32>
    %swap3A_101 = vector.shape_cast %convert_element_type3A_95 : vector<16xi32> to vector<1x16xi32>
    tpu.vector_store %arg7[%swap3A_97, %swap3A_98], %swap3A_101 {strides = array<i32>} : memref<8x256xi32, #tpu.memory_space<vmem>>, vector<1x16xi32>,
    %swap3A_102 = arith.constant 5 : i32
    %swap3A_103 = arith.index_cast %swap3A_102 : i32 to index
    %swap3A_104 = arith.constant 0 : index
    %swap3A_105 = tpu.vector_load %arg6[%swap3A_103, %swap3A_104] {strides = array<i32>} : memref<8x256xf32, #tpu.memory_space<vmem>>, vector<1x16xf32>,
    %swap3A_106 = vector.shape_cast %swap3A_105 : vector<1x16xf32> to vector<16xf32>
    %swap3A_107 = vector.shape_cast %scan3A_37#5 : vector<16xf32> to vector<1x16xf32>
    tpu.vector_store %arg6[%swap3A_103, %swap3A_104], %swap3A_107 {strides = array<i32>} : memref<8x256xf32, #tpu.memory_space<vmem>>, vector<1x16xf32>,
    %convert_element_type3A_108 = arith.fptosi %scan3A_37#13 : vector<16xf32> to vector<16xi32>
    %swap3A_109 = arith.constant 5 : i32
    %swap3A_110 = arith.index_cast %swap3A_109 : i32 to index
    %swap3A_111 = arith.constant 0 : index
    %swap3A_112 = tpu.vector_load %arg7[%swap3A_110, %swap3A_111] {strides = array<i32>} : memref<8x256xi32, #tpu.memory_space<vmem>>, vector<1x16xi32>,
    %swap3A_113 = vector.shape_cast %swap3A_112 : vector<1x16xi32> to vector<16xi32>
    %swap3A_114 = vector.shape_cast %convert_element_type3A_108 : vector<16xi32> to vector<1x16xi32>
    tpu.vector_store %arg7[%swap3A_110, %swap3A_111], %swap3A_114 {strides = array<i32>} : memref<8x256xi32, #tpu.memory_space<vmem>>, vector<1x16xi32>,
    %swap3A_115 = arith.constant 6 : i32
    %swap3A_116 = arith.index_cast %swap3A_115 : i32 to index
    %swap3A_117 = arith.constant 0 : index
    %swap3A_118 = tpu.vector_load %arg6[%swap3A_116, %swap3A_117] {strides = array<i32>} : memref<8x256xf32, #tpu.memory_space<vmem>>, vector<1x16xf32>,
    %swap3A_119 = vector.shape_cast %swap3A_118 : vector<1x16xf32> to vector<16xf32>
    %swap3A_120 = vector.shape_cast %scan3A_37#6 : vector<16xf32> to vector<1x16xf32>
    tpu.vector_store %arg6[%swap3A_116, %swap3A_117], %swap3A_120 {strides = array<i32>} : memref<8x256xf32, #tpu.memory_space<vmem>>, vector<1x16xf32>,
    %convert_element_type3A_121 = arith.fptosi %scan3A_37#14 : vector<16xf32> to vector<16xi32>
    %swap3A_122 = arith.constant 6 : i32
    %swap3A_123 = arith.index_cast %swap3A_122 : i32 to index
    %swap3A_124 = arith.constant 0 : index
    %swap3A_125 = tpu.vector_load %arg7[%swap3A_123, %swap3A_124] {strides = array<i32>} : memref<8x256xi32, #tpu.memory_space<vmem>>, vector<1x16xi32>,
    %swap3A_126 = vector.shape_cast %swap3A_125 : vector<1x16xi32> to vector<16xi32>
    %swap3A_127 = vector.shape_cast %convert_element_type3A_121 : vector<16xi32> to vector<1x16xi32>
    tpu.vector_store %arg7[%swap3A_123, %swap3A_124], %swap3A_127 {strides = array<i32>} : memref<8x256xi32, #tpu.memory_space<vmem>>, vector<1x16xi32>,
    %swap3A_128 = arith.constant 7 : i32
    %swap3A_129 = arith.index_cast %swap3A_128 : i32 to index
    %swap3A_130 = arith.constant 0 : index
    %swap3A_131 = tpu.vector_load %arg6[%swap3A_129, %swap3A_130] {strides = array<i32>} : memref<8x256xf32, #tpu.memory_space<vmem>>, vector<1x16xf32>,
    %swap3A_132 = vector.shape_cast %swap3A_131 : vector<1x16xf32> to vector<16xf32>
    %swap3A_133 = vector.shape_cast %scan3A_37#7 : vector<16xf32> to vector<1x16xf32>
    tpu.vector_store %arg6[%swap3A_129, %swap3A_130], %swap3A_133 {strides = array<i32>} : memref<8x256xf32, #tpu.memory_space<vmem>>, vector<1x16xf32>,
    %convert_element_type3A_134 = arith.fptosi %scan3A_37#15 : vector<16xf32> to vector<16xi32>
    %swap3A_135 = arith.constant 7 : i32
    %swap3A_136 = arith.index_cast %swap3A_135 : i32 to index
    %swap3A_137 = arith.constant 0 : index
    %swap3A_138 = tpu.vector_load %arg7[%swap3A_136, %swap3A_137] {strides = array<i32>} : memref<8x256xi32, #tpu.memory_space<vmem>>, vector<1x16xi32>,
    %swap3A_139 = vector.shape_cast %swap3A_138 : vector<1x16xi32> to vector<16xi32>
    %swap3A_140 = vector.shape_cast %convert_element_type3A_134 : vector<16xi32> to vector<1x16xi32>
    tpu.vector_store %arg7[%swap3A_136, %swap3A_137], %swap3A_140 {strides = array<i32>} : memref<8x256xi32, #tpu.memory_space<vmem>>, vector<1x16xi32>,
    %broadcast_in_dim3A_141 = arith.constant -1.000000e+00 : f32
    %broadcast_in_dim3A_142 = vector.broadcast %broadcast_in_dim3A_141 : f32 to vector<16xf32>
    %broadcast_in_dim3A_143 = arith.constant -1.000000e+00 : f32
    %broadcast_in_dim3A_144 = vector.broadcast %broadcast_in_dim3A_143 : f32 to vector<16xf32>
    %broadcast_in_dim3A_145 = arith.constant -1.000000e+00 : f32
    %broadcast_in_dim3A_146 = vector.broadcast %broadcast_in_dim3A_145 : f32 to vector<16xf32>
    %broadcast_in_dim3A_147 = arith.constant -1.000000e+00 : f32
    %broadcast_in_dim3A_148 = vector.broadcast %broadcast_in_dim3A_147 : f32 to vector<16xf32>
    %broadcast_in_dim3A_149 = arith.constant -1.000000e+00 : f32
    %broadcast_in_dim3A_150 = vector.broadcast %broadcast_in_dim3A_149 : f32 to vector<16xf32>
    %broadcast_in_dim3A_151 = arith.constant -1.000000e+00 : f32
    %broadcast_in_dim3A_152 = vector.broadcast %broadcast_in_dim3A_151 : f32 to vector<16xf32>
    %broadcast_in_dim3A_153 = arith.constant -1.000000e+00 : f32
    %broadcast_in_dim3A_154 = vector.broadcast %broadcast_in_dim3A_153 : f32 to vector<16xf32>
    %broadcast_in_dim3A_155 = arith.constant -1.000000e+00 : f32
    %broadcast_in_dim3A_156 = vector.broadcast %broadcast_in_dim3A_155 : f32 to vector<16xf32>
    %broadcast_in_dim3A_157 = arith.constant 0.000000e+00 : f32
    %broadcast_in_dim3A_158 = vector.broadcast %broadcast_in_dim3A_157 : f32 to vector<16xf32>
    %broadcast_in_dim3A_159 = arith.constant 0.000000e+00 : f32
    %broadcast_in_dim3A_160 = vector.broadcast %broadcast_in_dim3A_159 : f32 to vector<16xf32>
    %broadcast_in_dim3A_161 = arith.constant 0.000000e+00 : f32
    %broadcast_in_dim3A_162 = vector.broadcast %broadcast_in_dim3A_161 : f32 to vector<16xf32>
    %broadcast_in_dim3A_163 = arith.constant 0.000000e+00 : f32
    %broadcast_in_dim3A_164 = vector.broadcast %broadcast_in_dim3A_163 : f32 to vector<16xf32>
    %broadcast_in_dim3A_165 = arith.constant 0.000000e+00 : f32
    %broadcast_in_dim3A_166 = vector.broadcast %broadcast_in_dim3A_165 : f32 to vector<16xf32>
    %broadcast_in_dim3A_167 = arith.constant 0.000000e+00 : f32
    %broadcast_in_dim3A_168 = vector.broadcast %broadcast_in_dim3A_167 : f32 to vector<16xf32>
    %broadcast_in_dim3A_169 = arith.constant 0.000000e+00 : f32
    %broadcast_in_dim3A_170 = vector.broadcast %broadcast_in_dim3A_169 : f32 to vector<16xf32>
    %broadcast_in_dim3A_171 = arith.constant 0.000000e+00 : f32
    %broadcast_in_dim3A_172 = vector.broadcast %broadcast_in_dim3A_171 : f32 to vector<16xf32>
    %scan3A_173 = arith.constant 0 : i32
    %scan3A_174 = arith.constant 64 : i32
    %scan3A_175 = arith.addi %scan3A_173, %scan3A_174 : i32
    %scan3A_176 = arith.constant 1 : i32
    %scan3A_177:16 = scf.for %scan3A_2271 = %scan3A_173 to %scan3A_175 step %scan3A_176 iter_args(%scan3A_2272 = %broadcast_in_dim3A_142, %scan3A_2273 = %broadcast_in_dim3A_144, %scan3A_2274 = %broadcast_in_dim3A_146, %scan3A_2275 = %broadcast_in_dim3A_148, %scan3A_2276 = %broadcast_in_dim3A_150, %scan3A_2277 = %broadcast_in_dim3A_152, %scan3A_2278 = %broadcast_in_dim3A_154, %scan3A_2279 = %broadcast_in_dim3A_156, %scan3A_2280 = %broadcast_in_dim3A_158, %scan3A_2281 = %broadcast_in_dim3A_160, %scan3A_2282 = %broadcast_in_dim3A_162, %scan3A_2283 = %broadcast_in_dim3A_164, %scan3A_2284 = %broadcast_in_dim3A_166, %scan3A_2285 = %broadcast_in_dim3A_168, %scan3A_2286 = %broadcast_in_dim3A_170, %scan3A_2287 = %broadcast_in_dim3A_172) -> (vector<16xf32>, vector<16xf32>, vector<16xf32>, vector<16xf32>, vector<16xf32>, vector<16xf32>, vector<16xf32>, vector<16xf32>, vector<16xf32>, vector<16xf32>, vector<16xf32>, vector<16xf32>, vector<16xf32>, vector<16xf32>, vector<16xf32>, vector<16xf32>)  : i32 {
      %get3A = arith.index_cast %scan3A_2271 : i32 to index
      %get3A_2288 = arith.constant 16 : index
      %get3A_2289 = tpu.vector_load %arg5[%get3A, %get3A_2288] {strides = array<i32>} : memref<64x256xf32, #tpu.memory_space<vmem>>, vector<1x16xf32>,
      %get3A_2290 = vector.shape_cast %get3A_2289 : vector<1x16xf32> to vector<16xf32>
      %broadcast_in_dim3A_2291 = arith.constant 1.000000e+00 : f32
      %broadcast_in_dim3A_2292 = vector.broadcast %broadcast_in_dim3A_2291 : f32 to vector<16xf32>
      %convert_element_type3A_2293 = arith.sitofp %scan3A_2271 : i32 to f32
      %mul3A_2294 = vector.broadcast %convert_element_type3A_2293 : f32 to vector<16xf32>
      %mul3A_2295 = arith.mulf %broadcast_in_dim3A_2292, %mul3A_2294 : vector<16xf32>
      %gt3A = arith.cmpf ogt, %get3A_2290, %scan3A_2272 : vector<16xf32>
      %gt3A_2296 = arith.cmpf ogt, %get3A_2290, %scan3A_2273 : vector<16xf32>
      %gt3A_2297 = arith.cmpf ogt, %get3A_2290, %scan3A_2274 : vector<16xf32>
      %gt3A_2298 = arith.cmpf ogt, %get3A_2290, %scan3A_2275 : vector<16xf32>
      %gt3A_2299 = arith.cmpf ogt, %get3A_2290, %scan3A_2276 : vector<16xf32>
      %gt3A_2300 = arith.cmpf ogt, %get3A_2290, %scan3A_2277 : vector<16xf32>
      %gt3A_2301 = arith.cmpf ogt, %get3A_2290, %scan3A_2278 : vector<16xf32>
      %gt3A_2302 = arith.cmpf ogt, %get3A_2290, %scan3A_2279 : vector<16xf32>
      %select_n3A = arith.select %gt3A, %get3A_2290, %scan3A_2272 : vector<16xi1>, vector<16xf32>
      %select_n3A_2303 = arith.select %gt3A, %mul3A_2295, %scan3A_2280 : vector<16xi1>, vector<16xf32>
      %select_n3A_2304 = arith.select %gt3A, %scan3A_2272, %get3A_2290 : vector<16xi1>, vector<16xf32>
      %select_n3A_2305 = arith.select %gt3A, %scan3A_2280, %mul3A_2295 : vector<16xi1>, vector<16xf32>
      %select_n3A_2306 = arith.select %gt3A_2296, %select_n3A_2304, %scan3A_2273 : vector<16xi1>, vector<16xf32>
      %select_n3A_2307 = arith.select %gt3A_2296, %select_n3A_2305, %scan3A_2281 : vector<16xi1>, vector<16xf32>
      %select_n3A_2308 = arith.select %gt3A_2296, %scan3A_2273, %get3A_2290 : vector<16xi1>, vector<16xf32>
      %select_n3A_2309 = arith.select %gt3A_2296, %scan3A_2281, %mul3A_2295 : vector<16xi1>, vector<16xf32>
      %select_n3A_2310 = arith.select %gt3A_2297, %select_n3A_2308, %scan3A_2274 : vector<16xi1>, vector<16xf32>
      %select_n3A_2311 = arith.select %gt3A_2297, %select_n3A_2309, %scan3A_2282 : vector<16xi1>, vector<16xf32>
      %select_n3A_2312 = arith.select %gt3A_2297, %scan3A_2274, %get3A_2290 : vector<16xi1>, vector<16xf32>
      %select_n3A_2313 = arith.select %gt3A_2297, %scan3A_2282, %mul3A_2295 : vector<16xi1>, vector<16xf32>
      %select_n3A_2314 = arith.select %gt3A_2298, %select_n3A_2312, %scan3A_2275 : vector<16xi1>, vector<16xf32>
      %select_n3A_2315 = arith.select %gt3A_2298, %select_n3A_2313, %scan3A_2283 : vector<16xi1>, vector<16xf32>
      %select_n3A_2316 = arith.select %gt3A_2298, %scan3A_2275, %get3A_2290 : vector<16xi1>, vector<16xf32>
      %select_n3A_2317 = arith.select %gt3A_2298, %scan3A_2283, %mul3A_2295 : vector<16xi1>, vector<16xf32>
      %select_n3A_2318 = arith.select %gt3A_2299, %select_n3A_2316, %scan3A_2276 : vector<16xi1>, vector<16xf32>
      %select_n3A_2319 = arith.select %gt3A_2299, %select_n3A_2317, %scan3A_2284 : vector<16xi1>, vector<16xf32>
      %select_n3A_2320 = arith.select %gt3A_2299, %scan3A_2276, %get3A_2290 : vector<16xi1>, vector<16xf32>
      %select_n3A_2321 = arith.select %gt3A_2299, %scan3A_2284, %mul3A_2295 : vector<16xi1>, vector<16xf32>
      %select_n3A_2322 = arith.select %gt3A_2300, %select_n3A_2320, %scan3A_2277 : vector<16xi1>, vector<16xf32>
      %select_n3A_2323 = arith.select %gt3A_2300, %select_n3A_2321, %scan3A_2285 : vector<16xi1>, vector<16xf32>
      %select_n3A_2324 = arith.select %gt3A_2300, %scan3A_2277, %get3A_2290 : vector<16xi1>, vector<16xf32>
      %select_n3A_2325 = arith.select %gt3A_2300, %scan3A_2285, %mul3A_2295 : vector<16xi1>, vector<16xf32>
      %select_n3A_2326 = arith.select %gt3A_2301, %select_n3A_2324, %scan3A_2278 : vector<16xi1>, vector<16xf32>
      %select_n3A_2327 = arith.select %gt3A_2301, %select_n3A_2325, %scan3A_2286 : vector<16xi1>, vector<16xf32>
      %select_n3A_2328 = arith.select %gt3A_2301, %scan3A_2278, %get3A_2290 : vector<16xi1>, vector<16xf32>
      %select_n3A_2329 = arith.select %gt3A_2301, %scan3A_2286, %mul3A_2295 : vector<16xi1>, vector<16xf32>
      %select_n3A_2330 = arith.select %gt3A_2302, %select_n3A_2328, %scan3A_2279 : vector<16xi1>, vector<16xf32>
      %select_n3A_2331 = arith.select %gt3A_2302, %select_n3A_2329, %scan3A_2287 : vector<16xi1>, vector<16xf32>
      scf.yield %select_n3A, %select_n3A_2306, %select_n3A_2310, %select_n3A_2314, %select_n3A_2318, %select_n3A_2322, %select_n3A_2326, %select_n3A_2330, %select_n3A_2303, %select_n3A_2307, %select_n3A_2311, %select_n3A_2315, %select_n3A_2319, %select_n3A_2323, %select_n3A_2327, %select_n3A_2331 : vector<16xf32>, vector<16xf32>, vector<16xf32>, vector<16xf32>, vector<16xf32>, vector<16xf32>, vector<16xf32>, vector<16xf32>, vector<16xf32>, vector<16xf32>, vector<16xf32>, vector<16xf32>, vector<16xf32>, vector<16xf32>, vector<16xf32>, vector<16xf32>
    }
    %scan3A_178 = arith.constant 64 : i32
    %swap3A_179 = arith.constant 0 : i32
    %swap3A_180 = arith.index_cast %swap3A_179 : i32 to index
    %swap3A_181 = arith.constant 16 : index
    %swap3A_182 = tpu.vector_load %arg6[%swap3A_180, %swap3A_181] {strides = array<i32>} : memref<8x256xf32, #tpu.memory_space<vmem>>, vector<1x16xf32>,
    %swap3A_183 = vector.shape_cast %swap3A_182 : vector<1x16xf32> to vector<16xf32>
    %swap3A_184 = vector.shape_cast %scan3A_177#0 : vector<16xf32> to vector<1x16xf32>
    tpu.vector_store %arg6[%swap3A_180, %swap3A_181], %swap3A_184 {strides = array<i32>} : memref<8x256xf32, #tpu.memory_space<vmem>>, vector<1x16xf32>,
    %convert_element_type3A_185 = arith.fptosi %scan3A_177#8 : vector<16xf32> to vector<16xi32>
    %swap3A_186 = arith.constant 0 : i32
    %swap3A_187 = arith.index_cast %swap3A_186 : i32 to index
    %swap3A_188 = arith.constant 16 : index
    %swap3A_189 = tpu.vector_load %arg7[%swap3A_187, %swap3A_188] {strides = array<i32>} : memref<8x256xi32, #tpu.memory_space<vmem>>, vector<1x16xi32>,
    %swap3A_190 = vector.shape_cast %swap3A_189 : vector<1x16xi32> to vector<16xi32>
    %swap3A_191 = vector.shape_cast %convert_element_type3A_185 : vector<16xi32> to vector<1x16xi32>
    tpu.vector_store %arg7[%swap3A_187, %swap3A_188], %swap3A_191 {strides = array<i32>} : memref<8x256xi32, #tpu.memory_space<vmem>>, vector<1x16xi32>,
    %swap3A_192 = arith.constant 1 : i32
    %swap3A_193 = arith.index_cast %swap3A_192 : i32 to index
    %swap3A_194 = arith.constant 16 : index
    %swap3A_195 = tpu.vector_load %arg6[%swap3A_193, %swap3A_194] {strides = array<i32>} : memref<8x256xf32, #tpu.memory_space<vmem>>, vector<1x16xf32>,
    %swap3A_196 = vector.shape_cast %swap3A_195 : vector<1x16xf32> to vector<16xf32>
    %swap3A_197 = vector.shape_cast %scan3A_177#1 : vector<16xf32> to vector<1x16xf32>
    tpu.vector_store %arg6[%swap3A_193, %swap3A_194], %swap3A_197 {strides = array<i32>} : memref<8x256xf32, #tpu.memory_space<vmem>>, vector<1x16xf32>,
    %convert_element_type3A_198 = arith.fptosi %scan3A_177#9 : vector<16xf32> to vector<16xi32>
    %swap3A_199 = arith.constant 1 : i32
    %swap3A_200 = arith.index_cast %swap3A_199 : i32 to index
    %swap3A_201 = arith.constant 16 : index
    %swap3A_202 = tpu.vector_load %arg7[%swap3A_200, %swap3A_201] {strides = array<i32>} : memref<8x256xi32, #tpu.memory_space<vmem>>, vector<1x16xi32>,
    %swap3A_203 = vector.shape_cast %swap3A_202 : vector<1x16xi32> to vector<16xi32>
    %swap3A_204 = vector.shape_cast %convert_element_type3A_198 : vector<16xi32> to vector<1x16xi32>
    tpu.vector_store %arg7[%swap3A_200, %swap3A_201], %swap3A_204 {strides = array<i32>} : memref<8x256xi32, #tpu.memory_space<vmem>>, vector<1x16xi32>,
    %swap3A_205 = arith.constant 2 : i32
    %swap3A_206 = arith.index_cast %swap3A_205 : i32 to index
    %swap3A_207 = arith.constant 16 : index
    %swap3A_208 = tpu.vector_load %arg6[%swap3A_206, %swap3A_207] {strides = array<i32>} : memref<8x256xf32, #tpu.memory_space<vmem>>, vector<1x16xf32>,
    %swap3A_209 = vector.shape_cast %swap3A_208 : vector<1x16xf32> to vector<16xf32>
    %swap3A_210 = vector.shape_cast %scan3A_177#2 : vector<16xf32> to vector<1x16xf32>
    tpu.vector_store %arg6[%swap3A_206, %swap3A_207], %swap3A_210 {strides = array<i32>} : memref<8x256xf32, #tpu.memory_space<vmem>>, vector<1x16xf32>,
    %convert_element_type3A_211 = arith.fptosi %scan3A_177#10 : vector<16xf32> to vector<16xi32>
    %swap3A_212 = arith.constant 2 : i32
    %swap3A_213 = arith.index_cast %swap3A_212 : i32 to index
    %swap3A_214 = arith.constant 16 : index
    %swap3A_215 = tpu.vector_load %arg7[%swap3A_213, %swap3A_214] {strides = array<i32>} : memref<8x256xi32, #tpu.memory_space<vmem>>, vector<1x16xi32>,
    %swap3A_216 = vector.shape_cast %swap3A_215 : vector<1x16xi32> to vector<16xi32>
    %swap3A_217 = vector.shape_cast %convert_element_type3A_211 : vector<16xi32> to vector<1x16xi32>
    tpu.vector_store %arg7[%swap3A_213, %swap3A_214], %swap3A_217 {strides = array<i32>} : memref<8x256xi32, #tpu.memory_space<vmem>>, vector<1x16xi32>,
    %swap3A_218 = arith.constant 3 : i32
    %swap3A_219 = arith.index_cast %swap3A_218 : i32 to index
    %swap3A_220 = arith.constant 16 : index
    %swap3A_221 = tpu.vector_load %arg6[%swap3A_219, %swap3A_220] {strides = array<i32>} : memref<8x256xf32, #tpu.memory_space<vmem>>, vector<1x16xf32>,
    %swap3A_222 = vector.shape_cast %swap3A_221 : vector<1x16xf32> to vector<16xf32>
    %swap3A_223 = vector.shape_cast %scan3A_177#3 : vector<16xf32> to vector<1x16xf32>
    tpu.vector_store %arg6[%swap3A_219, %swap3A_220], %swap3A_223 {strides = array<i32>} : memref<8x256xf32, #tpu.memory_space<vmem>>, vector<1x16xf32>,
    %convert_element_type3A_224 = arith.fptosi %scan3A_177#11 : vector<16xf32> to vector<16xi32>
    %swap3A_225 = arith.constant 3 : i32
    %swap3A_226 = arith.index_cast %swap3A_225 : i32 to index
    %swap3A_227 = arith.constant 16 : index
    %swap3A_228 = tpu.vector_load %arg7[%swap3A_226, %swap3A_227] {strides = array<i32>} : memref<8x256xi32, #tpu.memory_space<vmem>>, vector<1x16xi32>,
    %swap3A_229 = vector.shape_cast %swap3A_228 : vector<1x16xi32> to vector<16xi32>
    %swap3A_230 = vector.shape_cast %convert_element_type3A_224 : vector<16xi32> to vector<1x16xi32>
    tpu.vector_store %arg7[%swap3A_226, %swap3A_227], %swap3A_230 {strides = array<i32>} : memref<8x256xi32, #tpu.memory_space<vmem>>, vector<1x16xi32>,
    %swap3A_231 = arith.constant 4 : i32
    %swap3A_232 = arith.index_cast %swap3A_231 : i32 to index
    %swap3A_233 = arith.constant 16 : index
    %swap3A_234 = tpu.vector_load %arg6[%swap3A_232, %swap3A_233] {strides = array<i32>} : memref<8x256xf32, #tpu.memory_space<vmem>>, vector<1x16xf32>,
    %swap3A_235 = vector.shape_cast %swap3A_234 : vector<1x16xf32> to vector<16xf32>
    %swap3A_236 = vector.shape_cast %scan3A_177#4 : vector<16xf32> to vector<1x16xf32>
    tpu.vector_store %arg6[%swap3A_232, %swap3A_233], %swap3A_236 {strides = array<i32>} : memref<8x256xf32, #tpu.memory_space<vmem>>, vector<1x16xf32>,
    %convert_element_type3A_237 = arith.fptosi %scan3A_177#12 : vector<16xf32> to vector<16xi32>
    %swap3A_238 = arith.constant 4 : i32
    %swap3A_239 = arith.index_cast %swap3A_238 : i32 to index
    %swap3A_240 = arith.constant 16 : index
    %swap3A_241 = tpu.vector_load %arg7[%swap3A_239, %swap3A_240] {strides = array<i32>} : memref<8x256xi32, #tpu.memory_space<vmem>>, vector<1x16xi32>,
    %swap3A_242 = vector.shape_cast %swap3A_241 : vector<1x16xi32> to vector<16xi32>
    %swap3A_243 = vector.shape_cast %convert_element_type3A_237 : vector<16xi32> to vector<1x16xi32>
    tpu.vector_store %arg7[%swap3A_239, %swap3A_240], %swap3A_243 {strides = array<i32>} : memref<8x256xi32, #tpu.memory_space<vmem>>, vector<1x16xi32>,
    %swap3A_244 = arith.constant 5 : i32
    %swap3A_245 = arith.index_cast %swap3A_244 : i32 to index
    %swap3A_246 = arith.constant 16 : index
    %swap3A_247 = tpu.vector_load %arg6[%swap3A_245, %swap3A_246] {strides = array<i32>} : memref<8x256xf32, #tpu.memory_space<vmem>>, vector<1x16xf32>,
    %swap3A_248 = vector.shape_cast %swap3A_247 : vector<1x16xf32> to vector<16xf32>
    %swap3A_249 = vector.shape_cast %scan3A_177#5 : vector<16xf32> to vector<1x16xf32>
    tpu.vector_store %arg6[%swap3A_245, %swap3A_246], %swap3A_249 {strides = array<i32>} : memref<8x256xf32, #tpu.memory_space<vmem>>, vector<1x16xf32>,
    %convert_element_type3A_250 = arith.fptosi %scan3A_177#13 : vector<16xf32> to vector<16xi32>
    %swap3A_251 = arith.constant 5 : i32
    %swap3A_252 = arith.index_cast %swap3A_251 : i32 to index
    %swap3A_253 = arith.constant 16 : index
    %swap3A_254 = tpu.vector_load %arg7[%swap3A_252, %swap3A_253] {strides = array<i32>} : memref<8x256xi32, #tpu.memory_space<vmem>>, vector<1x16xi32>,
    %swap3A_255 = vector.shape_cast %swap3A_254 : vector<1x16xi32> to vector<16xi32>
    %swap3A_256 = vector.shape_cast %convert_element_type3A_250 : vector<16xi32> to vector<1x16xi32>
    tpu.vector_store %arg7[%swap3A_252, %swap3A_253], %swap3A_256 {strides = array<i32>} : memref<8x256xi32, #tpu.memory_space<vmem>>, vector<1x16xi32>,
    %swap3A_257 = arith.constant 6 : i32
    %swap3A_258 = arith.index_cast %swap3A_257 : i32 to index
    %swap3A_259 = arith.constant 16 : index
    %swap3A_260 = tpu.vector_load %arg6[%swap3A_258, %swap3A_259] {strides = array<i32>} : memref<8x256xf32, #tpu.memory_space<vmem>>, vector<1x16xf32>,
    %swap3A_261 = vector.shape_cast %swap3A_260 : vector<1x16xf32> to vector<16xf32>
    %swap3A_262 = vector.shape_cast %scan3A_177#6 : vector<16xf32> to vector<1x16xf32>
    tpu.vector_store %arg6[%swap3A_258, %swap3A_259], %swap3A_262 {strides = array<i32>} : memref<8x256xf32, #tpu.memory_space<vmem>>, vector<1x16xf32>,
    %convert_element_type3A_263 = arith.fptosi %scan3A_177#14 : vector<16xf32> to vector<16xi32>
    %swap3A_264 = arith.constant 6 : i32
    %swap3A_265 = arith.index_cast %swap3A_264 : i32 to index
    %swap3A_266 = arith.constant 16 : index
    %swap3A_267 = tpu.vector_load %arg7[%swap3A_265, %swap3A_266] {strides = array<i32>} : memref<8x256xi32, #tpu.memory_space<vmem>>, vector<1x16xi32>,
    %swap3A_268 = vector.shape_cast %swap3A_267 : vector<1x16xi32> to vector<16xi32>
    %swap3A_269 = vector.shape_cast %convert_element_type3A_263 : vector<16xi32> to vector<1x16xi32>
    tpu.vector_store %arg7[%swap3A_265, %swap3A_266], %swap3A_269 {strides = array<i32>} : memref<8x256xi32, #tpu.memory_space<vmem>>, vector<1x16xi32>,
    %swap3A_270 = arith.constant 7 : i32
    %swap3A_271 = arith.index_cast %swap3A_270 : i32 to index
    %swap3A_272 = arith.constant 16 : index
    %swap3A_273 = tpu.vector_load %arg6[%swap3A_271, %swap3A_272] {strides = array<i32>} : memref<8x256xf32, #tpu.memory_space<vmem>>, vector<1x16xf32>,
    %swap3A_274 = vector.shape_cast %swap3A_273 : vector<1x16xf32> to vector<16xf32>
    %swap3A_275 = vector.shape_cast %scan3A_177#7 : vector<16xf32> to vector<1x16xf32>
    tpu.vector_store %arg6[%swap3A_271, %swap3A_272], %swap3A_275 {strides = array<i32>} : memref<8x256xf32, #tpu.memory_space<vmem>>, vector<1x16xf32>,
    %convert_element_type3A_276 = arith.fptosi %scan3A_177#15 : vector<16xf32> to vector<16xi32>
    %swap3A_277 = arith.constant 7 : i32
    %swap3A_278 = arith.index_cast %swap3A_277 : i32 to index
    %swap3A_279 = arith.constant 16 : index
    %swap3A_280 = tpu.vector_load %arg7[%swap3A_278, %swap3A_279] {strides = array<i32>} : memref<8x256xi32, #tpu.memory_space<vmem>>, vector<1x16xi32>,
    %swap3A_281 = vector.shape_cast %swap3A_280 : vector<1x16xi32> to vector<16xi32>
    %swap3A_282 = vector.shape_cast %convert_element_type3A_276 : vector<16xi32> to vector<1x16xi32>
    tpu.vector_store %arg7[%swap3A_278, %swap3A_279], %swap3A_282 {strides = array<i32>} : memref<8x256xi32, #tpu.memory_space<vmem>>, vector<1x16xi32>,
    %broadcast_in_dim3A_283 = arith.constant -1.000000e+00 : f32
    %broadcast_in_dim3A_284 = vector.broadcast %broadcast_in_dim3A_283 : f32 to vector<16xf32>
    %broadcast_in_dim3A_285 = arith.constant -1.000000e+00 : f32
    %broadcast_in_dim3A_286 = vector.broadcast %broadcast_in_dim3A_285 : f32 to vector<16xf32>
    %broadcast_in_dim3A_287 = arith.constant -1.000000e+00 : f32
    %broadcast_in_dim3A_288 = vector.broadcast %broadcast_in_dim3A_287 : f32 to vector<16xf32>
    %broadcast_in_dim3A_289 = arith.constant -1.000000e+00 : f32
    %broadcast_in_dim3A_290 = vector.broadcast %broadcast_in_dim3A_289 : f32 to vector<16xf32>
    %broadcast_in_dim3A_291 = arith.constant -1.000000e+00 : f32
    %broadcast_in_dim3A_292 = vector.broadcast %broadcast_in_dim3A_291 : f32 to vector<16xf32>
    %broadcast_in_dim3A_293 = arith.constant -1.000000e+00 : f32
    %broadcast_in_dim3A_294 = vector.broadcast %broadcast_in_dim3A_293 : f32 to vector<16xf32>
    %broadcast_in_dim3A_295 = arith.constant -1.000000e+00 : f32
    %broadcast_in_dim3A_296 = vector.broadcast %broadcast_in_dim3A_295 : f32 to vector<16xf32>
    %broadcast_in_dim3A_297 = arith.constant -1.000000e+00 : f32
    %broadcast_in_dim3A_298 = vector.broadcast %broadcast_in_dim3A_297 : f32 to vector<16xf32>
    %broadcast_in_dim3A_299 = arith.constant 0.000000e+00 : f32
    %broadcast_in_dim3A_300 = vector.broadcast %broadcast_in_dim3A_299 : f32 to vector<16xf32>
    %broadcast_in_dim3A_301 = arith.constant 0.000000e+00 : f32
    %broadcast_in_dim3A_302 = vector.broadcast %broadcast_in_dim3A_301 : f32 to vector<16xf32>
    %broadcast_in_dim3A_303 = arith.constant 0.000000e+00 : f32
    %broadcast_in_dim3A_304 = vector.broadcast %broadcast_in_dim3A_303 : f32 to vector<16xf32>
    %broadcast_in_dim3A_305 = arith.constant 0.000000e+00 : f32
    %broadcast_in_dim3A_306 = vector.broadcast %broadcast_in_dim3A_305 : f32 to vector<16xf32>
    %broadcast_in_dim3A_307 = arith.constant 0.000000e+00 : f32
    %broadcast_in_dim3A_308 = vector.broadcast %broadcast_in_dim3A_307 : f32 to vector<16xf32>
    %broadcast_in_dim3A_309 = arith.constant 0.000000e+00 : f32
    %broadcast_in_dim3A_310 = vector.broadcast %broadcast_in_dim3A_309 : f32 to vector<16xf32>
    %broadcast_in_dim3A_311 = arith.constant 0.000000e+00 : f32
    %broadcast_in_dim3A_312 = vector.broadcast %broadcast_in_dim3A_311 : f32 to vector<16xf32>
    %broadcast_in_dim3A_313 = arith.constant 0.000000e+00 : f32
    %broadcast_in_dim3A_314 = vector.broadcast %broadcast_in_dim3A_313 : f32 to vector<16xf32>
    %scan3A_315 = arith.constant 0 : i32
    %scan3A_316 = arith.constant 64 : i32
    %scan3A_317 = arith.addi %scan3A_315, %scan3A_316 : i32
    %scan3A_318 = arith.constant 1 : i32
    %scan3A_319:16 = scf.for %scan3A_2271 = %scan3A_315 to %scan3A_317 step %scan3A_318 iter_args(%scan3A_2272 = %broadcast_in_dim3A_284, %scan3A_2273 = %broadcast_in_dim3A_286, %scan3A_2274 = %broadcast_in_dim3A_288, %scan3A_2275 = %broadcast_in_dim3A_290, %scan3A_2276 = %broadcast_in_dim3A_292, %scan3A_2277 = %broadcast_in_dim3A_294, %scan3A_2278 = %broadcast_in_dim3A_296, %scan3A_2279 = %broadcast_in_dim3A_298, %scan3A_2280 = %broadcast_in_dim3A_300, %scan3A_2281 = %broadcast_in_dim3A_302, %scan3A_2282 = %broadcast_in_dim3A_304, %scan3A_2283 = %broadcast_in_dim3A_306, %scan3A_2284 = %broadcast_in_dim3A_308, %scan3A_2285 = %broadcast_in_dim3A_310, %scan3A_2286 = %broadcast_in_dim3A_312, %scan3A_2287 = %broadcast_in_dim3A_314) -> (vector<16xf32>, vector<16xf32>, vector<16xf32>, vector<16xf32>, vector<16xf32>, vector<16xf32>, vector<16xf32>, vector<16xf32>, vector<16xf32>, vector<16xf32>, vector<16xf32>, vector<16xf32>, vector<16xf32>, vector<16xf32>, vector<16xf32>, vector<16xf32>)  : i32 {
      %get3A = arith.index_cast %scan3A_2271 : i32 to index
      %get3A_2288 = arith.constant 32 : index
      %get3A_2289 = tpu.vector_load %arg5[%get3A, %get3A_2288] {strides = array<i32>} : memref<64x256xf32, #tpu.memory_space<vmem>>, vector<1x16xf32>,
      %get3A_2290 = vector.shape_cast %get3A_2289 : vector<1x16xf32> to vector<16xf32>
      %broadcast_in_dim3A_2291 = arith.constant 1.000000e+00 : f32
      %broadcast_in_dim3A_2292 = vector.broadcast %broadcast_in_dim3A_2291 : f32 to vector<16xf32>
      %convert_element_type3A_2293 = arith.sitofp %scan3A_2271 : i32 to f32
      %mul3A_2294 = vector.broadcast %convert_element_type3A_2293 : f32 to vector<16xf32>
      %mul3A_2295 = arith.mulf %broadcast_in_dim3A_2292, %mul3A_2294 : vector<16xf32>
      %gt3A = arith.cmpf ogt, %get3A_2290, %scan3A_2272 : vector<16xf32>
      %gt3A_2296 = arith.cmpf ogt, %get3A_2290, %scan3A_2273 : vector<16xf32>
      %gt3A_2297 = arith.cmpf ogt, %get3A_2290, %scan3A_2274 : vector<16xf32>
      %gt3A_2298 = arith.cmpf ogt, %get3A_2290, %scan3A_2275 : vector<16xf32>
      %gt3A_2299 = arith.cmpf ogt, %get3A_2290, %scan3A_2276 : vector<16xf32>
      %gt3A_2300 = arith.cmpf ogt, %get3A_2290, %scan3A_2277 : vector<16xf32>
      %gt3A_2301 = arith.cmpf ogt, %get3A_2290, %scan3A_2278 : vector<16xf32>
      %gt3A_2302 = arith.cmpf ogt, %get3A_2290, %scan3A_2279 : vector<16xf32>
      %select_n3A = arith.select %gt3A, %get3A_2290, %scan3A_2272 : vector<16xi1>, vector<16xf32>
      %select_n3A_2303 = arith.select %gt3A, %mul3A_2295, %scan3A_2280 : vector<16xi1>, vector<16xf32>
      %select_n3A_2304 = arith.select %gt3A, %scan3A_2272, %get3A_2290 : vector<16xi1>, vector<16xf32>
      %select_n3A_2305 = arith.select %gt3A, %scan3A_2280, %mul3A_2295 : vector<16xi1>, vector<16xf32>
      %select_n3A_2306 = arith.select %gt3A_2296, %select_n3A_2304, %scan3A_2273 : vector<16xi1>, vector<16xf32>
      %select_n3A_2307 = arith.select %gt3A_2296, %select_n3A_2305, %scan3A_2281 : vector<16xi1>, vector<16xf32>
      %select_n3A_2308 = arith.select %gt3A_2296, %scan3A_2273, %get3A_2290 : vector<16xi1>, vector<16xf32>
      %select_n3A_2309 = arith.select %gt3A_2296, %scan3A_2281, %mul3A_2295 : vector<16xi1>, vector<16xf32>
      %select_n3A_2310 = arith.select %gt3A_2297, %select_n3A_2308, %scan3A_2274 : vector<16xi1>, vector<16xf32>
      %select_n3A_2311 = arith.select %gt3A_2297, %select_n3A_2309, %scan3A_2282 : vector<16xi1>, vector<16xf32>
      %select_n3A_2312 = arith.select %gt3A_2297, %scan3A_2274, %get3A_2290 : vector<16xi1>, vector<16xf32>
      %select_n3A_2313 = arith.select %gt3A_2297, %scan3A_2282, %mul3A_2295 : vector<16xi1>, vector<16xf32>
      %select_n3A_2314 = arith.select %gt3A_2298, %select_n3A_2312, %scan3A_2275 : vector<16xi1>, vector<16xf32>
      %select_n3A_2315 = arith.select %gt3A_2298, %select_n3A_2313, %scan3A_2283 : vector<16xi1>, vector<16xf32>
      %select_n3A_2316 = arith.select %gt3A_2298, %scan3A_2275, %get3A_2290 : vector<16xi1>, vector<16xf32>
      %select_n3A_2317 = arith.select %gt3A_2298, %scan3A_2283, %mul3A_2295 : vector<16xi1>, vector<16xf32>
      %select_n3A_2318 = arith.select %gt3A_2299, %select_n3A_2316, %scan3A_2276 : vector<16xi1>, vector<16xf32>
      %select_n3A_2319 = arith.select %gt3A_2299, %select_n3A_2317, %scan3A_2284 : vector<16xi1>, vector<16xf32>
      %select_n3A_2320 = arith.select %gt3A_2299, %scan3A_2276, %get3A_2290 : vector<16xi1>, vector<16xf32>
      %select_n3A_2321 = arith.select %gt3A_2299, %scan3A_2284, %mul3A_2295 : vector<16xi1>, vector<16xf32>
      %select_n3A_2322 = arith.select %gt3A_2300, %select_n3A_2320, %scan3A_2277 : vector<16xi1>, vector<16xf32>
      %select_n3A_2323 = arith.select %gt3A_2300, %select_n3A_2321, %scan3A_2285 : vector<16xi1>, vector<16xf32>
      %select_n3A_2324 = arith.select %gt3A_2300, %scan3A_2277, %get3A_2290 : vector<16xi1>, vector<16xf32>
      %select_n3A_2325 = arith.select %gt3A_2300, %scan3A_2285, %mul3A_2295 : vector<16xi1>, vector<16xf32>
      %select_n3A_2326 = arith.select %gt3A_2301, %select_n3A_2324, %scan3A_2278 : vector<16xi1>, vector<16xf32>
      %select_n3A_2327 = arith.select %gt3A_2301, %select_n3A_2325, %scan3A_2286 : vector<16xi1>, vector<16xf32>
      %select_n3A_2328 = arith.select %gt3A_2301, %scan3A_2278, %get3A_2290 : vector<16xi1>, vector<16xf32>
      %select_n3A_2329 = arith.select %gt3A_2301, %scan3A_2286, %mul3A_2295 : vector<16xi1>, vector<16xf32>
      %select_n3A_2330 = arith.select %gt3A_2302, %select_n3A_2328, %scan3A_2279 : vector<16xi1>, vector<16xf32>
      %select_n3A_2331 = arith.select %gt3A_2302, %select_n3A_2329, %scan3A_2287 : vector<16xi1>, vector<16xf32>
      scf.yield %select_n3A, %select_n3A_2306, %select_n3A_2310, %select_n3A_2314, %select_n3A_2318, %select_n3A_2322, %select_n3A_2326, %select_n3A_2330, %select_n3A_2303, %select_n3A_2307, %select_n3A_2311, %select_n3A_2315, %select_n3A_2319, %select_n3A_2323, %select_n3A_2327, %select_n3A_2331 : vector<16xf32>, vector<16xf32>, vector<16xf32>, vector<16xf32>, vector<16xf32>, vector<16xf32>, vector<16xf32>, vector<16xf32>, vector<16xf32>, vector<16xf32>, vector<16xf32>, vector<16xf32>, vector<16xf32>, vector<16xf32>, vector<16xf32>, vector<16xf32>
    }
    %scan3A_320 = arith.constant 64 : i32
    %swap3A_321 = arith.constant 0 : i32
    %swap3A_322 = arith.index_cast %swap3A_321 : i32 to index
    %swap3A_323 = arith.constant 32 : index
    %swap3A_324 = tpu.vector_load %arg6[%swap3A_322, %swap3A_323] {strides = array<i32>} : memref<8x256xf32, #tpu.memory_space<vmem>>, vector<1x16xf32>,
    %swap3A_325 = vector.shape_cast %swap3A_324 : vector<1x16xf32> to vector<16xf32>
    %swap3A_326 = vector.shape_cast %scan3A_319#0 : vector<16xf32> to vector<1x16xf32>
    tpu.vector_store %arg6[%swap3A_322, %swap3A_323], %swap3A_326 {strides = array<i32>} : memref<8x256xf32, #tpu.memory_space<vmem>>, vector<1x16xf32>,
    %convert_element_type3A_327 = arith.fptosi %scan3A_319#8 : vector<16xf32> to vector<16xi32>
    %swap3A_328 = arith.constant 0 : i32
    %swap3A_329 = arith.index_cast %swap3A_328 : i32 to index
    %swap3A_330 = arith.constant 32 : index
    %swap3A_331 = tpu.vector_load %arg7[%swap3A_329, %swap3A_330] {strides = array<i32>} : memref<8x256xi32, #tpu.memory_space<vmem>>, vector<1x16xi32>,
    %swap3A_332 = vector.shape_cast %swap3A_331 : vector<1x16xi32> to vector<16xi32>
    %swap3A_333 = vector.shape_cast %convert_element_type3A_327 : vector<16xi32> to vector<1x16xi32>
    tpu.vector_store %arg7[%swap3A_329, %swap3A_330], %swap3A_333 {strides = array<i32>} : memref<8x256xi32, #tpu.memory_space<vmem>>, vector<1x16xi32>,
    %swap3A_334 = arith.constant 1 : i32
    %swap3A_335 = arith.index_cast %swap3A_334 : i32 to index
    %swap3A_336 = arith.constant 32 : index
    %swap3A_337 = tpu.vector_load %arg6[%swap3A_335, %swap3A_336] {strides = array<i32>} : memref<8x256xf32, #tpu.memory_space<vmem>>, vector<1x16xf32>,
    %swap3A_338 = vector.shape_cast %swap3A_337 : vector<1x16xf32> to vector<16xf32>
    %swap3A_339 = vector.shape_cast %scan3A_319#1 : vector<16xf32> to vector<1x16xf32>
    tpu.vector_store %arg6[%swap3A_335, %swap3A_336], %swap3A_339 {strides = array<i32>} : memref<8x256xf32, #tpu.memory_space<vmem>>, vector<1x16xf32>,
    %convert_element_type3A_340 = arith.fptosi %scan3A_319#9 : vector<16xf32> to vector<16xi32>
    %swap3A_341 = arith.constant 1 : i32
    %swap3A_342 = arith.index_cast %swap3A_341 : i32 to index
    %swap3A_343 = arith.constant 32 : index
    %swap3A_344 = tpu.vector_load %arg7[%swap3A_342, %swap3A_343] {strides = array<i32>} : memref<8x256xi32, #tpu.memory_space<vmem>>, vector<1x16xi32>,
    %swap3A_345 = vector.shape_cast %swap3A_344 : vector<1x16xi32> to vector<16xi32>
    %swap3A_346 = vector.shape_cast %convert_element_type3A_340 : vector<16xi32> to vector<1x16xi32>
    tpu.vector_store %arg7[%swap3A_342, %swap3A_343], %swap3A_346 {strides = array<i32>} : memref<8x256xi32, #tpu.memory_space<vmem>>, vector<1x16xi32>,
    %swap3A_347 = arith.constant 2 : i32
    %swap3A_348 = arith.index_cast %swap3A_347 : i32 to index
    %swap3A_349 = arith.constant 32 : index
    %swap3A_350 = tpu.vector_load %arg6[%swap3A_348, %swap3A_349] {strides = array<i32>} : memref<8x256xf32, #tpu.memory_space<vmem>>, vector<1x16xf32>,
    %swap3A_351 = vector.shape_cast %swap3A_350 : vector<1x16xf32> to vector<16xf32>
    %swap3A_352 = vector.shape_cast %scan3A_319#2 : vector<16xf32> to vector<1x16xf32>
    tpu.vector_store %arg6[%swap3A_348, %swap3A_349], %swap3A_352 {strides = array<i32>} : memref<8x256xf32, #tpu.memory_space<vmem>>, vector<1x16xf32>,
    %convert_element_type3A_353 = arith.fptosi %scan3A_319#10 : vector<16xf32> to vector<16xi32>
    %swap3A_354 = arith.constant 2 : i32
    %swap3A_355 = arith.index_cast %swap3A_354 : i32 to index
    %swap3A_356 = arith.constant 32 : index
    %swap3A_357 = tpu.vector_load %arg7[%swap3A_355, %swap3A_356] {strides = array<i32>} : memref<8x256xi32, #tpu.memory_space<vmem>>, vector<1x16xi32>,
    %swap3A_358 = vector.shape_cast %swap3A_357 : vector<1x16xi32> to vector<16xi32>
    %swap3A_359 = vector.shape_cast %convert_element_type3A_353 : vector<16xi32> to vector<1x16xi32>
    tpu.vector_store %arg7[%swap3A_355, %swap3A_356], %swap3A_359 {strides = array<i32>} : memref<8x256xi32, #tpu.memory_space<vmem>>, vector<1x16xi32>,
    %swap3A_360 = arith.constant 3 : i32
    %swap3A_361 = arith.index_cast %swap3A_360 : i32 to index
    %swap3A_362 = arith.constant 32 : index
    %swap3A_363 = tpu.vector_load %arg6[%swap3A_361, %swap3A_362] {strides = array<i32>} : memref<8x256xf32, #tpu.memory_space<vmem>>, vector<1x16xf32>,
    %swap3A_364 = vector.shape_cast %swap3A_363 : vector<1x16xf32> to vector<16xf32>
    %swap3A_365 = vector.shape_cast %scan3A_319#3 : vector<16xf32> to vector<1x16xf32>
    tpu.vector_store %arg6[%swap3A_361, %swap3A_362], %swap3A_365 {strides = array<i32>} : memref<8x256xf32, #tpu.memory_space<vmem>>, vector<1x16xf32>,
    %convert_element_type3A_366 = arith.fptosi %scan3A_319#11 : vector<16xf32> to vector<16xi32>
    %swap3A_367 = arith.constant 3 : i32
    %swap3A_368 = arith.index_cast %swap3A_367 : i32 to index
    %swap3A_369 = arith.constant 32 : index
    %swap3A_370 = tpu.vector_load %arg7[%swap3A_368, %swap3A_369] {strides = array<i32>} : memref<8x256xi32, #tpu.memory_space<vmem>>, vector<1x16xi32>,
    %swap3A_371 = vector.shape_cast %swap3A_370 : vector<1x16xi32> to vector<16xi32>
    %swap3A_372 = vector.shape_cast %convert_element_type3A_366 : vector<16xi32> to vector<1x16xi32>
    tpu.vector_store %arg7[%swap3A_368, %swap3A_369], %swap3A_372 {strides = array<i32>} : memref<8x256xi32, #tpu.memory_space<vmem>>, vector<1x16xi32>,
    %swap3A_373 = arith.constant 4 : i32
    %swap3A_374 = arith.index_cast %swap3A_373 : i32 to index
    %swap3A_375 = arith.constant 32 : index
    %swap3A_376 = tpu.vector_load %arg6[%swap3A_374, %swap3A_375] {strides = array<i32>} : memref<8x256xf32, #tpu.memory_space<vmem>>, vector<1x16xf32>,
    %swap3A_377 = vector.shape_cast %swap3A_376 : vector<1x16xf32> to vector<16xf32>
    %swap3A_378 = vector.shape_cast %scan3A_319#4 : vector<16xf32> to vector<1x16xf32>
    tpu.vector_store %arg6[%swap3A_374, %swap3A_375], %swap3A_378 {strides = array<i32>} : memref<8x256xf32, #tpu.memory_space<vmem>>, vector<1x16xf32>,
    %convert_element_type3A_379 = arith.fptosi %scan3A_319#12 : vector<16xf32> to vector<16xi32>
    %swap3A_380 = arith.constant 4 : i32
    %swap3A_381 = arith.index_cast %swap3A_380 : i32 to index
    %swap3A_382 = arith.constant 32 : index
    %swap3A_383 = tpu.vector_load %arg7[%swap3A_381, %swap3A_382] {strides = array<i32>} : memref<8x256xi32, #tpu.memory_space<vmem>>, vector<1x16xi32>,
    %swap3A_384 = vector.shape_cast %swap3A_383 : vector<1x16xi32> to vector<16xi32>
    %swap3A_385 = vector.shape_cast %convert_element_type3A_379 : vector<16xi32> to vector<1x16xi32>
    tpu.vector_store %arg7[%swap3A_381, %swap3A_382], %swap3A_385 {strides = array<i32>} : memref<8x256xi32, #tpu.memory_space<vmem>>, vector<1x16xi32>,
    %swap3A_386 = arith.constant 5 : i32
    %swap3A_387 = arith.index_cast %swap3A_386 : i32 to index
    %swap3A_388 = arith.constant 32 : index
    %swap3A_389 = tpu.vector_load %arg6[%swap3A_387, %swap3A_388] {strides = array<i32>} : memref<8x256xf32, #tpu.memory_space<vmem>>, vector<1x16xf32>,
    %swap3A_390 = vector.shape_cast %swap3A_389 : vector<1x16xf32> to vector<16xf32>
    %swap3A_391 = vector.shape_cast %scan3A_319#5 : vector<16xf32> to vector<1x16xf32>
    tpu.vector_store %arg6[%swap3A_387, %swap3A_388], %swap3A_391 {strides = array<i32>} : memref<8x256xf32, #tpu.memory_space<vmem>>, vector<1x16xf32>,
    %convert_element_type3A_392 = arith.fptosi %scan3A_319#13 : vector<16xf32> to vector<16xi32>
    %swap3A_393 = arith.constant 5 : i32
    %swap3A_394 = arith.index_cast %swap3A_393 : i32 to index
    %swap3A_395 = arith.constant 32 : index
    %swap3A_396 = tpu.vector_load %arg7[%swap3A_394, %swap3A_395] {strides = array<i32>} : memref<8x256xi32, #tpu.memory_space<vmem>>, vector<1x16xi32>,
    %swap3A_397 = vector.shape_cast %swap3A_396 : vector<1x16xi32> to vector<16xi32>
    %swap3A_398 = vector.shape_cast %convert_element_type3A_392 : vector<16xi32> to vector<1x16xi32>
    tpu.vector_store %arg7[%swap3A_394, %swap3A_395], %swap3A_398 {strides = array<i32>} : memref<8x256xi32, #tpu.memory_space<vmem>>, vector<1x16xi32>,
    %swap3A_399 = arith.constant 6 : i32
    %swap3A_400 = arith.index_cast %swap3A_399 : i32 to index
    %swap3A_401 = arith.constant 32 : index
    %swap3A_402 = tpu.vector_load %arg6[%swap3A_400, %swap3A_401] {strides = array<i32>} : memref<8x256xf32, #tpu.memory_space<vmem>>, vector<1x16xf32>,
    %swap3A_403 = vector.shape_cast %swap3A_402 : vector<1x16xf32> to vector<16xf32>
    %swap3A_404 = vector.shape_cast %scan3A_319#6 : vector<16xf32> to vector<1x16xf32>
    tpu.vector_store %arg6[%swap3A_400, %swap3A_401], %swap3A_404 {strides = array<i32>} : memref<8x256xf32, #tpu.memory_space<vmem>>, vector<1x16xf32>,
    %convert_element_type3A_405 = arith.fptosi %scan3A_319#14 : vector<16xf32> to vector<16xi32>
    %swap3A_406 = arith.constant 6 : i32
    %swap3A_407 = arith.index_cast %swap3A_406 : i32 to index
    %swap3A_408 = arith.constant 32 : index
    %swap3A_409 = tpu.vector_load %arg7[%swap3A_407, %swap3A_408] {strides = array<i32>} : memref<8x256xi32, #tpu.memory_space<vmem>>, vector<1x16xi32>,
    %swap3A_410 = vector.shape_cast %swap3A_409 : vector<1x16xi32> to vector<16xi32>
    %swap3A_411 = vector.shape_cast %convert_element_type3A_405 : vector<16xi32> to vector<1x16xi32>
    tpu.vector_store %arg7[%swap3A_407, %swap3A_408], %swap3A_411 {strides = array<i32>} : memref<8x256xi32, #tpu.memory_space<vmem>>, vector<1x16xi32>,
    %swap3A_412 = arith.constant 7 : i32
    %swap3A_413 = arith.index_cast %swap3A_412 : i32 to index
    %swap3A_414 = arith.constant 32 : index
    %swap3A_415 = tpu.vector_load %arg6[%swap3A_413, %swap3A_414] {strides = array<i32>} : memref<8x256xf32, #tpu.memory_space<vmem>>, vector<1x16xf32>,
    %swap3A_416 = vector.shape_cast %swap3A_415 : vector<1x16xf32> to vector<16xf32>
    %swap3A_417 = vector.shape_cast %scan3A_319#7 : vector<16xf32> to vector<1x16xf32>
    tpu.vector_store %arg6[%swap3A_413, %swap3A_414], %swap3A_417 {strides = array<i32>} : memref<8x256xf32, #tpu.memory_space<vmem>>, vector<1x16xf32>,
    %convert_element_type3A_418 = arith.fptosi %scan3A_319#15 : vector<16xf32> to vector<16xi32>
    %swap3A_419 = arith.constant 7 : i32
    %swap3A_420 = arith.index_cast %swap3A_419 : i32 to index
    %swap3A_421 = arith.constant 32 : index
    %swap3A_422 = tpu.vector_load %arg7[%swap3A_420, %swap3A_421] {strides = array<i32>} : memref<8x256xi32, #tpu.memory_space<vmem>>, vector<1x16xi32>,
    %swap3A_423 = vector.shape_cast %swap3A_422 : vector<1x16xi32> to vector<16xi32>
    %swap3A_424 = vector.shape_cast %convert_element_type3A_418 : vector<16xi32> to vector<1x16xi32>
    tpu.vector_store %arg7[%swap3A_420, %swap3A_421], %swap3A_424 {strides = array<i32>} : memref<8x256xi32, #tpu.memory_space<vmem>>, vector<1x16xi32>,
    %broadcast_in_dim3A_425 = arith.constant -1.000000e+00 : f32
    %broadcast_in_dim3A_426 = vector.broadcast %broadcast_in_dim3A_425 : f32 to vector<16xf32>
    %broadcast_in_dim3A_427 = arith.constant -1.000000e+00 : f32
    %broadcast_in_dim3A_428 = vector.broadcast %broadcast_in_dim3A_427 : f32 to vector<16xf32>
    %broadcast_in_dim3A_429 = arith.constant -1.000000e+00 : f32
    %broadcast_in_dim3A_430 = vector.broadcast %broadcast_in_dim3A_429 : f32 to vector<16xf32>
    %broadcast_in_dim3A_431 = arith.constant -1.000000e+00 : f32
    %broadcast_in_dim3A_432 = vector.broadcast %broadcast_in_dim3A_431 : f32 to vector<16xf32>
    %broadcast_in_dim3A_433 = arith.constant -1.000000e+00 : f32
    %broadcast_in_dim3A_434 = vector.broadcast %broadcast_in_dim3A_433 : f32 to vector<16xf32>
    %broadcast_in_dim3A_435 = arith.constant -1.000000e+00 : f32
    %broadcast_in_dim3A_436 = vector.broadcast %broadcast_in_dim3A_435 : f32 to vector<16xf32>
    %broadcast_in_dim3A_437 = arith.constant -1.000000e+00 : f32
    %broadcast_in_dim3A_438 = vector.broadcast %broadcast_in_dim3A_437 : f32 to vector<16xf32>
    %broadcast_in_dim3A_439 = arith.constant -1.000000e+00 : f32
    %broadcast_in_dim3A_440 = vector.broadcast %broadcast_in_dim3A_439 : f32 to vector<16xf32>
    %broadcast_in_dim3A_441 = arith.constant 0.000000e+00 : f32
    %broadcast_in_dim3A_442 = vector.broadcast %broadcast_in_dim3A_441 : f32 to vector<16xf32>
    %broadcast_in_dim3A_443 = arith.constant 0.000000e+00 : f32
    %broadcast_in_dim3A_444 = vector.broadcast %broadcast_in_dim3A_443 : f32 to vector<16xf32>
    %broadcast_in_dim3A_445 = arith.constant 0.000000e+00 : f32
    %broadcast_in_dim3A_446 = vector.broadcast %broadcast_in_dim3A_445 : f32 to vector<16xf32>
    %broadcast_in_dim3A_447 = arith.constant 0.000000e+00 : f32
    %broadcast_in_dim3A_448 = vector.broadcast %broadcast_in_dim3A_447 : f32 to vector<16xf32>
    %broadcast_in_dim3A_449 = arith.constant 0.000000e+00 : f32
    %broadcast_in_dim3A_450 = vector.broadcast %broadcast_in_dim3A_449 : f32 to vector<16xf32>
    %broadcast_in_dim3A_451 = arith.constant 0.000000e+00 : f32
    %broadcast_in_dim3A_452 = vector.broadcast %broadcast_in_dim3A_451 : f32 to vector<16xf32>
    %broadcast_in_dim3A_453 = arith.constant 0.000000e+00 : f32
    %broadcast_in_dim3A_454 = vector.broadcast %broadcast_in_dim3A_453 : f32 to vector<16xf32>
    %broadcast_in_dim3A_455 = arith.constant 0.000000e+00 : f32
    %broadcast_in_dim3A_456 = vector.broadcast %broadcast_in_dim3A_455 : f32 to vector<16xf32>
    %scan3A_457 = arith.constant 0 : i32
    %scan3A_458 = arith.constant 64 : i32
    %scan3A_459 = arith.addi %scan3A_457, %scan3A_458 : i32
    %scan3A_460 = arith.constant 1 : i32
    %scan3A_461:16 = scf.for %scan3A_2271 = %scan3A_457 to %scan3A_459 step %scan3A_460 iter_args(%scan3A_2272 = %broadcast_in_dim3A_426, %scan3A_2273 = %broadcast_in_dim3A_428, %scan3A_2274 = %broadcast_in_dim3A_430, %scan3A_2275 = %broadcast_in_dim3A_432, %scan3A_2276 = %broadcast_in_dim3A_434, %scan3A_2277 = %broadcast_in_dim3A_436, %scan3A_2278 = %broadcast_in_dim3A_438, %scan3A_2279 = %broadcast_in_dim3A_440, %scan3A_2280 = %broadcast_in_dim3A_442, %scan3A_2281 = %broadcast_in_dim3A_444, %scan3A_2282 = %broadcast_in_dim3A_446, %scan3A_2283 = %broadcast_in_dim3A_448, %scan3A_2284 = %broadcast_in_dim3A_450, %scan3A_2285 = %broadcast_in_dim3A_452, %scan3A_2286 = %broadcast_in_dim3A_454, %scan3A_2287 = %broadcast_in_dim3A_456) -> (vector<16xf32>, vector<16xf32>, vector<16xf32>, vector<16xf32>, vector<16xf32>, vector<16xf32>, vector<16xf32>, vector<16xf32>, vector<16xf32>, vector<16xf32>, vector<16xf32>, vector<16xf32>, vector<16xf32>, vector<16xf32>, vector<16xf32>, vector<16xf32>)  : i32 {
      %get3A = arith.index_cast %scan3A_2271 : i32 to index
      %get3A_2288 = arith.constant 48 : index
      %get3A_2289 = tpu.vector_load %arg5[%get3A, %get3A_2288] {strides = array<i32>} : memref<64x256xf32, #tpu.memory_space<vmem>>, vector<1x16xf32>,
      %get3A_2290 = vector.shape_cast %get3A_2289 : vector<1x16xf32> to vector<16xf32>
      %broadcast_in_dim3A_2291 = arith.constant 1.000000e+00 : f32
      %broadcast_in_dim3A_2292 = vector.broadcast %broadcast_in_dim3A_2291 : f32 to vector<16xf32>
      %convert_element_type3A_2293 = arith.sitofp %scan3A_2271 : i32 to f32
      %mul3A_2294 = vector.broadcast %convert_element_type3A_2293 : f32 to vector<16xf32>
      %mul3A_2295 = arith.mulf %broadcast_in_dim3A_2292, %mul3A_2294 : vector<16xf32>
      %gt3A = arith.cmpf ogt, %get3A_2290, %scan3A_2272 : vector<16xf32>
      %gt3A_2296 = arith.cmpf ogt, %get3A_2290, %scan3A_2273 : vector<16xf32>
      %gt3A_2297 = arith.cmpf ogt, %get3A_2290, %scan3A_2274 : vector<16xf32>
      %gt3A_2298 = arith.cmpf ogt, %get3A_2290, %scan3A_2275 : vector<16xf32>
      %gt3A_2299 = arith.cmpf ogt, %get3A_2290, %scan3A_2276 : vector<16xf32>
      %gt3A_2300 = arith.cmpf ogt, %get3A_2290, %scan3A_2277 : vector<16xf32>
      %gt3A_2301 = arith.cmpf ogt, %get3A_2290, %scan3A_2278 : vector<16xf32>
      %gt3A_2302 = arith.cmpf ogt, %get3A_2290, %scan3A_2279 : vector<16xf32>
      %select_n3A = arith.select %gt3A, %get3A_2290, %scan3A_2272 : vector<16xi1>, vector<16xf32>
      %select_n3A_2303 = arith.select %gt3A, %mul3A_2295, %scan3A_2280 : vector<16xi1>, vector<16xf32>
      %select_n3A_2304 = arith.select %gt3A, %scan3A_2272, %get3A_2290 : vector<16xi1>, vector<16xf32>
      %select_n3A_2305 = arith.select %gt3A, %scan3A_2280, %mul3A_2295 : vector<16xi1>, vector<16xf32>
      %select_n3A_2306 = arith.select %gt3A_2296, %select_n3A_2304, %scan3A_2273 : vector<16xi1>, vector<16xf32>
      %select_n3A_2307 = arith.select %gt3A_2296, %select_n3A_2305, %scan3A_2281 : vector<16xi1>, vector<16xf32>
      %select_n3A_2308 = arith.select %gt3A_2296, %scan3A_2273, %get3A_2290 : vector<16xi1>, vector<16xf32>
      %select_n3A_2309 = arith.select %gt3A_2296, %scan3A_2281, %mul3A_2295 : vector<16xi1>, vector<16xf32>
      %select_n3A_2310 = arith.select %gt3A_2297, %select_n3A_2308, %scan3A_2274 : vector<16xi1>, vector<16xf32>
      %select_n3A_2311 = arith.select %gt3A_2297, %select_n3A_2309, %scan3A_2282 : vector<16xi1>, vector<16xf32>
      %select_n3A_2312 = arith.select %gt3A_2297, %scan3A_2274, %get3A_2290 : vector<16xi1>, vector<16xf32>
      %select_n3A_2313 = arith.select %gt3A_2297, %scan3A_2282, %mul3A_2295 : vector<16xi1>, vector<16xf32>
      %select_n3A_2314 = arith.select %gt3A_2298, %select_n3A_2312, %scan3A_2275 : vector<16xi1>, vector<16xf32>
      %select_n3A_2315 = arith.select %gt3A_2298, %select_n3A_2313, %scan3A_2283 : vector<16xi1>, vector<16xf32>
      %select_n3A_2316 = arith.select %gt3A_2298, %scan3A_2275, %get3A_2290 : vector<16xi1>, vector<16xf32>
      %select_n3A_2317 = arith.select %gt3A_2298, %scan3A_2283, %mul3A_2295 : vector<16xi1>, vector<16xf32>
      %select_n3A_2318 = arith.select %gt3A_2299, %select_n3A_2316, %scan3A_2276 : vector<16xi1>, vector<16xf32>
      %select_n3A_2319 = arith.select %gt3A_2299, %select_n3A_2317, %scan3A_2284 : vector<16xi1>, vector<16xf32>
      %select_n3A_2320 = arith.select %gt3A_2299, %scan3A_2276, %get3A_2290 : vector<16xi1>, vector<16xf32>
      %select_n3A_2321 = arith.select %gt3A_2299, %scan3A_2284, %mul3A_2295 : vector<16xi1>, vector<16xf32>
      %select_n3A_2322 = arith.select %gt3A_2300, %select_n3A_2320, %scan3A_2277 : vector<16xi1>, vector<16xf32>
      %select_n3A_2323 = arith.select %gt3A_2300, %select_n3A_2321, %scan3A_2285 : vector<16xi1>, vector<16xf32>
      %select_n3A_2324 = arith.select %gt3A_2300, %scan3A_2277, %get3A_2290 : vector<16xi1>, vector<16xf32>
      %select_n3A_2325 = arith.select %gt3A_2300, %scan3A_2285, %mul3A_2295 : vector<16xi1>, vector<16xf32>
      %select_n3A_2326 = arith.select %gt3A_2301, %select_n3A_2324, %scan3A_2278 : vector<16xi1>, vector<16xf32>
      %select_n3A_2327 = arith.select %gt3A_2301, %select_n3A_2325, %scan3A_2286 : vector<16xi1>, vector<16xf32>
      %select_n3A_2328 = arith.select %gt3A_2301, %scan3A_2278, %get3A_2290 : vector<16xi1>, vector<16xf32>
      %select_n3A_2329 = arith.select %gt3A_2301, %scan3A_2286, %mul3A_2295 : vector<16xi1>, vector<16xf32>
      %select_n3A_2330 = arith.select %gt3A_2302, %select_n3A_2328, %scan3A_2279 : vector<16xi1>, vector<16xf32>
      %select_n3A_2331 = arith.select %gt3A_2302, %select_n3A_2329, %scan3A_2287 : vector<16xi1>, vector<16xf32>
      scf.yield %select_n3A, %select_n3A_2306, %select_n3A_2310, %select_n3A_2314, %select_n3A_2318, %select_n3A_2322, %select_n3A_2326, %select_n3A_2330, %select_n3A_2303, %select_n3A_2307, %select_n3A_2311, %select_n3A_2315, %select_n3A_2319, %select_n3A_2323, %select_n3A_2327, %select_n3A_2331 : vector<16xf32>, vector<16xf32>, vector<16xf32>, vector<16xf32>, vector<16xf32>, vector<16xf32>, vector<16xf32>, vector<16xf32>, vector<16xf32>, vector<16xf32>, vector<16xf32>, vector<16xf32>, vector<16xf32>, vector<16xf32>, vector<16xf32>, vector<16xf32>
    }
    %scan3A_462 = arith.constant 64 : i32
    %swap3A_463 = arith.constant 0 : i32
    %swap3A_464 = arith.index_cast %swap3A_463 : i32 to index
    %swap3A_465 = arith.constant 48 : index
    %swap3A_466 = tpu.vector_load %arg6[%swap3A_464, %swap3A_465] {strides = array<i32>} : memref<8x256xf32, #tpu.memory_space<vmem>>, vector<1x16xf32>,
    %swap3A_467 = vector.shape_cast %swap3A_466 : vector<1x16xf32> to vector<16xf32>
    %swap3A_468 = vector.shape_cast %scan3A_461#0 : vector<16xf32> to vector<1x16xf32>
    tpu.vector_store %arg6[%swap3A_464, %swap3A_465], %swap3A_468 {strides = array<i32>} : memref<8x256xf32, #tpu.memory_space<vmem>>, vector<1x16xf32>,
    %convert_element_type3A_469 = arith.fptosi %scan3A_461#8 : vector<16xf32> to vector<16xi32>
    %swap3A_470 = arith.constant 0 : i32
    %swap3A_471 = arith.index_cast %swap3A_470 : i32 to index
    %swap3A_472 = arith.constant 48 : index
    %swap3A_473 = tpu.vector_load %arg7[%swap3A_471, %swap3A_472] {strides = array<i32>} : memref<8x256xi32, #tpu.memory_space<vmem>>, vector<1x16xi32>,
    %swap3A_474 = vector.shape_cast %swap3A_473 : vector<1x16xi32> to vector<16xi32>
    %swap3A_475 = vector.shape_cast %convert_element_type3A_469 : vector<16xi32> to vector<1x16xi32>
    tpu.vector_store %arg7[%swap3A_471, %swap3A_472], %swap3A_475 {strides = array<i32>} : memref<8x256xi32, #tpu.memory_space<vmem>>, vector<1x16xi32>,
    %swap3A_476 = arith.constant 1 : i32
    %swap3A_477 = arith.index_cast %swap3A_476 : i32 to index
    %swap3A_478 = arith.constant 48 : index
    %swap3A_479 = tpu.vector_load %arg6[%swap3A_477, %swap3A_478] {strides = array<i32>} : memref<8x256xf32, #tpu.memory_space<vmem>>, vector<1x16xf32>,
    %swap3A_480 = vector.shape_cast %swap3A_479 : vector<1x16xf32> to vector<16xf32>
    %swap3A_481 = vector.shape_cast %scan3A_461#1 : vector<16xf32> to vector<1x16xf32>
    tpu.vector_store %arg6[%swap3A_477, %swap3A_478], %swap3A_481 {strides = array<i32>} : memref<8x256xf32, #tpu.memory_space<vmem>>, vector<1x16xf32>,
    %convert_element_type3A_482 = arith.fptosi %scan3A_461#9 : vector<16xf32> to vector<16xi32>
    %swap3A_483 = arith.constant 1 : i32
    %swap3A_484 = arith.index_cast %swap3A_483 : i32 to index
    %swap3A_485 = arith.constant 48 : index
    %swap3A_486 = tpu.vector_load %arg7[%swap3A_484, %swap3A_485] {strides = array<i32>} : memref<8x256xi32, #tpu.memory_space<vmem>>, vector<1x16xi32>,
    %swap3A_487 = vector.shape_cast %swap3A_486 : vector<1x16xi32> to vector<16xi32>
    %swap3A_488 = vector.shape_cast %convert_element_type3A_482 : vector<16xi32> to vector<1x16xi32>
    tpu.vector_store %arg7[%swap3A_484, %swap3A_485], %swap3A_488 {strides = array<i32>} : memref<8x256xi32, #tpu.memory_space<vmem>>, vector<1x16xi32>,
    %swap3A_489 = arith.constant 2 : i32
    %swap3A_490 = arith.index_cast %swap3A_489 : i32 to index
    %swap3A_491 = arith.constant 48 : index
    %swap3A_492 = tpu.vector_load %arg6[%swap3A_490, %swap3A_491] {strides = array<i32>} : memref<8x256xf32, #tpu.memory_space<vmem>>, vector<1x16xf32>,
    %swap3A_493 = vector.shape_cast %swap3A_492 : vector<1x16xf32> to vector<16xf32>
    %swap3A_494 = vector.shape_cast %scan3A_461#2 : vector<16xf32> to vector<1x16xf32>
    tpu.vector_store %arg6[%swap3A_490, %swap3A_491], %swap3A_494 {strides = array<i32>} : memref<8x256xf32, #tpu.memory_space<vmem>>, vector<1x16xf32>,
    %convert_element_type3A_495 = arith.fptosi %scan3A_461#10 : vector<16xf32> to vector<16xi32>
    %swap3A_496 = arith.constant 2 : i32
    %swap3A_497 = arith.index_cast %swap3A_496 : i32 to index
    %swap3A_498 = arith.constant 48 : index
    %swap3A_499 = tpu.vector_load %arg7[%swap3A_497, %swap3A_498] {strides = array<i32>} : memref<8x256xi32, #tpu.memory_space<vmem>>, vector<1x16xi32>,
    %swap3A_500 = vector.shape_cast %swap3A_499 : vector<1x16xi32> to vector<16xi32>
    %swap3A_501 = vector.shape_cast %convert_element_type3A_495 : vector<16xi32> to vector<1x16xi32>
    tpu.vector_store %arg7[%swap3A_497, %swap3A_498], %swap3A_501 {strides = array<i32>} : memref<8x256xi32, #tpu.memory_space<vmem>>, vector<1x16xi32>,
    %swap3A_502 = arith.constant 3 : i32
    %swap3A_503 = arith.index_cast %swap3A_502 : i32 to index
    %swap3A_504 = arith.constant 48 : index
    %swap3A_505 = tpu.vector_load %arg6[%swap3A_503, %swap3A_504] {strides = array<i32>} : memref<8x256xf32, #tpu.memory_space<vmem>>, vector<1x16xf32>,
    %swap3A_506 = vector.shape_cast %swap3A_505 : vector<1x16xf32> to vector<16xf32>
    %swap3A_507 = vector.shape_cast %scan3A_461#3 : vector<16xf32> to vector<1x16xf32>
    tpu.vector_store %arg6[%swap3A_503, %swap3A_504], %swap3A_507 {strides = array<i32>} : memref<8x256xf32, #tpu.memory_space<vmem>>, vector<1x16xf32>,
    %convert_element_type3A_508 = arith.fptosi %scan3A_461#11 : vector<16xf32> to vector<16xi32>
    %swap3A_509 = arith.constant 3 : i32
    %swap3A_510 = arith.index_cast %swap3A_509 : i32 to index
    %swap3A_511 = arith.constant 48 : index
    %swap3A_512 = tpu.vector_load %arg7[%swap3A_510, %swap3A_511] {strides = array<i32>} : memref<8x256xi32, #tpu.memory_space<vmem>>, vector<1x16xi32>,
    %swap3A_513 = vector.shape_cast %swap3A_512 : vector<1x16xi32> to vector<16xi32>
    %swap3A_514 = vector.shape_cast %convert_element_type3A_508 : vector<16xi32> to vector<1x16xi32>
    tpu.vector_store %arg7[%swap3A_510, %swap3A_511], %swap3A_514 {strides = array<i32>} : memref<8x256xi32, #tpu.memory_space<vmem>>, vector<1x16xi32>,
    %swap3A_515 = arith.constant 4 : i32
    %swap3A_516 = arith.index_cast %swap3A_515 : i32 to index
    %swap3A_517 = arith.constant 48 : index
    %swap3A_518 = tpu.vector_load %arg6[%swap3A_516, %swap3A_517] {strides = array<i32>} : memref<8x256xf32, #tpu.memory_space<vmem>>, vector<1x16xf32>,
    %swap3A_519 = vector.shape_cast %swap3A_518 : vector<1x16xf32> to vector<16xf32>
    %swap3A_520 = vector.shape_cast %scan3A_461#4 : vector<16xf32> to vector<1x16xf32>
    tpu.vector_store %arg6[%swap3A_516, %swap3A_517], %swap3A_520 {strides = array<i32>} : memref<8x256xf32, #tpu.memory_space<vmem>>, vector<1x16xf32>,
    %convert_element_type3A_521 = arith.fptosi %scan3A_461#12 : vector<16xf32> to vector<16xi32>
    %swap3A_522 = arith.constant 4 : i32
    %swap3A_523 = arith.index_cast %swap3A_522 : i32 to index
    %swap3A_524 = arith.constant 48 : index
    %swap3A_525 = tpu.vector_load %arg7[%swap3A_523, %swap3A_524] {strides = array<i32>} : memref<8x256xi32, #tpu.memory_space<vmem>>, vector<1x16xi32>,
    %swap3A_526 = vector.shape_cast %swap3A_525 : vector<1x16xi32> to vector<16xi32>
    %swap3A_527 = vector.shape_cast %convert_element_type3A_521 : vector<16xi32> to vector<1x16xi32>
    tpu.vector_store %arg7[%swap3A_523, %swap3A_524], %swap3A_527 {strides = array<i32>} : memref<8x256xi32, #tpu.memory_space<vmem>>, vector<1x16xi32>,
    %swap3A_528 = arith.constant 5 : i32
    %swap3A_529 = arith.index_cast %swap3A_528 : i32 to index
    %swap3A_530 = arith.constant 48 : index
    %swap3A_531 = tpu.vector_load %arg6[%swap3A_529, %swap3A_530] {strides = array<i32>} : memref<8x256xf32, #tpu.memory_space<vmem>>, vector<1x16xf32>,
    %swap3A_532 = vector.shape_cast %swap3A_531 : vector<1x16xf32> to vector<16xf32>
    %swap3A_533 = vector.shape_cast %scan3A_461#5 : vector<16xf32> to vector<1x16xf32>
    tpu.vector_store %arg6[%swap3A_529, %swap3A_530], %swap3A_533 {strides = array<i32>} : memref<8x256xf32, #tpu.memory_space<vmem>>, vector<1x16xf32>,
    %convert_element_type3A_534 = arith.fptosi %scan3A_461#13 : vector<16xf32> to vector<16xi32>
    %swap3A_535 = arith.constant 5 : i32
    %swap3A_536 = arith.index_cast %swap3A_535 : i32 to index
    %swap3A_537 = arith.constant 48 : index
    %swap3A_538 = tpu.vector_load %arg7[%swap3A_536, %swap3A_537] {strides = array<i32>} : memref<8x256xi32, #tpu.memory_space<vmem>>, vector<1x16xi32>,
    %swap3A_539 = vector.shape_cast %swap3A_538 : vector<1x16xi32> to vector<16xi32>
    %swap3A_540 = vector.shape_cast %convert_element_type3A_534 : vector<16xi32> to vector<1x16xi32>
    tpu.vector_store %arg7[%swap3A_536, %swap3A_537], %swap3A_540 {strides = array<i32>} : memref<8x256xi32, #tpu.memory_space<vmem>>, vector<1x16xi32>,
    %swap3A_541 = arith.constant 6 : i32
    %swap3A_542 = arith.index_cast %swap3A_541 : i32 to index
    %swap3A_543 = arith.constant 48 : index
    %swap3A_544 = tpu.vector_load %arg6[%swap3A_542, %swap3A_543] {strides = array<i32>} : memref<8x256xf32, #tpu.memory_space<vmem>>, vector<1x16xf32>,
    %swap3A_545 = vector.shape_cast %swap3A_544 : vector<1x16xf32> to vector<16xf32>
    %swap3A_546 = vector.shape_cast %scan3A_461#6 : vector<16xf32> to vector<1x16xf32>
    tpu.vector_store %arg6[%swap3A_542, %swap3A_543], %swap3A_546 {strides = array<i32>} : memref<8x256xf32, #tpu.memory_space<vmem>>, vector<1x16xf32>,
    %convert_element_type3A_547 = arith.fptosi %scan3A_461#14 : vector<16xf32> to vector<16xi32>
    %swap3A_548 = arith.constant 6 : i32
    %swap3A_549 = arith.index_cast %swap3A_548 : i32 to index
    %swap3A_550 = arith.constant 48 : index
    %swap3A_551 = tpu.vector_load %arg7[%swap3A_549, %swap3A_550] {strides = array<i32>} : memref<8x256xi32, #tpu.memory_space<vmem>>, vector<1x16xi32>,
    %swap3A_552 = vector.shape_cast %swap3A_551 : vector<1x16xi32> to vector<16xi32>
    %swap3A_553 = vector.shape_cast %convert_element_type3A_547 : vector<16xi32> to vector<1x16xi32>
    tpu.vector_store %arg7[%swap3A_549, %swap3A_550], %swap3A_553 {strides = array<i32>} : memref<8x256xi32, #tpu.memory_space<vmem>>, vector<1x16xi32>,
    %swap3A_554 = arith.constant 7 : i32
    %swap3A_555 = arith.index_cast %swap3A_554 : i32 to index
    %swap3A_556 = arith.constant 48 : index
    %swap3A_557 = tpu.vector_load %arg6[%swap3A_555, %swap3A_556] {strides = array<i32>} : memref<8x256xf32, #tpu.memory_space<vmem>>, vector<1x16xf32>,
    %swap3A_558 = vector.shape_cast %swap3A_557 : vector<1x16xf32> to vector<16xf32>
    %swap3A_559 = vector.shape_cast %scan3A_461#7 : vector<16xf32> to vector<1x16xf32>
    tpu.vector_store %arg6[%swap3A_555, %swap3A_556], %swap3A_559 {strides = array<i32>} : memref<8x256xf32, #tpu.memory_space<vmem>>, vector<1x16xf32>,
    %convert_element_type3A_560 = arith.fptosi %scan3A_461#15 : vector<16xf32> to vector<16xi32>
    %swap3A_561 = arith.constant 7 : i32
    %swap3A_562 = arith.index_cast %swap3A_561 : i32 to index
    %swap3A_563 = arith.constant 48 : index
    %swap3A_564 = tpu.vector_load %arg7[%swap3A_562, %swap3A_563] {strides = array<i32>} : memref<8x256xi32, #tpu.memory_space<vmem>>, vector<1x16xi32>,
    %swap3A_565 = vector.shape_cast %swap3A_564 : vector<1x16xi32> to vector<16xi32>
    %swap3A_566 = vector.shape_cast %convert_element_type3A_560 : vector<16xi32> to vector<1x16xi32>
    tpu.vector_store %arg7[%swap3A_562, %swap3A_563], %swap3A_566 {strides = array<i32>} : memref<8x256xi32, #tpu.memory_space<vmem>>, vector<1x16xi32>,
    %broadcast_in_dim3A_567 = arith.constant -1.000000e+00 : f32
    %broadcast_in_dim3A_568 = vector.broadcast %broadcast_in_dim3A_567 : f32 to vector<16xf32>
    %broadcast_in_dim3A_569 = arith.constant -1.000000e+00 : f32
    %broadcast_in_dim3A_570 = vector.broadcast %broadcast_in_dim3A_569 : f32 to vector<16xf32>
    %broadcast_in_dim3A_571 = arith.constant -1.000000e+00 : f32
    %broadcast_in_dim3A_572 = vector.broadcast %broadcast_in_dim3A_571 : f32 to vector<16xf32>
    %broadcast_in_dim3A_573 = arith.constant -1.000000e+00 : f32
    %broadcast_in_dim3A_574 = vector.broadcast %broadcast_in_dim3A_573 : f32 to vector<16xf32>
    %broadcast_in_dim3A_575 = arith.constant -1.000000e+00 : f32
    %broadcast_in_dim3A_576 = vector.broadcast %broadcast_in_dim3A_575 : f32 to vector<16xf32>
    %broadcast_in_dim3A_577 = arith.constant -1.000000e+00 : f32
    %broadcast_in_dim3A_578 = vector.broadcast %broadcast_in_dim3A_577 : f32 to vector<16xf32>
    %broadcast_in_dim3A_579 = arith.constant -1.000000e+00 : f32
    %broadcast_in_dim3A_580 = vector.broadcast %broadcast_in_dim3A_579 : f32 to vector<16xf32>
    %broadcast_in_dim3A_581 = arith.constant -1.000000e+00 : f32
    %broadcast_in_dim3A_582 = vector.broadcast %broadcast_in_dim3A_581 : f32 to vector<16xf32>
    %broadcast_in_dim3A_583 = arith.constant 0.000000e+00 : f32
    %broadcast_in_dim3A_584 = vector.broadcast %broadcast_in_dim3A_583 : f32 to vector<16xf32>
    %broadcast_in_dim3A_585 = arith.constant 0.000000e+00 : f32
    %broadcast_in_dim3A_586 = vector.broadcast %broadcast_in_dim3A_585 : f32 to vector<16xf32>
    %broadcast_in_dim3A_587 = arith.constant 0.000000e+00 : f32
    %broadcast_in_dim3A_588 = vector.broadcast %broadcast_in_dim3A_587 : f32 to vector<16xf32>
    %broadcast_in_dim3A_589 = arith.constant 0.000000e+00 : f32
    %broadcast_in_dim3A_590 = vector.broadcast %broadcast_in_dim3A_589 : f32 to vector<16xf32>
    %broadcast_in_dim3A_591 = arith.constant 0.000000e+00 : f32
    %broadcast_in_dim3A_592 = vector.broadcast %broadcast_in_dim3A_591 : f32 to vector<16xf32>
    %broadcast_in_dim3A_593 = arith.constant 0.000000e+00 : f32
    %broadcast_in_dim3A_594 = vector.broadcast %broadcast_in_dim3A_593 : f32 to vector<16xf32>
    %broadcast_in_dim3A_595 = arith.constant 0.000000e+00 : f32
    %broadcast_in_dim3A_596 = vector.broadcast %broadcast_in_dim3A_595 : f32 to vector<16xf32>
    %broadcast_in_dim3A_597 = arith.constant 0.000000e+00 : f32
    %broadcast_in_dim3A_598 = vector.broadcast %broadcast_in_dim3A_597 : f32 to vector<16xf32>
    %scan3A_599 = arith.constant 0 : i32
    %scan3A_600 = arith.constant 64 : i32
    %scan3A_601 = arith.addi %scan3A_599, %scan3A_600 : i32
    %scan3A_602 = arith.constant 1 : i32
    %scan3A_603:16 = scf.for %scan3A_2271 = %scan3A_599 to %scan3A_601 step %scan3A_602 iter_args(%scan3A_2272 = %broadcast_in_dim3A_568, %scan3A_2273 = %broadcast_in_dim3A_570, %scan3A_2274 = %broadcast_in_dim3A_572, %scan3A_2275 = %broadcast_in_dim3A_574, %scan3A_2276 = %broadcast_in_dim3A_576, %scan3A_2277 = %broadcast_in_dim3A_578, %scan3A_2278 = %broadcast_in_dim3A_580, %scan3A_2279 = %broadcast_in_dim3A_582, %scan3A_2280 = %broadcast_in_dim3A_584, %scan3A_2281 = %broadcast_in_dim3A_586, %scan3A_2282 = %broadcast_in_dim3A_588, %scan3A_2283 = %broadcast_in_dim3A_590, %scan3A_2284 = %broadcast_in_dim3A_592, %scan3A_2285 = %broadcast_in_dim3A_594, %scan3A_2286 = %broadcast_in_dim3A_596, %scan3A_2287 = %broadcast_in_dim3A_598) -> (vector<16xf32>, vector<16xf32>, vector<16xf32>, vector<16xf32>, vector<16xf32>, vector<16xf32>, vector<16xf32>, vector<16xf32>, vector<16xf32>, vector<16xf32>, vector<16xf32>, vector<16xf32>, vector<16xf32>, vector<16xf32>, vector<16xf32>, vector<16xf32>)  : i32 {
      %get3A = arith.index_cast %scan3A_2271 : i32 to index
      %get3A_2288 = arith.constant 64 : index
      %get3A_2289 = tpu.vector_load %arg5[%get3A, %get3A_2288] {strides = array<i32>} : memref<64x256xf32, #tpu.memory_space<vmem>>, vector<1x16xf32>,
      %get3A_2290 = vector.shape_cast %get3A_2289 : vector<1x16xf32> to vector<16xf32>
      %broadcast_in_dim3A_2291 = arith.constant 1.000000e+00 : f32
      %broadcast_in_dim3A_2292 = vector.broadcast %broadcast_in_dim3A_2291 : f32 to vector<16xf32>
      %convert_element_type3A_2293 = arith.sitofp %scan3A_2271 : i32 to f32
      %mul3A_2294 = vector.broadcast %convert_element_type3A_2293 : f32 to vector<16xf32>
      %mul3A_2295 = arith.mulf %broadcast_in_dim3A_2292, %mul3A_2294 : vector<16xf32>
      %gt3A = arith.cmpf ogt, %get3A_2290, %scan3A_2272 : vector<16xf32>
      %gt3A_2296 = arith.cmpf ogt, %get3A_2290, %scan3A_2273 : vector<16xf32>
      %gt3A_2297 = arith.cmpf ogt, %get3A_2290, %scan3A_2274 : vector<16xf32>
      %gt3A_2298 = arith.cmpf ogt, %get3A_2290, %scan3A_2275 : vector<16xf32>
      %gt3A_2299 = arith.cmpf ogt, %get3A_2290, %scan3A_2276 : vector<16xf32>
      %gt3A_2300 = arith.cmpf ogt, %get3A_2290, %scan3A_2277 : vector<16xf32>
      %gt3A_2301 = arith.cmpf ogt, %get3A_2290, %scan3A_2278 : vector<16xf32>
      %gt3A_2302 = arith.cmpf ogt, %get3A_2290, %scan3A_2279 : vector<16xf32>
      %select_n3A = arith.select %gt3A, %get3A_2290, %scan3A_2272 : vector<16xi1>, vector<16xf32>
      %select_n3A_2303 = arith.select %gt3A, %mul3A_2295, %scan3A_2280 : vector<16xi1>, vector<16xf32>
      %select_n3A_2304 = arith.select %gt3A, %scan3A_2272, %get3A_2290 : vector<16xi1>, vector<16xf32>
      %select_n3A_2305 = arith.select %gt3A, %scan3A_2280, %mul3A_2295 : vector<16xi1>, vector<16xf32>
      %select_n3A_2306 = arith.select %gt3A_2296, %select_n3A_2304, %scan3A_2273 : vector<16xi1>, vector<16xf32>
      %select_n3A_2307 = arith.select %gt3A_2296, %select_n3A_2305, %scan3A_2281 : vector<16xi1>, vector<16xf32>
      %select_n3A_2308 = arith.select %gt3A_2296, %scan3A_2273, %get3A_2290 : vector<16xi1>, vector<16xf32>
      %select_n3A_2309 = arith.select %gt3A_2296, %scan3A_2281, %mul3A_2295 : vector<16xi1>, vector<16xf32>
      %select_n3A_2310 = arith.select %gt3A_2297, %select_n3A_2308, %scan3A_2274 : vector<16xi1>, vector<16xf32>
      %select_n3A_2311 = arith.select %gt3A_2297, %select_n3A_2309, %scan3A_2282 : vector<16xi1>, vector<16xf32>
      %select_n3A_2312 = arith.select %gt3A_2297, %scan3A_2274, %get3A_2290 : vector<16xi1>, vector<16xf32>
      %select_n3A_2313 = arith.select %gt3A_2297, %scan3A_2282, %mul3A_2295 : vector<16xi1>, vector<16xf32>
      %select_n3A_2314 = arith.select %gt3A_2298, %select_n3A_2312, %scan3A_2275 : vector<16xi1>, vector<16xf32>
      %select_n3A_2315 = arith.select %gt3A_2298, %select_n3A_2313, %scan3A_2283 : vector<16xi1>, vector<16xf32>
      %select_n3A_2316 = arith.select %gt3A_2298, %scan3A_2275, %get3A_2290 : vector<16xi1>, vector<16xf32>
      %select_n3A_2317 = arith.select %gt3A_2298, %scan3A_2283, %mul3A_2295 : vector<16xi1>, vector<16xf32>
      %select_n3A_2318 = arith.select %gt3A_2299, %select_n3A_2316, %scan3A_2276 : vector<16xi1>, vector<16xf32>
      %select_n3A_2319 = arith.select %gt3A_2299, %select_n3A_2317, %scan3A_2284 : vector<16xi1>, vector<16xf32>
      %select_n3A_2320 = arith.select %gt3A_2299, %scan3A_2276, %get3A_2290 : vector<16xi1>, vector<16xf32>
      %select_n3A_2321 = arith.select %gt3A_2299, %scan3A_2284, %mul3A_2295 : vector<16xi1>, vector<16xf32>
      %select_n3A_2322 = arith.select %gt3A_2300, %select_n3A_2320, %scan3A_2277 : vector<16xi1>, vector<16xf32>
      %select_n3A_2323 = arith.select %gt3A_2300, %select_n3A_2321, %scan3A_2285 : vector<16xi1>, vector<16xf32>
      %select_n3A_2324 = arith.select %gt3A_2300, %scan3A_2277, %get3A_2290 : vector<16xi1>, vector<16xf32>
      %select_n3A_2325 = arith.select %gt3A_2300, %scan3A_2285, %mul3A_2295 : vector<16xi1>, vector<16xf32>
      %select_n3A_2326 = arith.select %gt3A_2301, %select_n3A_2324, %scan3A_2278 : vector<16xi1>, vector<16xf32>
      %select_n3A_2327 = arith.select %gt3A_2301, %select_n3A_2325, %scan3A_2286 : vector<16xi1>, vector<16xf32>
      %select_n3A_2328 = arith.select %gt3A_2301, %scan3A_2278, %get3A_2290 : vector<16xi1>, vector<16xf32>
      %select_n3A_2329 = arith.select %gt3A_2301, %scan3A_2286, %mul3A_2295 : vector<16xi1>, vector<16xf32>
      %select_n3A_2330 = arith.select %gt3A_2302, %select_n3A_2328, %scan3A_2279 : vector<16xi1>, vector<16xf32>
      %select_n3A_2331 = arith.select %gt3A_2302, %select_n3A_2329, %scan3A_2287 : vector<16xi1>, vector<16xf32>
      scf.yield %select_n3A, %select_n3A_2306, %select_n3A_2310, %select_n3A_2314, %select_n3A_2318, %select_n3A_2322, %select_n3A_2326, %select_n3A_2330, %select_n3A_2303, %select_n3A_2307, %select_n3A_2311, %select_n3A_2315, %select_n3A_2319, %select_n3A_2323, %select_n3A_2327, %select_n3A_2331 : vector<16xf32>, vector<16xf32>, vector<16xf32>, vector<16xf32>, vector<16xf32>, vector<16xf32>, vector<16xf32>, vector<16xf32>, vector<16xf32>, vector<16xf32>, vector<16xf32>, vector<16xf32>, vector<16xf32>, vector<16xf32>, vector<16xf32>, vector<16xf32>
    }
    %scan3A_604 = arith.constant 64 : i32
    %swap3A_605 = arith.constant 0 : i32
    %swap3A_606 = arith.index_cast %swap3A_605 : i32 to index
    %swap3A_607 = arith.constant 64 : index
    %swap3A_608 = tpu.vector_load %arg6[%swap3A_606, %swap3A_607] {strides = array<i32>} : memref<8x256xf32, #tpu.memory_space<vmem>>, vector<1x16xf32>,
    %swap3A_609 = vector.shape_cast %swap3A_608 : vector<1x16xf32> to vector<16xf32>
    %swap3A_610 = vector.shape_cast %scan3A_603#0 : vector<16xf32> to vector<1x16xf32>
    tpu.vector_store %arg6[%swap3A_606, %swap3A_607], %swap3A_610 {strides = array<i32>} : memref<8x256xf32, #tpu.memory_space<vmem>>, vector<1x16xf32>,
    %convert_element_type3A_611 = arith.fptosi %scan3A_603#8 : vector<16xf32> to vector<16xi32>
    %swap3A_612 = arith.constant 0 : i32
    %swap3A_613 = arith.index_cast %swap3A_612 : i32 to index
    %swap3A_614 = arith.constant 64 : index
    %swap3A_615 = tpu.vector_load %arg7[%swap3A_613, %swap3A_614] {strides = array<i32>} : memref<8x256xi32, #tpu.memory_space<vmem>>, vector<1x16xi32>,
    %swap3A_616 = vector.shape_cast %swap3A_615 : vector<1x16xi32> to vector<16xi32>
    %swap3A_617 = vector.shape_cast %convert_element_type3A_611 : vector<16xi32> to vector<1x16xi32>
    tpu.vector_store %arg7[%swap3A_613, %swap3A_614], %swap3A_617 {strides = array<i32>} : memref<8x256xi32, #tpu.memory_space<vmem>>, vector<1x16xi32>,
    %swap3A_618 = arith.constant 1 : i32
    %swap3A_619 = arith.index_cast %swap3A_618 : i32 to index
    %swap3A_620 = arith.constant 64 : index
    %swap3A_621 = tpu.vector_load %arg6[%swap3A_619, %swap3A_620] {strides = array<i32>} : memref<8x256xf32, #tpu.memory_space<vmem>>, vector<1x16xf32>,
    %swap3A_622 = vector.shape_cast %swap3A_621 : vector<1x16xf32> to vector<16xf32>
    %swap3A_623 = vector.shape_cast %scan3A_603#1 : vector<16xf32> to vector<1x16xf32>
    tpu.vector_store %arg6[%swap3A_619, %swap3A_620], %swap3A_623 {strides = array<i32>} : memref<8x256xf32, #tpu.memory_space<vmem>>, vector<1x16xf32>,
    %convert_element_type3A_624 = arith.fptosi %scan3A_603#9 : vector<16xf32> to vector<16xi32>
    %swap3A_625 = arith.constant 1 : i32
    %swap3A_626 = arith.index_cast %swap3A_625 : i32 to index
    %swap3A_627 = arith.constant 64 : index
    %swap3A_628 = tpu.vector_load %arg7[%swap3A_626, %swap3A_627] {strides = array<i32>} : memref<8x256xi32, #tpu.memory_space<vmem>>, vector<1x16xi32>,
    %swap3A_629 = vector.shape_cast %swap3A_628 : vector<1x16xi32> to vector<16xi32>
    %swap3A_630 = vector.shape_cast %convert_element_type3A_624 : vector<16xi32> to vector<1x16xi32>
    tpu.vector_store %arg7[%swap3A_626, %swap3A_627], %swap3A_630 {strides = array<i32>} : memref<8x256xi32, #tpu.memory_space<vmem>>, vector<1x16xi32>,
    %swap3A_631 = arith.constant 2 : i32
    %swap3A_632 = arith.index_cast %swap3A_631 : i32 to index
    %swap3A_633 = arith.constant 64 : index
    %swap3A_634 = tpu.vector_load %arg6[%swap3A_632, %swap3A_633] {strides = array<i32>} : memref<8x256xf32, #tpu.memory_space<vmem>>, vector<1x16xf32>,
    %swap3A_635 = vector.shape_cast %swap3A_634 : vector<1x16xf32> to vector<16xf32>
    %swap3A_636 = vector.shape_cast %scan3A_603#2 : vector<16xf32> to vector<1x16xf32>
    tpu.vector_store %arg6[%swap3A_632, %swap3A_633], %swap3A_636 {strides = array<i32>} : memref<8x256xf32, #tpu.memory_space<vmem>>, vector<1x16xf32>,
    %convert_element_type3A_637 = arith.fptosi %scan3A_603#10 : vector<16xf32> to vector<16xi32>
    %swap3A_638 = arith.constant 2 : i32
    %swap3A_639 = arith.index_cast %swap3A_638 : i32 to index
    %swap3A_640 = arith.constant 64 : index
    %swap3A_641 = tpu.vector_load %arg7[%swap3A_639, %swap3A_640] {strides = array<i32>} : memref<8x256xi32, #tpu.memory_space<vmem>>, vector<1x16xi32>,
    %swap3A_642 = vector.shape_cast %swap3A_641 : vector<1x16xi32> to vector<16xi32>
    %swap3A_643 = vector.shape_cast %convert_element_type3A_637 : vector<16xi32> to vector<1x16xi32>
    tpu.vector_store %arg7[%swap3A_639, %swap3A_640], %swap3A_643 {strides = array<i32>} : memref<8x256xi32, #tpu.memory_space<vmem>>, vector<1x16xi32>,
    %swap3A_644 = arith.constant 3 : i32
    %swap3A_645 = arith.index_cast %swap3A_644 : i32 to index
    %swap3A_646 = arith.constant 64 : index
    %swap3A_647 = tpu.vector_load %arg6[%swap3A_645, %swap3A_646] {strides = array<i32>} : memref<8x256xf32, #tpu.memory_space<vmem>>, vector<1x16xf32>,
    %swap3A_648 = vector.shape_cast %swap3A_647 : vector<1x16xf32> to vector<16xf32>
    %swap3A_649 = vector.shape_cast %scan3A_603#3 : vector<16xf32> to vector<1x16xf32>
    tpu.vector_store %arg6[%swap3A_645, %swap3A_646], %swap3A_649 {strides = array<i32>} : memref<8x256xf32, #tpu.memory_space<vmem>>, vector<1x16xf32>,
    %convert_element_type3A_650 = arith.fptosi %scan3A_603#11 : vector<16xf32> to vector<16xi32>
    %swap3A_651 = arith.constant 3 : i32
    %swap3A_652 = arith.index_cast %swap3A_651 : i32 to index
    %swap3A_653 = arith.constant 64 : index
    %swap3A_654 = tpu.vector_load %arg7[%swap3A_652, %swap3A_653] {strides = array<i32>} : memref<8x256xi32, #tpu.memory_space<vmem>>, vector<1x16xi32>,
    %swap3A_655 = vector.shape_cast %swap3A_654 : vector<1x16xi32> to vector<16xi32>
    %swap3A_656 = vector.shape_cast %convert_element_type3A_650 : vector<16xi32> to vector<1x16xi32>
    tpu.vector_store %arg7[%swap3A_652, %swap3A_653], %swap3A_656 {strides = array<i32>} : memref<8x256xi32, #tpu.memory_space<vmem>>, vector<1x16xi32>,
    %swap3A_657 = arith.constant 4 : i32
    %swap3A_658 = arith.index_cast %swap3A_657 : i32 to index
    %swap3A_659 = arith.constant 64 : index
    %swap3A_660 = tpu.vector_load %arg6[%swap3A_658, %swap3A_659] {strides = array<i32>} : memref<8x256xf32, #tpu.memory_space<vmem>>, vector<1x16xf32>,
    %swap3A_661 = vector.shape_cast %swap3A_660 : vector<1x16xf32> to vector<16xf32>
    %swap3A_662 = vector.shape_cast %scan3A_603#4 : vector<16xf32> to vector<1x16xf32>
    tpu.vector_store %arg6[%swap3A_658, %swap3A_659], %swap3A_662 {strides = array<i32>} : memref<8x256xf32, #tpu.memory_space<vmem>>, vector<1x16xf32>,
    %convert_element_type3A_663 = arith.fptosi %scan3A_603#12 : vector<16xf32> to vector<16xi32>
    %swap3A_664 = arith.constant 4 : i32
    %swap3A_665 = arith.index_cast %swap3A_664 : i32 to index
    %swap3A_666 = arith.constant 64 : index
    %swap3A_667 = tpu.vector_load %arg7[%swap3A_665, %swap3A_666] {strides = array<i32>} : memref<8x256xi32, #tpu.memory_space<vmem>>, vector<1x16xi32>,
    %swap3A_668 = vector.shape_cast %swap3A_667 : vector<1x16xi32> to vector<16xi32>
    %swap3A_669 = vector.shape_cast %convert_element_type3A_663 : vector<16xi32> to vector<1x16xi32>
    tpu.vector_store %arg7[%swap3A_665, %swap3A_666], %swap3A_669 {strides = array<i32>} : memref<8x256xi32, #tpu.memory_space<vmem>>, vector<1x16xi32>,
    %swap3A_670 = arith.constant 5 : i32
    %swap3A_671 = arith.index_cast %swap3A_670 : i32 to index
    %swap3A_672 = arith.constant 64 : index
    %swap3A_673 = tpu.vector_load %arg6[%swap3A_671, %swap3A_672] {strides = array<i32>} : memref<8x256xf32, #tpu.memory_space<vmem>>, vector<1x16xf32>,
    %swap3A_674 = vector.shape_cast %swap3A_673 : vector<1x16xf32> to vector<16xf32>
    %swap3A_675 = vector.shape_cast %scan3A_603#5 : vector<16xf32> to vector<1x16xf32>
    tpu.vector_store %arg6[%swap3A_671, %swap3A_672], %swap3A_675 {strides = array<i32>} : memref<8x256xf32, #tpu.memory_space<vmem>>, vector<1x16xf32>,
    %convert_element_type3A_676 = arith.fptosi %scan3A_603#13 : vector<16xf32> to vector<16xi32>
    %swap3A_677 = arith.constant 5 : i32
    %swap3A_678 = arith.index_cast %swap3A_677 : i32 to index
    %swap3A_679 = arith.constant 64 : index
    %swap3A_680 = tpu.vector_load %arg7[%swap3A_678, %swap3A_679] {strides = array<i32>} : memref<8x256xi32, #tpu.memory_space<vmem>>, vector<1x16xi32>,
    %swap3A_681 = vector.shape_cast %swap3A_680 : vector<1x16xi32> to vector<16xi32>
    %swap3A_682 = vector.shape_cast %convert_element_type3A_676 : vector<16xi32> to vector<1x16xi32>
    tpu.vector_store %arg7[%swap3A_678, %swap3A_679], %swap3A_682 {strides = array<i32>} : memref<8x256xi32, #tpu.memory_space<vmem>>, vector<1x16xi32>,
    %swap3A_683 = arith.constant 6 : i32
    %swap3A_684 = arith.index_cast %swap3A_683 : i32 to index
    %swap3A_685 = arith.constant 64 : index
    %swap3A_686 = tpu.vector_load %arg6[%swap3A_684, %swap3A_685] {strides = array<i32>} : memref<8x256xf32, #tpu.memory_space<vmem>>, vector<1x16xf32>,
    %swap3A_687 = vector.shape_cast %swap3A_686 : vector<1x16xf32> to vector<16xf32>
    %swap3A_688 = vector.shape_cast %scan3A_603#6 : vector<16xf32> to vector<1x16xf32>
    tpu.vector_store %arg6[%swap3A_684, %swap3A_685], %swap3A_688 {strides = array<i32>} : memref<8x256xf32, #tpu.memory_space<vmem>>, vector<1x16xf32>,
    %convert_element_type3A_689 = arith.fptosi %scan3A_603#14 : vector<16xf32> to vector<16xi32>
    %swap3A_690 = arith.constant 6 : i32
    %swap3A_691 = arith.index_cast %swap3A_690 : i32 to index
    %swap3A_692 = arith.constant 64 : index
    %swap3A_693 = tpu.vector_load %arg7[%swap3A_691, %swap3A_692] {strides = array<i32>} : memref<8x256xi32, #tpu.memory_space<vmem>>, vector<1x16xi32>,
    %swap3A_694 = vector.shape_cast %swap3A_693 : vector<1x16xi32> to vector<16xi32>
    %swap3A_695 = vector.shape_cast %convert_element_type3A_689 : vector<16xi32> to vector<1x16xi32>
    tpu.vector_store %arg7[%swap3A_691, %swap3A_692], %swap3A_695 {strides = array<i32>} : memref<8x256xi32, #tpu.memory_space<vmem>>, vector<1x16xi32>,
    %swap3A_696 = arith.constant 7 : i32
    %swap3A_697 = arith.index_cast %swap3A_696 : i32 to index
    %swap3A_698 = arith.constant 64 : index
    %swap3A_699 = tpu.vector_load %arg6[%swap3A_697, %swap3A_698] {strides = array<i32>} : memref<8x256xf32, #tpu.memory_space<vmem>>, vector<1x16xf32>,
    %swap3A_700 = vector.shape_cast %swap3A_699 : vector<1x16xf32> to vector<16xf32>
    %swap3A_701 = vector.shape_cast %scan3A_603#7 : vector<16xf32> to vector<1x16xf32>
    tpu.vector_store %arg6[%swap3A_697, %swap3A_698], %swap3A_701 {strides = array<i32>} : memref<8x256xf32, #tpu.memory_space<vmem>>, vector<1x16xf32>,
    %convert_element_type3A_702 = arith.fptosi %scan3A_603#15 : vector<16xf32> to vector<16xi32>
    %swap3A_703 = arith.constant 7 : i32
    %swap3A_704 = arith.index_cast %swap3A_703 : i32 to index
    %swap3A_705 = arith.constant 64 : index
    %swap3A_706 = tpu.vector_load %arg7[%swap3A_704, %swap3A_705] {strides = array<i32>} : memref<8x256xi32, #tpu.memory_space<vmem>>, vector<1x16xi32>,
    %swap3A_707 = vector.shape_cast %swap3A_706 : vector<1x16xi32> to vector<16xi32>
    %swap3A_708 = vector.shape_cast %convert_element_type3A_702 : vector<16xi32> to vector<1x16xi32>
    tpu.vector_store %arg7[%swap3A_704, %swap3A_705], %swap3A_708 {strides = array<i32>} : memref<8x256xi32, #tpu.memory_space<vmem>>, vector<1x16xi32>,
    %broadcast_in_dim3A_709 = arith.constant -1.000000e+00 : f32
    %broadcast_in_dim3A_710 = vector.broadcast %broadcast_in_dim3A_709 : f32 to vector<16xf32>
    %broadcast_in_dim3A_711 = arith.constant -1.000000e+00 : f32
    %broadcast_in_dim3A_712 = vector.broadcast %broadcast_in_dim3A_711 : f32 to vector<16xf32>
    %broadcast_in_dim3A_713 = arith.constant -1.000000e+00 : f32
    %broadcast_in_dim3A_714 = vector.broadcast %broadcast_in_dim3A_713 : f32 to vector<16xf32>
    %broadcast_in_dim3A_715 = arith.constant -1.000000e+00 : f32
    %broadcast_in_dim3A_716 = vector.broadcast %broadcast_in_dim3A_715 : f32 to vector<16xf32>
    %broadcast_in_dim3A_717 = arith.constant -1.000000e+00 : f32
    %broadcast_in_dim3A_718 = vector.broadcast %broadcast_in_dim3A_717 : f32 to vector<16xf32>
    %broadcast_in_dim3A_719 = arith.constant -1.000000e+00 : f32
    %broadcast_in_dim3A_720 = vector.broadcast %broadcast_in_dim3A_719 : f32 to vector<16xf32>
    %broadcast_in_dim3A_721 = arith.constant -1.000000e+00 : f32
    %broadcast_in_dim3A_722 = vector.broadcast %broadcast_in_dim3A_721 : f32 to vector<16xf32>
    %broadcast_in_dim3A_723 = arith.constant -1.000000e+00 : f32
    %broadcast_in_dim3A_724 = vector.broadcast %broadcast_in_dim3A_723 : f32 to vector<16xf32>
    %broadcast_in_dim3A_725 = arith.constant 0.000000e+00 : f32
    %broadcast_in_dim3A_726 = vector.broadcast %broadcast_in_dim3A_725 : f32 to vector<16xf32>
    %broadcast_in_dim3A_727 = arith.constant 0.000000e+00 : f32
    %broadcast_in_dim3A_728 = vector.broadcast %broadcast_in_dim3A_727 : f32 to vector<16xf32>
    %broadcast_in_dim3A_729 = arith.constant 0.000000e+00 : f32
    %broadcast_in_dim3A_730 = vector.broadcast %broadcast_in_dim3A_729 : f32 to vector<16xf32>
    %broadcast_in_dim3A_731 = arith.constant 0.000000e+00 : f32
    %broadcast_in_dim3A_732 = vector.broadcast %broadcast_in_dim3A_731 : f32 to vector<16xf32>
    %broadcast_in_dim3A_733 = arith.constant 0.000000e+00 : f32
    %broadcast_in_dim3A_734 = vector.broadcast %broadcast_in_dim3A_733 : f32 to vector<16xf32>
    %broadcast_in_dim3A_735 = arith.constant 0.000000e+00 : f32
    %broadcast_in_dim3A_736 = vector.broadcast %broadcast_in_dim3A_735 : f32 to vector<16xf32>
    %broadcast_in_dim3A_737 = arith.constant 0.000000e+00 : f32
    %broadcast_in_dim3A_738 = vector.broadcast %broadcast_in_dim3A_737 : f32 to vector<16xf32>
    %broadcast_in_dim3A_739 = arith.constant 0.000000e+00 : f32
    %broadcast_in_dim3A_740 = vector.broadcast %broadcast_in_dim3A_739 : f32 to vector<16xf32>
    %scan3A_741 = arith.constant 0 : i32
    %scan3A_742 = arith.constant 64 : i32
    %scan3A_743 = arith.addi %scan3A_741, %scan3A_742 : i32
    %scan3A_744 = arith.constant 1 : i32
    %scan3A_745:16 = scf.for %scan3A_2271 = %scan3A_741 to %scan3A_743 step %scan3A_744 iter_args(%scan3A_2272 = %broadcast_in_dim3A_710, %scan3A_2273 = %broadcast_in_dim3A_712, %scan3A_2274 = %broadcast_in_dim3A_714, %scan3A_2275 = %broadcast_in_dim3A_716, %scan3A_2276 = %broadcast_in_dim3A_718, %scan3A_2277 = %broadcast_in_dim3A_720, %scan3A_2278 = %broadcast_in_dim3A_722, %scan3A_2279 = %broadcast_in_dim3A_724, %scan3A_2280 = %broadcast_in_dim3A_726, %scan3A_2281 = %broadcast_in_dim3A_728, %scan3A_2282 = %broadcast_in_dim3A_730, %scan3A_2283 = %broadcast_in_dim3A_732, %scan3A_2284 = %broadcast_in_dim3A_734, %scan3A_2285 = %broadcast_in_dim3A_736, %scan3A_2286 = %broadcast_in_dim3A_738, %scan3A_2287 = %broadcast_in_dim3A_740) -> (vector<16xf32>, vector<16xf32>, vector<16xf32>, vector<16xf32>, vector<16xf32>, vector<16xf32>, vector<16xf32>, vector<16xf32>, vector<16xf32>, vector<16xf32>, vector<16xf32>, vector<16xf32>, vector<16xf32>, vector<16xf32>, vector<16xf32>, vector<16xf32>)  : i32 {
      %get3A = arith.index_cast %scan3A_2271 : i32 to index
      %get3A_2288 = arith.constant 80 : index
      %get3A_2289 = tpu.vector_load %arg5[%get3A, %get3A_2288] {strides = array<i32>} : memref<64x256xf32, #tpu.memory_space<vmem>>, vector<1x16xf32>,
      %get3A_2290 = vector.shape_cast %get3A_2289 : vector<1x16xf32> to vector<16xf32>
      %broadcast_in_dim3A_2291 = arith.constant 1.000000e+00 : f32
      %broadcast_in_dim3A_2292 = vector.broadcast %broadcast_in_dim3A_2291 : f32 to vector<16xf32>
      %convert_element_type3A_2293 = arith.sitofp %scan3A_2271 : i32 to f32
      %mul3A_2294 = vector.broadcast %convert_element_type3A_2293 : f32 to vector<16xf32>
      %mul3A_2295 = arith.mulf %broadcast_in_dim3A_2292, %mul3A_2294 : vector<16xf32>
      %gt3A = arith.cmpf ogt, %get3A_2290, %scan3A_2272 : vector<16xf32>
      %gt3A_2296 = arith.cmpf ogt, %get3A_2290, %scan3A_2273 : vector<16xf32>
      %gt3A_2297 = arith.cmpf ogt, %get3A_2290, %scan3A_2274 : vector<16xf32>
      %gt3A_2298 = arith.cmpf ogt, %get3A_2290, %scan3A_2275 : vector<16xf32>
      %gt3A_2299 = arith.cmpf ogt, %get3A_2290, %scan3A_2276 : vector<16xf32>
      %gt3A_2300 = arith.cmpf ogt, %get3A_2290, %scan3A_2277 : vector<16xf32>
      %gt3A_2301 = arith.cmpf ogt, %get3A_2290, %scan3A_2278 : vector<16xf32>
      %gt3A_2302 = arith.cmpf ogt, %get3A_2290, %scan3A_2279 : vector<16xf32>
      %select_n3A = arith.select %gt3A, %get3A_2290, %scan3A_2272 : vector<16xi1>, vector<16xf32>
      %select_n3A_2303 = arith.select %gt3A, %mul3A_2295, %scan3A_2280 : vector<16xi1>, vector<16xf32>
      %select_n3A_2304 = arith.select %gt3A, %scan3A_2272, %get3A_2290 : vector<16xi1>, vector<16xf32>
      %select_n3A_2305 = arith.select %gt3A, %scan3A_2280, %mul3A_2295 : vector<16xi1>, vector<16xf32>
      %select_n3A_2306 = arith.select %gt3A_2296, %select_n3A_2304, %scan3A_2273 : vector<16xi1>, vector<16xf32>
      %select_n3A_2307 = arith.select %gt3A_2296, %select_n3A_2305, %scan3A_2281 : vector<16xi1>, vector<16xf32>
      %select_n3A_2308 = arith.select %gt3A_2296, %scan3A_2273, %get3A_2290 : vector<16xi1>, vector<16xf32>
      %select_n3A_2309 = arith.select %gt3A_2296, %scan3A_2281, %mul3A_2295 : vector<16xi1>, vector<16xf32>
      %select_n3A_2310 = arith.select %gt3A_2297, %select_n3A_2308, %scan3A_2274 : vector<16xi1>, vector<16xf32>
      %select_n3A_2311 = arith.select %gt3A_2297, %select_n3A_2309, %scan3A_2282 : vector<16xi1>, vector<16xf32>
      %select_n3A_2312 = arith.select %gt3A_2297, %scan3A_2274, %get3A_2290 : vector<16xi1>, vector<16xf32>
      %select_n3A_2313 = arith.select %gt3A_2297, %scan3A_2282, %mul3A_2295 : vector<16xi1>, vector<16xf32>
      %select_n3A_2314 = arith.select %gt3A_2298, %select_n3A_2312, %scan3A_2275 : vector<16xi1>, vector<16xf32>
      %select_n3A_2315 = arith.select %gt3A_2298, %select_n3A_2313, %scan3A_2283 : vector<16xi1>, vector<16xf32>
      %select_n3A_2316 = arith.select %gt3A_2298, %scan3A_2275, %get3A_2290 : vector<16xi1>, vector<16xf32>
      %select_n3A_2317 = arith.select %gt3A_2298, %scan3A_2283, %mul3A_2295 : vector<16xi1>, vector<16xf32>
      %select_n3A_2318 = arith.select %gt3A_2299, %select_n3A_2316, %scan3A_2276 : vector<16xi1>, vector<16xf32>
      %select_n3A_2319 = arith.select %gt3A_2299, %select_n3A_2317, %scan3A_2284 : vector<16xi1>, vector<16xf32>
      %select_n3A_2320 = arith.select %gt3A_2299, %scan3A_2276, %get3A_2290 : vector<16xi1>, vector<16xf32>
      %select_n3A_2321 = arith.select %gt3A_2299, %scan3A_2284, %mul3A_2295 : vector<16xi1>, vector<16xf32>
      %select_n3A_2322 = arith.select %gt3A_2300, %select_n3A_2320, %scan3A_2277 : vector<16xi1>, vector<16xf32>
      %select_n3A_2323 = arith.select %gt3A_2300, %select_n3A_2321, %scan3A_2285 : vector<16xi1>, vector<16xf32>
      %select_n3A_2324 = arith.select %gt3A_2300, %scan3A_2277, %get3A_2290 : vector<16xi1>, vector<16xf32>
      %select_n3A_2325 = arith.select %gt3A_2300, %scan3A_2285, %mul3A_2295 : vector<16xi1>, vector<16xf32>
      %select_n3A_2326 = arith.select %gt3A_2301, %select_n3A_2324, %scan3A_2278 : vector<16xi1>, vector<16xf32>
      %select_n3A_2327 = arith.select %gt3A_2301, %select_n3A_2325, %scan3A_2286 : vector<16xi1>, vector<16xf32>
      %select_n3A_2328 = arith.select %gt3A_2301, %scan3A_2278, %get3A_2290 : vector<16xi1>, vector<16xf32>
      %select_n3A_2329 = arith.select %gt3A_2301, %scan3A_2286, %mul3A_2295 : vector<16xi1>, vector<16xf32>
      %select_n3A_2330 = arith.select %gt3A_2302, %select_n3A_2328, %scan3A_2279 : vector<16xi1>, vector<16xf32>
      %select_n3A_2331 = arith.select %gt3A_2302, %select_n3A_2329, %scan3A_2287 : vector<16xi1>, vector<16xf32>
      scf.yield %select_n3A, %select_n3A_2306, %select_n3A_2310, %select_n3A_2314, %select_n3A_2318, %select_n3A_2322, %select_n3A_2326, %select_n3A_2330, %select_n3A_2303, %select_n3A_2307, %select_n3A_2311, %select_n3A_2315, %select_n3A_2319, %select_n3A_2323, %select_n3A_2327, %select_n3A_2331 : vector<16xf32>, vector<16xf32>, vector<16xf32>, vector<16xf32>, vector<16xf32>, vector<16xf32>, vector<16xf32>, vector<16xf32>, vector<16xf32>, vector<16xf32>, vector<16xf32>, vector<16xf32>, vector<16xf32>, vector<16xf32>, vector<16xf32>, vector<16xf32>
    }
    %scan3A_746 = arith.constant 64 : i32
    %swap3A_747 = arith.constant 0 : i32
    %swap3A_748 = arith.index_cast %swap3A_747 : i32 to index
    %swap3A_749 = arith.constant 80 : index
    %swap3A_750 = tpu.vector_load %arg6[%swap3A_748, %swap3A_749] {strides = array<i32>} : memref<8x256xf32, #tpu.memory_space<vmem>>, vector<1x16xf32>,
    %swap3A_751 = vector.shape_cast %swap3A_750 : vector<1x16xf32> to vector<16xf32>
    %swap3A_752 = vector.shape_cast %scan3A_745#0 : vector<16xf32> to vector<1x16xf32>
    tpu.vector_store %arg6[%swap3A_748, %swap3A_749], %swap3A_752 {strides = array<i32>} : memref<8x256xf32, #tpu.memory_space<vmem>>, vector<1x16xf32>,
    %convert_element_type3A_753 = arith.fptosi %scan3A_745#8 : vector<16xf32> to vector<16xi32>
    %swap3A_754 = arith.constant 0 : i32
    %swap3A_755 = arith.index_cast %swap3A_754 : i32 to index
    %swap3A_756 = arith.constant 80 : index
    %swap3A_757 = tpu.vector_load %arg7[%swap3A_755, %swap3A_756] {strides = array<i32>} : memref<8x256xi32, #tpu.memory_space<vmem>>, vector<1x16xi32>,
    %swap3A_758 = vector.shape_cast %swap3A_757 : vector<1x16xi32> to vector<16xi32>
    %swap3A_759 = vector.shape_cast %convert_element_type3A_753 : vector<16xi32> to vector<1x16xi32>
    tpu.vector_store %arg7[%swap3A_755, %swap3A_756], %swap3A_759 {strides = array<i32>} : memref<8x256xi32, #tpu.memory_space<vmem>>, vector<1x16xi32>,
    %swap3A_760 = arith.constant 1 : i32
    %swap3A_761 = arith.index_cast %swap3A_760 : i32 to index
    %swap3A_762 = arith.constant 80 : index
    %swap3A_763 = tpu.vector_load %arg6[%swap3A_761, %swap3A_762] {strides = array<i32>} : memref<8x256xf32, #tpu.memory_space<vmem>>, vector<1x16xf32>,
    %swap3A_764 = vector.shape_cast %swap3A_763 : vector<1x16xf32> to vector<16xf32>
    %swap3A_765 = vector.shape_cast %scan3A_745#1 : vector<16xf32> to vector<1x16xf32>
    tpu.vector_store %arg6[%swap3A_761, %swap3A_762], %swap3A_765 {strides = array<i32>} : memref<8x256xf32, #tpu.memory_space<vmem>>, vector<1x16xf32>,
    %convert_element_type3A_766 = arith.fptosi %scan3A_745#9 : vector<16xf32> to vector<16xi32>
    %swap3A_767 = arith.constant 1 : i32
    %swap3A_768 = arith.index_cast %swap3A_767 : i32 to index
    %swap3A_769 = arith.constant 80 : index
    %swap3A_770 = tpu.vector_load %arg7[%swap3A_768, %swap3A_769] {strides = array<i32>} : memref<8x256xi32, #tpu.memory_space<vmem>>, vector<1x16xi32>,
    %swap3A_771 = vector.shape_cast %swap3A_770 : vector<1x16xi32> to vector<16xi32>
    %swap3A_772 = vector.shape_cast %convert_element_type3A_766 : vector<16xi32> to vector<1x16xi32>
    tpu.vector_store %arg7[%swap3A_768, %swap3A_769], %swap3A_772 {strides = array<i32>} : memref<8x256xi32, #tpu.memory_space<vmem>>, vector<1x16xi32>,
    %swap3A_773 = arith.constant 2 : i32
    %swap3A_774 = arith.index_cast %swap3A_773 : i32 to index
    %swap3A_775 = arith.constant 80 : index
    %swap3A_776 = tpu.vector_load %arg6[%swap3A_774, %swap3A_775] {strides = array<i32>} : memref<8x256xf32, #tpu.memory_space<vmem>>, vector<1x16xf32>,
    %swap3A_777 = vector.shape_cast %swap3A_776 : vector<1x16xf32> to vector<16xf32>
    %swap3A_778 = vector.shape_cast %scan3A_745#2 : vector<16xf32> to vector<1x16xf32>
    tpu.vector_store %arg6[%swap3A_774, %swap3A_775], %swap3A_778 {strides = array<i32>} : memref<8x256xf32, #tpu.memory_space<vmem>>, vector<1x16xf32>,
    %convert_element_type3A_779 = arith.fptosi %scan3A_745#10 : vector<16xf32> to vector<16xi32>
    %swap3A_780 = arith.constant 2 : i32
    %swap3A_781 = arith.index_cast %swap3A_780 : i32 to index
    %swap3A_782 = arith.constant 80 : index
    %swap3A_783 = tpu.vector_load %arg7[%swap3A_781, %swap3A_782] {strides = array<i32>} : memref<8x256xi32, #tpu.memory_space<vmem>>, vector<1x16xi32>,
    %swap3A_784 = vector.shape_cast %swap3A_783 : vector<1x16xi32> to vector<16xi32>
    %swap3A_785 = vector.shape_cast %convert_element_type3A_779 : vector<16xi32> to vector<1x16xi32>
    tpu.vector_store %arg7[%swap3A_781, %swap3A_782], %swap3A_785 {strides = array<i32>} : memref<8x256xi32, #tpu.memory_space<vmem>>, vector<1x16xi32>,
    %swap3A_786 = arith.constant 3 : i32
    %swap3A_787 = arith.index_cast %swap3A_786 : i32 to index
    %swap3A_788 = arith.constant 80 : index
    %swap3A_789 = tpu.vector_load %arg6[%swap3A_787, %swap3A_788] {strides = array<i32>} : memref<8x256xf32, #tpu.memory_space<vmem>>, vector<1x16xf32>,
    %swap3A_790 = vector.shape_cast %swap3A_789 : vector<1x16xf32> to vector<16xf32>
    %swap3A_791 = vector.shape_cast %scan3A_745#3 : vector<16xf32> to vector<1x16xf32>
    tpu.vector_store %arg6[%swap3A_787, %swap3A_788], %swap3A_791 {strides = array<i32>} : memref<8x256xf32, #tpu.memory_space<vmem>>, vector<1x16xf32>,
    %convert_element_type3A_792 = arith.fptosi %scan3A_745#11 : vector<16xf32> to vector<16xi32>
    %swap3A_793 = arith.constant 3 : i32
    %swap3A_794 = arith.index_cast %swap3A_793 : i32 to index
    %swap3A_795 = arith.constant 80 : index
    %swap3A_796 = tpu.vector_load %arg7[%swap3A_794, %swap3A_795] {strides = array<i32>} : memref<8x256xi32, #tpu.memory_space<vmem>>, vector<1x16xi32>,
    %swap3A_797 = vector.shape_cast %swap3A_796 : vector<1x16xi32> to vector<16xi32>
    %swap3A_798 = vector.shape_cast %convert_element_type3A_792 : vector<16xi32> to vector<1x16xi32>
    tpu.vector_store %arg7[%swap3A_794, %swap3A_795], %swap3A_798 {strides = array<i32>} : memref<8x256xi32, #tpu.memory_space<vmem>>, vector<1x16xi32>,
    %swap3A_799 = arith.constant 4 : i32
    %swap3A_800 = arith.index_cast %swap3A_799 : i32 to index
    %swap3A_801 = arith.constant 80 : index
    %swap3A_802 = tpu.vector_load %arg6[%swap3A_800, %swap3A_801] {strides = array<i32>} : memref<8x256xf32, #tpu.memory_space<vmem>>, vector<1x16xf32>,
    %swap3A_803 = vector.shape_cast %swap3A_802 : vector<1x16xf32> to vector<16xf32>
    %swap3A_804 = vector.shape_cast %scan3A_745#4 : vector<16xf32> to vector<1x16xf32>
    tpu.vector_store %arg6[%swap3A_800, %swap3A_801], %swap3A_804 {strides = array<i32>} : memref<8x256xf32, #tpu.memory_space<vmem>>, vector<1x16xf32>,
    %convert_element_type3A_805 = arith.fptosi %scan3A_745#12 : vector<16xf32> to vector<16xi32>
    %swap3A_806 = arith.constant 4 : i32
    %swap3A_807 = arith.index_cast %swap3A_806 : i32 to index
    %swap3A_808 = arith.constant 80 : index
    %swap3A_809 = tpu.vector_load %arg7[%swap3A_807, %swap3A_808] {strides = array<i32>} : memref<8x256xi32, #tpu.memory_space<vmem>>, vector<1x16xi32>,
    %swap3A_810 = vector.shape_cast %swap3A_809 : vector<1x16xi32> to vector<16xi32>
    %swap3A_811 = vector.shape_cast %convert_element_type3A_805 : vector<16xi32> to vector<1x16xi32>
    tpu.vector_store %arg7[%swap3A_807, %swap3A_808], %swap3A_811 {strides = array<i32>} : memref<8x256xi32, #tpu.memory_space<vmem>>, vector<1x16xi32>,
    %swap3A_812 = arith.constant 5 : i32
    %swap3A_813 = arith.index_cast %swap3A_812 : i32 to index
    %swap3A_814 = arith.constant 80 : index
    %swap3A_815 = tpu.vector_load %arg6[%swap3A_813, %swap3A_814] {strides = array<i32>} : memref<8x256xf32, #tpu.memory_space<vmem>>, vector<1x16xf32>,
    %swap3A_816 = vector.shape_cast %swap3A_815 : vector<1x16xf32> to vector<16xf32>
    %swap3A_817 = vector.shape_cast %scan3A_745#5 : vector<16xf32> to vector<1x16xf32>
    tpu.vector_store %arg6[%swap3A_813, %swap3A_814], %swap3A_817 {strides = array<i32>} : memref<8x256xf32, #tpu.memory_space<vmem>>, vector<1x16xf32>,
    %convert_element_type3A_818 = arith.fptosi %scan3A_745#13 : vector<16xf32> to vector<16xi32>
    %swap3A_819 = arith.constant 5 : i32
    %swap3A_820 = arith.index_cast %swap3A_819 : i32 to index
    %swap3A_821 = arith.constant 80 : index
    %swap3A_822 = tpu.vector_load %arg7[%swap3A_820, %swap3A_821] {strides = array<i32>} : memref<8x256xi32, #tpu.memory_space<vmem>>, vector<1x16xi32>,
    %swap3A_823 = vector.shape_cast %swap3A_822 : vector<1x16xi32> to vector<16xi32>
    %swap3A_824 = vector.shape_cast %convert_element_type3A_818 : vector<16xi32> to vector<1x16xi32>
    tpu.vector_store %arg7[%swap3A_820, %swap3A_821], %swap3A_824 {strides = array<i32>} : memref<8x256xi32, #tpu.memory_space<vmem>>, vector<1x16xi32>,
    %swap3A_825 = arith.constant 6 : i32
    %swap3A_826 = arith.index_cast %swap3A_825 : i32 to index
    %swap3A_827 = arith.constant 80 : index
    %swap3A_828 = tpu.vector_load %arg6[%swap3A_826, %swap3A_827] {strides = array<i32>} : memref<8x256xf32, #tpu.memory_space<vmem>>, vector<1x16xf32>,
    %swap3A_829 = vector.shape_cast %swap3A_828 : vector<1x16xf32> to vector<16xf32>
    %swap3A_830 = vector.shape_cast %scan3A_745#6 : vector<16xf32> to vector<1x16xf32>
    tpu.vector_store %arg6[%swap3A_826, %swap3A_827], %swap3A_830 {strides = array<i32>} : memref<8x256xf32, #tpu.memory_space<vmem>>, vector<1x16xf32>,
    %convert_element_type3A_831 = arith.fptosi %scan3A_745#14 : vector<16xf32> to vector<16xi32>
    %swap3A_832 = arith.constant 6 : i32
    %swap3A_833 = arith.index_cast %swap3A_832 : i32 to index
    %swap3A_834 = arith.constant 80 : index
    %swap3A_835 = tpu.vector_load %arg7[%swap3A_833, %swap3A_834] {strides = array<i32>} : memref<8x256xi32, #tpu.memory_space<vmem>>, vector<1x16xi32>,
    %swap3A_836 = vector.shape_cast %swap3A_835 : vector<1x16xi32> to vector<16xi32>
    %swap3A_837 = vector.shape_cast %convert_element_type3A_831 : vector<16xi32> to vector<1x16xi32>
    tpu.vector_store %arg7[%swap3A_833, %swap3A_834], %swap3A_837 {strides = array<i32>} : memref<8x256xi32, #tpu.memory_space<vmem>>, vector<1x16xi32>,
    %swap3A_838 = arith.constant 7 : i32
    %swap3A_839 = arith.index_cast %swap3A_838 : i32 to index
    %swap3A_840 = arith.constant 80 : index
    %swap3A_841 = tpu.vector_load %arg6[%swap3A_839, %swap3A_840] {strides = array<i32>} : memref<8x256xf32, #tpu.memory_space<vmem>>, vector<1x16xf32>,
    %swap3A_842 = vector.shape_cast %swap3A_841 : vector<1x16xf32> to vector<16xf32>
    %swap3A_843 = vector.shape_cast %scan3A_745#7 : vector<16xf32> to vector<1x16xf32>
    tpu.vector_store %arg6[%swap3A_839, %swap3A_840], %swap3A_843 {strides = array<i32>} : memref<8x256xf32, #tpu.memory_space<vmem>>, vector<1x16xf32>,
    %convert_element_type3A_844 = arith.fptosi %scan3A_745#15 : vector<16xf32> to vector<16xi32>
    %swap3A_845 = arith.constant 7 : i32
    %swap3A_846 = arith.index_cast %swap3A_845 : i32 to index
    %swap3A_847 = arith.constant 80 : index
    %swap3A_848 = tpu.vector_load %arg7[%swap3A_846, %swap3A_847] {strides = array<i32>} : memref<8x256xi32, #tpu.memory_space<vmem>>, vector<1x16xi32>,
    %swap3A_849 = vector.shape_cast %swap3A_848 : vector<1x16xi32> to vector<16xi32>
    %swap3A_850 = vector.shape_cast %convert_element_type3A_844 : vector<16xi32> to vector<1x16xi32>
    tpu.vector_store %arg7[%swap3A_846, %swap3A_847], %swap3A_850 {strides = array<i32>} : memref<8x256xi32, #tpu.memory_space<vmem>>, vector<1x16xi32>,
    %broadcast_in_dim3A_851 = arith.constant -1.000000e+00 : f32
    %broadcast_in_dim3A_852 = vector.broadcast %broadcast_in_dim3A_851 : f32 to vector<16xf32>
    %broadcast_in_dim3A_853 = arith.constant -1.000000e+00 : f32
    %broadcast_in_dim3A_854 = vector.broadcast %broadcast_in_dim3A_853 : f32 to vector<16xf32>
    %broadcast_in_dim3A_855 = arith.constant -1.000000e+00 : f32
    %broadcast_in_dim3A_856 = vector.broadcast %broadcast_in_dim3A_855 : f32 to vector<16xf32>
    %broadcast_in_dim3A_857 = arith.constant -1.000000e+00 : f32
    %broadcast_in_dim3A_858 = vector.broadcast %broadcast_in_dim3A_857 : f32 to vector<16xf32>
    %broadcast_in_dim3A_859 = arith.constant -1.000000e+00 : f32
    %broadcast_in_dim3A_860 = vector.broadcast %broadcast_in_dim3A_859 : f32 to vector<16xf32>
    %broadcast_in_dim3A_861 = arith.constant -1.000000e+00 : f32
    %broadcast_in_dim3A_862 = vector.broadcast %broadcast_in_dim3A_861 : f32 to vector<16xf32>
    %broadcast_in_dim3A_863 = arith.constant -1.000000e+00 : f32
    %broadcast_in_dim3A_864 = vector.broadcast %broadcast_in_dim3A_863 : f32 to vector<16xf32>
    %broadcast_in_dim3A_865 = arith.constant -1.000000e+00 : f32
    %broadcast_in_dim3A_866 = vector.broadcast %broadcast_in_dim3A_865 : f32 to vector<16xf32>
    %broadcast_in_dim3A_867 = arith.constant 0.000000e+00 : f32
    %broadcast_in_dim3A_868 = vector.broadcast %broadcast_in_dim3A_867 : f32 to vector<16xf32>
    %broadcast_in_dim3A_869 = arith.constant 0.000000e+00 : f32
    %broadcast_in_dim3A_870 = vector.broadcast %broadcast_in_dim3A_869 : f32 to vector<16xf32>
    %broadcast_in_dim3A_871 = arith.constant 0.000000e+00 : f32
    %broadcast_in_dim3A_872 = vector.broadcast %broadcast_in_dim3A_871 : f32 to vector<16xf32>
    %broadcast_in_dim3A_873 = arith.constant 0.000000e+00 : f32
    %broadcast_in_dim3A_874 = vector.broadcast %broadcast_in_dim3A_873 : f32 to vector<16xf32>
    %broadcast_in_dim3A_875 = arith.constant 0.000000e+00 : f32
    %broadcast_in_dim3A_876 = vector.broadcast %broadcast_in_dim3A_875 : f32 to vector<16xf32>
    %broadcast_in_dim3A_877 = arith.constant 0.000000e+00 : f32
    %broadcast_in_dim3A_878 = vector.broadcast %broadcast_in_dim3A_877 : f32 to vector<16xf32>
    %broadcast_in_dim3A_879 = arith.constant 0.000000e+00 : f32
    %broadcast_in_dim3A_880 = vector.broadcast %broadcast_in_dim3A_879 : f32 to vector<16xf32>
    %broadcast_in_dim3A_881 = arith.constant 0.000000e+00 : f32
    %broadcast_in_dim3A_882 = vector.broadcast %broadcast_in_dim3A_881 : f32 to vector<16xf32>
    %scan3A_883 = arith.constant 0 : i32
    %scan3A_884 = arith.constant 64 : i32
    %scan3A_885 = arith.addi %scan3A_883, %scan3A_884 : i32
    %scan3A_886 = arith.constant 1 : i32
    %scan3A_887:16 = scf.for %scan3A_2271 = %scan3A_883 to %scan3A_885 step %scan3A_886 iter_args(%scan3A_2272 = %broadcast_in_dim3A_852, %scan3A_2273 = %broadcast_in_dim3A_854, %scan3A_2274 = %broadcast_in_dim3A_856, %scan3A_2275 = %broadcast_in_dim3A_858, %scan3A_2276 = %broadcast_in_dim3A_860, %scan3A_2277 = %broadcast_in_dim3A_862, %scan3A_2278 = %broadcast_in_dim3A_864, %scan3A_2279 = %broadcast_in_dim3A_866, %scan3A_2280 = %broadcast_in_dim3A_868, %scan3A_2281 = %broadcast_in_dim3A_870, %scan3A_2282 = %broadcast_in_dim3A_872, %scan3A_2283 = %broadcast_in_dim3A_874, %scan3A_2284 = %broadcast_in_dim3A_876, %scan3A_2285 = %broadcast_in_dim3A_878, %scan3A_2286 = %broadcast_in_dim3A_880, %scan3A_2287 = %broadcast_in_dim3A_882) -> (vector<16xf32>, vector<16xf32>, vector<16xf32>, vector<16xf32>, vector<16xf32>, vector<16xf32>, vector<16xf32>, vector<16xf32>, vector<16xf32>, vector<16xf32>, vector<16xf32>, vector<16xf32>, vector<16xf32>, vector<16xf32>, vector<16xf32>, vector<16xf32>)  : i32 {
      %get3A = arith.index_cast %scan3A_2271 : i32 to index
      %get3A_2288 = arith.constant 96 : index
      %get3A_2289 = tpu.vector_load %arg5[%get3A, %get3A_2288] {strides = array<i32>} : memref<64x256xf32, #tpu.memory_space<vmem>>, vector<1x16xf32>,
      %get3A_2290 = vector.shape_cast %get3A_2289 : vector<1x16xf32> to vector<16xf32>
      %broadcast_in_dim3A_2291 = arith.constant 1.000000e+00 : f32
      %broadcast_in_dim3A_2292 = vector.broadcast %broadcast_in_dim3A_2291 : f32 to vector<16xf32>
      %convert_element_type3A_2293 = arith.sitofp %scan3A_2271 : i32 to f32
      %mul3A_2294 = vector.broadcast %convert_element_type3A_2293 : f32 to vector<16xf32>
      %mul3A_2295 = arith.mulf %broadcast_in_dim3A_2292, %mul3A_2294 : vector<16xf32>
      %gt3A = arith.cmpf ogt, %get3A_2290, %scan3A_2272 : vector<16xf32>
      %gt3A_2296 = arith.cmpf ogt, %get3A_2290, %scan3A_2273 : vector<16xf32>
      %gt3A_2297 = arith.cmpf ogt, %get3A_2290, %scan3A_2274 : vector<16xf32>
      %gt3A_2298 = arith.cmpf ogt, %get3A_2290, %scan3A_2275 : vector<16xf32>
      %gt3A_2299 = arith.cmpf ogt, %get3A_2290, %scan3A_2276 : vector<16xf32>
      %gt3A_2300 = arith.cmpf ogt, %get3A_2290, %scan3A_2277 : vector<16xf32>
      %gt3A_2301 = arith.cmpf ogt, %get3A_2290, %scan3A_2278 : vector<16xf32>
      %gt3A_2302 = arith.cmpf ogt, %get3A_2290, %scan3A_2279 : vector<16xf32>
      %select_n3A = arith.select %gt3A, %get3A_2290, %scan3A_2272 : vector<16xi1>, vector<16xf32>
      %select_n3A_2303 = arith.select %gt3A, %mul3A_2295, %scan3A_2280 : vector<16xi1>, vector<16xf32>
      %select_n3A_2304 = arith.select %gt3A, %scan3A_2272, %get3A_2290 : vector<16xi1>, vector<16xf32>
      %select_n3A_2305 = arith.select %gt3A, %scan3A_2280, %mul3A_2295 : vector<16xi1>, vector<16xf32>
      %select_n3A_2306 = arith.select %gt3A_2296, %select_n3A_2304, %scan3A_2273 : vector<16xi1>, vector<16xf32>
      %select_n3A_2307 = arith.select %gt3A_2296, %select_n3A_2305, %scan3A_2281 : vector<16xi1>, vector<16xf32>
      %select_n3A_2308 = arith.select %gt3A_2296, %scan3A_2273, %get3A_2290 : vector<16xi1>, vector<16xf32>
      %select_n3A_2309 = arith.select %gt3A_2296, %scan3A_2281, %mul3A_2295 : vector<16xi1>, vector<16xf32>
      %select_n3A_2310 = arith.select %gt3A_2297, %select_n3A_2308, %scan3A_2274 : vector<16xi1>, vector<16xf32>
      %select_n3A_2311 = arith.select %gt3A_2297, %select_n3A_2309, %scan3A_2282 : vector<16xi1>, vector<16xf32>
      %select_n3A_2312 = arith.select %gt3A_2297, %scan3A_2274, %get3A_2290 : vector<16xi1>, vector<16xf32>
      %select_n3A_2313 = arith.select %gt3A_2297, %scan3A_2282, %mul3A_2295 : vector<16xi1>, vector<16xf32>
      %select_n3A_2314 = arith.select %gt3A_2298, %select_n3A_2312, %scan3A_2275 : vector<16xi1>, vector<16xf32>
      %select_n3A_2315 = arith.select %gt3A_2298, %select_n3A_2313, %scan3A_2283 : vector<16xi1>, vector<16xf32>
      %select_n3A_2316 = arith.select %gt3A_2298, %scan3A_2275, %get3A_2290 : vector<16xi1>, vector<16xf32>
      %select_n3A_2317 = arith.select %gt3A_2298, %scan3A_2283, %mul3A_2295 : vector<16xi1>, vector<16xf32>
      %select_n3A_2318 = arith.select %gt3A_2299, %select_n3A_2316, %scan3A_2276 : vector<16xi1>, vector<16xf32>
      %select_n3A_2319 = arith.select %gt3A_2299, %select_n3A_2317, %scan3A_2284 : vector<16xi1>, vector<16xf32>
      %select_n3A_2320 = arith.select %gt3A_2299, %scan3A_2276, %get3A_2290 : vector<16xi1>, vector<16xf32>
      %select_n3A_2321 = arith.select %gt3A_2299, %scan3A_2284, %mul3A_2295 : vector<16xi1>, vector<16xf32>
      %select_n3A_2322 = arith.select %gt3A_2300, %select_n3A_2320, %scan3A_2277 : vector<16xi1>, vector<16xf32>
      %select_n3A_2323 = arith.select %gt3A_2300, %select_n3A_2321, %scan3A_2285 : vector<16xi1>, vector<16xf32>
      %select_n3A_2324 = arith.select %gt3A_2300, %scan3A_2277, %get3A_2290 : vector<16xi1>, vector<16xf32>
      %select_n3A_2325 = arith.select %gt3A_2300, %scan3A_2285, %mul3A_2295 : vector<16xi1>, vector<16xf32>
      %select_n3A_2326 = arith.select %gt3A_2301, %select_n3A_2324, %scan3A_2278 : vector<16xi1>, vector<16xf32>
      %select_n3A_2327 = arith.select %gt3A_2301, %select_n3A_2325, %scan3A_2286 : vector<16xi1>, vector<16xf32>
      %select_n3A_2328 = arith.select %gt3A_2301, %scan3A_2278, %get3A_2290 : vector<16xi1>, vector<16xf32>
      %select_n3A_2329 = arith.select %gt3A_2301, %scan3A_2286, %mul3A_2295 : vector<16xi1>, vector<16xf32>
      %select_n3A_2330 = arith.select %gt3A_2302, %select_n3A_2328, %scan3A_2279 : vector<16xi1>, vector<16xf32>
      %select_n3A_2331 = arith.select %gt3A_2302, %select_n3A_2329, %scan3A_2287 : vector<16xi1>, vector<16xf32>
      scf.yield %select_n3A, %select_n3A_2306, %select_n3A_2310, %select_n3A_2314, %select_n3A_2318, %select_n3A_2322, %select_n3A_2326, %select_n3A_2330, %select_n3A_2303, %select_n3A_2307, %select_n3A_2311, %select_n3A_2315, %select_n3A_2319, %select_n3A_2323, %select_n3A_2327, %select_n3A_2331 : vector<16xf32>, vector<16xf32>, vector<16xf32>, vector<16xf32>, vector<16xf32>, vector<16xf32>, vector<16xf32>, vector<16xf32>, vector<16xf32>, vector<16xf32>, vector<16xf32>, vector<16xf32>, vector<16xf32>, vector<16xf32>, vector<16xf32>, vector<16xf32>
    }
    %scan3A_888 = arith.constant 64 : i32
    %swap3A_889 = arith.constant 0 : i32
    %swap3A_890 = arith.index_cast %swap3A_889 : i32 to index
    %swap3A_891 = arith.constant 96 : index
    %swap3A_892 = tpu.vector_load %arg6[%swap3A_890, %swap3A_891] {strides = array<i32>} : memref<8x256xf32, #tpu.memory_space<vmem>>, vector<1x16xf32>,
    %swap3A_893 = vector.shape_cast %swap3A_892 : vector<1x16xf32> to vector<16xf32>
    %swap3A_894 = vector.shape_cast %scan3A_887#0 : vector<16xf32> to vector<1x16xf32>
    tpu.vector_store %arg6[%swap3A_890, %swap3A_891], %swap3A_894 {strides = array<i32>} : memref<8x256xf32, #tpu.memory_space<vmem>>, vector<1x16xf32>,
    %convert_element_type3A_895 = arith.fptosi %scan3A_887#8 : vector<16xf32> to vector<16xi32>
    %swap3A_896 = arith.constant 0 : i32
    %swap3A_897 = arith.index_cast %swap3A_896 : i32 to index
    %swap3A_898 = arith.constant 96 : index
    %swap3A_899 = tpu.vector_load %arg7[%swap3A_897, %swap3A_898] {strides = array<i32>} : memref<8x256xi32, #tpu.memory_space<vmem>>, vector<1x16xi32>,
    %swap3A_900 = vector.shape_cast %swap3A_899 : vector<1x16xi32> to vector<16xi32>
    %swap3A_901 = vector.shape_cast %convert_element_type3A_895 : vector<16xi32> to vector<1x16xi32>
    tpu.vector_store %arg7[%swap3A_897, %swap3A_898], %swap3A_901 {strides = array<i32>} : memref<8x256xi32, #tpu.memory_space<vmem>>, vector<1x16xi32>,
    %swap3A_902 = arith.constant 1 : i32
    %swap3A_903 = arith.index_cast %swap3A_902 : i32 to index
    %swap3A_904 = arith.constant 96 : index
    %swap3A_905 = tpu.vector_load %arg6[%swap3A_903, %swap3A_904] {strides = array<i32>} : memref<8x256xf32, #tpu.memory_space<vmem>>, vector<1x16xf32>,
    %swap3A_906 = vector.shape_cast %swap3A_905 : vector<1x16xf32> to vector<16xf32>
    %swap3A_907 = vector.shape_cast %scan3A_887#1 : vector<16xf32> to vector<1x16xf32>
    tpu.vector_store %arg6[%swap3A_903, %swap3A_904], %swap3A_907 {strides = array<i32>} : memref<8x256xf32, #tpu.memory_space<vmem>>, vector<1x16xf32>,
    %convert_element_type3A_908 = arith.fptosi %scan3A_887#9 : vector<16xf32> to vector<16xi32>
    %swap3A_909 = arith.constant 1 : i32
    %swap3A_910 = arith.index_cast %swap3A_909 : i32 to index
    %swap3A_911 = arith.constant 96 : index
    %swap3A_912 = tpu.vector_load %arg7[%swap3A_910, %swap3A_911] {strides = array<i32>} : memref<8x256xi32, #tpu.memory_space<vmem>>, vector<1x16xi32>,
    %swap3A_913 = vector.shape_cast %swap3A_912 : vector<1x16xi32> to vector<16xi32>
    %swap3A_914 = vector.shape_cast %convert_element_type3A_908 : vector<16xi32> to vector<1x16xi32>
    tpu.vector_store %arg7[%swap3A_910, %swap3A_911], %swap3A_914 {strides = array<i32>} : memref<8x256xi32, #tpu.memory_space<vmem>>, vector<1x16xi32>,
    %swap3A_915 = arith.constant 2 : i32
    %swap3A_916 = arith.index_cast %swap3A_915 : i32 to index
    %swap3A_917 = arith.constant 96 : index
    %swap3A_918 = tpu.vector_load %arg6[%swap3A_916, %swap3A_917] {strides = array<i32>} : memref<8x256xf32, #tpu.memory_space<vmem>>, vector<1x16xf32>,
    %swap3A_919 = vector.shape_cast %swap3A_918 : vector<1x16xf32> to vector<16xf32>
    %swap3A_920 = vector.shape_cast %scan3A_887#2 : vector<16xf32> to vector<1x16xf32>
    tpu.vector_store %arg6[%swap3A_916, %swap3A_917], %swap3A_920 {strides = array<i32>} : memref<8x256xf32, #tpu.memory_space<vmem>>, vector<1x16xf32>,
    %convert_element_type3A_921 = arith.fptosi %scan3A_887#10 : vector<16xf32> to vector<16xi32>
    %swap3A_922 = arith.constant 2 : i32
    %swap3A_923 = arith.index_cast %swap3A_922 : i32 to index
    %swap3A_924 = arith.constant 96 : index
    %swap3A_925 = tpu.vector_load %arg7[%swap3A_923, %swap3A_924] {strides = array<i32>} : memref<8x256xi32, #tpu.memory_space<vmem>>, vector<1x16xi32>,
    %swap3A_926 = vector.shape_cast %swap3A_925 : vector<1x16xi32> to vector<16xi32>
    %swap3A_927 = vector.shape_cast %convert_element_type3A_921 : vector<16xi32> to vector<1x16xi32>
    tpu.vector_store %arg7[%swap3A_923, %swap3A_924], %swap3A_927 {strides = array<i32>} : memref<8x256xi32, #tpu.memory_space<vmem>>, vector<1x16xi32>,
    %swap3A_928 = arith.constant 3 : i32
    %swap3A_929 = arith.index_cast %swap3A_928 : i32 to index
    %swap3A_930 = arith.constant 96 : index
    %swap3A_931 = tpu.vector_load %arg6[%swap3A_929, %swap3A_930] {strides = array<i32>} : memref<8x256xf32, #tpu.memory_space<vmem>>, vector<1x16xf32>,
    %swap3A_932 = vector.shape_cast %swap3A_931 : vector<1x16xf32> to vector<16xf32>
    %swap3A_933 = vector.shape_cast %scan3A_887#3 : vector<16xf32> to vector<1x16xf32>
    tpu.vector_store %arg6[%swap3A_929, %swap3A_930], %swap3A_933 {strides = array<i32>} : memref<8x256xf32, #tpu.memory_space<vmem>>, vector<1x16xf32>,
    %convert_element_type3A_934 = arith.fptosi %scan3A_887#11 : vector<16xf32> to vector<16xi32>
    %swap3A_935 = arith.constant 3 : i32
    %swap3A_936 = arith.index_cast %swap3A_935 : i32 to index
    %swap3A_937 = arith.constant 96 : index
    %swap3A_938 = tpu.vector_load %arg7[%swap3A_936, %swap3A_937] {strides = array<i32>} : memref<8x256xi32, #tpu.memory_space<vmem>>, vector<1x16xi32>,
    %swap3A_939 = vector.shape_cast %swap3A_938 : vector<1x16xi32> to vector<16xi32>
    %swap3A_940 = vector.shape_cast %convert_element_type3A_934 : vector<16xi32> to vector<1x16xi32>
    tpu.vector_store %arg7[%swap3A_936, %swap3A_937], %swap3A_940 {strides = array<i32>} : memref<8x256xi32, #tpu.memory_space<vmem>>, vector<1x16xi32>,
    %swap3A_941 = arith.constant 4 : i32
    %swap3A_942 = arith.index_cast %swap3A_941 : i32 to index
    %swap3A_943 = arith.constant 96 : index
    %swap3A_944 = tpu.vector_load %arg6[%swap3A_942, %swap3A_943] {strides = array<i32>} : memref<8x256xf32, #tpu.memory_space<vmem>>, vector<1x16xf32>,
    %swap3A_945 = vector.shape_cast %swap3A_944 : vector<1x16xf32> to vector<16xf32>
    %swap3A_946 = vector.shape_cast %scan3A_887#4 : vector<16xf32> to vector<1x16xf32>
    tpu.vector_store %arg6[%swap3A_942, %swap3A_943], %swap3A_946 {strides = array<i32>} : memref<8x256xf32, #tpu.memory_space<vmem>>, vector<1x16xf32>,
    %convert_element_type3A_947 = arith.fptosi %scan3A_887#12 : vector<16xf32> to vector<16xi32>
    %swap3A_948 = arith.constant 4 : i32
    %swap3A_949 = arith.index_cast %swap3A_948 : i32 to index
    %swap3A_950 = arith.constant 96 : index
    %swap3A_951 = tpu.vector_load %arg7[%swap3A_949, %swap3A_950] {strides = array<i32>} : memref<8x256xi32, #tpu.memory_space<vmem>>, vector<1x16xi32>,
    %swap3A_952 = vector.shape_cast %swap3A_951 : vector<1x16xi32> to vector<16xi32>
    %swap3A_953 = vector.shape_cast %convert_element_type3A_947 : vector<16xi32> to vector<1x16xi32>
    tpu.vector_store %arg7[%swap3A_949, %swap3A_950], %swap3A_953 {strides = array<i32>} : memref<8x256xi32, #tpu.memory_space<vmem>>, vector<1x16xi32>,
    %swap3A_954 = arith.constant 5 : i32
    %swap3A_955 = arith.index_cast %swap3A_954 : i32 to index
    %swap3A_956 = arith.constant 96 : index
    %swap3A_957 = tpu.vector_load %arg6[%swap3A_955, %swap3A_956] {strides = array<i32>} : memref<8x256xf32, #tpu.memory_space<vmem>>, vector<1x16xf32>,
    %swap3A_958 = vector.shape_cast %swap3A_957 : vector<1x16xf32> to vector<16xf32>
    %swap3A_959 = vector.shape_cast %scan3A_887#5 : vector<16xf32> to vector<1x16xf32>
    tpu.vector_store %arg6[%swap3A_955, %swap3A_956], %swap3A_959 {strides = array<i32>} : memref<8x256xf32, #tpu.memory_space<vmem>>, vector<1x16xf32>,
    %convert_element_type3A_960 = arith.fptosi %scan3A_887#13 : vector<16xf32> to vector<16xi32>
    %swap3A_961 = arith.constant 5 : i32
    %swap3A_962 = arith.index_cast %swap3A_961 : i32 to index
    %swap3A_963 = arith.constant 96 : index
    %swap3A_964 = tpu.vector_load %arg7[%swap3A_962, %swap3A_963] {strides = array<i32>} : memref<8x256xi32, #tpu.memory_space<vmem>>, vector<1x16xi32>,
    %swap3A_965 = vector.shape_cast %swap3A_964 : vector<1x16xi32> to vector<16xi32>
    %swap3A_966 = vector.shape_cast %convert_element_type3A_960 : vector<16xi32> to vector<1x16xi32>
    tpu.vector_store %arg7[%swap3A_962, %swap3A_963], %swap3A_966 {strides = array<i32>} : memref<8x256xi32, #tpu.memory_space<vmem>>, vector<1x16xi32>,
    %swap3A_967 = arith.constant 6 : i32
    %swap3A_968 = arith.index_cast %swap3A_967 : i32 to index
    %swap3A_969 = arith.constant 96 : index
    %swap3A_970 = tpu.vector_load %arg6[%swap3A_968, %swap3A_969] {strides = array<i32>} : memref<8x256xf32, #tpu.memory_space<vmem>>, vector<1x16xf32>,
    %swap3A_971 = vector.shape_cast %swap3A_970 : vector<1x16xf32> to vector<16xf32>
    %swap3A_972 = vector.shape_cast %scan3A_887#6 : vector<16xf32> to vector<1x16xf32>
    tpu.vector_store %arg6[%swap3A_968, %swap3A_969], %swap3A_972 {strides = array<i32>} : memref<8x256xf32, #tpu.memory_space<vmem>>, vector<1x16xf32>,
    %convert_element_type3A_973 = arith.fptosi %scan3A_887#14 : vector<16xf32> to vector<16xi32>
    %swap3A_974 = arith.constant 6 : i32
    %swap3A_975 = arith.index_cast %swap3A_974 : i32 to index
    %swap3A_976 = arith.constant 96 : index
    %swap3A_977 = tpu.vector_load %arg7[%swap3A_975, %swap3A_976] {strides = array<i32>} : memref<8x256xi32, #tpu.memory_space<vmem>>, vector<1x16xi32>,
    %swap3A_978 = vector.shape_cast %swap3A_977 : vector<1x16xi32> to vector<16xi32>
    %swap3A_979 = vector.shape_cast %convert_element_type3A_973 : vector<16xi32> to vector<1x16xi32>
    tpu.vector_store %arg7[%swap3A_975, %swap3A_976], %swap3A_979 {strides = array<i32>} : memref<8x256xi32, #tpu.memory_space<vmem>>, vector<1x16xi32>,
    %swap3A_980 = arith.constant 7 : i32
    %swap3A_981 = arith.index_cast %swap3A_980 : i32 to index
    %swap3A_982 = arith.constant 96 : index
    %swap3A_983 = tpu.vector_load %arg6[%swap3A_981, %swap3A_982] {strides = array<i32>} : memref<8x256xf32, #tpu.memory_space<vmem>>, vector<1x16xf32>,
    %swap3A_984 = vector.shape_cast %swap3A_983 : vector<1x16xf32> to vector<16xf32>
    %swap3A_985 = vector.shape_cast %scan3A_887#7 : vector<16xf32> to vector<1x16xf32>
    tpu.vector_store %arg6[%swap3A_981, %swap3A_982], %swap3A_985 {strides = array<i32>} : memref<8x256xf32, #tpu.memory_space<vmem>>, vector<1x16xf32>,
    %convert_element_type3A_986 = arith.fptosi %scan3A_887#15 : vector<16xf32> to vector<16xi32>
    %swap3A_987 = arith.constant 7 : i32
    %swap3A_988 = arith.index_cast %swap3A_987 : i32 to index
    %swap3A_989 = arith.constant 96 : index
    %swap3A_990 = tpu.vector_load %arg7[%swap3A_988, %swap3A_989] {strides = array<i32>} : memref<8x256xi32, #tpu.memory_space<vmem>>, vector<1x16xi32>,
    %swap3A_991 = vector.shape_cast %swap3A_990 : vector<1x16xi32> to vector<16xi32>
    %swap3A_992 = vector.shape_cast %convert_element_type3A_986 : vector<16xi32> to vector<1x16xi32>
    tpu.vector_store %arg7[%swap3A_988, %swap3A_989], %swap3A_992 {strides = array<i32>} : memref<8x256xi32, #tpu.memory_space<vmem>>, vector<1x16xi32>,
    %broadcast_in_dim3A_993 = arith.constant -1.000000e+00 : f32
    %broadcast_in_dim3A_994 = vector.broadcast %broadcast_in_dim3A_993 : f32 to vector<16xf32>
    %broadcast_in_dim3A_995 = arith.constant -1.000000e+00 : f32
    %broadcast_in_dim3A_996 = vector.broadcast %broadcast_in_dim3A_995 : f32 to vector<16xf32>
    %broadcast_in_dim3A_997 = arith.constant -1.000000e+00 : f32
    %broadcast_in_dim3A_998 = vector.broadcast %broadcast_in_dim3A_997 : f32 to vector<16xf32>
    %broadcast_in_dim3A_999 = arith.constant -1.000000e+00 : f32
    %broadcast_in_dim3A_1000 = vector.broadcast %broadcast_in_dim3A_999 : f32 to vector<16xf32>
    %broadcast_in_dim3A_1001 = arith.constant -1.000000e+00 : f32
    %broadcast_in_dim3A_1002 = vector.broadcast %broadcast_in_dim3A_1001 : f32 to vector<16xf32>
    %broadcast_in_dim3A_1003 = arith.constant -1.000000e+00 : f32
    %broadcast_in_dim3A_1004 = vector.broadcast %broadcast_in_dim3A_1003 : f32 to vector<16xf32>
    %broadcast_in_dim3A_1005 = arith.constant -1.000000e+00 : f32
    %broadcast_in_dim3A_1006 = vector.broadcast %broadcast_in_dim3A_1005 : f32 to vector<16xf32>
    %broadcast_in_dim3A_1007 = arith.constant -1.000000e+00 : f32
    %broadcast_in_dim3A_1008 = vector.broadcast %broadcast_in_dim3A_1007 : f32 to vector<16xf32>
    %broadcast_in_dim3A_1009 = arith.constant 0.000000e+00 : f32
    %broadcast_in_dim3A_1010 = vector.broadcast %broadcast_in_dim3A_1009 : f32 to vector<16xf32>
    %broadcast_in_dim3A_1011 = arith.constant 0.000000e+00 : f32
    %broadcast_in_dim3A_1012 = vector.broadcast %broadcast_in_dim3A_1011 : f32 to vector<16xf32>
    %broadcast_in_dim3A_1013 = arith.constant 0.000000e+00 : f32
    %broadcast_in_dim3A_1014 = vector.broadcast %broadcast_in_dim3A_1013 : f32 to vector<16xf32>
    %broadcast_in_dim3A_1015 = arith.constant 0.000000e+00 : f32
    %broadcast_in_dim3A_1016 = vector.broadcast %broadcast_in_dim3A_1015 : f32 to vector<16xf32>
    %broadcast_in_dim3A_1017 = arith.constant 0.000000e+00 : f32
    %broadcast_in_dim3A_1018 = vector.broadcast %broadcast_in_dim3A_1017 : f32 to vector<16xf32>
    %broadcast_in_dim3A_1019 = arith.constant 0.000000e+00 : f32
    %broadcast_in_dim3A_1020 = vector.broadcast %broadcast_in_dim3A_1019 : f32 to vector<16xf32>
    %broadcast_in_dim3A_1021 = arith.constant 0.000000e+00 : f32
    %broadcast_in_dim3A_1022 = vector.broadcast %broadcast_in_dim3A_1021 : f32 to vector<16xf32>
    %broadcast_in_dim3A_1023 = arith.constant 0.000000e+00 : f32
    %broadcast_in_dim3A_1024 = vector.broadcast %broadcast_in_dim3A_1023 : f32 to vector<16xf32>
    %scan3A_1025 = arith.constant 0 : i32
    %scan3A_1026 = arith.constant 64 : i32
    %scan3A_1027 = arith.addi %scan3A_1025, %scan3A_1026 : i32
    %scan3A_1028 = arith.constant 1 : i32
    %scan3A_1029:16 = scf.for %scan3A_2271 = %scan3A_1025 to %scan3A_1027 step %scan3A_1028 iter_args(%scan3A_2272 = %broadcast_in_dim3A_994, %scan3A_2273 = %broadcast_in_dim3A_996, %scan3A_2274 = %broadcast_in_dim3A_998, %scan3A_2275 = %broadcast_in_dim3A_1000, %scan3A_2276 = %broadcast_in_dim3A_1002, %scan3A_2277 = %broadcast_in_dim3A_1004, %scan3A_2278 = %broadcast_in_dim3A_1006, %scan3A_2279 = %broadcast_in_dim3A_1008, %scan3A_2280 = %broadcast_in_dim3A_1010, %scan3A_2281 = %broadcast_in_dim3A_1012, %scan3A_2282 = %broadcast_in_dim3A_1014, %scan3A_2283 = %broadcast_in_dim3A_1016, %scan3A_2284 = %broadcast_in_dim3A_1018, %scan3A_2285 = %broadcast_in_dim3A_1020, %scan3A_2286 = %broadcast_in_dim3A_1022, %scan3A_2287 = %broadcast_in_dim3A_1024) -> (vector<16xf32>, vector<16xf32>, vector<16xf32>, vector<16xf32>, vector<16xf32>, vector<16xf32>, vector<16xf32>, vector<16xf32>, vector<16xf32>, vector<16xf32>, vector<16xf32>, vector<16xf32>, vector<16xf32>, vector<16xf32>, vector<16xf32>, vector<16xf32>)  : i32 {
      %get3A = arith.index_cast %scan3A_2271 : i32 to index
      %get3A_2288 = arith.constant 112 : index
      %get3A_2289 = tpu.vector_load %arg5[%get3A, %get3A_2288] {strides = array<i32>} : memref<64x256xf32, #tpu.memory_space<vmem>>, vector<1x16xf32>,
      %get3A_2290 = vector.shape_cast %get3A_2289 : vector<1x16xf32> to vector<16xf32>
      %broadcast_in_dim3A_2291 = arith.constant 1.000000e+00 : f32
      %broadcast_in_dim3A_2292 = vector.broadcast %broadcast_in_dim3A_2291 : f32 to vector<16xf32>
      %convert_element_type3A_2293 = arith.sitofp %scan3A_2271 : i32 to f32
      %mul3A_2294 = vector.broadcast %convert_element_type3A_2293 : f32 to vector<16xf32>
      %mul3A_2295 = arith.mulf %broadcast_in_dim3A_2292, %mul3A_2294 : vector<16xf32>
      %gt3A = arith.cmpf ogt, %get3A_2290, %scan3A_2272 : vector<16xf32>
      %gt3A_2296 = arith.cmpf ogt, %get3A_2290, %scan3A_2273 : vector<16xf32>
      %gt3A_2297 = arith.cmpf ogt, %get3A_2290, %scan3A_2274 : vector<16xf32>
      %gt3A_2298 = arith.cmpf ogt, %get3A_2290, %scan3A_2275 : vector<16xf32>
      %gt3A_2299 = arith.cmpf ogt, %get3A_2290, %scan3A_2276 : vector<16xf32>
      %gt3A_2300 = arith.cmpf ogt, %get3A_2290, %scan3A_2277 : vector<16xf32>
      %gt3A_2301 = arith.cmpf ogt, %get3A_2290, %scan3A_2278 : vector<16xf32>
      %gt3A_2302 = arith.cmpf ogt, %get3A_2290, %scan3A_2279 : vector<16xf32>
      %select_n3A = arith.select %gt3A, %get3A_2290, %scan3A_2272 : vector<16xi1>, vector<16xf32>
      %select_n3A_2303 = arith.select %gt3A, %mul3A_2295, %scan3A_2280 : vector<16xi1>, vector<16xf32>
      %select_n3A_2304 = arith.select %gt3A, %scan3A_2272, %get3A_2290 : vector<16xi1>, vector<16xf32>
      %select_n3A_2305 = arith.select %gt3A, %scan3A_2280, %mul3A_2295 : vector<16xi1>, vector<16xf32>
      %select_n3A_2306 = arith.select %gt3A_2296, %select_n3A_2304, %scan3A_2273 : vector<16xi1>, vector<16xf32>
      %select_n3A_2307 = arith.select %gt3A_2296, %select_n3A_2305, %scan3A_2281 : vector<16xi1>, vector<16xf32>
      %select_n3A_2308 = arith.select %gt3A_2296, %scan3A_2273, %get3A_2290 : vector<16xi1>, vector<16xf32>
      %select_n3A_2309 = arith.select %gt3A_2296, %scan3A_2281, %mul3A_2295 : vector<16xi1>, vector<16xf32>
      %select_n3A_2310 = arith.select %gt3A_2297, %select_n3A_2308, %scan3A_2274 : vector<16xi1>, vector<16xf32>
      %select_n3A_2311 = arith.select %gt3A_2297, %select_n3A_2309, %scan3A_2282 : vector<16xi1>, vector<16xf32>
      %select_n3A_2312 = arith.select %gt3A_2297, %scan3A_2274, %get3A_2290 : vector<16xi1>, vector<16xf32>
      %select_n3A_2313 = arith.select %gt3A_2297, %scan3A_2282, %mul3A_2295 : vector<16xi1>, vector<16xf32>
      %select_n3A_2314 = arith.select %gt3A_2298, %select_n3A_2312, %scan3A_2275 : vector<16xi1>, vector<16xf32>
      %select_n3A_2315 = arith.select %gt3A_2298, %select_n3A_2313, %scan3A_2283 : vector<16xi1>, vector<16xf32>
      %select_n3A_2316 = arith.select %gt3A_2298, %scan3A_2275, %get3A_2290 : vector<16xi1>, vector<16xf32>
      %select_n3A_2317 = arith.select %gt3A_2298, %scan3A_2283, %mul3A_2295 : vector<16xi1>, vector<16xf32>
      %select_n3A_2318 = arith.select %gt3A_2299, %select_n3A_2316, %scan3A_2276 : vector<16xi1>, vector<16xf32>
      %select_n3A_2319 = arith.select %gt3A_2299, %select_n3A_2317, %scan3A_2284 : vector<16xi1>, vector<16xf32>
      %select_n3A_2320 = arith.select %gt3A_2299, %scan3A_2276, %get3A_2290 : vector<16xi1>, vector<16xf32>
      %select_n3A_2321 = arith.select %gt3A_2299, %scan3A_2284, %mul3A_2295 : vector<16xi1>, vector<16xf32>
      %select_n3A_2322 = arith.select %gt3A_2300, %select_n3A_2320, %scan3A_2277 : vector<16xi1>, vector<16xf32>
      %select_n3A_2323 = arith.select %gt3A_2300, %select_n3A_2321, %scan3A_2285 : vector<16xi1>, vector<16xf32>
      %select_n3A_2324 = arith.select %gt3A_2300, %scan3A_2277, %get3A_2290 : vector<16xi1>, vector<16xf32>
      %select_n3A_2325 = arith.select %gt3A_2300, %scan3A_2285, %mul3A_2295 : vector<16xi1>, vector<16xf32>
      %select_n3A_2326 = arith.select %gt3A_2301, %select_n3A_2324, %scan3A_2278 : vector<16xi1>, vector<16xf32>
      %select_n3A_2327 = arith.select %gt3A_2301, %select_n3A_2325, %scan3A_2286 : vector<16xi1>, vector<16xf32>
      %select_n3A_2328 = arith.select %gt3A_2301, %scan3A_2278, %get3A_2290 : vector<16xi1>, vector<16xf32>
      %select_n3A_2329 = arith.select %gt3A_2301, %scan3A_2286, %mul3A_2295 : vector<16xi1>, vector<16xf32>
      %select_n3A_2330 = arith.select %gt3A_2302, %select_n3A_2328, %scan3A_2279 : vector<16xi1>, vector<16xf32>
      %select_n3A_2331 = arith.select %gt3A_2302, %select_n3A_2329, %scan3A_2287 : vector<16xi1>, vector<16xf32>
      scf.yield %select_n3A, %select_n3A_2306, %select_n3A_2310, %select_n3A_2314, %select_n3A_2318, %select_n3A_2322, %select_n3A_2326, %select_n3A_2330, %select_n3A_2303, %select_n3A_2307, %select_n3A_2311, %select_n3A_2315, %select_n3A_2319, %select_n3A_2323, %select_n3A_2327, %select_n3A_2331 : vector<16xf32>, vector<16xf32>, vector<16xf32>, vector<16xf32>, vector<16xf32>, vector<16xf32>, vector<16xf32>, vector<16xf32>, vector<16xf32>, vector<16xf32>, vector<16xf32>, vector<16xf32>, vector<16xf32>, vector<16xf32>, vector<16xf32>, vector<16xf32>
    }
    %scan3A_1030 = arith.constant 64 : i32
    %swap3A_1031 = arith.constant 0 : i32
    %swap3A_1032 = arith.index_cast %swap3A_1031 : i32 to index
    %swap3A_1033 = arith.constant 112 : index
    %swap3A_1034 = tpu.vector_load %arg6[%swap3A_1032, %swap3A_1033] {strides = array<i32>} : memref<8x256xf32, #tpu.memory_space<vmem>>, vector<1x16xf32>,
    %swap3A_1035 = vector.shape_cast %swap3A_1034 : vector<1x16xf32> to vector<16xf32>
    %swap3A_1036 = vector.shape_cast %scan3A_1029#0 : vector<16xf32> to vector<1x16xf32>
    tpu.vector_store %arg6[%swap3A_1032, %swap3A_1033], %swap3A_1036 {strides = array<i32>} : memref<8x256xf32, #tpu.memory_space<vmem>>, vector<1x16xf32>,
    %convert_element_type3A_1037 = arith.fptosi %scan3A_1029#8 : vector<16xf32> to vector<16xi32>
    %swap3A_1038 = arith.constant 0 : i32
    %swap3A_1039 = arith.index_cast %swap3A_1038 : i32 to index
    %swap3A_1040 = arith.constant 112 : index
    %swap3A_1041 = tpu.vector_load %arg7[%swap3A_1039, %swap3A_1040] {strides = array<i32>} : memref<8x256xi32, #tpu.memory_space<vmem>>, vector<1x16xi32>,
    %swap3A_1042 = vector.shape_cast %swap3A_1041 : vector<1x16xi32> to vector<16xi32>
    %swap3A_1043 = vector.shape_cast %convert_element_type3A_1037 : vector<16xi32> to vector<1x16xi32>
    tpu.vector_store %arg7[%swap3A_1039, %swap3A_1040], %swap3A_1043 {strides = array<i32>} : memref<8x256xi32, #tpu.memory_space<vmem>>, vector<1x16xi32>,
    %swap3A_1044 = arith.constant 1 : i32
    %swap3A_1045 = arith.index_cast %swap3A_1044 : i32 to index
    %swap3A_1046 = arith.constant 112 : index
    %swap3A_1047 = tpu.vector_load %arg6[%swap3A_1045, %swap3A_1046] {strides = array<i32>} : memref<8x256xf32, #tpu.memory_space<vmem>>, vector<1x16xf32>,
    %swap3A_1048 = vector.shape_cast %swap3A_1047 : vector<1x16xf32> to vector<16xf32>
    %swap3A_1049 = vector.shape_cast %scan3A_1029#1 : vector<16xf32> to vector<1x16xf32>
    tpu.vector_store %arg6[%swap3A_1045, %swap3A_1046], %swap3A_1049 {strides = array<i32>} : memref<8x256xf32, #tpu.memory_space<vmem>>, vector<1x16xf32>,
    %convert_element_type3A_1050 = arith.fptosi %scan3A_1029#9 : vector<16xf32> to vector<16xi32>
    %swap3A_1051 = arith.constant 1 : i32
    %swap3A_1052 = arith.index_cast %swap3A_1051 : i32 to index
    %swap3A_1053 = arith.constant 112 : index
    %swap3A_1054 = tpu.vector_load %arg7[%swap3A_1052, %swap3A_1053] {strides = array<i32>} : memref<8x256xi32, #tpu.memory_space<vmem>>, vector<1x16xi32>,
    %swap3A_1055 = vector.shape_cast %swap3A_1054 : vector<1x16xi32> to vector<16xi32>
    %swap3A_1056 = vector.shape_cast %convert_element_type3A_1050 : vector<16xi32> to vector<1x16xi32>
    tpu.vector_store %arg7[%swap3A_1052, %swap3A_1053], %swap3A_1056 {strides = array<i32>} : memref<8x256xi32, #tpu.memory_space<vmem>>, vector<1x16xi32>,
    %swap3A_1057 = arith.constant 2 : i32
    %swap3A_1058 = arith.index_cast %swap3A_1057 : i32 to index
    %swap3A_1059 = arith.constant 112 : index
    %swap3A_1060 = tpu.vector_load %arg6[%swap3A_1058, %swap3A_1059] {strides = array<i32>} : memref<8x256xf32, #tpu.memory_space<vmem>>, vector<1x16xf32>,
    %swap3A_1061 = vector.shape_cast %swap3A_1060 : vector<1x16xf32> to vector<16xf32>
    %swap3A_1062 = vector.shape_cast %scan3A_1029#2 : vector<16xf32> to vector<1x16xf32>
    tpu.vector_store %arg6[%swap3A_1058, %swap3A_1059], %swap3A_1062 {strides = array<i32>} : memref<8x256xf32, #tpu.memory_space<vmem>>, vector<1x16xf32>,
    %convert_element_type3A_1063 = arith.fptosi %scan3A_1029#10 : vector<16xf32> to vector<16xi32>
    %swap3A_1064 = arith.constant 2 : i32
    %swap3A_1065 = arith.index_cast %swap3A_1064 : i32 to index
    %swap3A_1066 = arith.constant 112 : index
    %swap3A_1067 = tpu.vector_load %arg7[%swap3A_1065, %swap3A_1066] {strides = array<i32>} : memref<8x256xi32, #tpu.memory_space<vmem>>, vector<1x16xi32>,
    %swap3A_1068 = vector.shape_cast %swap3A_1067 : vector<1x16xi32> to vector<16xi32>
    %swap3A_1069 = vector.shape_cast %convert_element_type3A_1063 : vector<16xi32> to vector<1x16xi32>
    tpu.vector_store %arg7[%swap3A_1065, %swap3A_1066], %swap3A_1069 {strides = array<i32>} : memref<8x256xi32, #tpu.memory_space<vmem>>, vector<1x16xi32>,
    %swap3A_1070 = arith.constant 3 : i32
    %swap3A_1071 = arith.index_cast %swap3A_1070 : i32 to index
    %swap3A_1072 = arith.constant 112 : index
    %swap3A_1073 = tpu.vector_load %arg6[%swap3A_1071, %swap3A_1072] {strides = array<i32>} : memref<8x256xf32, #tpu.memory_space<vmem>>, vector<1x16xf32>,
    %swap3A_1074 = vector.shape_cast %swap3A_1073 : vector<1x16xf32> to vector<16xf32>
    %swap3A_1075 = vector.shape_cast %scan3A_1029#3 : vector<16xf32> to vector<1x16xf32>
    tpu.vector_store %arg6[%swap3A_1071, %swap3A_1072], %swap3A_1075 {strides = array<i32>} : memref<8x256xf32, #tpu.memory_space<vmem>>, vector<1x16xf32>,
    %convert_element_type3A_1076 = arith.fptosi %scan3A_1029#11 : vector<16xf32> to vector<16xi32>
    %swap3A_1077 = arith.constant 3 : i32
    %swap3A_1078 = arith.index_cast %swap3A_1077 : i32 to index
    %swap3A_1079 = arith.constant 112 : index
    %swap3A_1080 = tpu.vector_load %arg7[%swap3A_1078, %swap3A_1079] {strides = array<i32>} : memref<8x256xi32, #tpu.memory_space<vmem>>, vector<1x16xi32>,
    %swap3A_1081 = vector.shape_cast %swap3A_1080 : vector<1x16xi32> to vector<16xi32>
    %swap3A_1082 = vector.shape_cast %convert_element_type3A_1076 : vector<16xi32> to vector<1x16xi32>
    tpu.vector_store %arg7[%swap3A_1078, %swap3A_1079], %swap3A_1082 {strides = array<i32>} : memref<8x256xi32, #tpu.memory_space<vmem>>, vector<1x16xi32>,
    %swap3A_1083 = arith.constant 4 : i32
    %swap3A_1084 = arith.index_cast %swap3A_1083 : i32 to index
    %swap3A_1085 = arith.constant 112 : index
    %swap3A_1086 = tpu.vector_load %arg6[%swap3A_1084, %swap3A_1085] {strides = array<i32>} : memref<8x256xf32, #tpu.memory_space<vmem>>, vector<1x16xf32>,
    %swap3A_1087 = vector.shape_cast %swap3A_1086 : vector<1x16xf32> to vector<16xf32>
    %swap3A_1088 = vector.shape_cast %scan3A_1029#4 : vector<16xf32> to vector<1x16xf32>
    tpu.vector_store %arg6[%swap3A_1084, %swap3A_1085], %swap3A_1088 {strides = array<i32>} : memref<8x256xf32, #tpu.memory_space<vmem>>, vector<1x16xf32>,
    %convert_element_type3A_1089 = arith.fptosi %scan3A_1029#12 : vector<16xf32> to vector<16xi32>
    %swap3A_1090 = arith.constant 4 : i32
    %swap3A_1091 = arith.index_cast %swap3A_1090 : i32 to index
    %swap3A_1092 = arith.constant 112 : index
    %swap3A_1093 = tpu.vector_load %arg7[%swap3A_1091, %swap3A_1092] {strides = array<i32>} : memref<8x256xi32, #tpu.memory_space<vmem>>, vector<1x16xi32>,
    %swap3A_1094 = vector.shape_cast %swap3A_1093 : vector<1x16xi32> to vector<16xi32>
    %swap3A_1095 = vector.shape_cast %convert_element_type3A_1089 : vector<16xi32> to vector<1x16xi32>
    tpu.vector_store %arg7[%swap3A_1091, %swap3A_1092], %swap3A_1095 {strides = array<i32>} : memref<8x256xi32, #tpu.memory_space<vmem>>, vector<1x16xi32>,
    %swap3A_1096 = arith.constant 5 : i32
    %swap3A_1097 = arith.index_cast %swap3A_1096 : i32 to index
    %swap3A_1098 = arith.constant 112 : index
    %swap3A_1099 = tpu.vector_load %arg6[%swap3A_1097, %swap3A_1098] {strides = array<i32>} : memref<8x256xf32, #tpu.memory_space<vmem>>, vector<1x16xf32>,
    %swap3A_1100 = vector.shape_cast %swap3A_1099 : vector<1x16xf32> to vector<16xf32>
    %swap3A_1101 = vector.shape_cast %scan3A_1029#5 : vector<16xf32> to vector<1x16xf32>
    tpu.vector_store %arg6[%swap3A_1097, %swap3A_1098], %swap3A_1101 {strides = array<i32>} : memref<8x256xf32, #tpu.memory_space<vmem>>, vector<1x16xf32>,
    %convert_element_type3A_1102 = arith.fptosi %scan3A_1029#13 : vector<16xf32> to vector<16xi32>
    %swap3A_1103 = arith.constant 5 : i32
    %swap3A_1104 = arith.index_cast %swap3A_1103 : i32 to index
    %swap3A_1105 = arith.constant 112 : index
    %swap3A_1106 = tpu.vector_load %arg7[%swap3A_1104, %swap3A_1105] {strides = array<i32>} : memref<8x256xi32, #tpu.memory_space<vmem>>, vector<1x16xi32>,
    %swap3A_1107 = vector.shape_cast %swap3A_1106 : vector<1x16xi32> to vector<16xi32>
    %swap3A_1108 = vector.shape_cast %convert_element_type3A_1102 : vector<16xi32> to vector<1x16xi32>
    tpu.vector_store %arg7[%swap3A_1104, %swap3A_1105], %swap3A_1108 {strides = array<i32>} : memref<8x256xi32, #tpu.memory_space<vmem>>, vector<1x16xi32>,
    %swap3A_1109 = arith.constant 6 : i32
    %swap3A_1110 = arith.index_cast %swap3A_1109 : i32 to index
    %swap3A_1111 = arith.constant 112 : index
    %swap3A_1112 = tpu.vector_load %arg6[%swap3A_1110, %swap3A_1111] {strides = array<i32>} : memref<8x256xf32, #tpu.memory_space<vmem>>, vector<1x16xf32>,
    %swap3A_1113 = vector.shape_cast %swap3A_1112 : vector<1x16xf32> to vector<16xf32>
    %swap3A_1114 = vector.shape_cast %scan3A_1029#6 : vector<16xf32> to vector<1x16xf32>
    tpu.vector_store %arg6[%swap3A_1110, %swap3A_1111], %swap3A_1114 {strides = array<i32>} : memref<8x256xf32, #tpu.memory_space<vmem>>, vector<1x16xf32>,
    %convert_element_type3A_1115 = arith.fptosi %scan3A_1029#14 : vector<16xf32> to vector<16xi32>
    %swap3A_1116 = arith.constant 6 : i32
    %swap3A_1117 = arith.index_cast %swap3A_1116 : i32 to index
    %swap3A_1118 = arith.constant 112 : index
    %swap3A_1119 = tpu.vector_load %arg7[%swap3A_1117, %swap3A_1118] {strides = array<i32>} : memref<8x256xi32, #tpu.memory_space<vmem>>, vector<1x16xi32>,
    %swap3A_1120 = vector.shape_cast %swap3A_1119 : vector<1x16xi32> to vector<16xi32>
    %swap3A_1121 = vector.shape_cast %convert_element_type3A_1115 : vector<16xi32> to vector<1x16xi32>
    tpu.vector_store %arg7[%swap3A_1117, %swap3A_1118], %swap3A_1121 {strides = array<i32>} : memref<8x256xi32, #tpu.memory_space<vmem>>, vector<1x16xi32>,
    %swap3A_1122 = arith.constant 7 : i32
    %swap3A_1123 = arith.index_cast %swap3A_1122 : i32 to index
    %swap3A_1124 = arith.constant 112 : index
    %swap3A_1125 = tpu.vector_load %arg6[%swap3A_1123, %swap3A_1124] {strides = array<i32>} : memref<8x256xf32, #tpu.memory_space<vmem>>, vector<1x16xf32>,
    %swap3A_1126 = vector.shape_cast %swap3A_1125 : vector<1x16xf32> to vector<16xf32>
    %swap3A_1127 = vector.shape_cast %scan3A_1029#7 : vector<16xf32> to vector<1x16xf32>
    tpu.vector_store %arg6[%swap3A_1123, %swap3A_1124], %swap3A_1127 {strides = array<i32>} : memref<8x256xf32, #tpu.memory_space<vmem>>, vector<1x16xf32>,
    %convert_element_type3A_1128 = arith.fptosi %scan3A_1029#15 : vector<16xf32> to vector<16xi32>
    %swap3A_1129 = arith.constant 7 : i32
    %swap3A_1130 = arith.index_cast %swap3A_1129 : i32 to index
    %swap3A_1131 = arith.constant 112 : index
    %swap3A_1132 = tpu.vector_load %arg7[%swap3A_1130, %swap3A_1131] {strides = array<i32>} : memref<8x256xi32, #tpu.memory_space<vmem>>, vector<1x16xi32>,
    %swap3A_1133 = vector.shape_cast %swap3A_1132 : vector<1x16xi32> to vector<16xi32>
    %swap3A_1134 = vector.shape_cast %convert_element_type3A_1128 : vector<16xi32> to vector<1x16xi32>
    tpu.vector_store %arg7[%swap3A_1130, %swap3A_1131], %swap3A_1134 {strides = array<i32>} : memref<8x256xi32, #tpu.memory_space<vmem>>, vector<1x16xi32>,
    %broadcast_in_dim3A_1135 = arith.constant -1.000000e+00 : f32
    %broadcast_in_dim3A_1136 = vector.broadcast %broadcast_in_dim3A_1135 : f32 to vector<16xf32>
    %broadcast_in_dim3A_1137 = arith.constant -1.000000e+00 : f32
    %broadcast_in_dim3A_1138 = vector.broadcast %broadcast_in_dim3A_1137 : f32 to vector<16xf32>
    %broadcast_in_dim3A_1139 = arith.constant -1.000000e+00 : f32
    %broadcast_in_dim3A_1140 = vector.broadcast %broadcast_in_dim3A_1139 : f32 to vector<16xf32>
    %broadcast_in_dim3A_1141 = arith.constant -1.000000e+00 : f32
    %broadcast_in_dim3A_1142 = vector.broadcast %broadcast_in_dim3A_1141 : f32 to vector<16xf32>
    %broadcast_in_dim3A_1143 = arith.constant -1.000000e+00 : f32
    %broadcast_in_dim3A_1144 = vector.broadcast %broadcast_in_dim3A_1143 : f32 to vector<16xf32>
    %broadcast_in_dim3A_1145 = arith.constant -1.000000e+00 : f32
    %broadcast_in_dim3A_1146 = vector.broadcast %broadcast_in_dim3A_1145 : f32 to vector<16xf32>
    %broadcast_in_dim3A_1147 = arith.constant -1.000000e+00 : f32
    %broadcast_in_dim3A_1148 = vector.broadcast %broadcast_in_dim3A_1147 : f32 to vector<16xf32>
    %broadcast_in_dim3A_1149 = arith.constant -1.000000e+00 : f32
    %broadcast_in_dim3A_1150 = vector.broadcast %broadcast_in_dim3A_1149 : f32 to vector<16xf32>
    %broadcast_in_dim3A_1151 = arith.constant 0.000000e+00 : f32
    %broadcast_in_dim3A_1152 = vector.broadcast %broadcast_in_dim3A_1151 : f32 to vector<16xf32>
    %broadcast_in_dim3A_1153 = arith.constant 0.000000e+00 : f32
    %broadcast_in_dim3A_1154 = vector.broadcast %broadcast_in_dim3A_1153 : f32 to vector<16xf32>
    %broadcast_in_dim3A_1155 = arith.constant 0.000000e+00 : f32
    %broadcast_in_dim3A_1156 = vector.broadcast %broadcast_in_dim3A_1155 : f32 to vector<16xf32>
    %broadcast_in_dim3A_1157 = arith.constant 0.000000e+00 : f32
    %broadcast_in_dim3A_1158 = vector.broadcast %broadcast_in_dim3A_1157 : f32 to vector<16xf32>
    %broadcast_in_dim3A_1159 = arith.constant 0.000000e+00 : f32
    %broadcast_in_dim3A_1160 = vector.broadcast %broadcast_in_dim3A_1159 : f32 to vector<16xf32>
    %broadcast_in_dim3A_1161 = arith.constant 0.000000e+00 : f32
    %broadcast_in_dim3A_1162 = vector.broadcast %broadcast_in_dim3A_1161 : f32 to vector<16xf32>
    %broadcast_in_dim3A_1163 = arith.constant 0.000000e+00 : f32
    %broadcast_in_dim3A_1164 = vector.broadcast %broadcast_in_dim3A_1163 : f32 to vector<16xf32>
    %broadcast_in_dim3A_1165 = arith.constant 0.000000e+00 : f32
    %broadcast_in_dim3A_1166 = vector.broadcast %broadcast_in_dim3A_1165 : f32 to vector<16xf32>
    %scan3A_1167 = arith.constant 0 : i32
    %scan3A_1168 = arith.constant 64 : i32
    %scan3A_1169 = arith.addi %scan3A_1167, %scan3A_1168 : i32
    %scan3A_1170 = arith.constant 1 : i32
    %scan3A_1171:16 = scf.for %scan3A_2271 = %scan3A_1167 to %scan3A_1169 step %scan3A_1170 iter_args(%scan3A_2272 = %broadcast_in_dim3A_1136, %scan3A_2273 = %broadcast_in_dim3A_1138, %scan3A_2274 = %broadcast_in_dim3A_1140, %scan3A_2275 = %broadcast_in_dim3A_1142, %scan3A_2276 = %broadcast_in_dim3A_1144, %scan3A_2277 = %broadcast_in_dim3A_1146, %scan3A_2278 = %broadcast_in_dim3A_1148, %scan3A_2279 = %broadcast_in_dim3A_1150, %scan3A_2280 = %broadcast_in_dim3A_1152, %scan3A_2281 = %broadcast_in_dim3A_1154, %scan3A_2282 = %broadcast_in_dim3A_1156, %scan3A_2283 = %broadcast_in_dim3A_1158, %scan3A_2284 = %broadcast_in_dim3A_1160, %scan3A_2285 = %broadcast_in_dim3A_1162, %scan3A_2286 = %broadcast_in_dim3A_1164, %scan3A_2287 = %broadcast_in_dim3A_1166) -> (vector<16xf32>, vector<16xf32>, vector<16xf32>, vector<16xf32>, vector<16xf32>, vector<16xf32>, vector<16xf32>, vector<16xf32>, vector<16xf32>, vector<16xf32>, vector<16xf32>, vector<16xf32>, vector<16xf32>, vector<16xf32>, vector<16xf32>, vector<16xf32>)  : i32 {
      %get3A = arith.index_cast %scan3A_2271 : i32 to index
      %get3A_2288 = arith.constant 128 : index
      %get3A_2289 = tpu.vector_load %arg5[%get3A, %get3A_2288] {strides = array<i32>} : memref<64x256xf32, #tpu.memory_space<vmem>>, vector<1x16xf32>,
      %get3A_2290 = vector.shape_cast %get3A_2289 : vector<1x16xf32> to vector<16xf32>
      %broadcast_in_dim3A_2291 = arith.constant 1.000000e+00 : f32
      %broadcast_in_dim3A_2292 = vector.broadcast %broadcast_in_dim3A_2291 : f32 to vector<16xf32>
      %convert_element_type3A_2293 = arith.sitofp %scan3A_2271 : i32 to f32
      %mul3A_2294 = vector.broadcast %convert_element_type3A_2293 : f32 to vector<16xf32>
      %mul3A_2295 = arith.mulf %broadcast_in_dim3A_2292, %mul3A_2294 : vector<16xf32>
      %gt3A = arith.cmpf ogt, %get3A_2290, %scan3A_2272 : vector<16xf32>
      %gt3A_2296 = arith.cmpf ogt, %get3A_2290, %scan3A_2273 : vector<16xf32>
      %gt3A_2297 = arith.cmpf ogt, %get3A_2290, %scan3A_2274 : vector<16xf32>
      %gt3A_2298 = arith.cmpf ogt, %get3A_2290, %scan3A_2275 : vector<16xf32>
      %gt3A_2299 = arith.cmpf ogt, %get3A_2290, %scan3A_2276 : vector<16xf32>
      %gt3A_2300 = arith.cmpf ogt, %get3A_2290, %scan3A_2277 : vector<16xf32>
      %gt3A_2301 = arith.cmpf ogt, %get3A_2290, %scan3A_2278 : vector<16xf32>
      %gt3A_2302 = arith.cmpf ogt, %get3A_2290, %scan3A_2279 : vector<16xf32>
      %select_n3A = arith.select %gt3A, %get3A_2290, %scan3A_2272 : vector<16xi1>, vector<16xf32>
      %select_n3A_2303 = arith.select %gt3A, %mul3A_2295, %scan3A_2280 : vector<16xi1>, vector<16xf32>
      %select_n3A_2304 = arith.select %gt3A, %scan3A_2272, %get3A_2290 : vector<16xi1>, vector<16xf32>
      %select_n3A_2305 = arith.select %gt3A, %scan3A_2280, %mul3A_2295 : vector<16xi1>, vector<16xf32>
      %select_n3A_2306 = arith.select %gt3A_2296, %select_n3A_2304, %scan3A_2273 : vector<16xi1>, vector<16xf32>
      %select_n3A_2307 = arith.select %gt3A_2296, %select_n3A_2305, %scan3A_2281 : vector<16xi1>, vector<16xf32>
      %select_n3A_2308 = arith.select %gt3A_2296, %scan3A_2273, %get3A_2290 : vector<16xi1>, vector<16xf32>
      %select_n3A_2309 = arith.select %gt3A_2296, %scan3A_2281, %mul3A_2295 : vector<16xi1>, vector<16xf32>
      %select_n3A_2310 = arith.select %gt3A_2297, %select_n3A_2308, %scan3A_2274 : vector<16xi1>, vector<16xf32>
      %select_n3A_2311 = arith.select %gt3A_2297, %select_n3A_2309, %scan3A_2282 : vector<16xi1>, vector<16xf32>
      %select_n3A_2312 = arith.select %gt3A_2297, %scan3A_2274, %get3A_2290 : vector<16xi1>, vector<16xf32>
      %select_n3A_2313 = arith.select %gt3A_2297, %scan3A_2282, %mul3A_2295 : vector<16xi1>, vector<16xf32>
      %select_n3A_2314 = arith.select %gt3A_2298, %select_n3A_2312, %scan3A_2275 : vector<16xi1>, vector<16xf32>
      %select_n3A_2315 = arith.select %gt3A_2298, %select_n3A_2313, %scan3A_2283 : vector<16xi1>, vector<16xf32>
      %select_n3A_2316 = arith.select %gt3A_2298, %scan3A_2275, %get3A_2290 : vector<16xi1>, vector<16xf32>
      %select_n3A_2317 = arith.select %gt3A_2298, %scan3A_2283, %mul3A_2295 : vector<16xi1>, vector<16xf32>
      %select_n3A_2318 = arith.select %gt3A_2299, %select_n3A_2316, %scan3A_2276 : vector<16xi1>, vector<16xf32>
      %select_n3A_2319 = arith.select %gt3A_2299, %select_n3A_2317, %scan3A_2284 : vector<16xi1>, vector<16xf32>
      %select_n3A_2320 = arith.select %gt3A_2299, %scan3A_2276, %get3A_2290 : vector<16xi1>, vector<16xf32>
      %select_n3A_2321 = arith.select %gt3A_2299, %scan3A_2284, %mul3A_2295 : vector<16xi1>, vector<16xf32>
      %select_n3A_2322 = arith.select %gt3A_2300, %select_n3A_2320, %scan3A_2277 : vector<16xi1>, vector<16xf32>
      %select_n3A_2323 = arith.select %gt3A_2300, %select_n3A_2321, %scan3A_2285 : vector<16xi1>, vector<16xf32>
      %select_n3A_2324 = arith.select %gt3A_2300, %scan3A_2277, %get3A_2290 : vector<16xi1>, vector<16xf32>
      %select_n3A_2325 = arith.select %gt3A_2300, %scan3A_2285, %mul3A_2295 : vector<16xi1>, vector<16xf32>
      %select_n3A_2326 = arith.select %gt3A_2301, %select_n3A_2324, %scan3A_2278 : vector<16xi1>, vector<16xf32>
      %select_n3A_2327 = arith.select %gt3A_2301, %select_n3A_2325, %scan3A_2286 : vector<16xi1>, vector<16xf32>
      %select_n3A_2328 = arith.select %gt3A_2301, %scan3A_2278, %get3A_2290 : vector<16xi1>, vector<16xf32>
      %select_n3A_2329 = arith.select %gt3A_2301, %scan3A_2286, %mul3A_2295 : vector<16xi1>, vector<16xf32>
      %select_n3A_2330 = arith.select %gt3A_2302, %select_n3A_2328, %scan3A_2279 : vector<16xi1>, vector<16xf32>
      %select_n3A_2331 = arith.select %gt3A_2302, %select_n3A_2329, %scan3A_2287 : vector<16xi1>, vector<16xf32>
      scf.yield %select_n3A, %select_n3A_2306, %select_n3A_2310, %select_n3A_2314, %select_n3A_2318, %select_n3A_2322, %select_n3A_2326, %select_n3A_2330, %select_n3A_2303, %select_n3A_2307, %select_n3A_2311, %select_n3A_2315, %select_n3A_2319, %select_n3A_2323, %select_n3A_2327, %select_n3A_2331 : vector<16xf32>, vector<16xf32>, vector<16xf32>, vector<16xf32>, vector<16xf32>, vector<16xf32>, vector<16xf32>, vector<16xf32>, vector<16xf32>, vector<16xf32>, vector<16xf32>, vector<16xf32>, vector<16xf32>, vector<16xf32>, vector<16xf32>, vector<16xf32>
    }
    %scan3A_1172 = arith.constant 64 : i32
    %swap3A_1173 = arith.constant 0 : i32
    %swap3A_1174 = arith.index_cast %swap3A_1173 : i32 to index
    %swap3A_1175 = arith.constant 128 : index
    %swap3A_1176 = tpu.vector_load %arg6[%swap3A_1174, %swap3A_1175] {strides = array<i32>} : memref<8x256xf32, #tpu.memory_space<vmem>>, vector<1x16xf32>,
    %swap3A_1177 = vector.shape_cast %swap3A_1176 : vector<1x16xf32> to vector<16xf32>
    %swap3A_1178 = vector.shape_cast %scan3A_1171#0 : vector<16xf32> to vector<1x16xf32>
    tpu.vector_store %arg6[%swap3A_1174, %swap3A_1175], %swap3A_1178 {strides = array<i32>} : memref<8x256xf32, #tpu.memory_space<vmem>>, vector<1x16xf32>,
    %convert_element_type3A_1179 = arith.fptosi %scan3A_1171#8 : vector<16xf32> to vector<16xi32>
    %swap3A_1180 = arith.constant 0 : i32
    %swap3A_1181 = arith.index_cast %swap3A_1180 : i32 to index
    %swap3A_1182 = arith.constant 128 : index
    %swap3A_1183 = tpu.vector_load %arg7[%swap3A_1181, %swap3A_1182] {strides = array<i32>} : memref<8x256xi32, #tpu.memory_space<vmem>>, vector<1x16xi32>,
    %swap3A_1184 = vector.shape_cast %swap3A_1183 : vector<1x16xi32> to vector<16xi32>
    %swap3A_1185 = vector.shape_cast %convert_element_type3A_1179 : vector<16xi32> to vector<1x16xi32>
    tpu.vector_store %arg7[%swap3A_1181, %swap3A_1182], %swap3A_1185 {strides = array<i32>} : memref<8x256xi32, #tpu.memory_space<vmem>>, vector<1x16xi32>,
    %swap3A_1186 = arith.constant 1 : i32
    %swap3A_1187 = arith.index_cast %swap3A_1186 : i32 to index
    %swap3A_1188 = arith.constant 128 : index
    %swap3A_1189 = tpu.vector_load %arg6[%swap3A_1187, %swap3A_1188] {strides = array<i32>} : memref<8x256xf32, #tpu.memory_space<vmem>>, vector<1x16xf32>,
    %swap3A_1190 = vector.shape_cast %swap3A_1189 : vector<1x16xf32> to vector<16xf32>
    %swap3A_1191 = vector.shape_cast %scan3A_1171#1 : vector<16xf32> to vector<1x16xf32>
    tpu.vector_store %arg6[%swap3A_1187, %swap3A_1188], %swap3A_1191 {strides = array<i32>} : memref<8x256xf32, #tpu.memory_space<vmem>>, vector<1x16xf32>,
    %convert_element_type3A_1192 = arith.fptosi %scan3A_1171#9 : vector<16xf32> to vector<16xi32>
    %swap3A_1193 = arith.constant 1 : i32
    %swap3A_1194 = arith.index_cast %swap3A_1193 : i32 to index
    %swap3A_1195 = arith.constant 128 : index
    %swap3A_1196 = tpu.vector_load %arg7[%swap3A_1194, %swap3A_1195] {strides = array<i32>} : memref<8x256xi32, #tpu.memory_space<vmem>>, vector<1x16xi32>,
    %swap3A_1197 = vector.shape_cast %swap3A_1196 : vector<1x16xi32> to vector<16xi32>
    %swap3A_1198 = vector.shape_cast %convert_element_type3A_1192 : vector<16xi32> to vector<1x16xi32>
    tpu.vector_store %arg7[%swap3A_1194, %swap3A_1195], %swap3A_1198 {strides = array<i32>} : memref<8x256xi32, #tpu.memory_space<vmem>>, vector<1x16xi32>,
    %swap3A_1199 = arith.constant 2 : i32
    %swap3A_1200 = arith.index_cast %swap3A_1199 : i32 to index
    %swap3A_1201 = arith.constant 128 : index
    %swap3A_1202 = tpu.vector_load %arg6[%swap3A_1200, %swap3A_1201] {strides = array<i32>} : memref<8x256xf32, #tpu.memory_space<vmem>>, vector<1x16xf32>,
    %swap3A_1203 = vector.shape_cast %swap3A_1202 : vector<1x16xf32> to vector<16xf32>
    %swap3A_1204 = vector.shape_cast %scan3A_1171#2 : vector<16xf32> to vector<1x16xf32>
    tpu.vector_store %arg6[%swap3A_1200, %swap3A_1201], %swap3A_1204 {strides = array<i32>} : memref<8x256xf32, #tpu.memory_space<vmem>>, vector<1x16xf32>,
    %convert_element_type3A_1205 = arith.fptosi %scan3A_1171#10 : vector<16xf32> to vector<16xi32>
    %swap3A_1206 = arith.constant 2 : i32
    %swap3A_1207 = arith.index_cast %swap3A_1206 : i32 to index
    %swap3A_1208 = arith.constant 128 : index
    %swap3A_1209 = tpu.vector_load %arg7[%swap3A_1207, %swap3A_1208] {strides = array<i32>} : memref<8x256xi32, #tpu.memory_space<vmem>>, vector<1x16xi32>,
    %swap3A_1210 = vector.shape_cast %swap3A_1209 : vector<1x16xi32> to vector<16xi32>
    %swap3A_1211 = vector.shape_cast %convert_element_type3A_1205 : vector<16xi32> to vector<1x16xi32>
    tpu.vector_store %arg7[%swap3A_1207, %swap3A_1208], %swap3A_1211 {strides = array<i32>} : memref<8x256xi32, #tpu.memory_space<vmem>>, vector<1x16xi32>,
    %swap3A_1212 = arith.constant 3 : i32
    %swap3A_1213 = arith.index_cast %swap3A_1212 : i32 to index
    %swap3A_1214 = arith.constant 128 : index
    %swap3A_1215 = tpu.vector_load %arg6[%swap3A_1213, %swap3A_1214] {strides = array<i32>} : memref<8x256xf32, #tpu.memory_space<vmem>>, vector<1x16xf32>,
    %swap3A_1216 = vector.shape_cast %swap3A_1215 : vector<1x16xf32> to vector<16xf32>
    %swap3A_1217 = vector.shape_cast %scan3A_1171#3 : vector<16xf32> to vector<1x16xf32>
    tpu.vector_store %arg6[%swap3A_1213, %swap3A_1214], %swap3A_1217 {strides = array<i32>} : memref<8x256xf32, #tpu.memory_space<vmem>>, vector<1x16xf32>,
    %convert_element_type3A_1218 = arith.fptosi %scan3A_1171#11 : vector<16xf32> to vector<16xi32>
    %swap3A_1219 = arith.constant 3 : i32
    %swap3A_1220 = arith.index_cast %swap3A_1219 : i32 to index
    %swap3A_1221 = arith.constant 128 : index
    %swap3A_1222 = tpu.vector_load %arg7[%swap3A_1220, %swap3A_1221] {strides = array<i32>} : memref<8x256xi32, #tpu.memory_space<vmem>>, vector<1x16xi32>,
    %swap3A_1223 = vector.shape_cast %swap3A_1222 : vector<1x16xi32> to vector<16xi32>
    %swap3A_1224 = vector.shape_cast %convert_element_type3A_1218 : vector<16xi32> to vector<1x16xi32>
    tpu.vector_store %arg7[%swap3A_1220, %swap3A_1221], %swap3A_1224 {strides = array<i32>} : memref<8x256xi32, #tpu.memory_space<vmem>>, vector<1x16xi32>,
    %swap3A_1225 = arith.constant 4 : i32
    %swap3A_1226 = arith.index_cast %swap3A_1225 : i32 to index
    %swap3A_1227 = arith.constant 128 : index
    %swap3A_1228 = tpu.vector_load %arg6[%swap3A_1226, %swap3A_1227] {strides = array<i32>} : memref<8x256xf32, #tpu.memory_space<vmem>>, vector<1x16xf32>,
    %swap3A_1229 = vector.shape_cast %swap3A_1228 : vector<1x16xf32> to vector<16xf32>
    %swap3A_1230 = vector.shape_cast %scan3A_1171#4 : vector<16xf32> to vector<1x16xf32>
    tpu.vector_store %arg6[%swap3A_1226, %swap3A_1227], %swap3A_1230 {strides = array<i32>} : memref<8x256xf32, #tpu.memory_space<vmem>>, vector<1x16xf32>,
    %convert_element_type3A_1231 = arith.fptosi %scan3A_1171#12 : vector<16xf32> to vector<16xi32>
    %swap3A_1232 = arith.constant 4 : i32
    %swap3A_1233 = arith.index_cast %swap3A_1232 : i32 to index
    %swap3A_1234 = arith.constant 128 : index
    %swap3A_1235 = tpu.vector_load %arg7[%swap3A_1233, %swap3A_1234] {strides = array<i32>} : memref<8x256xi32, #tpu.memory_space<vmem>>, vector<1x16xi32>,
    %swap3A_1236 = vector.shape_cast %swap3A_1235 : vector<1x16xi32> to vector<16xi32>
    %swap3A_1237 = vector.shape_cast %convert_element_type3A_1231 : vector<16xi32> to vector<1x16xi32>
    tpu.vector_store %arg7[%swap3A_1233, %swap3A_1234], %swap3A_1237 {strides = array<i32>} : memref<8x256xi32, #tpu.memory_space<vmem>>, vector<1x16xi32>,
    %swap3A_1238 = arith.constant 5 : i32
    %swap3A_1239 = arith.index_cast %swap3A_1238 : i32 to index
    %swap3A_1240 = arith.constant 128 : index
    %swap3A_1241 = tpu.vector_load %arg6[%swap3A_1239, %swap3A_1240] {strides = array<i32>} : memref<8x256xf32, #tpu.memory_space<vmem>>, vector<1x16xf32>,
    %swap3A_1242 = vector.shape_cast %swap3A_1241 : vector<1x16xf32> to vector<16xf32>
    %swap3A_1243 = vector.shape_cast %scan3A_1171#5 : vector<16xf32> to vector<1x16xf32>
    tpu.vector_store %arg6[%swap3A_1239, %swap3A_1240], %swap3A_1243 {strides = array<i32>} : memref<8x256xf32, #tpu.memory_space<vmem>>, vector<1x16xf32>,
    %convert_element_type3A_1244 = arith.fptosi %scan3A_1171#13 : vector<16xf32> to vector<16xi32>
    %swap3A_1245 = arith.constant 5 : i32
    %swap3A_1246 = arith.index_cast %swap3A_1245 : i32 to index
    %swap3A_1247 = arith.constant 128 : index
    %swap3A_1248 = tpu.vector_load %arg7[%swap3A_1246, %swap3A_1247] {strides = array<i32>} : memref<8x256xi32, #tpu.memory_space<vmem>>, vector<1x16xi32>,
    %swap3A_1249 = vector.shape_cast %swap3A_1248 : vector<1x16xi32> to vector<16xi32>
    %swap3A_1250 = vector.shape_cast %convert_element_type3A_1244 : vector<16xi32> to vector<1x16xi32>
    tpu.vector_store %arg7[%swap3A_1246, %swap3A_1247], %swap3A_1250 {strides = array<i32>} : memref<8x256xi32, #tpu.memory_space<vmem>>, vector<1x16xi32>,
    %swap3A_1251 = arith.constant 6 : i32
    %swap3A_1252 = arith.index_cast %swap3A_1251 : i32 to index
    %swap3A_1253 = arith.constant 128 : index
    %swap3A_1254 = tpu.vector_load %arg6[%swap3A_1252, %swap3A_1253] {strides = array<i32>} : memref<8x256xf32, #tpu.memory_space<vmem>>, vector<1x16xf32>,
    %swap3A_1255 = vector.shape_cast %swap3A_1254 : vector<1x16xf32> to vector<16xf32>
    %swap3A_1256 = vector.shape_cast %scan3A_1171#6 : vector<16xf32> to vector<1x16xf32>
    tpu.vector_store %arg6[%swap3A_1252, %swap3A_1253], %swap3A_1256 {strides = array<i32>} : memref<8x256xf32, #tpu.memory_space<vmem>>, vector<1x16xf32>,
    %convert_element_type3A_1257 = arith.fptosi %scan3A_1171#14 : vector<16xf32> to vector<16xi32>
    %swap3A_1258 = arith.constant 6 : i32
    %swap3A_1259 = arith.index_cast %swap3A_1258 : i32 to index
    %swap3A_1260 = arith.constant 128 : index
    %swap3A_1261 = tpu.vector_load %arg7[%swap3A_1259, %swap3A_1260] {strides = array<i32>} : memref<8x256xi32, #tpu.memory_space<vmem>>, vector<1x16xi32>,
    %swap3A_1262 = vector.shape_cast %swap3A_1261 : vector<1x16xi32> to vector<16xi32>
    %swap3A_1263 = vector.shape_cast %convert_element_type3A_1257 : vector<16xi32> to vector<1x16xi32>
    tpu.vector_store %arg7[%swap3A_1259, %swap3A_1260], %swap3A_1263 {strides = array<i32>} : memref<8x256xi32, #tpu.memory_space<vmem>>, vector<1x16xi32>,
    %swap3A_1264 = arith.constant 7 : i32
    %swap3A_1265 = arith.index_cast %swap3A_1264 : i32 to index
    %swap3A_1266 = arith.constant 128 : index
    %swap3A_1267 = tpu.vector_load %arg6[%swap3A_1265, %swap3A_1266] {strides = array<i32>} : memref<8x256xf32, #tpu.memory_space<vmem>>, vector<1x16xf32>,
    %swap3A_1268 = vector.shape_cast %swap3A_1267 : vector<1x16xf32> to vector<16xf32>
    %swap3A_1269 = vector.shape_cast %scan3A_1171#7 : vector<16xf32> to vector<1x16xf32>
    tpu.vector_store %arg6[%swap3A_1265, %swap3A_1266], %swap3A_1269 {strides = array<i32>} : memref<8x256xf32, #tpu.memory_space<vmem>>, vector<1x16xf32>,
    %convert_element_type3A_1270 = arith.fptosi %scan3A_1171#15 : vector<16xf32> to vector<16xi32>
    %swap3A_1271 = arith.constant 7 : i32
    %swap3A_1272 = arith.index_cast %swap3A_1271 : i32 to index
    %swap3A_1273 = arith.constant 128 : index
    %swap3A_1274 = tpu.vector_load %arg7[%swap3A_1272, %swap3A_1273] {strides = array<i32>} : memref<8x256xi32, #tpu.memory_space<vmem>>, vector<1x16xi32>,
    %swap3A_1275 = vector.shape_cast %swap3A_1274 : vector<1x16xi32> to vector<16xi32>
    %swap3A_1276 = vector.shape_cast %convert_element_type3A_1270 : vector<16xi32> to vector<1x16xi32>
    tpu.vector_store %arg7[%swap3A_1272, %swap3A_1273], %swap3A_1276 {strides = array<i32>} : memref<8x256xi32, #tpu.memory_space<vmem>>, vector<1x16xi32>,
    %broadcast_in_dim3A_1277 = arith.constant -1.000000e+00 : f32
    %broadcast_in_dim3A_1278 = vector.broadcast %broadcast_in_dim3A_1277 : f32 to vector<16xf32>
    %broadcast_in_dim3A_1279 = arith.constant -1.000000e+00 : f32
    %broadcast_in_dim3A_1280 = vector.broadcast %broadcast_in_dim3A_1279 : f32 to vector<16xf32>
    %broadcast_in_dim3A_1281 = arith.constant -1.000000e+00 : f32
    %broadcast_in_dim3A_1282 = vector.broadcast %broadcast_in_dim3A_1281 : f32 to vector<16xf32>
    %broadcast_in_dim3A_1283 = arith.constant -1.000000e+00 : f32
    %broadcast_in_dim3A_1284 = vector.broadcast %broadcast_in_dim3A_1283 : f32 to vector<16xf32>
    %broadcast_in_dim3A_1285 = arith.constant -1.000000e+00 : f32
    %broadcast_in_dim3A_1286 = vector.broadcast %broadcast_in_dim3A_1285 : f32 to vector<16xf32>
    %broadcast_in_dim3A_1287 = arith.constant -1.000000e+00 : f32
    %broadcast_in_dim3A_1288 = vector.broadcast %broadcast_in_dim3A_1287 : f32 to vector<16xf32>
    %broadcast_in_dim3A_1289 = arith.constant -1.000000e+00 : f32
    %broadcast_in_dim3A_1290 = vector.broadcast %broadcast_in_dim3A_1289 : f32 to vector<16xf32>
    %broadcast_in_dim3A_1291 = arith.constant -1.000000e+00 : f32
    %broadcast_in_dim3A_1292 = vector.broadcast %broadcast_in_dim3A_1291 : f32 to vector<16xf32>
    %broadcast_in_dim3A_1293 = arith.constant 0.000000e+00 : f32
    %broadcast_in_dim3A_1294 = vector.broadcast %broadcast_in_dim3A_1293 : f32 to vector<16xf32>
    %broadcast_in_dim3A_1295 = arith.constant 0.000000e+00 : f32
    %broadcast_in_dim3A_1296 = vector.broadcast %broadcast_in_dim3A_1295 : f32 to vector<16xf32>
    %broadcast_in_dim3A_1297 = arith.constant 0.000000e+00 : f32
    %broadcast_in_dim3A_1298 = vector.broadcast %broadcast_in_dim3A_1297 : f32 to vector<16xf32>
    %broadcast_in_dim3A_1299 = arith.constant 0.000000e+00 : f32
    %broadcast_in_dim3A_1300 = vector.broadcast %broadcast_in_dim3A_1299 : f32 to vector<16xf32>
    %broadcast_in_dim3A_1301 = arith.constant 0.000000e+00 : f32
    %broadcast_in_dim3A_1302 = vector.broadcast %broadcast_in_dim3A_1301 : f32 to vector<16xf32>
    %broadcast_in_dim3A_1303 = arith.constant 0.000000e+00 : f32
    %broadcast_in_dim3A_1304 = vector.broadcast %broadcast_in_dim3A_1303 : f32 to vector<16xf32>
    %broadcast_in_dim3A_1305 = arith.constant 0.000000e+00 : f32
    %broadcast_in_dim3A_1306 = vector.broadcast %broadcast_in_dim3A_1305 : f32 to vector<16xf32>
    %broadcast_in_dim3A_1307 = arith.constant 0.000000e+00 : f32
    %broadcast_in_dim3A_1308 = vector.broadcast %broadcast_in_dim3A_1307 : f32 to vector<16xf32>
    %scan3A_1309 = arith.constant 0 : i32
    %scan3A_1310 = arith.constant 64 : i32
    %scan3A_1311 = arith.addi %scan3A_1309, %scan3A_1310 : i32
    %scan3A_1312 = arith.constant 1 : i32
    %scan3A_1313:16 = scf.for %scan3A_2271 = %scan3A_1309 to %scan3A_1311 step %scan3A_1312 iter_args(%scan3A_2272 = %broadcast_in_dim3A_1278, %scan3A_2273 = %broadcast_in_dim3A_1280, %scan3A_2274 = %broadcast_in_dim3A_1282, %scan3A_2275 = %broadcast_in_dim3A_1284, %scan3A_2276 = %broadcast_in_dim3A_1286, %scan3A_2277 = %broadcast_in_dim3A_1288, %scan3A_2278 = %broadcast_in_dim3A_1290, %scan3A_2279 = %broadcast_in_dim3A_1292, %scan3A_2280 = %broadcast_in_dim3A_1294, %scan3A_2281 = %broadcast_in_dim3A_1296, %scan3A_2282 = %broadcast_in_dim3A_1298, %scan3A_2283 = %broadcast_in_dim3A_1300, %scan3A_2284 = %broadcast_in_dim3A_1302, %scan3A_2285 = %broadcast_in_dim3A_1304, %scan3A_2286 = %broadcast_in_dim3A_1306, %scan3A_2287 = %broadcast_in_dim3A_1308) -> (vector<16xf32>, vector<16xf32>, vector<16xf32>, vector<16xf32>, vector<16xf32>, vector<16xf32>, vector<16xf32>, vector<16xf32>, vector<16xf32>, vector<16xf32>, vector<16xf32>, vector<16xf32>, vector<16xf32>, vector<16xf32>, vector<16xf32>, vector<16xf32>)  : i32 {
      %get3A = arith.index_cast %scan3A_2271 : i32 to index
      %get3A_2288 = arith.constant 144 : index
      %get3A_2289 = tpu.vector_load %arg5[%get3A, %get3A_2288] {strides = array<i32>} : memref<64x256xf32, #tpu.memory_space<vmem>>, vector<1x16xf32>,
      %get3A_2290 = vector.shape_cast %get3A_2289 : vector<1x16xf32> to vector<16xf32>
      %broadcast_in_dim3A_2291 = arith.constant 1.000000e+00 : f32
      %broadcast_in_dim3A_2292 = vector.broadcast %broadcast_in_dim3A_2291 : f32 to vector<16xf32>
      %convert_element_type3A_2293 = arith.sitofp %scan3A_2271 : i32 to f32
      %mul3A_2294 = vector.broadcast %convert_element_type3A_2293 : f32 to vector<16xf32>
      %mul3A_2295 = arith.mulf %broadcast_in_dim3A_2292, %mul3A_2294 : vector<16xf32>
      %gt3A = arith.cmpf ogt, %get3A_2290, %scan3A_2272 : vector<16xf32>
      %gt3A_2296 = arith.cmpf ogt, %get3A_2290, %scan3A_2273 : vector<16xf32>
      %gt3A_2297 = arith.cmpf ogt, %get3A_2290, %scan3A_2274 : vector<16xf32>
      %gt3A_2298 = arith.cmpf ogt, %get3A_2290, %scan3A_2275 : vector<16xf32>
      %gt3A_2299 = arith.cmpf ogt, %get3A_2290, %scan3A_2276 : vector<16xf32>
      %gt3A_2300 = arith.cmpf ogt, %get3A_2290, %scan3A_2277 : vector<16xf32>
      %gt3A_2301 = arith.cmpf ogt, %get3A_2290, %scan3A_2278 : vector<16xf32>
      %gt3A_2302 = arith.cmpf ogt, %get3A_2290, %scan3A_2279 : vector<16xf32>
      %select_n3A = arith.select %gt3A, %get3A_2290, %scan3A_2272 : vector<16xi1>, vector<16xf32>
      %select_n3A_2303 = arith.select %gt3A, %mul3A_2295, %scan3A_2280 : vector<16xi1>, vector<16xf32>
      %select_n3A_2304 = arith.select %gt3A, %scan3A_2272, %get3A_2290 : vector<16xi1>, vector<16xf32>
      %select_n3A_2305 = arith.select %gt3A, %scan3A_2280, %mul3A_2295 : vector<16xi1>, vector<16xf32>
      %select_n3A_2306 = arith.select %gt3A_2296, %select_n3A_2304, %scan3A_2273 : vector<16xi1>, vector<16xf32>
      %select_n3A_2307 = arith.select %gt3A_2296, %select_n3A_2305, %scan3A_2281 : vector<16xi1>, vector<16xf32>
      %select_n3A_2308 = arith.select %gt3A_2296, %scan3A_2273, %get3A_2290 : vector<16xi1>, vector<16xf32>
      %select_n3A_2309 = arith.select %gt3A_2296, %scan3A_2281, %mul3A_2295 : vector<16xi1>, vector<16xf32>
      %select_n3A_2310 = arith.select %gt3A_2297, %select_n3A_2308, %scan3A_2274 : vector<16xi1>, vector<16xf32>
      %select_n3A_2311 = arith.select %gt3A_2297, %select_n3A_2309, %scan3A_2282 : vector<16xi1>, vector<16xf32>
      %select_n3A_2312 = arith.select %gt3A_2297, %scan3A_2274, %get3A_2290 : vector<16xi1>, vector<16xf32>
      %select_n3A_2313 = arith.select %gt3A_2297, %scan3A_2282, %mul3A_2295 : vector<16xi1>, vector<16xf32>
      %select_n3A_2314 = arith.select %gt3A_2298, %select_n3A_2312, %scan3A_2275 : vector<16xi1>, vector<16xf32>
      %select_n3A_2315 = arith.select %gt3A_2298, %select_n3A_2313, %scan3A_2283 : vector<16xi1>, vector<16xf32>
      %select_n3A_2316 = arith.select %gt3A_2298, %scan3A_2275, %get3A_2290 : vector<16xi1>, vector<16xf32>
      %select_n3A_2317 = arith.select %gt3A_2298, %scan3A_2283, %mul3A_2295 : vector<16xi1>, vector<16xf32>
      %select_n3A_2318 = arith.select %gt3A_2299, %select_n3A_2316, %scan3A_2276 : vector<16xi1>, vector<16xf32>
      %select_n3A_2319 = arith.select %gt3A_2299, %select_n3A_2317, %scan3A_2284 : vector<16xi1>, vector<16xf32>
      %select_n3A_2320 = arith.select %gt3A_2299, %scan3A_2276, %get3A_2290 : vector<16xi1>, vector<16xf32>
      %select_n3A_2321 = arith.select %gt3A_2299, %scan3A_2284, %mul3A_2295 : vector<16xi1>, vector<16xf32>
      %select_n3A_2322 = arith.select %gt3A_2300, %select_n3A_2320, %scan3A_2277 : vector<16xi1>, vector<16xf32>
      %select_n3A_2323 = arith.select %gt3A_2300, %select_n3A_2321, %scan3A_2285 : vector<16xi1>, vector<16xf32>
      %select_n3A_2324 = arith.select %gt3A_2300, %scan3A_2277, %get3A_2290 : vector<16xi1>, vector<16xf32>
      %select_n3A_2325 = arith.select %gt3A_2300, %scan3A_2285, %mul3A_2295 : vector<16xi1>, vector<16xf32>
      %select_n3A_2326 = arith.select %gt3A_2301, %select_n3A_2324, %scan3A_2278 : vector<16xi1>, vector<16xf32>
      %select_n3A_2327 = arith.select %gt3A_2301, %select_n3A_2325, %scan3A_2286 : vector<16xi1>, vector<16xf32>
      %select_n3A_2328 = arith.select %gt3A_2301, %scan3A_2278, %get3A_2290 : vector<16xi1>, vector<16xf32>
      %select_n3A_2329 = arith.select %gt3A_2301, %scan3A_2286, %mul3A_2295 : vector<16xi1>, vector<16xf32>
      %select_n3A_2330 = arith.select %gt3A_2302, %select_n3A_2328, %scan3A_2279 : vector<16xi1>, vector<16xf32>
      %select_n3A_2331 = arith.select %gt3A_2302, %select_n3A_2329, %scan3A_2287 : vector<16xi1>, vector<16xf32>
      scf.yield %select_n3A, %select_n3A_2306, %select_n3A_2310, %select_n3A_2314, %select_n3A_2318, %select_n3A_2322, %select_n3A_2326, %select_n3A_2330, %select_n3A_2303, %select_n3A_2307, %select_n3A_2311, %select_n3A_2315, %select_n3A_2319, %select_n3A_2323, %select_n3A_2327, %select_n3A_2331 : vector<16xf32>, vector<16xf32>, vector<16xf32>, vector<16xf32>, vector<16xf32>, vector<16xf32>, vector<16xf32>, vector<16xf32>, vector<16xf32>, vector<16xf32>, vector<16xf32>, vector<16xf32>, vector<16xf32>, vector<16xf32>, vector<16xf32>, vector<16xf32>
    }
    %scan3A_1314 = arith.constant 64 : i32
    %swap3A_1315 = arith.constant 0 : i32
    %swap3A_1316 = arith.index_cast %swap3A_1315 : i32 to index
    %swap3A_1317 = arith.constant 144 : index
    %swap3A_1318 = tpu.vector_load %arg6[%swap3A_1316, %swap3A_1317] {strides = array<i32>} : memref<8x256xf32, #tpu.memory_space<vmem>>, vector<1x16xf32>,
    %swap3A_1319 = vector.shape_cast %swap3A_1318 : vector<1x16xf32> to vector<16xf32>
    %swap3A_1320 = vector.shape_cast %scan3A_1313#0 : vector<16xf32> to vector<1x16xf32>
    tpu.vector_store %arg6[%swap3A_1316, %swap3A_1317], %swap3A_1320 {strides = array<i32>} : memref<8x256xf32, #tpu.memory_space<vmem>>, vector<1x16xf32>,
    %convert_element_type3A_1321 = arith.fptosi %scan3A_1313#8 : vector<16xf32> to vector<16xi32>
    %swap3A_1322 = arith.constant 0 : i32
    %swap3A_1323 = arith.index_cast %swap3A_1322 : i32 to index
    %swap3A_1324 = arith.constant 144 : index
    %swap3A_1325 = tpu.vector_load %arg7[%swap3A_1323, %swap3A_1324] {strides = array<i32>} : memref<8x256xi32, #tpu.memory_space<vmem>>, vector<1x16xi32>,
    %swap3A_1326 = vector.shape_cast %swap3A_1325 : vector<1x16xi32> to vector<16xi32>
    %swap3A_1327 = vector.shape_cast %convert_element_type3A_1321 : vector<16xi32> to vector<1x16xi32>
    tpu.vector_store %arg7[%swap3A_1323, %swap3A_1324], %swap3A_1327 {strides = array<i32>} : memref<8x256xi32, #tpu.memory_space<vmem>>, vector<1x16xi32>,
    %swap3A_1328 = arith.constant 1 : i32
    %swap3A_1329 = arith.index_cast %swap3A_1328 : i32 to index
    %swap3A_1330 = arith.constant 144 : index
    %swap3A_1331 = tpu.vector_load %arg6[%swap3A_1329, %swap3A_1330] {strides = array<i32>} : memref<8x256xf32, #tpu.memory_space<vmem>>, vector<1x16xf32>,
    %swap3A_1332 = vector.shape_cast %swap3A_1331 : vector<1x16xf32> to vector<16xf32>
    %swap3A_1333 = vector.shape_cast %scan3A_1313#1 : vector<16xf32> to vector<1x16xf32>
    tpu.vector_store %arg6[%swap3A_1329, %swap3A_1330], %swap3A_1333 {strides = array<i32>} : memref<8x256xf32, #tpu.memory_space<vmem>>, vector<1x16xf32>,
    %convert_element_type3A_1334 = arith.fptosi %scan3A_1313#9 : vector<16xf32> to vector<16xi32>
    %swap3A_1335 = arith.constant 1 : i32
    %swap3A_1336 = arith.index_cast %swap3A_1335 : i32 to index
    %swap3A_1337 = arith.constant 144 : index
    %swap3A_1338 = tpu.vector_load %arg7[%swap3A_1336, %swap3A_1337] {strides = array<i32>} : memref<8x256xi32, #tpu.memory_space<vmem>>, vector<1x16xi32>,
    %swap3A_1339 = vector.shape_cast %swap3A_1338 : vector<1x16xi32> to vector<16xi32>
    %swap3A_1340 = vector.shape_cast %convert_element_type3A_1334 : vector<16xi32> to vector<1x16xi32>
    tpu.vector_store %arg7[%swap3A_1336, %swap3A_1337], %swap3A_1340 {strides = array<i32>} : memref<8x256xi32, #tpu.memory_space<vmem>>, vector<1x16xi32>,
    %swap3A_1341 = arith.constant 2 : i32
    %swap3A_1342 = arith.index_cast %swap3A_1341 : i32 to index
    %swap3A_1343 = arith.constant 144 : index
    %swap3A_1344 = tpu.vector_load %arg6[%swap3A_1342, %swap3A_1343] {strides = array<i32>} : memref<8x256xf32, #tpu.memory_space<vmem>>, vector<1x16xf32>,
    %swap3A_1345 = vector.shape_cast %swap3A_1344 : vector<1x16xf32> to vector<16xf32>
    %swap3A_1346 = vector.shape_cast %scan3A_1313#2 : vector<16xf32> to vector<1x16xf32>
    tpu.vector_store %arg6[%swap3A_1342, %swap3A_1343], %swap3A_1346 {strides = array<i32>} : memref<8x256xf32, #tpu.memory_space<vmem>>, vector<1x16xf32>,
    %convert_element_type3A_1347 = arith.fptosi %scan3A_1313#10 : vector<16xf32> to vector<16xi32>
    %swap3A_1348 = arith.constant 2 : i32
    %swap3A_1349 = arith.index_cast %swap3A_1348 : i32 to index
    %swap3A_1350 = arith.constant 144 : index
    %swap3A_1351 = tpu.vector_load %arg7[%swap3A_1349, %swap3A_1350] {strides = array<i32>} : memref<8x256xi32, #tpu.memory_space<vmem>>, vector<1x16xi32>,
    %swap3A_1352 = vector.shape_cast %swap3A_1351 : vector<1x16xi32> to vector<16xi32>
    %swap3A_1353 = vector.shape_cast %convert_element_type3A_1347 : vector<16xi32> to vector<1x16xi32>
    tpu.vector_store %arg7[%swap3A_1349, %swap3A_1350], %swap3A_1353 {strides = array<i32>} : memref<8x256xi32, #tpu.memory_space<vmem>>, vector<1x16xi32>,
    %swap3A_1354 = arith.constant 3 : i32
    %swap3A_1355 = arith.index_cast %swap3A_1354 : i32 to index
    %swap3A_1356 = arith.constant 144 : index
    %swap3A_1357 = tpu.vector_load %arg6[%swap3A_1355, %swap3A_1356] {strides = array<i32>} : memref<8x256xf32, #tpu.memory_space<vmem>>, vector<1x16xf32>,
    %swap3A_1358 = vector.shape_cast %swap3A_1357 : vector<1x16xf32> to vector<16xf32>
    %swap3A_1359 = vector.shape_cast %scan3A_1313#3 : vector<16xf32> to vector<1x16xf32>
    tpu.vector_store %arg6[%swap3A_1355, %swap3A_1356], %swap3A_1359 {strides = array<i32>} : memref<8x256xf32, #tpu.memory_space<vmem>>, vector<1x16xf32>,
    %convert_element_type3A_1360 = arith.fptosi %scan3A_1313#11 : vector<16xf32> to vector<16xi32>
    %swap3A_1361 = arith.constant 3 : i32
    %swap3A_1362 = arith.index_cast %swap3A_1361 : i32 to index
    %swap3A_1363 = arith.constant 144 : index
    %swap3A_1364 = tpu.vector_load %arg7[%swap3A_1362, %swap3A_1363] {strides = array<i32>} : memref<8x256xi32, #tpu.memory_space<vmem>>, vector<1x16xi32>,
    %swap3A_1365 = vector.shape_cast %swap3A_1364 : vector<1x16xi32> to vector<16xi32>
    %swap3A_1366 = vector.shape_cast %convert_element_type3A_1360 : vector<16xi32> to vector<1x16xi32>
    tpu.vector_store %arg7[%swap3A_1362, %swap3A_1363], %swap3A_1366 {strides = array<i32>} : memref<8x256xi32, #tpu.memory_space<vmem>>, vector<1x16xi32>,
    %swap3A_1367 = arith.constant 4 : i32
    %swap3A_1368 = arith.index_cast %swap3A_1367 : i32 to index
    %swap3A_1369 = arith.constant 144 : index
    %swap3A_1370 = tpu.vector_load %arg6[%swap3A_1368, %swap3A_1369] {strides = array<i32>} : memref<8x256xf32, #tpu.memory_space<vmem>>, vector<1x16xf32>,
    %swap3A_1371 = vector.shape_cast %swap3A_1370 : vector<1x16xf32> to vector<16xf32>
    %swap3A_1372 = vector.shape_cast %scan3A_1313#4 : vector<16xf32> to vector<1x16xf32>
    tpu.vector_store %arg6[%swap3A_1368, %swap3A_1369], %swap3A_1372 {strides = array<i32>} : memref<8x256xf32, #tpu.memory_space<vmem>>, vector<1x16xf32>,
    %convert_element_type3A_1373 = arith.fptosi %scan3A_1313#12 : vector<16xf32> to vector<16xi32>
    %swap3A_1374 = arith.constant 4 : i32
    %swap3A_1375 = arith.index_cast %swap3A_1374 : i32 to index
    %swap3A_1376 = arith.constant 144 : index
    %swap3A_1377 = tpu.vector_load %arg7[%swap3A_1375, %swap3A_1376] {strides = array<i32>} : memref<8x256xi32, #tpu.memory_space<vmem>>, vector<1x16xi32>,
    %swap3A_1378 = vector.shape_cast %swap3A_1377 : vector<1x16xi32> to vector<16xi32>
    %swap3A_1379 = vector.shape_cast %convert_element_type3A_1373 : vector<16xi32> to vector<1x16xi32>
    tpu.vector_store %arg7[%swap3A_1375, %swap3A_1376], %swap3A_1379 {strides = array<i32>} : memref<8x256xi32, #tpu.memory_space<vmem>>, vector<1x16xi32>,
    %swap3A_1380 = arith.constant 5 : i32
    %swap3A_1381 = arith.index_cast %swap3A_1380 : i32 to index
    %swap3A_1382 = arith.constant 144 : index
    %swap3A_1383 = tpu.vector_load %arg6[%swap3A_1381, %swap3A_1382] {strides = array<i32>} : memref<8x256xf32, #tpu.memory_space<vmem>>, vector<1x16xf32>,
    %swap3A_1384 = vector.shape_cast %swap3A_1383 : vector<1x16xf32> to vector<16xf32>
    %swap3A_1385 = vector.shape_cast %scan3A_1313#5 : vector<16xf32> to vector<1x16xf32>
    tpu.vector_store %arg6[%swap3A_1381, %swap3A_1382], %swap3A_1385 {strides = array<i32>} : memref<8x256xf32, #tpu.memory_space<vmem>>, vector<1x16xf32>,
    %convert_element_type3A_1386 = arith.fptosi %scan3A_1313#13 : vector<16xf32> to vector<16xi32>
    %swap3A_1387 = arith.constant 5 : i32
    %swap3A_1388 = arith.index_cast %swap3A_1387 : i32 to index
    %swap3A_1389 = arith.constant 144 : index
    %swap3A_1390 = tpu.vector_load %arg7[%swap3A_1388, %swap3A_1389] {strides = array<i32>} : memref<8x256xi32, #tpu.memory_space<vmem>>, vector<1x16xi32>,
    %swap3A_1391 = vector.shape_cast %swap3A_1390 : vector<1x16xi32> to vector<16xi32>
    %swap3A_1392 = vector.shape_cast %convert_element_type3A_1386 : vector<16xi32> to vector<1x16xi32>
    tpu.vector_store %arg7[%swap3A_1388, %swap3A_1389], %swap3A_1392 {strides = array<i32>} : memref<8x256xi32, #tpu.memory_space<vmem>>, vector<1x16xi32>,
    %swap3A_1393 = arith.constant 6 : i32
    %swap3A_1394 = arith.index_cast %swap3A_1393 : i32 to index
    %swap3A_1395 = arith.constant 144 : index
    %swap3A_1396 = tpu.vector_load %arg6[%swap3A_1394, %swap3A_1395] {strides = array<i32>} : memref<8x256xf32, #tpu.memory_space<vmem>>, vector<1x16xf32>,
    %swap3A_1397 = vector.shape_cast %swap3A_1396 : vector<1x16xf32> to vector<16xf32>
    %swap3A_1398 = vector.shape_cast %scan3A_1313#6 : vector<16xf32> to vector<1x16xf32>
    tpu.vector_store %arg6[%swap3A_1394, %swap3A_1395], %swap3A_1398 {strides = array<i32>} : memref<8x256xf32, #tpu.memory_space<vmem>>, vector<1x16xf32>,
    %convert_element_type3A_1399 = arith.fptosi %scan3A_1313#14 : vector<16xf32> to vector<16xi32>
    %swap3A_1400 = arith.constant 6 : i32
    %swap3A_1401 = arith.index_cast %swap3A_1400 : i32 to index
    %swap3A_1402 = arith.constant 144 : index
    %swap3A_1403 = tpu.vector_load %arg7[%swap3A_1401, %swap3A_1402] {strides = array<i32>} : memref<8x256xi32, #tpu.memory_space<vmem>>, vector<1x16xi32>,
    %swap3A_1404 = vector.shape_cast %swap3A_1403 : vector<1x16xi32> to vector<16xi32>
    %swap3A_1405 = vector.shape_cast %convert_element_type3A_1399 : vector<16xi32> to vector<1x16xi32>
    tpu.vector_store %arg7[%swap3A_1401, %swap3A_1402], %swap3A_1405 {strides = array<i32>} : memref<8x256xi32, #tpu.memory_space<vmem>>, vector<1x16xi32>,
    %swap3A_1406 = arith.constant 7 : i32
    %swap3A_1407 = arith.index_cast %swap3A_1406 : i32 to index
    %swap3A_1408 = arith.constant 144 : index
    %swap3A_1409 = tpu.vector_load %arg6[%swap3A_1407, %swap3A_1408] {strides = array<i32>} : memref<8x256xf32, #tpu.memory_space<vmem>>, vector<1x16xf32>,
    %swap3A_1410 = vector.shape_cast %swap3A_1409 : vector<1x16xf32> to vector<16xf32>
    %swap3A_1411 = vector.shape_cast %scan3A_1313#7 : vector<16xf32> to vector<1x16xf32>
    tpu.vector_store %arg6[%swap3A_1407, %swap3A_1408], %swap3A_1411 {strides = array<i32>} : memref<8x256xf32, #tpu.memory_space<vmem>>, vector<1x16xf32>,
    %convert_element_type3A_1412 = arith.fptosi %scan3A_1313#15 : vector<16xf32> to vector<16xi32>
    %swap3A_1413 = arith.constant 7 : i32
    %swap3A_1414 = arith.index_cast %swap3A_1413 : i32 to index
    %swap3A_1415 = arith.constant 144 : index
    %swap3A_1416 = tpu.vector_load %arg7[%swap3A_1414, %swap3A_1415] {strides = array<i32>} : memref<8x256xi32, #tpu.memory_space<vmem>>, vector<1x16xi32>,
    %swap3A_1417 = vector.shape_cast %swap3A_1416 : vector<1x16xi32> to vector<16xi32>
    %swap3A_1418 = vector.shape_cast %convert_element_type3A_1412 : vector<16xi32> to vector<1x16xi32>
    tpu.vector_store %arg7[%swap3A_1414, %swap3A_1415], %swap3A_1418 {strides = array<i32>} : memref<8x256xi32, #tpu.memory_space<vmem>>, vector<1x16xi32>,
    %broadcast_in_dim3A_1419 = arith.constant -1.000000e+00 : f32
    %broadcast_in_dim3A_1420 = vector.broadcast %broadcast_in_dim3A_1419 : f32 to vector<16xf32>
    %broadcast_in_dim3A_1421 = arith.constant -1.000000e+00 : f32
    %broadcast_in_dim3A_1422 = vector.broadcast %broadcast_in_dim3A_1421 : f32 to vector<16xf32>
    %broadcast_in_dim3A_1423 = arith.constant -1.000000e+00 : f32
    %broadcast_in_dim3A_1424 = vector.broadcast %broadcast_in_dim3A_1423 : f32 to vector<16xf32>
    %broadcast_in_dim3A_1425 = arith.constant -1.000000e+00 : f32
    %broadcast_in_dim3A_1426 = vector.broadcast %broadcast_in_dim3A_1425 : f32 to vector<16xf32>
    %broadcast_in_dim3A_1427 = arith.constant -1.000000e+00 : f32
    %broadcast_in_dim3A_1428 = vector.broadcast %broadcast_in_dim3A_1427 : f32 to vector<16xf32>
    %broadcast_in_dim3A_1429 = arith.constant -1.000000e+00 : f32
    %broadcast_in_dim3A_1430 = vector.broadcast %broadcast_in_dim3A_1429 : f32 to vector<16xf32>
    %broadcast_in_dim3A_1431 = arith.constant -1.000000e+00 : f32
    %broadcast_in_dim3A_1432 = vector.broadcast %broadcast_in_dim3A_1431 : f32 to vector<16xf32>
    %broadcast_in_dim3A_1433 = arith.constant -1.000000e+00 : f32
    %broadcast_in_dim3A_1434 = vector.broadcast %broadcast_in_dim3A_1433 : f32 to vector<16xf32>
    %broadcast_in_dim3A_1435 = arith.constant 0.000000e+00 : f32
    %broadcast_in_dim3A_1436 = vector.broadcast %broadcast_in_dim3A_1435 : f32 to vector<16xf32>
    %broadcast_in_dim3A_1437 = arith.constant 0.000000e+00 : f32
    %broadcast_in_dim3A_1438 = vector.broadcast %broadcast_in_dim3A_1437 : f32 to vector<16xf32>
    %broadcast_in_dim3A_1439 = arith.constant 0.000000e+00 : f32
    %broadcast_in_dim3A_1440 = vector.broadcast %broadcast_in_dim3A_1439 : f32 to vector<16xf32>
    %broadcast_in_dim3A_1441 = arith.constant 0.000000e+00 : f32
    %broadcast_in_dim3A_1442 = vector.broadcast %broadcast_in_dim3A_1441 : f32 to vector<16xf32>
    %broadcast_in_dim3A_1443 = arith.constant 0.000000e+00 : f32
    %broadcast_in_dim3A_1444 = vector.broadcast %broadcast_in_dim3A_1443 : f32 to vector<16xf32>
    %broadcast_in_dim3A_1445 = arith.constant 0.000000e+00 : f32
    %broadcast_in_dim3A_1446 = vector.broadcast %broadcast_in_dim3A_1445 : f32 to vector<16xf32>
    %broadcast_in_dim3A_1447 = arith.constant 0.000000e+00 : f32
    %broadcast_in_dim3A_1448 = vector.broadcast %broadcast_in_dim3A_1447 : f32 to vector<16xf32>
    %broadcast_in_dim3A_1449 = arith.constant 0.000000e+00 : f32
    %broadcast_in_dim3A_1450 = vector.broadcast %broadcast_in_dim3A_1449 : f32 to vector<16xf32>
    %scan3A_1451 = arith.constant 0 : i32
    %scan3A_1452 = arith.constant 64 : i32
    %scan3A_1453 = arith.addi %scan3A_1451, %scan3A_1452 : i32
    %scan3A_1454 = arith.constant 1 : i32
    %scan3A_1455:16 = scf.for %scan3A_2271 = %scan3A_1451 to %scan3A_1453 step %scan3A_1454 iter_args(%scan3A_2272 = %broadcast_in_dim3A_1420, %scan3A_2273 = %broadcast_in_dim3A_1422, %scan3A_2274 = %broadcast_in_dim3A_1424, %scan3A_2275 = %broadcast_in_dim3A_1426, %scan3A_2276 = %broadcast_in_dim3A_1428, %scan3A_2277 = %broadcast_in_dim3A_1430, %scan3A_2278 = %broadcast_in_dim3A_1432, %scan3A_2279 = %broadcast_in_dim3A_1434, %scan3A_2280 = %broadcast_in_dim3A_1436, %scan3A_2281 = %broadcast_in_dim3A_1438, %scan3A_2282 = %broadcast_in_dim3A_1440, %scan3A_2283 = %broadcast_in_dim3A_1442, %scan3A_2284 = %broadcast_in_dim3A_1444, %scan3A_2285 = %broadcast_in_dim3A_1446, %scan3A_2286 = %broadcast_in_dim3A_1448, %scan3A_2287 = %broadcast_in_dim3A_1450) -> (vector<16xf32>, vector<16xf32>, vector<16xf32>, vector<16xf32>, vector<16xf32>, vector<16xf32>, vector<16xf32>, vector<16xf32>, vector<16xf32>, vector<16xf32>, vector<16xf32>, vector<16xf32>, vector<16xf32>, vector<16xf32>, vector<16xf32>, vector<16xf32>)  : i32 {
      %get3A = arith.index_cast %scan3A_2271 : i32 to index
      %get3A_2288 = arith.constant 160 : index
      %get3A_2289 = tpu.vector_load %arg5[%get3A, %get3A_2288] {strides = array<i32>} : memref<64x256xf32, #tpu.memory_space<vmem>>, vector<1x16xf32>,
      %get3A_2290 = vector.shape_cast %get3A_2289 : vector<1x16xf32> to vector<16xf32>
      %broadcast_in_dim3A_2291 = arith.constant 1.000000e+00 : f32
      %broadcast_in_dim3A_2292 = vector.broadcast %broadcast_in_dim3A_2291 : f32 to vector<16xf32>
      %convert_element_type3A_2293 = arith.sitofp %scan3A_2271 : i32 to f32
      %mul3A_2294 = vector.broadcast %convert_element_type3A_2293 : f32 to vector<16xf32>
      %mul3A_2295 = arith.mulf %broadcast_in_dim3A_2292, %mul3A_2294 : vector<16xf32>
      %gt3A = arith.cmpf ogt, %get3A_2290, %scan3A_2272 : vector<16xf32>
      %gt3A_2296 = arith.cmpf ogt, %get3A_2290, %scan3A_2273 : vector<16xf32>
      %gt3A_2297 = arith.cmpf ogt, %get3A_2290, %scan3A_2274 : vector<16xf32>
      %gt3A_2298 = arith.cmpf ogt, %get3A_2290, %scan3A_2275 : vector<16xf32>
      %gt3A_2299 = arith.cmpf ogt, %get3A_2290, %scan3A_2276 : vector<16xf32>
      %gt3A_2300 = arith.cmpf ogt, %get3A_2290, %scan3A_2277 : vector<16xf32>
      %gt3A_2301 = arith.cmpf ogt, %get3A_2290, %scan3A_2278 : vector<16xf32>
      %gt3A_2302 = arith.cmpf ogt, %get3A_2290, %scan3A_2279 : vector<16xf32>
      %select_n3A = arith.select %gt3A, %get3A_2290, %scan3A_2272 : vector<16xi1>, vector<16xf32>
      %select_n3A_2303 = arith.select %gt3A, %mul3A_2295, %scan3A_2280 : vector<16xi1>, vector<16xf32>
      %select_n3A_2304 = arith.select %gt3A, %scan3A_2272, %get3A_2290 : vector<16xi1>, vector<16xf32>
      %select_n3A_2305 = arith.select %gt3A, %scan3A_2280, %mul3A_2295 : vector<16xi1>, vector<16xf32>
      %select_n3A_2306 = arith.select %gt3A_2296, %select_n3A_2304, %scan3A_2273 : vector<16xi1>, vector<16xf32>
      %select_n3A_2307 = arith.select %gt3A_2296, %select_n3A_2305, %scan3A_2281 : vector<16xi1>, vector<16xf32>
      %select_n3A_2308 = arith.select %gt3A_2296, %scan3A_2273, %get3A_2290 : vector<16xi1>, vector<16xf32>
      %select_n3A_2309 = arith.select %gt3A_2296, %scan3A_2281, %mul3A_2295 : vector<16xi1>, vector<16xf32>
      %select_n3A_2310 = arith.select %gt3A_2297, %select_n3A_2308, %scan3A_2274 : vector<16xi1>, vector<16xf32>
      %select_n3A_2311 = arith.select %gt3A_2297, %select_n3A_2309, %scan3A_2282 : vector<16xi1>, vector<16xf32>
      %select_n3A_2312 = arith.select %gt3A_2297, %scan3A_2274, %get3A_2290 : vector<16xi1>, vector<16xf32>
      %select_n3A_2313 = arith.select %gt3A_2297, %scan3A_2282, %mul3A_2295 : vector<16xi1>, vector<16xf32>
      %select_n3A_2314 = arith.select %gt3A_2298, %select_n3A_2312, %scan3A_2275 : vector<16xi1>, vector<16xf32>
      %select_n3A_2315 = arith.select %gt3A_2298, %select_n3A_2313, %scan3A_2283 : vector<16xi1>, vector<16xf32>
      %select_n3A_2316 = arith.select %gt3A_2298, %scan3A_2275, %get3A_2290 : vector<16xi1>, vector<16xf32>
      %select_n3A_2317 = arith.select %gt3A_2298, %scan3A_2283, %mul3A_2295 : vector<16xi1>, vector<16xf32>
      %select_n3A_2318 = arith.select %gt3A_2299, %select_n3A_2316, %scan3A_2276 : vector<16xi1>, vector<16xf32>
      %select_n3A_2319 = arith.select %gt3A_2299, %select_n3A_2317, %scan3A_2284 : vector<16xi1>, vector<16xf32>
      %select_n3A_2320 = arith.select %gt3A_2299, %scan3A_2276, %get3A_2290 : vector<16xi1>, vector<16xf32>
      %select_n3A_2321 = arith.select %gt3A_2299, %scan3A_2284, %mul3A_2295 : vector<16xi1>, vector<16xf32>
      %select_n3A_2322 = arith.select %gt3A_2300, %select_n3A_2320, %scan3A_2277 : vector<16xi1>, vector<16xf32>
      %select_n3A_2323 = arith.select %gt3A_2300, %select_n3A_2321, %scan3A_2285 : vector<16xi1>, vector<16xf32>
      %select_n3A_2324 = arith.select %gt3A_2300, %scan3A_2277, %get3A_2290 : vector<16xi1>, vector<16xf32>
      %select_n3A_2325 = arith.select %gt3A_2300, %scan3A_2285, %mul3A_2295 : vector<16xi1>, vector<16xf32>
      %select_n3A_2326 = arith.select %gt3A_2301, %select_n3A_2324, %scan3A_2278 : vector<16xi1>, vector<16xf32>
      %select_n3A_2327 = arith.select %gt3A_2301, %select_n3A_2325, %scan3A_2286 : vector<16xi1>, vector<16xf32>
      %select_n3A_2328 = arith.select %gt3A_2301, %scan3A_2278, %get3A_2290 : vector<16xi1>, vector<16xf32>
      %select_n3A_2329 = arith.select %gt3A_2301, %scan3A_2286, %mul3A_2295 : vector<16xi1>, vector<16xf32>
      %select_n3A_2330 = arith.select %gt3A_2302, %select_n3A_2328, %scan3A_2279 : vector<16xi1>, vector<16xf32>
      %select_n3A_2331 = arith.select %gt3A_2302, %select_n3A_2329, %scan3A_2287 : vector<16xi1>, vector<16xf32>
      scf.yield %select_n3A, %select_n3A_2306, %select_n3A_2310, %select_n3A_2314, %select_n3A_2318, %select_n3A_2322, %select_n3A_2326, %select_n3A_2330, %select_n3A_2303, %select_n3A_2307, %select_n3A_2311, %select_n3A_2315, %select_n3A_2319, %select_n3A_2323, %select_n3A_2327, %select_n3A_2331 : vector<16xf32>, vector<16xf32>, vector<16xf32>, vector<16xf32>, vector<16xf32>, vector<16xf32>, vector<16xf32>, vector<16xf32>, vector<16xf32>, vector<16xf32>, vector<16xf32>, vector<16xf32>, vector<16xf32>, vector<16xf32>, vector<16xf32>, vector<16xf32>
    }
    %scan3A_1456 = arith.constant 64 : i32
    %swap3A_1457 = arith.constant 0 : i32
    %swap3A_1458 = arith.index_cast %swap3A_1457 : i32 to index
    %swap3A_1459 = arith.constant 160 : index
    %swap3A_1460 = tpu.vector_load %arg6[%swap3A_1458, %swap3A_1459] {strides = array<i32>} : memref<8x256xf32, #tpu.memory_space<vmem>>, vector<1x16xf32>,
    %swap3A_1461 = vector.shape_cast %swap3A_1460 : vector<1x16xf32> to vector<16xf32>
    %swap3A_1462 = vector.shape_cast %scan3A_1455#0 : vector<16xf32> to vector<1x16xf32>
    tpu.vector_store %arg6[%swap3A_1458, %swap3A_1459], %swap3A_1462 {strides = array<i32>} : memref<8x256xf32, #tpu.memory_space<vmem>>, vector<1x16xf32>,
    %convert_element_type3A_1463 = arith.fptosi %scan3A_1455#8 : vector<16xf32> to vector<16xi32>
    %swap3A_1464 = arith.constant 0 : i32
    %swap3A_1465 = arith.index_cast %swap3A_1464 : i32 to index
    %swap3A_1466 = arith.constant 160 : index
    %swap3A_1467 = tpu.vector_load %arg7[%swap3A_1465, %swap3A_1466] {strides = array<i32>} : memref<8x256xi32, #tpu.memory_space<vmem>>, vector<1x16xi32>,
    %swap3A_1468 = vector.shape_cast %swap3A_1467 : vector<1x16xi32> to vector<16xi32>
    %swap3A_1469 = vector.shape_cast %convert_element_type3A_1463 : vector<16xi32> to vector<1x16xi32>
    tpu.vector_store %arg7[%swap3A_1465, %swap3A_1466], %swap3A_1469 {strides = array<i32>} : memref<8x256xi32, #tpu.memory_space<vmem>>, vector<1x16xi32>,
    %swap3A_1470 = arith.constant 1 : i32
    %swap3A_1471 = arith.index_cast %swap3A_1470 : i32 to index
    %swap3A_1472 = arith.constant 160 : index
    %swap3A_1473 = tpu.vector_load %arg6[%swap3A_1471, %swap3A_1472] {strides = array<i32>} : memref<8x256xf32, #tpu.memory_space<vmem>>, vector<1x16xf32>,
    %swap3A_1474 = vector.shape_cast %swap3A_1473 : vector<1x16xf32> to vector<16xf32>
    %swap3A_1475 = vector.shape_cast %scan3A_1455#1 : vector<16xf32> to vector<1x16xf32>
    tpu.vector_store %arg6[%swap3A_1471, %swap3A_1472], %swap3A_1475 {strides = array<i32>} : memref<8x256xf32, #tpu.memory_space<vmem>>, vector<1x16xf32>,
    %convert_element_type3A_1476 = arith.fptosi %scan3A_1455#9 : vector<16xf32> to vector<16xi32>
    %swap3A_1477 = arith.constant 1 : i32
    %swap3A_1478 = arith.index_cast %swap3A_1477 : i32 to index
    %swap3A_1479 = arith.constant 160 : index
    %swap3A_1480 = tpu.vector_load %arg7[%swap3A_1478, %swap3A_1479] {strides = array<i32>} : memref<8x256xi32, #tpu.memory_space<vmem>>, vector<1x16xi32>,
    %swap3A_1481 = vector.shape_cast %swap3A_1480 : vector<1x16xi32> to vector<16xi32>
    %swap3A_1482 = vector.shape_cast %convert_element_type3A_1476 : vector<16xi32> to vector<1x16xi32>
    tpu.vector_store %arg7[%swap3A_1478, %swap3A_1479], %swap3A_1482 {strides = array<i32>} : memref<8x256xi32, #tpu.memory_space<vmem>>, vector<1x16xi32>,
    %swap3A_1483 = arith.constant 2 : i32
    %swap3A_1484 = arith.index_cast %swap3A_1483 : i32 to index
    %swap3A_1485 = arith.constant 160 : index
    %swap3A_1486 = tpu.vector_load %arg6[%swap3A_1484, %swap3A_1485] {strides = array<i32>} : memref<8x256xf32, #tpu.memory_space<vmem>>, vector<1x16xf32>,
    %swap3A_1487 = vector.shape_cast %swap3A_1486 : vector<1x16xf32> to vector<16xf32>
    %swap3A_1488 = vector.shape_cast %scan3A_1455#2 : vector<16xf32> to vector<1x16xf32>
    tpu.vector_store %arg6[%swap3A_1484, %swap3A_1485], %swap3A_1488 {strides = array<i32>} : memref<8x256xf32, #tpu.memory_space<vmem>>, vector<1x16xf32>,
    %convert_element_type3A_1489 = arith.fptosi %scan3A_1455#10 : vector<16xf32> to vector<16xi32>
    %swap3A_1490 = arith.constant 2 : i32
    %swap3A_1491 = arith.index_cast %swap3A_1490 : i32 to index
    %swap3A_1492 = arith.constant 160 : index
    %swap3A_1493 = tpu.vector_load %arg7[%swap3A_1491, %swap3A_1492] {strides = array<i32>} : memref<8x256xi32, #tpu.memory_space<vmem>>, vector<1x16xi32>,
    %swap3A_1494 = vector.shape_cast %swap3A_1493 : vector<1x16xi32> to vector<16xi32>
    %swap3A_1495 = vector.shape_cast %convert_element_type3A_1489 : vector<16xi32> to vector<1x16xi32>
    tpu.vector_store %arg7[%swap3A_1491, %swap3A_1492], %swap3A_1495 {strides = array<i32>} : memref<8x256xi32, #tpu.memory_space<vmem>>, vector<1x16xi32>,
    %swap3A_1496 = arith.constant 3 : i32
    %swap3A_1497 = arith.index_cast %swap3A_1496 : i32 to index
    %swap3A_1498 = arith.constant 160 : index
    %swap3A_1499 = tpu.vector_load %arg6[%swap3A_1497, %swap3A_1498] {strides = array<i32>} : memref<8x256xf32, #tpu.memory_space<vmem>>, vector<1x16xf32>,
    %swap3A_1500 = vector.shape_cast %swap3A_1499 : vector<1x16xf32> to vector<16xf32>
    %swap3A_1501 = vector.shape_cast %scan3A_1455#3 : vector<16xf32> to vector<1x16xf32>
    tpu.vector_store %arg6[%swap3A_1497, %swap3A_1498], %swap3A_1501 {strides = array<i32>} : memref<8x256xf32, #tpu.memory_space<vmem>>, vector<1x16xf32>,
    %convert_element_type3A_1502 = arith.fptosi %scan3A_1455#11 : vector<16xf32> to vector<16xi32>
    %swap3A_1503 = arith.constant 3 : i32
    %swap3A_1504 = arith.index_cast %swap3A_1503 : i32 to index
    %swap3A_1505 = arith.constant 160 : index
    %swap3A_1506 = tpu.vector_load %arg7[%swap3A_1504, %swap3A_1505] {strides = array<i32>} : memref<8x256xi32, #tpu.memory_space<vmem>>, vector<1x16xi32>,
    %swap3A_1507 = vector.shape_cast %swap3A_1506 : vector<1x16xi32> to vector<16xi32>
    %swap3A_1508 = vector.shape_cast %convert_element_type3A_1502 : vector<16xi32> to vector<1x16xi32>
    tpu.vector_store %arg7[%swap3A_1504, %swap3A_1505], %swap3A_1508 {strides = array<i32>} : memref<8x256xi32, #tpu.memory_space<vmem>>, vector<1x16xi32>,
    %swap3A_1509 = arith.constant 4 : i32
    %swap3A_1510 = arith.index_cast %swap3A_1509 : i32 to index
    %swap3A_1511 = arith.constant 160 : index
    %swap3A_1512 = tpu.vector_load %arg6[%swap3A_1510, %swap3A_1511] {strides = array<i32>} : memref<8x256xf32, #tpu.memory_space<vmem>>, vector<1x16xf32>,
    %swap3A_1513 = vector.shape_cast %swap3A_1512 : vector<1x16xf32> to vector<16xf32>
    %swap3A_1514 = vector.shape_cast %scan3A_1455#4 : vector<16xf32> to vector<1x16xf32>
    tpu.vector_store %arg6[%swap3A_1510, %swap3A_1511], %swap3A_1514 {strides = array<i32>} : memref<8x256xf32, #tpu.memory_space<vmem>>, vector<1x16xf32>,
    %convert_element_type3A_1515 = arith.fptosi %scan3A_1455#12 : vector<16xf32> to vector<16xi32>
    %swap3A_1516 = arith.constant 4 : i32
    %swap3A_1517 = arith.index_cast %swap3A_1516 : i32 to index
    %swap3A_1518 = arith.constant 160 : index
    %swap3A_1519 = tpu.vector_load %arg7[%swap3A_1517, %swap3A_1518] {strides = array<i32>} : memref<8x256xi32, #tpu.memory_space<vmem>>, vector<1x16xi32>,
    %swap3A_1520 = vector.shape_cast %swap3A_1519 : vector<1x16xi32> to vector<16xi32>
    %swap3A_1521 = vector.shape_cast %convert_element_type3A_1515 : vector<16xi32> to vector<1x16xi32>
    tpu.vector_store %arg7[%swap3A_1517, %swap3A_1518], %swap3A_1521 {strides = array<i32>} : memref<8x256xi32, #tpu.memory_space<vmem>>, vector<1x16xi32>,
    %swap3A_1522 = arith.constant 5 : i32
    %swap3A_1523 = arith.index_cast %swap3A_1522 : i32 to index
    %swap3A_1524 = arith.constant 160 : index
    %swap3A_1525 = tpu.vector_load %arg6[%swap3A_1523, %swap3A_1524] {strides = array<i32>} : memref<8x256xf32, #tpu.memory_space<vmem>>, vector<1x16xf32>,
    %swap3A_1526 = vector.shape_cast %swap3A_1525 : vector<1x16xf32> to vector<16xf32>
    %swap3A_1527 = vector.shape_cast %scan3A_1455#5 : vector<16xf32> to vector<1x16xf32>
    tpu.vector_store %arg6[%swap3A_1523, %swap3A_1524], %swap3A_1527 {strides = array<i32>} : memref<8x256xf32, #tpu.memory_space<vmem>>, vector<1x16xf32>,
    %convert_element_type3A_1528 = arith.fptosi %scan3A_1455#13 : vector<16xf32> to vector<16xi32>
    %swap3A_1529 = arith.constant 5 : i32
    %swap3A_1530 = arith.index_cast %swap3A_1529 : i32 to index
    %swap3A_1531 = arith.constant 160 : index
    %swap3A_1532 = tpu.vector_load %arg7[%swap3A_1530, %swap3A_1531] {strides = array<i32>} : memref<8x256xi32, #tpu.memory_space<vmem>>, vector<1x16xi32>,
    %swap3A_1533 = vector.shape_cast %swap3A_1532 : vector<1x16xi32> to vector<16xi32>
    %swap3A_1534 = vector.shape_cast %convert_element_type3A_1528 : vector<16xi32> to vector<1x16xi32>
    tpu.vector_store %arg7[%swap3A_1530, %swap3A_1531], %swap3A_1534 {strides = array<i32>} : memref<8x256xi32, #tpu.memory_space<vmem>>, vector<1x16xi32>,
    %swap3A_1535 = arith.constant 6 : i32
    %swap3A_1536 = arith.index_cast %swap3A_1535 : i32 to index
    %swap3A_1537 = arith.constant 160 : index
    %swap3A_1538 = tpu.vector_load %arg6[%swap3A_1536, %swap3A_1537] {strides = array<i32>} : memref<8x256xf32, #tpu.memory_space<vmem>>, vector<1x16xf32>,
    %swap3A_1539 = vector.shape_cast %swap3A_1538 : vector<1x16xf32> to vector<16xf32>
    %swap3A_1540 = vector.shape_cast %scan3A_1455#6 : vector<16xf32> to vector<1x16xf32>
    tpu.vector_store %arg6[%swap3A_1536, %swap3A_1537], %swap3A_1540 {strides = array<i32>} : memref<8x256xf32, #tpu.memory_space<vmem>>, vector<1x16xf32>,
    %convert_element_type3A_1541 = arith.fptosi %scan3A_1455#14 : vector<16xf32> to vector<16xi32>
    %swap3A_1542 = arith.constant 6 : i32
    %swap3A_1543 = arith.index_cast %swap3A_1542 : i32 to index
    %swap3A_1544 = arith.constant 160 : index
    %swap3A_1545 = tpu.vector_load %arg7[%swap3A_1543, %swap3A_1544] {strides = array<i32>} : memref<8x256xi32, #tpu.memory_space<vmem>>, vector<1x16xi32>,
    %swap3A_1546 = vector.shape_cast %swap3A_1545 : vector<1x16xi32> to vector<16xi32>
    %swap3A_1547 = vector.shape_cast %convert_element_type3A_1541 : vector<16xi32> to vector<1x16xi32>
    tpu.vector_store %arg7[%swap3A_1543, %swap3A_1544], %swap3A_1547 {strides = array<i32>} : memref<8x256xi32, #tpu.memory_space<vmem>>, vector<1x16xi32>,
    %swap3A_1548 = arith.constant 7 : i32
    %swap3A_1549 = arith.index_cast %swap3A_1548 : i32 to index
    %swap3A_1550 = arith.constant 160 : index
    %swap3A_1551 = tpu.vector_load %arg6[%swap3A_1549, %swap3A_1550] {strides = array<i32>} : memref<8x256xf32, #tpu.memory_space<vmem>>, vector<1x16xf32>,
    %swap3A_1552 = vector.shape_cast %swap3A_1551 : vector<1x16xf32> to vector<16xf32>
    %swap3A_1553 = vector.shape_cast %scan3A_1455#7 : vector<16xf32> to vector<1x16xf32>
    tpu.vector_store %arg6[%swap3A_1549, %swap3A_1550], %swap3A_1553 {strides = array<i32>} : memref<8x256xf32, #tpu.memory_space<vmem>>, vector<1x16xf32>,
    %convert_element_type3A_1554 = arith.fptosi %scan3A_1455#15 : vector<16xf32> to vector<16xi32>
    %swap3A_1555 = arith.constant 7 : i32
    %swap3A_1556 = arith.index_cast %swap3A_1555 : i32 to index
    %swap3A_1557 = arith.constant 160 : index
    %swap3A_1558 = tpu.vector_load %arg7[%swap3A_1556, %swap3A_1557] {strides = array<i32>} : memref<8x256xi32, #tpu.memory_space<vmem>>, vector<1x16xi32>,
    %swap3A_1559 = vector.shape_cast %swap3A_1558 : vector<1x16xi32> to vector<16xi32>
    %swap3A_1560 = vector.shape_cast %convert_element_type3A_1554 : vector<16xi32> to vector<1x16xi32>
    tpu.vector_store %arg7[%swap3A_1556, %swap3A_1557], %swap3A_1560 {strides = array<i32>} : memref<8x256xi32, #tpu.memory_space<vmem>>, vector<1x16xi32>,
    %broadcast_in_dim3A_1561 = arith.constant -1.000000e+00 : f32
    %broadcast_in_dim3A_1562 = vector.broadcast %broadcast_in_dim3A_1561 : f32 to vector<16xf32>
    %broadcast_in_dim3A_1563 = arith.constant -1.000000e+00 : f32
    %broadcast_in_dim3A_1564 = vector.broadcast %broadcast_in_dim3A_1563 : f32 to vector<16xf32>
    %broadcast_in_dim3A_1565 = arith.constant -1.000000e+00 : f32
    %broadcast_in_dim3A_1566 = vector.broadcast %broadcast_in_dim3A_1565 : f32 to vector<16xf32>
    %broadcast_in_dim3A_1567 = arith.constant -1.000000e+00 : f32
    %broadcast_in_dim3A_1568 = vector.broadcast %broadcast_in_dim3A_1567 : f32 to vector<16xf32>
    %broadcast_in_dim3A_1569 = arith.constant -1.000000e+00 : f32
    %broadcast_in_dim3A_1570 = vector.broadcast %broadcast_in_dim3A_1569 : f32 to vector<16xf32>
    %broadcast_in_dim3A_1571 = arith.constant -1.000000e+00 : f32
    %broadcast_in_dim3A_1572 = vector.broadcast %broadcast_in_dim3A_1571 : f32 to vector<16xf32>
    %broadcast_in_dim3A_1573 = arith.constant -1.000000e+00 : f32
    %broadcast_in_dim3A_1574 = vector.broadcast %broadcast_in_dim3A_1573 : f32 to vector<16xf32>
    %broadcast_in_dim3A_1575 = arith.constant -1.000000e+00 : f32
    %broadcast_in_dim3A_1576 = vector.broadcast %broadcast_in_dim3A_1575 : f32 to vector<16xf32>
    %broadcast_in_dim3A_1577 = arith.constant 0.000000e+00 : f32
    %broadcast_in_dim3A_1578 = vector.broadcast %broadcast_in_dim3A_1577 : f32 to vector<16xf32>
    %broadcast_in_dim3A_1579 = arith.constant 0.000000e+00 : f32
    %broadcast_in_dim3A_1580 = vector.broadcast %broadcast_in_dim3A_1579 : f32 to vector<16xf32>
    %broadcast_in_dim3A_1581 = arith.constant 0.000000e+00 : f32
    %broadcast_in_dim3A_1582 = vector.broadcast %broadcast_in_dim3A_1581 : f32 to vector<16xf32>
    %broadcast_in_dim3A_1583 = arith.constant 0.000000e+00 : f32
    %broadcast_in_dim3A_1584 = vector.broadcast %broadcast_in_dim3A_1583 : f32 to vector<16xf32>
    %broadcast_in_dim3A_1585 = arith.constant 0.000000e+00 : f32
    %broadcast_in_dim3A_1586 = vector.broadcast %broadcast_in_dim3A_1585 : f32 to vector<16xf32>
    %broadcast_in_dim3A_1587 = arith.constant 0.000000e+00 : f32
    %broadcast_in_dim3A_1588 = vector.broadcast %broadcast_in_dim3A_1587 : f32 to vector<16xf32>
    %broadcast_in_dim3A_1589 = arith.constant 0.000000e+00 : f32
    %broadcast_in_dim3A_1590 = vector.broadcast %broadcast_in_dim3A_1589 : f32 to vector<16xf32>
    %broadcast_in_dim3A_1591 = arith.constant 0.000000e+00 : f32
    %broadcast_in_dim3A_1592 = vector.broadcast %broadcast_in_dim3A_1591 : f32 to vector<16xf32>
    %scan3A_1593 = arith.constant 0 : i32
    %scan3A_1594 = arith.constant 64 : i32
    %scan3A_1595 = arith.addi %scan3A_1593, %scan3A_1594 : i32
    %scan3A_1596 = arith.constant 1 : i32
    %scan3A_1597:16 = scf.for %scan3A_2271 = %scan3A_1593 to %scan3A_1595 step %scan3A_1596 iter_args(%scan3A_2272 = %broadcast_in_dim3A_1562, %scan3A_2273 = %broadcast_in_dim3A_1564, %scan3A_2274 = %broadcast_in_dim3A_1566, %scan3A_2275 = %broadcast_in_dim3A_1568, %scan3A_2276 = %broadcast_in_dim3A_1570, %scan3A_2277 = %broadcast_in_dim3A_1572, %scan3A_2278 = %broadcast_in_dim3A_1574, %scan3A_2279 = %broadcast_in_dim3A_1576, %scan3A_2280 = %broadcast_in_dim3A_1578, %scan3A_2281 = %broadcast_in_dim3A_1580, %scan3A_2282 = %broadcast_in_dim3A_1582, %scan3A_2283 = %broadcast_in_dim3A_1584, %scan3A_2284 = %broadcast_in_dim3A_1586, %scan3A_2285 = %broadcast_in_dim3A_1588, %scan3A_2286 = %broadcast_in_dim3A_1590, %scan3A_2287 = %broadcast_in_dim3A_1592) -> (vector<16xf32>, vector<16xf32>, vector<16xf32>, vector<16xf32>, vector<16xf32>, vector<16xf32>, vector<16xf32>, vector<16xf32>, vector<16xf32>, vector<16xf32>, vector<16xf32>, vector<16xf32>, vector<16xf32>, vector<16xf32>, vector<16xf32>, vector<16xf32>)  : i32 {
      %get3A = arith.index_cast %scan3A_2271 : i32 to index
      %get3A_2288 = arith.constant 176 : index
      %get3A_2289 = tpu.vector_load %arg5[%get3A, %get3A_2288] {strides = array<i32>} : memref<64x256xf32, #tpu.memory_space<vmem>>, vector<1x16xf32>,
      %get3A_2290 = vector.shape_cast %get3A_2289 : vector<1x16xf32> to vector<16xf32>
      %broadcast_in_dim3A_2291 = arith.constant 1.000000e+00 : f32
      %broadcast_in_dim3A_2292 = vector.broadcast %broadcast_in_dim3A_2291 : f32 to vector<16xf32>
      %convert_element_type3A_2293 = arith.sitofp %scan3A_2271 : i32 to f32
      %mul3A_2294 = vector.broadcast %convert_element_type3A_2293 : f32 to vector<16xf32>
      %mul3A_2295 = arith.mulf %broadcast_in_dim3A_2292, %mul3A_2294 : vector<16xf32>
      %gt3A = arith.cmpf ogt, %get3A_2290, %scan3A_2272 : vector<16xf32>
      %gt3A_2296 = arith.cmpf ogt, %get3A_2290, %scan3A_2273 : vector<16xf32>
      %gt3A_2297 = arith.cmpf ogt, %get3A_2290, %scan3A_2274 : vector<16xf32>
      %gt3A_2298 = arith.cmpf ogt, %get3A_2290, %scan3A_2275 : vector<16xf32>
      %gt3A_2299 = arith.cmpf ogt, %get3A_2290, %scan3A_2276 : vector<16xf32>
      %gt3A_2300 = arith.cmpf ogt, %get3A_2290, %scan3A_2277 : vector<16xf32>
      %gt3A_2301 = arith.cmpf ogt, %get3A_2290, %scan3A_2278 : vector<16xf32>
      %gt3A_2302 = arith.cmpf ogt, %get3A_2290, %scan3A_2279 : vector<16xf32>
      %select_n3A = arith.select %gt3A, %get3A_2290, %scan3A_2272 : vector<16xi1>, vector<16xf32>
      %select_n3A_2303 = arith.select %gt3A, %mul3A_2295, %scan3A_2280 : vector<16xi1>, vector<16xf32>
      %select_n3A_2304 = arith.select %gt3A, %scan3A_2272, %get3A_2290 : vector<16xi1>, vector<16xf32>
      %select_n3A_2305 = arith.select %gt3A, %scan3A_2280, %mul3A_2295 : vector<16xi1>, vector<16xf32>
      %select_n3A_2306 = arith.select %gt3A_2296, %select_n3A_2304, %scan3A_2273 : vector<16xi1>, vector<16xf32>
      %select_n3A_2307 = arith.select %gt3A_2296, %select_n3A_2305, %scan3A_2281 : vector<16xi1>, vector<16xf32>
      %select_n3A_2308 = arith.select %gt3A_2296, %scan3A_2273, %get3A_2290 : vector<16xi1>, vector<16xf32>
      %select_n3A_2309 = arith.select %gt3A_2296, %scan3A_2281, %mul3A_2295 : vector<16xi1>, vector<16xf32>
      %select_n3A_2310 = arith.select %gt3A_2297, %select_n3A_2308, %scan3A_2274 : vector<16xi1>, vector<16xf32>
      %select_n3A_2311 = arith.select %gt3A_2297, %select_n3A_2309, %scan3A_2282 : vector<16xi1>, vector<16xf32>
      %select_n3A_2312 = arith.select %gt3A_2297, %scan3A_2274, %get3A_2290 : vector<16xi1>, vector<16xf32>
      %select_n3A_2313 = arith.select %gt3A_2297, %scan3A_2282, %mul3A_2295 : vector<16xi1>, vector<16xf32>
      %select_n3A_2314 = arith.select %gt3A_2298, %select_n3A_2312, %scan3A_2275 : vector<16xi1>, vector<16xf32>
      %select_n3A_2315 = arith.select %gt3A_2298, %select_n3A_2313, %scan3A_2283 : vector<16xi1>, vector<16xf32>
      %select_n3A_2316 = arith.select %gt3A_2298, %scan3A_2275, %get3A_2290 : vector<16xi1>, vector<16xf32>
      %select_n3A_2317 = arith.select %gt3A_2298, %scan3A_2283, %mul3A_2295 : vector<16xi1>, vector<16xf32>
      %select_n3A_2318 = arith.select %gt3A_2299, %select_n3A_2316, %scan3A_2276 : vector<16xi1>, vector<16xf32>
      %select_n3A_2319 = arith.select %gt3A_2299, %select_n3A_2317, %scan3A_2284 : vector<16xi1>, vector<16xf32>
      %select_n3A_2320 = arith.select %gt3A_2299, %scan3A_2276, %get3A_2290 : vector<16xi1>, vector<16xf32>
      %select_n3A_2321 = arith.select %gt3A_2299, %scan3A_2284, %mul3A_2295 : vector<16xi1>, vector<16xf32>
      %select_n3A_2322 = arith.select %gt3A_2300, %select_n3A_2320, %scan3A_2277 : vector<16xi1>, vector<16xf32>
      %select_n3A_2323 = arith.select %gt3A_2300, %select_n3A_2321, %scan3A_2285 : vector<16xi1>, vector<16xf32>
      %select_n3A_2324 = arith.select %gt3A_2300, %scan3A_2277, %get3A_2290 : vector<16xi1>, vector<16xf32>
      %select_n3A_2325 = arith.select %gt3A_2300, %scan3A_2285, %mul3A_2295 : vector<16xi1>, vector<16xf32>
      %select_n3A_2326 = arith.select %gt3A_2301, %select_n3A_2324, %scan3A_2278 : vector<16xi1>, vector<16xf32>
      %select_n3A_2327 = arith.select %gt3A_2301, %select_n3A_2325, %scan3A_2286 : vector<16xi1>, vector<16xf32>
      %select_n3A_2328 = arith.select %gt3A_2301, %scan3A_2278, %get3A_2290 : vector<16xi1>, vector<16xf32>
      %select_n3A_2329 = arith.select %gt3A_2301, %scan3A_2286, %mul3A_2295 : vector<16xi1>, vector<16xf32>
      %select_n3A_2330 = arith.select %gt3A_2302, %select_n3A_2328, %scan3A_2279 : vector<16xi1>, vector<16xf32>
      %select_n3A_2331 = arith.select %gt3A_2302, %select_n3A_2329, %scan3A_2287 : vector<16xi1>, vector<16xf32>
      scf.yield %select_n3A, %select_n3A_2306, %select_n3A_2310, %select_n3A_2314, %select_n3A_2318, %select_n3A_2322, %select_n3A_2326, %select_n3A_2330, %select_n3A_2303, %select_n3A_2307, %select_n3A_2311, %select_n3A_2315, %select_n3A_2319, %select_n3A_2323, %select_n3A_2327, %select_n3A_2331 : vector<16xf32>, vector<16xf32>, vector<16xf32>, vector<16xf32>, vector<16xf32>, vector<16xf32>, vector<16xf32>, vector<16xf32>, vector<16xf32>, vector<16xf32>, vector<16xf32>, vector<16xf32>, vector<16xf32>, vector<16xf32>, vector<16xf32>, vector<16xf32>
    }
    %scan3A_1598 = arith.constant 64 : i32
    %swap3A_1599 = arith.constant 0 : i32
    %swap3A_1600 = arith.index_cast %swap3A_1599 : i32 to index
    %swap3A_1601 = arith.constant 176 : index
    %swap3A_1602 = tpu.vector_load %arg6[%swap3A_1600, %swap3A_1601] {strides = array<i32>} : memref<8x256xf32, #tpu.memory_space<vmem>>, vector<1x16xf32>,
    %swap3A_1603 = vector.shape_cast %swap3A_1602 : vector<1x16xf32> to vector<16xf32>
    %swap3A_1604 = vector.shape_cast %scan3A_1597#0 : vector<16xf32> to vector<1x16xf32>
    tpu.vector_store %arg6[%swap3A_1600, %swap3A_1601], %swap3A_1604 {strides = array<i32>} : memref<8x256xf32, #tpu.memory_space<vmem>>, vector<1x16xf32>,
    %convert_element_type3A_1605 = arith.fptosi %scan3A_1597#8 : vector<16xf32> to vector<16xi32>
    %swap3A_1606 = arith.constant 0 : i32
    %swap3A_1607 = arith.index_cast %swap3A_1606 : i32 to index
    %swap3A_1608 = arith.constant 176 : index
    %swap3A_1609 = tpu.vector_load %arg7[%swap3A_1607, %swap3A_1608] {strides = array<i32>} : memref<8x256xi32, #tpu.memory_space<vmem>>, vector<1x16xi32>,
    %swap3A_1610 = vector.shape_cast %swap3A_1609 : vector<1x16xi32> to vector<16xi32>
    %swap3A_1611 = vector.shape_cast %convert_element_type3A_1605 : vector<16xi32> to vector<1x16xi32>
    tpu.vector_store %arg7[%swap3A_1607, %swap3A_1608], %swap3A_1611 {strides = array<i32>} : memref<8x256xi32, #tpu.memory_space<vmem>>, vector<1x16xi32>,
    %swap3A_1612 = arith.constant 1 : i32
    %swap3A_1613 = arith.index_cast %swap3A_1612 : i32 to index
    %swap3A_1614 = arith.constant 176 : index
    %swap3A_1615 = tpu.vector_load %arg6[%swap3A_1613, %swap3A_1614] {strides = array<i32>} : memref<8x256xf32, #tpu.memory_space<vmem>>, vector<1x16xf32>,
    %swap3A_1616 = vector.shape_cast %swap3A_1615 : vector<1x16xf32> to vector<16xf32>
    %swap3A_1617 = vector.shape_cast %scan3A_1597#1 : vector<16xf32> to vector<1x16xf32>
    tpu.vector_store %arg6[%swap3A_1613, %swap3A_1614], %swap3A_1617 {strides = array<i32>} : memref<8x256xf32, #tpu.memory_space<vmem>>, vector<1x16xf32>,
    %convert_element_type3A_1618 = arith.fptosi %scan3A_1597#9 : vector<16xf32> to vector<16xi32>
    %swap3A_1619 = arith.constant 1 : i32
    %swap3A_1620 = arith.index_cast %swap3A_1619 : i32 to index
    %swap3A_1621 = arith.constant 176 : index
    %swap3A_1622 = tpu.vector_load %arg7[%swap3A_1620, %swap3A_1621] {strides = array<i32>} : memref<8x256xi32, #tpu.memory_space<vmem>>, vector<1x16xi32>,
    %swap3A_1623 = vector.shape_cast %swap3A_1622 : vector<1x16xi32> to vector<16xi32>
    %swap3A_1624 = vector.shape_cast %convert_element_type3A_1618 : vector<16xi32> to vector<1x16xi32>
    tpu.vector_store %arg7[%swap3A_1620, %swap3A_1621], %swap3A_1624 {strides = array<i32>} : memref<8x256xi32, #tpu.memory_space<vmem>>, vector<1x16xi32>,
    %swap3A_1625 = arith.constant 2 : i32
    %swap3A_1626 = arith.index_cast %swap3A_1625 : i32 to index
    %swap3A_1627 = arith.constant 176 : index
    %swap3A_1628 = tpu.vector_load %arg6[%swap3A_1626, %swap3A_1627] {strides = array<i32>} : memref<8x256xf32, #tpu.memory_space<vmem>>, vector<1x16xf32>,
    %swap3A_1629 = vector.shape_cast %swap3A_1628 : vector<1x16xf32> to vector<16xf32>
    %swap3A_1630 = vector.shape_cast %scan3A_1597#2 : vector<16xf32> to vector<1x16xf32>
    tpu.vector_store %arg6[%swap3A_1626, %swap3A_1627], %swap3A_1630 {strides = array<i32>} : memref<8x256xf32, #tpu.memory_space<vmem>>, vector<1x16xf32>,
    %convert_element_type3A_1631 = arith.fptosi %scan3A_1597#10 : vector<16xf32> to vector<16xi32>
    %swap3A_1632 = arith.constant 2 : i32
    %swap3A_1633 = arith.index_cast %swap3A_1632 : i32 to index
    %swap3A_1634 = arith.constant 176 : index
    %swap3A_1635 = tpu.vector_load %arg7[%swap3A_1633, %swap3A_1634] {strides = array<i32>} : memref<8x256xi32, #tpu.memory_space<vmem>>, vector<1x16xi32>,
    %swap3A_1636 = vector.shape_cast %swap3A_1635 : vector<1x16xi32> to vector<16xi32>
    %swap3A_1637 = vector.shape_cast %convert_element_type3A_1631 : vector<16xi32> to vector<1x16xi32>
    tpu.vector_store %arg7[%swap3A_1633, %swap3A_1634], %swap3A_1637 {strides = array<i32>} : memref<8x256xi32, #tpu.memory_space<vmem>>, vector<1x16xi32>,
    %swap3A_1638 = arith.constant 3 : i32
    %swap3A_1639 = arith.index_cast %swap3A_1638 : i32 to index
    %swap3A_1640 = arith.constant 176 : index
    %swap3A_1641 = tpu.vector_load %arg6[%swap3A_1639, %swap3A_1640] {strides = array<i32>} : memref<8x256xf32, #tpu.memory_space<vmem>>, vector<1x16xf32>,
    %swap3A_1642 = vector.shape_cast %swap3A_1641 : vector<1x16xf32> to vector<16xf32>
    %swap3A_1643 = vector.shape_cast %scan3A_1597#3 : vector<16xf32> to vector<1x16xf32>
    tpu.vector_store %arg6[%swap3A_1639, %swap3A_1640], %swap3A_1643 {strides = array<i32>} : memref<8x256xf32, #tpu.memory_space<vmem>>, vector<1x16xf32>,
    %convert_element_type3A_1644 = arith.fptosi %scan3A_1597#11 : vector<16xf32> to vector<16xi32>
    %swap3A_1645 = arith.constant 3 : i32
    %swap3A_1646 = arith.index_cast %swap3A_1645 : i32 to index
    %swap3A_1647 = arith.constant 176 : index
    %swap3A_1648 = tpu.vector_load %arg7[%swap3A_1646, %swap3A_1647] {strides = array<i32>} : memref<8x256xi32, #tpu.memory_space<vmem>>, vector<1x16xi32>,
    %swap3A_1649 = vector.shape_cast %swap3A_1648 : vector<1x16xi32> to vector<16xi32>
    %swap3A_1650 = vector.shape_cast %convert_element_type3A_1644 : vector<16xi32> to vector<1x16xi32>
    tpu.vector_store %arg7[%swap3A_1646, %swap3A_1647], %swap3A_1650 {strides = array<i32>} : memref<8x256xi32, #tpu.memory_space<vmem>>, vector<1x16xi32>,
    %swap3A_1651 = arith.constant 4 : i32
    %swap3A_1652 = arith.index_cast %swap3A_1651 : i32 to index
    %swap3A_1653 = arith.constant 176 : index
    %swap3A_1654 = tpu.vector_load %arg6[%swap3A_1652, %swap3A_1653] {strides = array<i32>} : memref<8x256xf32, #tpu.memory_space<vmem>>, vector<1x16xf32>,
    %swap3A_1655 = vector.shape_cast %swap3A_1654 : vector<1x16xf32> to vector<16xf32>
    %swap3A_1656 = vector.shape_cast %scan3A_1597#4 : vector<16xf32> to vector<1x16xf32>
    tpu.vector_store %arg6[%swap3A_1652, %swap3A_1653], %swap3A_1656 {strides = array<i32>} : memref<8x256xf32, #tpu.memory_space<vmem>>, vector<1x16xf32>,
    %convert_element_type3A_1657 = arith.fptosi %scan3A_1597#12 : vector<16xf32> to vector<16xi32>
    %swap3A_1658 = arith.constant 4 : i32
    %swap3A_1659 = arith.index_cast %swap3A_1658 : i32 to index
    %swap3A_1660 = arith.constant 176 : index
    %swap3A_1661 = tpu.vector_load %arg7[%swap3A_1659, %swap3A_1660] {strides = array<i32>} : memref<8x256xi32, #tpu.memory_space<vmem>>, vector<1x16xi32>,
    %swap3A_1662 = vector.shape_cast %swap3A_1661 : vector<1x16xi32> to vector<16xi32>
    %swap3A_1663 = vector.shape_cast %convert_element_type3A_1657 : vector<16xi32> to vector<1x16xi32>
    tpu.vector_store %arg7[%swap3A_1659, %swap3A_1660], %swap3A_1663 {strides = array<i32>} : memref<8x256xi32, #tpu.memory_space<vmem>>, vector<1x16xi32>,
    %swap3A_1664 = arith.constant 5 : i32
    %swap3A_1665 = arith.index_cast %swap3A_1664 : i32 to index
    %swap3A_1666 = arith.constant 176 : index
    %swap3A_1667 = tpu.vector_load %arg6[%swap3A_1665, %swap3A_1666] {strides = array<i32>} : memref<8x256xf32, #tpu.memory_space<vmem>>, vector<1x16xf32>,
    %swap3A_1668 = vector.shape_cast %swap3A_1667 : vector<1x16xf32> to vector<16xf32>
    %swap3A_1669 = vector.shape_cast %scan3A_1597#5 : vector<16xf32> to vector<1x16xf32>
    tpu.vector_store %arg6[%swap3A_1665, %swap3A_1666], %swap3A_1669 {strides = array<i32>} : memref<8x256xf32, #tpu.memory_space<vmem>>, vector<1x16xf32>,
    %convert_element_type3A_1670 = arith.fptosi %scan3A_1597#13 : vector<16xf32> to vector<16xi32>
    %swap3A_1671 = arith.constant 5 : i32
    %swap3A_1672 = arith.index_cast %swap3A_1671 : i32 to index
    %swap3A_1673 = arith.constant 176 : index
    %swap3A_1674 = tpu.vector_load %arg7[%swap3A_1672, %swap3A_1673] {strides = array<i32>} : memref<8x256xi32, #tpu.memory_space<vmem>>, vector<1x16xi32>,
    %swap3A_1675 = vector.shape_cast %swap3A_1674 : vector<1x16xi32> to vector<16xi32>
    %swap3A_1676 = vector.shape_cast %convert_element_type3A_1670 : vector<16xi32> to vector<1x16xi32>
    tpu.vector_store %arg7[%swap3A_1672, %swap3A_1673], %swap3A_1676 {strides = array<i32>} : memref<8x256xi32, #tpu.memory_space<vmem>>, vector<1x16xi32>,
    %swap3A_1677 = arith.constant 6 : i32
    %swap3A_1678 = arith.index_cast %swap3A_1677 : i32 to index
    %swap3A_1679 = arith.constant 176 : index
    %swap3A_1680 = tpu.vector_load %arg6[%swap3A_1678, %swap3A_1679] {strides = array<i32>} : memref<8x256xf32, #tpu.memory_space<vmem>>, vector<1x16xf32>,
    %swap3A_1681 = vector.shape_cast %swap3A_1680 : vector<1x16xf32> to vector<16xf32>
    %swap3A_1682 = vector.shape_cast %scan3A_1597#6 : vector<16xf32> to vector<1x16xf32>
    tpu.vector_store %arg6[%swap3A_1678, %swap3A_1679], %swap3A_1682 {strides = array<i32>} : memref<8x256xf32, #tpu.memory_space<vmem>>, vector<1x16xf32>,
    %convert_element_type3A_1683 = arith.fptosi %scan3A_1597#14 : vector<16xf32> to vector<16xi32>
    %swap3A_1684 = arith.constant 6 : i32
    %swap3A_1685 = arith.index_cast %swap3A_1684 : i32 to index
    %swap3A_1686 = arith.constant 176 : index
    %swap3A_1687 = tpu.vector_load %arg7[%swap3A_1685, %swap3A_1686] {strides = array<i32>} : memref<8x256xi32, #tpu.memory_space<vmem>>, vector<1x16xi32>,
    %swap3A_1688 = vector.shape_cast %swap3A_1687 : vector<1x16xi32> to vector<16xi32>
    %swap3A_1689 = vector.shape_cast %convert_element_type3A_1683 : vector<16xi32> to vector<1x16xi32>
    tpu.vector_store %arg7[%swap3A_1685, %swap3A_1686], %swap3A_1689 {strides = array<i32>} : memref<8x256xi32, #tpu.memory_space<vmem>>, vector<1x16xi32>,
    %swap3A_1690 = arith.constant 7 : i32
    %swap3A_1691 = arith.index_cast %swap3A_1690 : i32 to index
    %swap3A_1692 = arith.constant 176 : index
    %swap3A_1693 = tpu.vector_load %arg6[%swap3A_1691, %swap3A_1692] {strides = array<i32>} : memref<8x256xf32, #tpu.memory_space<vmem>>, vector<1x16xf32>,
    %swap3A_1694 = vector.shape_cast %swap3A_1693 : vector<1x16xf32> to vector<16xf32>
    %swap3A_1695 = vector.shape_cast %scan3A_1597#7 : vector<16xf32> to vector<1x16xf32>
    tpu.vector_store %arg6[%swap3A_1691, %swap3A_1692], %swap3A_1695 {strides = array<i32>} : memref<8x256xf32, #tpu.memory_space<vmem>>, vector<1x16xf32>,
    %convert_element_type3A_1696 = arith.fptosi %scan3A_1597#15 : vector<16xf32> to vector<16xi32>
    %swap3A_1697 = arith.constant 7 : i32
    %swap3A_1698 = arith.index_cast %swap3A_1697 : i32 to index
    %swap3A_1699 = arith.constant 176 : index
    %swap3A_1700 = tpu.vector_load %arg7[%swap3A_1698, %swap3A_1699] {strides = array<i32>} : memref<8x256xi32, #tpu.memory_space<vmem>>, vector<1x16xi32>,
    %swap3A_1701 = vector.shape_cast %swap3A_1700 : vector<1x16xi32> to vector<16xi32>
    %swap3A_1702 = vector.shape_cast %convert_element_type3A_1696 : vector<16xi32> to vector<1x16xi32>
    tpu.vector_store %arg7[%swap3A_1698, %swap3A_1699], %swap3A_1702 {strides = array<i32>} : memref<8x256xi32, #tpu.memory_space<vmem>>, vector<1x16xi32>,
    %broadcast_in_dim3A_1703 = arith.constant -1.000000e+00 : f32
    %broadcast_in_dim3A_1704 = vector.broadcast %broadcast_in_dim3A_1703 : f32 to vector<16xf32>
    %broadcast_in_dim3A_1705 = arith.constant -1.000000e+00 : f32
    %broadcast_in_dim3A_1706 = vector.broadcast %broadcast_in_dim3A_1705 : f32 to vector<16xf32>
    %broadcast_in_dim3A_1707 = arith.constant -1.000000e+00 : f32
    %broadcast_in_dim3A_1708 = vector.broadcast %broadcast_in_dim3A_1707 : f32 to vector<16xf32>
    %broadcast_in_dim3A_1709 = arith.constant -1.000000e+00 : f32
    %broadcast_in_dim3A_1710 = vector.broadcast %broadcast_in_dim3A_1709 : f32 to vector<16xf32>
    %broadcast_in_dim3A_1711 = arith.constant -1.000000e+00 : f32
    %broadcast_in_dim3A_1712 = vector.broadcast %broadcast_in_dim3A_1711 : f32 to vector<16xf32>
    %broadcast_in_dim3A_1713 = arith.constant -1.000000e+00 : f32
    %broadcast_in_dim3A_1714 = vector.broadcast %broadcast_in_dim3A_1713 : f32 to vector<16xf32>
    %broadcast_in_dim3A_1715 = arith.constant -1.000000e+00 : f32
    %broadcast_in_dim3A_1716 = vector.broadcast %broadcast_in_dim3A_1715 : f32 to vector<16xf32>
    %broadcast_in_dim3A_1717 = arith.constant -1.000000e+00 : f32
    %broadcast_in_dim3A_1718 = vector.broadcast %broadcast_in_dim3A_1717 : f32 to vector<16xf32>
    %broadcast_in_dim3A_1719 = arith.constant 0.000000e+00 : f32
    %broadcast_in_dim3A_1720 = vector.broadcast %broadcast_in_dim3A_1719 : f32 to vector<16xf32>
    %broadcast_in_dim3A_1721 = arith.constant 0.000000e+00 : f32
    %broadcast_in_dim3A_1722 = vector.broadcast %broadcast_in_dim3A_1721 : f32 to vector<16xf32>
    %broadcast_in_dim3A_1723 = arith.constant 0.000000e+00 : f32
    %broadcast_in_dim3A_1724 = vector.broadcast %broadcast_in_dim3A_1723 : f32 to vector<16xf32>
    %broadcast_in_dim3A_1725 = arith.constant 0.000000e+00 : f32
    %broadcast_in_dim3A_1726 = vector.broadcast %broadcast_in_dim3A_1725 : f32 to vector<16xf32>
    %broadcast_in_dim3A_1727 = arith.constant 0.000000e+00 : f32
    %broadcast_in_dim3A_1728 = vector.broadcast %broadcast_in_dim3A_1727 : f32 to vector<16xf32>
    %broadcast_in_dim3A_1729 = arith.constant 0.000000e+00 : f32
    %broadcast_in_dim3A_1730 = vector.broadcast %broadcast_in_dim3A_1729 : f32 to vector<16xf32>
    %broadcast_in_dim3A_1731 = arith.constant 0.000000e+00 : f32
    %broadcast_in_dim3A_1732 = vector.broadcast %broadcast_in_dim3A_1731 : f32 to vector<16xf32>
    %broadcast_in_dim3A_1733 = arith.constant 0.000000e+00 : f32
    %broadcast_in_dim3A_1734 = vector.broadcast %broadcast_in_dim3A_1733 : f32 to vector<16xf32>
    %scan3A_1735 = arith.constant 0 : i32
    %scan3A_1736 = arith.constant 64 : i32
    %scan3A_1737 = arith.addi %scan3A_1735, %scan3A_1736 : i32
    %scan3A_1738 = arith.constant 1 : i32
    %scan3A_1739:16 = scf.for %scan3A_2271 = %scan3A_1735 to %scan3A_1737 step %scan3A_1738 iter_args(%scan3A_2272 = %broadcast_in_dim3A_1704, %scan3A_2273 = %broadcast_in_dim3A_1706, %scan3A_2274 = %broadcast_in_dim3A_1708, %scan3A_2275 = %broadcast_in_dim3A_1710, %scan3A_2276 = %broadcast_in_dim3A_1712, %scan3A_2277 = %broadcast_in_dim3A_1714, %scan3A_2278 = %broadcast_in_dim3A_1716, %scan3A_2279 = %broadcast_in_dim3A_1718, %scan3A_2280 = %broadcast_in_dim3A_1720, %scan3A_2281 = %broadcast_in_dim3A_1722, %scan3A_2282 = %broadcast_in_dim3A_1724, %scan3A_2283 = %broadcast_in_dim3A_1726, %scan3A_2284 = %broadcast_in_dim3A_1728, %scan3A_2285 = %broadcast_in_dim3A_1730, %scan3A_2286 = %broadcast_in_dim3A_1732, %scan3A_2287 = %broadcast_in_dim3A_1734) -> (vector<16xf32>, vector<16xf32>, vector<16xf32>, vector<16xf32>, vector<16xf32>, vector<16xf32>, vector<16xf32>, vector<16xf32>, vector<16xf32>, vector<16xf32>, vector<16xf32>, vector<16xf32>, vector<16xf32>, vector<16xf32>, vector<16xf32>, vector<16xf32>)  : i32 {
      %get3A = arith.index_cast %scan3A_2271 : i32 to index
      %get3A_2288 = arith.constant 192 : index
      %get3A_2289 = tpu.vector_load %arg5[%get3A, %get3A_2288] {strides = array<i32>} : memref<64x256xf32, #tpu.memory_space<vmem>>, vector<1x16xf32>,
      %get3A_2290 = vector.shape_cast %get3A_2289 : vector<1x16xf32> to vector<16xf32>
      %broadcast_in_dim3A_2291 = arith.constant 1.000000e+00 : f32
      %broadcast_in_dim3A_2292 = vector.broadcast %broadcast_in_dim3A_2291 : f32 to vector<16xf32>
      %convert_element_type3A_2293 = arith.sitofp %scan3A_2271 : i32 to f32
      %mul3A_2294 = vector.broadcast %convert_element_type3A_2293 : f32 to vector<16xf32>
      %mul3A_2295 = arith.mulf %broadcast_in_dim3A_2292, %mul3A_2294 : vector<16xf32>
      %gt3A = arith.cmpf ogt, %get3A_2290, %scan3A_2272 : vector<16xf32>
      %gt3A_2296 = arith.cmpf ogt, %get3A_2290, %scan3A_2273 : vector<16xf32>
      %gt3A_2297 = arith.cmpf ogt, %get3A_2290, %scan3A_2274 : vector<16xf32>
      %gt3A_2298 = arith.cmpf ogt, %get3A_2290, %scan3A_2275 : vector<16xf32>
      %gt3A_2299 = arith.cmpf ogt, %get3A_2290, %scan3A_2276 : vector<16xf32>
      %gt3A_2300 = arith.cmpf ogt, %get3A_2290, %scan3A_2277 : vector<16xf32>
      %gt3A_2301 = arith.cmpf ogt, %get3A_2290, %scan3A_2278 : vector<16xf32>
      %gt3A_2302 = arith.cmpf ogt, %get3A_2290, %scan3A_2279 : vector<16xf32>
      %select_n3A = arith.select %gt3A, %get3A_2290, %scan3A_2272 : vector<16xi1>, vector<16xf32>
      %select_n3A_2303 = arith.select %gt3A, %mul3A_2295, %scan3A_2280 : vector<16xi1>, vector<16xf32>
      %select_n3A_2304 = arith.select %gt3A, %scan3A_2272, %get3A_2290 : vector<16xi1>, vector<16xf32>
      %select_n3A_2305 = arith.select %gt3A, %scan3A_2280, %mul3A_2295 : vector<16xi1>, vector<16xf32>
      %select_n3A_2306 = arith.select %gt3A_2296, %select_n3A_2304, %scan3A_2273 : vector<16xi1>, vector<16xf32>
      %select_n3A_2307 = arith.select %gt3A_2296, %select_n3A_2305, %scan3A_2281 : vector<16xi1>, vector<16xf32>
      %select_n3A_2308 = arith.select %gt3A_2296, %scan3A_2273, %get3A_2290 : vector<16xi1>, vector<16xf32>
      %select_n3A_2309 = arith.select %gt3A_2296, %scan3A_2281, %mul3A_2295 : vector<16xi1>, vector<16xf32>
      %select_n3A_2310 = arith.select %gt3A_2297, %select_n3A_2308, %scan3A_2274 : vector<16xi1>, vector<16xf32>
      %select_n3A_2311 = arith.select %gt3A_2297, %select_n3A_2309, %scan3A_2282 : vector<16xi1>, vector<16xf32>
      %select_n3A_2312 = arith.select %gt3A_2297, %scan3A_2274, %get3A_2290 : vector<16xi1>, vector<16xf32>
      %select_n3A_2313 = arith.select %gt3A_2297, %scan3A_2282, %mul3A_2295 : vector<16xi1>, vector<16xf32>
      %select_n3A_2314 = arith.select %gt3A_2298, %select_n3A_2312, %scan3A_2275 : vector<16xi1>, vector<16xf32>
      %select_n3A_2315 = arith.select %gt3A_2298, %select_n3A_2313, %scan3A_2283 : vector<16xi1>, vector<16xf32>
      %select_n3A_2316 = arith.select %gt3A_2298, %scan3A_2275, %get3A_2290 : vector<16xi1>, vector<16xf32>
      %select_n3A_2317 = arith.select %gt3A_2298, %scan3A_2283, %mul3A_2295 : vector<16xi1>, vector<16xf32>
      %select_n3A_2318 = arith.select %gt3A_2299, %select_n3A_2316, %scan3A_2276 : vector<16xi1>, vector<16xf32>
      %select_n3A_2319 = arith.select %gt3A_2299, %select_n3A_2317, %scan3A_2284 : vector<16xi1>, vector<16xf32>
      %select_n3A_2320 = arith.select %gt3A_2299, %scan3A_2276, %get3A_2290 : vector<16xi1>, vector<16xf32>
      %select_n3A_2321 = arith.select %gt3A_2299, %scan3A_2284, %mul3A_2295 : vector<16xi1>, vector<16xf32>
      %select_n3A_2322 = arith.select %gt3A_2300, %select_n3A_2320, %scan3A_2277 : vector<16xi1>, vector<16xf32>
      %select_n3A_2323 = arith.select %gt3A_2300, %select_n3A_2321, %scan3A_2285 : vector<16xi1>, vector<16xf32>
      %select_n3A_2324 = arith.select %gt3A_2300, %scan3A_2277, %get3A_2290 : vector<16xi1>, vector<16xf32>
      %select_n3A_2325 = arith.select %gt3A_2300, %scan3A_2285, %mul3A_2295 : vector<16xi1>, vector<16xf32>
      %select_n3A_2326 = arith.select %gt3A_2301, %select_n3A_2324, %scan3A_2278 : vector<16xi1>, vector<16xf32>
      %select_n3A_2327 = arith.select %gt3A_2301, %select_n3A_2325, %scan3A_2286 : vector<16xi1>, vector<16xf32>
      %select_n3A_2328 = arith.select %gt3A_2301, %scan3A_2278, %get3A_2290 : vector<16xi1>, vector<16xf32>
      %select_n3A_2329 = arith.select %gt3A_2301, %scan3A_2286, %mul3A_2295 : vector<16xi1>, vector<16xf32>
      %select_n3A_2330 = arith.select %gt3A_2302, %select_n3A_2328, %scan3A_2279 : vector<16xi1>, vector<16xf32>
      %select_n3A_2331 = arith.select %gt3A_2302, %select_n3A_2329, %scan3A_2287 : vector<16xi1>, vector<16xf32>
      scf.yield %select_n3A, %select_n3A_2306, %select_n3A_2310, %select_n3A_2314, %select_n3A_2318, %select_n3A_2322, %select_n3A_2326, %select_n3A_2330, %select_n3A_2303, %select_n3A_2307, %select_n3A_2311, %select_n3A_2315, %select_n3A_2319, %select_n3A_2323, %select_n3A_2327, %select_n3A_2331 : vector<16xf32>, vector<16xf32>, vector<16xf32>, vector<16xf32>, vector<16xf32>, vector<16xf32>, vector<16xf32>, vector<16xf32>, vector<16xf32>, vector<16xf32>, vector<16xf32>, vector<16xf32>, vector<16xf32>, vector<16xf32>, vector<16xf32>, vector<16xf32>
    }
    %scan3A_1740 = arith.constant 64 : i32
    %swap3A_1741 = arith.constant 0 : i32
    %swap3A_1742 = arith.index_cast %swap3A_1741 : i32 to index
    %swap3A_1743 = arith.constant 192 : index
    %swap3A_1744 = tpu.vector_load %arg6[%swap3A_1742, %swap3A_1743] {strides = array<i32>} : memref<8x256xf32, #tpu.memory_space<vmem>>, vector<1x16xf32>,
    %swap3A_1745 = vector.shape_cast %swap3A_1744 : vector<1x16xf32> to vector<16xf32>
    %swap3A_1746 = vector.shape_cast %scan3A_1739#0 : vector<16xf32> to vector<1x16xf32>
    tpu.vector_store %arg6[%swap3A_1742, %swap3A_1743], %swap3A_1746 {strides = array<i32>} : memref<8x256xf32, #tpu.memory_space<vmem>>, vector<1x16xf32>,
    %convert_element_type3A_1747 = arith.fptosi %scan3A_1739#8 : vector<16xf32> to vector<16xi32>
    %swap3A_1748 = arith.constant 0 : i32
    %swap3A_1749 = arith.index_cast %swap3A_1748 : i32 to index
    %swap3A_1750 = arith.constant 192 : index
    %swap3A_1751 = tpu.vector_load %arg7[%swap3A_1749, %swap3A_1750] {strides = array<i32>} : memref<8x256xi32, #tpu.memory_space<vmem>>, vector<1x16xi32>,
    %swap3A_1752 = vector.shape_cast %swap3A_1751 : vector<1x16xi32> to vector<16xi32>
    %swap3A_1753 = vector.shape_cast %convert_element_type3A_1747 : vector<16xi32> to vector<1x16xi32>
    tpu.vector_store %arg7[%swap3A_1749, %swap3A_1750], %swap3A_1753 {strides = array<i32>} : memref<8x256xi32, #tpu.memory_space<vmem>>, vector<1x16xi32>,
    %swap3A_1754 = arith.constant 1 : i32
    %swap3A_1755 = arith.index_cast %swap3A_1754 : i32 to index
    %swap3A_1756 = arith.constant 192 : index
    %swap3A_1757 = tpu.vector_load %arg6[%swap3A_1755, %swap3A_1756] {strides = array<i32>} : memref<8x256xf32, #tpu.memory_space<vmem>>, vector<1x16xf32>,
    %swap3A_1758 = vector.shape_cast %swap3A_1757 : vector<1x16xf32> to vector<16xf32>
    %swap3A_1759 = vector.shape_cast %scan3A_1739#1 : vector<16xf32> to vector<1x16xf32>
    tpu.vector_store %arg6[%swap3A_1755, %swap3A_1756], %swap3A_1759 {strides = array<i32>} : memref<8x256xf32, #tpu.memory_space<vmem>>, vector<1x16xf32>,
    %convert_element_type3A_1760 = arith.fptosi %scan3A_1739#9 : vector<16xf32> to vector<16xi32>
    %swap3A_1761 = arith.constant 1 : i32
    %swap3A_1762 = arith.index_cast %swap3A_1761 : i32 to index
    %swap3A_1763 = arith.constant 192 : index
    %swap3A_1764 = tpu.vector_load %arg7[%swap3A_1762, %swap3A_1763] {strides = array<i32>} : memref<8x256xi32, #tpu.memory_space<vmem>>, vector<1x16xi32>,
    %swap3A_1765 = vector.shape_cast %swap3A_1764 : vector<1x16xi32> to vector<16xi32>
    %swap3A_1766 = vector.shape_cast %convert_element_type3A_1760 : vector<16xi32> to vector<1x16xi32>
    tpu.vector_store %arg7[%swap3A_1762, %swap3A_1763], %swap3A_1766 {strides = array<i32>} : memref<8x256xi32, #tpu.memory_space<vmem>>, vector<1x16xi32>,
    %swap3A_1767 = arith.constant 2 : i32
    %swap3A_1768 = arith.index_cast %swap3A_1767 : i32 to index
    %swap3A_1769 = arith.constant 192 : index
    %swap3A_1770 = tpu.vector_load %arg6[%swap3A_1768, %swap3A_1769] {strides = array<i32>} : memref<8x256xf32, #tpu.memory_space<vmem>>, vector<1x16xf32>,
    %swap3A_1771 = vector.shape_cast %swap3A_1770 : vector<1x16xf32> to vector<16xf32>
    %swap3A_1772 = vector.shape_cast %scan3A_1739#2 : vector<16xf32> to vector<1x16xf32>
    tpu.vector_store %arg6[%swap3A_1768, %swap3A_1769], %swap3A_1772 {strides = array<i32>} : memref<8x256xf32, #tpu.memory_space<vmem>>, vector<1x16xf32>,
    %convert_element_type3A_1773 = arith.fptosi %scan3A_1739#10 : vector<16xf32> to vector<16xi32>
    %swap3A_1774 = arith.constant 2 : i32
    %swap3A_1775 = arith.index_cast %swap3A_1774 : i32 to index
    %swap3A_1776 = arith.constant 192 : index
    %swap3A_1777 = tpu.vector_load %arg7[%swap3A_1775, %swap3A_1776] {strides = array<i32>} : memref<8x256xi32, #tpu.memory_space<vmem>>, vector<1x16xi32>,
    %swap3A_1778 = vector.shape_cast %swap3A_1777 : vector<1x16xi32> to vector<16xi32>
    %swap3A_1779 = vector.shape_cast %convert_element_type3A_1773 : vector<16xi32> to vector<1x16xi32>
    tpu.vector_store %arg7[%swap3A_1775, %swap3A_1776], %swap3A_1779 {strides = array<i32>} : memref<8x256xi32, #tpu.memory_space<vmem>>, vector<1x16xi32>,
    %swap3A_1780 = arith.constant 3 : i32
    %swap3A_1781 = arith.index_cast %swap3A_1780 : i32 to index
    %swap3A_1782 = arith.constant 192 : index
    %swap3A_1783 = tpu.vector_load %arg6[%swap3A_1781, %swap3A_1782] {strides = array<i32>} : memref<8x256xf32, #tpu.memory_space<vmem>>, vector<1x16xf32>,
    %swap3A_1784 = vector.shape_cast %swap3A_1783 : vector<1x16xf32> to vector<16xf32>
    %swap3A_1785 = vector.shape_cast %scan3A_1739#3 : vector<16xf32> to vector<1x16xf32>
    tpu.vector_store %arg6[%swap3A_1781, %swap3A_1782], %swap3A_1785 {strides = array<i32>} : memref<8x256xf32, #tpu.memory_space<vmem>>, vector<1x16xf32>,
    %convert_element_type3A_1786 = arith.fptosi %scan3A_1739#11 : vector<16xf32> to vector<16xi32>
    %swap3A_1787 = arith.constant 3 : i32
    %swap3A_1788 = arith.index_cast %swap3A_1787 : i32 to index
    %swap3A_1789 = arith.constant 192 : index
    %swap3A_1790 = tpu.vector_load %arg7[%swap3A_1788, %swap3A_1789] {strides = array<i32>} : memref<8x256xi32, #tpu.memory_space<vmem>>, vector<1x16xi32>,
    %swap3A_1791 = vector.shape_cast %swap3A_1790 : vector<1x16xi32> to vector<16xi32>
    %swap3A_1792 = vector.shape_cast %convert_element_type3A_1786 : vector<16xi32> to vector<1x16xi32>
    tpu.vector_store %arg7[%swap3A_1788, %swap3A_1789], %swap3A_1792 {strides = array<i32>} : memref<8x256xi32, #tpu.memory_space<vmem>>, vector<1x16xi32>,
    %swap3A_1793 = arith.constant 4 : i32
    %swap3A_1794 = arith.index_cast %swap3A_1793 : i32 to index
    %swap3A_1795 = arith.constant 192 : index
    %swap3A_1796 = tpu.vector_load %arg6[%swap3A_1794, %swap3A_1795] {strides = array<i32>} : memref<8x256xf32, #tpu.memory_space<vmem>>, vector<1x16xf32>,
    %swap3A_1797 = vector.shape_cast %swap3A_1796 : vector<1x16xf32> to vector<16xf32>
    %swap3A_1798 = vector.shape_cast %scan3A_1739#4 : vector<16xf32> to vector<1x16xf32>
    tpu.vector_store %arg6[%swap3A_1794, %swap3A_1795], %swap3A_1798 {strides = array<i32>} : memref<8x256xf32, #tpu.memory_space<vmem>>, vector<1x16xf32>,
    %convert_element_type3A_1799 = arith.fptosi %scan3A_1739#12 : vector<16xf32> to vector<16xi32>
    %swap3A_1800 = arith.constant 4 : i32
    %swap3A_1801 = arith.index_cast %swap3A_1800 : i32 to index
    %swap3A_1802 = arith.constant 192 : index
    %swap3A_1803 = tpu.vector_load %arg7[%swap3A_1801, %swap3A_1802] {strides = array<i32>} : memref<8x256xi32, #tpu.memory_space<vmem>>, vector<1x16xi32>,
    %swap3A_1804 = vector.shape_cast %swap3A_1803 : vector<1x16xi32> to vector<16xi32>
    %swap3A_1805 = vector.shape_cast %convert_element_type3A_1799 : vector<16xi32> to vector<1x16xi32>
    tpu.vector_store %arg7[%swap3A_1801, %swap3A_1802], %swap3A_1805 {strides = array<i32>} : memref<8x256xi32, #tpu.memory_space<vmem>>, vector<1x16xi32>,
    %swap3A_1806 = arith.constant 5 : i32
    %swap3A_1807 = arith.index_cast %swap3A_1806 : i32 to index
    %swap3A_1808 = arith.constant 192 : index
    %swap3A_1809 = tpu.vector_load %arg6[%swap3A_1807, %swap3A_1808] {strides = array<i32>} : memref<8x256xf32, #tpu.memory_space<vmem>>, vector<1x16xf32>,
    %swap3A_1810 = vector.shape_cast %swap3A_1809 : vector<1x16xf32> to vector<16xf32>
    %swap3A_1811 = vector.shape_cast %scan3A_1739#5 : vector<16xf32> to vector<1x16xf32>
    tpu.vector_store %arg6[%swap3A_1807, %swap3A_1808], %swap3A_1811 {strides = array<i32>} : memref<8x256xf32, #tpu.memory_space<vmem>>, vector<1x16xf32>,
    %convert_element_type3A_1812 = arith.fptosi %scan3A_1739#13 : vector<16xf32> to vector<16xi32>
    %swap3A_1813 = arith.constant 5 : i32
    %swap3A_1814 = arith.index_cast %swap3A_1813 : i32 to index
    %swap3A_1815 = arith.constant 192 : index
    %swap3A_1816 = tpu.vector_load %arg7[%swap3A_1814, %swap3A_1815] {strides = array<i32>} : memref<8x256xi32, #tpu.memory_space<vmem>>, vector<1x16xi32>,
    %swap3A_1817 = vector.shape_cast %swap3A_1816 : vector<1x16xi32> to vector<16xi32>
    %swap3A_1818 = vector.shape_cast %convert_element_type3A_1812 : vector<16xi32> to vector<1x16xi32>
    tpu.vector_store %arg7[%swap3A_1814, %swap3A_1815], %swap3A_1818 {strides = array<i32>} : memref<8x256xi32, #tpu.memory_space<vmem>>, vector<1x16xi32>,
    %swap3A_1819 = arith.constant 6 : i32
    %swap3A_1820 = arith.index_cast %swap3A_1819 : i32 to index
    %swap3A_1821 = arith.constant 192 : index
    %swap3A_1822 = tpu.vector_load %arg6[%swap3A_1820, %swap3A_1821] {strides = array<i32>} : memref<8x256xf32, #tpu.memory_space<vmem>>, vector<1x16xf32>,
    %swap3A_1823 = vector.shape_cast %swap3A_1822 : vector<1x16xf32> to vector<16xf32>
    %swap3A_1824 = vector.shape_cast %scan3A_1739#6 : vector<16xf32> to vector<1x16xf32>
    tpu.vector_store %arg6[%swap3A_1820, %swap3A_1821], %swap3A_1824 {strides = array<i32>} : memref<8x256xf32, #tpu.memory_space<vmem>>, vector<1x16xf32>,
    %convert_element_type3A_1825 = arith.fptosi %scan3A_1739#14 : vector<16xf32> to vector<16xi32>
    %swap3A_1826 = arith.constant 6 : i32
    %swap3A_1827 = arith.index_cast %swap3A_1826 : i32 to index
    %swap3A_1828 = arith.constant 192 : index
    %swap3A_1829 = tpu.vector_load %arg7[%swap3A_1827, %swap3A_1828] {strides = array<i32>} : memref<8x256xi32, #tpu.memory_space<vmem>>, vector<1x16xi32>,
    %swap3A_1830 = vector.shape_cast %swap3A_1829 : vector<1x16xi32> to vector<16xi32>
    %swap3A_1831 = vector.shape_cast %convert_element_type3A_1825 : vector<16xi32> to vector<1x16xi32>
    tpu.vector_store %arg7[%swap3A_1827, %swap3A_1828], %swap3A_1831 {strides = array<i32>} : memref<8x256xi32, #tpu.memory_space<vmem>>, vector<1x16xi32>,
    %swap3A_1832 = arith.constant 7 : i32
    %swap3A_1833 = arith.index_cast %swap3A_1832 : i32 to index
    %swap3A_1834 = arith.constant 192 : index
    %swap3A_1835 = tpu.vector_load %arg6[%swap3A_1833, %swap3A_1834] {strides = array<i32>} : memref<8x256xf32, #tpu.memory_space<vmem>>, vector<1x16xf32>,
    %swap3A_1836 = vector.shape_cast %swap3A_1835 : vector<1x16xf32> to vector<16xf32>
    %swap3A_1837 = vector.shape_cast %scan3A_1739#7 : vector<16xf32> to vector<1x16xf32>
    tpu.vector_store %arg6[%swap3A_1833, %swap3A_1834], %swap3A_1837 {strides = array<i32>} : memref<8x256xf32, #tpu.memory_space<vmem>>, vector<1x16xf32>,
    %convert_element_type3A_1838 = arith.fptosi %scan3A_1739#15 : vector<16xf32> to vector<16xi32>
    %swap3A_1839 = arith.constant 7 : i32
    %swap3A_1840 = arith.index_cast %swap3A_1839 : i32 to index
    %swap3A_1841 = arith.constant 192 : index
    %swap3A_1842 = tpu.vector_load %arg7[%swap3A_1840, %swap3A_1841] {strides = array<i32>} : memref<8x256xi32, #tpu.memory_space<vmem>>, vector<1x16xi32>,
    %swap3A_1843 = vector.shape_cast %swap3A_1842 : vector<1x16xi32> to vector<16xi32>
    %swap3A_1844 = vector.shape_cast %convert_element_type3A_1838 : vector<16xi32> to vector<1x16xi32>
    tpu.vector_store %arg7[%swap3A_1840, %swap3A_1841], %swap3A_1844 {strides = array<i32>} : memref<8x256xi32, #tpu.memory_space<vmem>>, vector<1x16xi32>,
    %broadcast_in_dim3A_1845 = arith.constant -1.000000e+00 : f32
    %broadcast_in_dim3A_1846 = vector.broadcast %broadcast_in_dim3A_1845 : f32 to vector<16xf32>
    %broadcast_in_dim3A_1847 = arith.constant -1.000000e+00 : f32
    %broadcast_in_dim3A_1848 = vector.broadcast %broadcast_in_dim3A_1847 : f32 to vector<16xf32>
    %broadcast_in_dim3A_1849 = arith.constant -1.000000e+00 : f32
    %broadcast_in_dim3A_1850 = vector.broadcast %broadcast_in_dim3A_1849 : f32 to vector<16xf32>
    %broadcast_in_dim3A_1851 = arith.constant -1.000000e+00 : f32
    %broadcast_in_dim3A_1852 = vector.broadcast %broadcast_in_dim3A_1851 : f32 to vector<16xf32>
    %broadcast_in_dim3A_1853 = arith.constant -1.000000e+00 : f32
    %broadcast_in_dim3A_1854 = vector.broadcast %broadcast_in_dim3A_1853 : f32 to vector<16xf32>
    %broadcast_in_dim3A_1855 = arith.constant -1.000000e+00 : f32
    %broadcast_in_dim3A_1856 = vector.broadcast %broadcast_in_dim3A_1855 : f32 to vector<16xf32>
    %broadcast_in_dim3A_1857 = arith.constant -1.000000e+00 : f32
    %broadcast_in_dim3A_1858 = vector.broadcast %broadcast_in_dim3A_1857 : f32 to vector<16xf32>
    %broadcast_in_dim3A_1859 = arith.constant -1.000000e+00 : f32
    %broadcast_in_dim3A_1860 = vector.broadcast %broadcast_in_dim3A_1859 : f32 to vector<16xf32>
    %broadcast_in_dim3A_1861 = arith.constant 0.000000e+00 : f32
    %broadcast_in_dim3A_1862 = vector.broadcast %broadcast_in_dim3A_1861 : f32 to vector<16xf32>
    %broadcast_in_dim3A_1863 = arith.constant 0.000000e+00 : f32
    %broadcast_in_dim3A_1864 = vector.broadcast %broadcast_in_dim3A_1863 : f32 to vector<16xf32>
    %broadcast_in_dim3A_1865 = arith.constant 0.000000e+00 : f32
    %broadcast_in_dim3A_1866 = vector.broadcast %broadcast_in_dim3A_1865 : f32 to vector<16xf32>
    %broadcast_in_dim3A_1867 = arith.constant 0.000000e+00 : f32
    %broadcast_in_dim3A_1868 = vector.broadcast %broadcast_in_dim3A_1867 : f32 to vector<16xf32>
    %broadcast_in_dim3A_1869 = arith.constant 0.000000e+00 : f32
    %broadcast_in_dim3A_1870 = vector.broadcast %broadcast_in_dim3A_1869 : f32 to vector<16xf32>
    %broadcast_in_dim3A_1871 = arith.constant 0.000000e+00 : f32
    %broadcast_in_dim3A_1872 = vector.broadcast %broadcast_in_dim3A_1871 : f32 to vector<16xf32>
    %broadcast_in_dim3A_1873 = arith.constant 0.000000e+00 : f32
    %broadcast_in_dim3A_1874 = vector.broadcast %broadcast_in_dim3A_1873 : f32 to vector<16xf32>
    %broadcast_in_dim3A_1875 = arith.constant 0.000000e+00 : f32
    %broadcast_in_dim3A_1876 = vector.broadcast %broadcast_in_dim3A_1875 : f32 to vector<16xf32>
    %scan3A_1877 = arith.constant 0 : i32
    %scan3A_1878 = arith.constant 64 : i32
    %scan3A_1879 = arith.addi %scan3A_1877, %scan3A_1878 : i32
    %scan3A_1880 = arith.constant 1 : i32
    %scan3A_1881:16 = scf.for %scan3A_2271 = %scan3A_1877 to %scan3A_1879 step %scan3A_1880 iter_args(%scan3A_2272 = %broadcast_in_dim3A_1846, %scan3A_2273 = %broadcast_in_dim3A_1848, %scan3A_2274 = %broadcast_in_dim3A_1850, %scan3A_2275 = %broadcast_in_dim3A_1852, %scan3A_2276 = %broadcast_in_dim3A_1854, %scan3A_2277 = %broadcast_in_dim3A_1856, %scan3A_2278 = %broadcast_in_dim3A_1858, %scan3A_2279 = %broadcast_in_dim3A_1860, %scan3A_2280 = %broadcast_in_dim3A_1862, %scan3A_2281 = %broadcast_in_dim3A_1864, %scan3A_2282 = %broadcast_in_dim3A_1866, %scan3A_2283 = %broadcast_in_dim3A_1868, %scan3A_2284 = %broadcast_in_dim3A_1870, %scan3A_2285 = %broadcast_in_dim3A_1872, %scan3A_2286 = %broadcast_in_dim3A_1874, %scan3A_2287 = %broadcast_in_dim3A_1876) -> (vector<16xf32>, vector<16xf32>, vector<16xf32>, vector<16xf32>, vector<16xf32>, vector<16xf32>, vector<16xf32>, vector<16xf32>, vector<16xf32>, vector<16xf32>, vector<16xf32>, vector<16xf32>, vector<16xf32>, vector<16xf32>, vector<16xf32>, vector<16xf32>)  : i32 {
      %get3A = arith.index_cast %scan3A_2271 : i32 to index
      %get3A_2288 = arith.constant 208 : index
      %get3A_2289 = tpu.vector_load %arg5[%get3A, %get3A_2288] {strides = array<i32>} : memref<64x256xf32, #tpu.memory_space<vmem>>, vector<1x16xf32>,
      %get3A_2290 = vector.shape_cast %get3A_2289 : vector<1x16xf32> to vector<16xf32>
      %broadcast_in_dim3A_2291 = arith.constant 1.000000e+00 : f32
      %broadcast_in_dim3A_2292 = vector.broadcast %broadcast_in_dim3A_2291 : f32 to vector<16xf32>
      %convert_element_type3A_2293 = arith.sitofp %scan3A_2271 : i32 to f32
      %mul3A_2294 = vector.broadcast %convert_element_type3A_2293 : f32 to vector<16xf32>
      %mul3A_2295 = arith.mulf %broadcast_in_dim3A_2292, %mul3A_2294 : vector<16xf32>
      %gt3A = arith.cmpf ogt, %get3A_2290, %scan3A_2272 : vector<16xf32>
      %gt3A_2296 = arith.cmpf ogt, %get3A_2290, %scan3A_2273 : vector<16xf32>
      %gt3A_2297 = arith.cmpf ogt, %get3A_2290, %scan3A_2274 : vector<16xf32>
      %gt3A_2298 = arith.cmpf ogt, %get3A_2290, %scan3A_2275 : vector<16xf32>
      %gt3A_2299 = arith.cmpf ogt, %get3A_2290, %scan3A_2276 : vector<16xf32>
      %gt3A_2300 = arith.cmpf ogt, %get3A_2290, %scan3A_2277 : vector<16xf32>
      %gt3A_2301 = arith.cmpf ogt, %get3A_2290, %scan3A_2278 : vector<16xf32>
      %gt3A_2302 = arith.cmpf ogt, %get3A_2290, %scan3A_2279 : vector<16xf32>
      %select_n3A = arith.select %gt3A, %get3A_2290, %scan3A_2272 : vector<16xi1>, vector<16xf32>
      %select_n3A_2303 = arith.select %gt3A, %mul3A_2295, %scan3A_2280 : vector<16xi1>, vector<16xf32>
      %select_n3A_2304 = arith.select %gt3A, %scan3A_2272, %get3A_2290 : vector<16xi1>, vector<16xf32>
      %select_n3A_2305 = arith.select %gt3A, %scan3A_2280, %mul3A_2295 : vector<16xi1>, vector<16xf32>
      %select_n3A_2306 = arith.select %gt3A_2296, %select_n3A_2304, %scan3A_2273 : vector<16xi1>, vector<16xf32>
      %select_n3A_2307 = arith.select %gt3A_2296, %select_n3A_2305, %scan3A_2281 : vector<16xi1>, vector<16xf32>
      %select_n3A_2308 = arith.select %gt3A_2296, %scan3A_2273, %get3A_2290 : vector<16xi1>, vector<16xf32>
      %select_n3A_2309 = arith.select %gt3A_2296, %scan3A_2281, %mul3A_2295 : vector<16xi1>, vector<16xf32>
      %select_n3A_2310 = arith.select %gt3A_2297, %select_n3A_2308, %scan3A_2274 : vector<16xi1>, vector<16xf32>
      %select_n3A_2311 = arith.select %gt3A_2297, %select_n3A_2309, %scan3A_2282 : vector<16xi1>, vector<16xf32>
      %select_n3A_2312 = arith.select %gt3A_2297, %scan3A_2274, %get3A_2290 : vector<16xi1>, vector<16xf32>
      %select_n3A_2313 = arith.select %gt3A_2297, %scan3A_2282, %mul3A_2295 : vector<16xi1>, vector<16xf32>
      %select_n3A_2314 = arith.select %gt3A_2298, %select_n3A_2312, %scan3A_2275 : vector<16xi1>, vector<16xf32>
      %select_n3A_2315 = arith.select %gt3A_2298, %select_n3A_2313, %scan3A_2283 : vector<16xi1>, vector<16xf32>
      %select_n3A_2316 = arith.select %gt3A_2298, %scan3A_2275, %get3A_2290 : vector<16xi1>, vector<16xf32>
      %select_n3A_2317 = arith.select %gt3A_2298, %scan3A_2283, %mul3A_2295 : vector<16xi1>, vector<16xf32>
      %select_n3A_2318 = arith.select %gt3A_2299, %select_n3A_2316, %scan3A_2276 : vector<16xi1>, vector<16xf32>
      %select_n3A_2319 = arith.select %gt3A_2299, %select_n3A_2317, %scan3A_2284 : vector<16xi1>, vector<16xf32>
      %select_n3A_2320 = arith.select %gt3A_2299, %scan3A_2276, %get3A_2290 : vector<16xi1>, vector<16xf32>
      %select_n3A_2321 = arith.select %gt3A_2299, %scan3A_2284, %mul3A_2295 : vector<16xi1>, vector<16xf32>
      %select_n3A_2322 = arith.select %gt3A_2300, %select_n3A_2320, %scan3A_2277 : vector<16xi1>, vector<16xf32>
      %select_n3A_2323 = arith.select %gt3A_2300, %select_n3A_2321, %scan3A_2285 : vector<16xi1>, vector<16xf32>
      %select_n3A_2324 = arith.select %gt3A_2300, %scan3A_2277, %get3A_2290 : vector<16xi1>, vector<16xf32>
      %select_n3A_2325 = arith.select %gt3A_2300, %scan3A_2285, %mul3A_2295 : vector<16xi1>, vector<16xf32>
      %select_n3A_2326 = arith.select %gt3A_2301, %select_n3A_2324, %scan3A_2278 : vector<16xi1>, vector<16xf32>
      %select_n3A_2327 = arith.select %gt3A_2301, %select_n3A_2325, %scan3A_2286 : vector<16xi1>, vector<16xf32>
      %select_n3A_2328 = arith.select %gt3A_2301, %scan3A_2278, %get3A_2290 : vector<16xi1>, vector<16xf32>
      %select_n3A_2329 = arith.select %gt3A_2301, %scan3A_2286, %mul3A_2295 : vector<16xi1>, vector<16xf32>
      %select_n3A_2330 = arith.select %gt3A_2302, %select_n3A_2328, %scan3A_2279 : vector<16xi1>, vector<16xf32>
      %select_n3A_2331 = arith.select %gt3A_2302, %select_n3A_2329, %scan3A_2287 : vector<16xi1>, vector<16xf32>
      scf.yield %select_n3A, %select_n3A_2306, %select_n3A_2310, %select_n3A_2314, %select_n3A_2318, %select_n3A_2322, %select_n3A_2326, %select_n3A_2330, %select_n3A_2303, %select_n3A_2307, %select_n3A_2311, %select_n3A_2315, %select_n3A_2319, %select_n3A_2323, %select_n3A_2327, %select_n3A_2331 : vector<16xf32>, vector<16xf32>, vector<16xf32>, vector<16xf32>, vector<16xf32>, vector<16xf32>, vector<16xf32>, vector<16xf32>, vector<16xf32>, vector<16xf32>, vector<16xf32>, vector<16xf32>, vector<16xf32>, vector<16xf32>, vector<16xf32>, vector<16xf32>
    }
    %scan3A_1882 = arith.constant 64 : i32
    %swap3A_1883 = arith.constant 0 : i32
    %swap3A_1884 = arith.index_cast %swap3A_1883 : i32 to index
    %swap3A_1885 = arith.constant 208 : index
    %swap3A_1886 = tpu.vector_load %arg6[%swap3A_1884, %swap3A_1885] {strides = array<i32>} : memref<8x256xf32, #tpu.memory_space<vmem>>, vector<1x16xf32>,
    %swap3A_1887 = vector.shape_cast %swap3A_1886 : vector<1x16xf32> to vector<16xf32>
    %swap3A_1888 = vector.shape_cast %scan3A_1881#0 : vector<16xf32> to vector<1x16xf32>
    tpu.vector_store %arg6[%swap3A_1884, %swap3A_1885], %swap3A_1888 {strides = array<i32>} : memref<8x256xf32, #tpu.memory_space<vmem>>, vector<1x16xf32>,
    %convert_element_type3A_1889 = arith.fptosi %scan3A_1881#8 : vector<16xf32> to vector<16xi32>
    %swap3A_1890 = arith.constant 0 : i32
    %swap3A_1891 = arith.index_cast %swap3A_1890 : i32 to index
    %swap3A_1892 = arith.constant 208 : index
    %swap3A_1893 = tpu.vector_load %arg7[%swap3A_1891, %swap3A_1892] {strides = array<i32>} : memref<8x256xi32, #tpu.memory_space<vmem>>, vector<1x16xi32>,
    %swap3A_1894 = vector.shape_cast %swap3A_1893 : vector<1x16xi32> to vector<16xi32>
    %swap3A_1895 = vector.shape_cast %convert_element_type3A_1889 : vector<16xi32> to vector<1x16xi32>
    tpu.vector_store %arg7[%swap3A_1891, %swap3A_1892], %swap3A_1895 {strides = array<i32>} : memref<8x256xi32, #tpu.memory_space<vmem>>, vector<1x16xi32>,
    %swap3A_1896 = arith.constant 1 : i32
    %swap3A_1897 = arith.index_cast %swap3A_1896 : i32 to index
    %swap3A_1898 = arith.constant 208 : index
    %swap3A_1899 = tpu.vector_load %arg6[%swap3A_1897, %swap3A_1898] {strides = array<i32>} : memref<8x256xf32, #tpu.memory_space<vmem>>, vector<1x16xf32>,
    %swap3A_1900 = vector.shape_cast %swap3A_1899 : vector<1x16xf32> to vector<16xf32>
    %swap3A_1901 = vector.shape_cast %scan3A_1881#1 : vector<16xf32> to vector<1x16xf32>
    tpu.vector_store %arg6[%swap3A_1897, %swap3A_1898], %swap3A_1901 {strides = array<i32>} : memref<8x256xf32, #tpu.memory_space<vmem>>, vector<1x16xf32>,
    %convert_element_type3A_1902 = arith.fptosi %scan3A_1881#9 : vector<16xf32> to vector<16xi32>
    %swap3A_1903 = arith.constant 1 : i32
    %swap3A_1904 = arith.index_cast %swap3A_1903 : i32 to index
    %swap3A_1905 = arith.constant 208 : index
    %swap3A_1906 = tpu.vector_load %arg7[%swap3A_1904, %swap3A_1905] {strides = array<i32>} : memref<8x256xi32, #tpu.memory_space<vmem>>, vector<1x16xi32>,
    %swap3A_1907 = vector.shape_cast %swap3A_1906 : vector<1x16xi32> to vector<16xi32>
    %swap3A_1908 = vector.shape_cast %convert_element_type3A_1902 : vector<16xi32> to vector<1x16xi32>
    tpu.vector_store %arg7[%swap3A_1904, %swap3A_1905], %swap3A_1908 {strides = array<i32>} : memref<8x256xi32, #tpu.memory_space<vmem>>, vector<1x16xi32>,
    %swap3A_1909 = arith.constant 2 : i32
    %swap3A_1910 = arith.index_cast %swap3A_1909 : i32 to index
    %swap3A_1911 = arith.constant 208 : index
    %swap3A_1912 = tpu.vector_load %arg6[%swap3A_1910, %swap3A_1911] {strides = array<i32>} : memref<8x256xf32, #tpu.memory_space<vmem>>, vector<1x16xf32>,
    %swap3A_1913 = vector.shape_cast %swap3A_1912 : vector<1x16xf32> to vector<16xf32>
    %swap3A_1914 = vector.shape_cast %scan3A_1881#2 : vector<16xf32> to vector<1x16xf32>
    tpu.vector_store %arg6[%swap3A_1910, %swap3A_1911], %swap3A_1914 {strides = array<i32>} : memref<8x256xf32, #tpu.memory_space<vmem>>, vector<1x16xf32>,
    %convert_element_type3A_1915 = arith.fptosi %scan3A_1881#10 : vector<16xf32> to vector<16xi32>
    %swap3A_1916 = arith.constant 2 : i32
    %swap3A_1917 = arith.index_cast %swap3A_1916 : i32 to index
    %swap3A_1918 = arith.constant 208 : index
    %swap3A_1919 = tpu.vector_load %arg7[%swap3A_1917, %swap3A_1918] {strides = array<i32>} : memref<8x256xi32, #tpu.memory_space<vmem>>, vector<1x16xi32>,
    %swap3A_1920 = vector.shape_cast %swap3A_1919 : vector<1x16xi32> to vector<16xi32>
    %swap3A_1921 = vector.shape_cast %convert_element_type3A_1915 : vector<16xi32> to vector<1x16xi32>
    tpu.vector_store %arg7[%swap3A_1917, %swap3A_1918], %swap3A_1921 {strides = array<i32>} : memref<8x256xi32, #tpu.memory_space<vmem>>, vector<1x16xi32>,
    %swap3A_1922 = arith.constant 3 : i32
    %swap3A_1923 = arith.index_cast %swap3A_1922 : i32 to index
    %swap3A_1924 = arith.constant 208 : index
    %swap3A_1925 = tpu.vector_load %arg6[%swap3A_1923, %swap3A_1924] {strides = array<i32>} : memref<8x256xf32, #tpu.memory_space<vmem>>, vector<1x16xf32>,
    %swap3A_1926 = vector.shape_cast %swap3A_1925 : vector<1x16xf32> to vector<16xf32>
    %swap3A_1927 = vector.shape_cast %scan3A_1881#3 : vector<16xf32> to vector<1x16xf32>
    tpu.vector_store %arg6[%swap3A_1923, %swap3A_1924], %swap3A_1927 {strides = array<i32>} : memref<8x256xf32, #tpu.memory_space<vmem>>, vector<1x16xf32>,
    %convert_element_type3A_1928 = arith.fptosi %scan3A_1881#11 : vector<16xf32> to vector<16xi32>
    %swap3A_1929 = arith.constant 3 : i32
    %swap3A_1930 = arith.index_cast %swap3A_1929 : i32 to index
    %swap3A_1931 = arith.constant 208 : index
    %swap3A_1932 = tpu.vector_load %arg7[%swap3A_1930, %swap3A_1931] {strides = array<i32>} : memref<8x256xi32, #tpu.memory_space<vmem>>, vector<1x16xi32>,
    %swap3A_1933 = vector.shape_cast %swap3A_1932 : vector<1x16xi32> to vector<16xi32>
    %swap3A_1934 = vector.shape_cast %convert_element_type3A_1928 : vector<16xi32> to vector<1x16xi32>
    tpu.vector_store %arg7[%swap3A_1930, %swap3A_1931], %swap3A_1934 {strides = array<i32>} : memref<8x256xi32, #tpu.memory_space<vmem>>, vector<1x16xi32>,
    %swap3A_1935 = arith.constant 4 : i32
    %swap3A_1936 = arith.index_cast %swap3A_1935 : i32 to index
    %swap3A_1937 = arith.constant 208 : index
    %swap3A_1938 = tpu.vector_load %arg6[%swap3A_1936, %swap3A_1937] {strides = array<i32>} : memref<8x256xf32, #tpu.memory_space<vmem>>, vector<1x16xf32>,
    %swap3A_1939 = vector.shape_cast %swap3A_1938 : vector<1x16xf32> to vector<16xf32>
    %swap3A_1940 = vector.shape_cast %scan3A_1881#4 : vector<16xf32> to vector<1x16xf32>
    tpu.vector_store %arg6[%swap3A_1936, %swap3A_1937], %swap3A_1940 {strides = array<i32>} : memref<8x256xf32, #tpu.memory_space<vmem>>, vector<1x16xf32>,
    %convert_element_type3A_1941 = arith.fptosi %scan3A_1881#12 : vector<16xf32> to vector<16xi32>
    %swap3A_1942 = arith.constant 4 : i32
    %swap3A_1943 = arith.index_cast %swap3A_1942 : i32 to index
    %swap3A_1944 = arith.constant 208 : index
    %swap3A_1945 = tpu.vector_load %arg7[%swap3A_1943, %swap3A_1944] {strides = array<i32>} : memref<8x256xi32, #tpu.memory_space<vmem>>, vector<1x16xi32>,
    %swap3A_1946 = vector.shape_cast %swap3A_1945 : vector<1x16xi32> to vector<16xi32>
    %swap3A_1947 = vector.shape_cast %convert_element_type3A_1941 : vector<16xi32> to vector<1x16xi32>
    tpu.vector_store %arg7[%swap3A_1943, %swap3A_1944], %swap3A_1947 {strides = array<i32>} : memref<8x256xi32, #tpu.memory_space<vmem>>, vector<1x16xi32>,
    %swap3A_1948 = arith.constant 5 : i32
    %swap3A_1949 = arith.index_cast %swap3A_1948 : i32 to index
    %swap3A_1950 = arith.constant 208 : index
    %swap3A_1951 = tpu.vector_load %arg6[%swap3A_1949, %swap3A_1950] {strides = array<i32>} : memref<8x256xf32, #tpu.memory_space<vmem>>, vector<1x16xf32>,
    %swap3A_1952 = vector.shape_cast %swap3A_1951 : vector<1x16xf32> to vector<16xf32>
    %swap3A_1953 = vector.shape_cast %scan3A_1881#5 : vector<16xf32> to vector<1x16xf32>
    tpu.vector_store %arg6[%swap3A_1949, %swap3A_1950], %swap3A_1953 {strides = array<i32>} : memref<8x256xf32, #tpu.memory_space<vmem>>, vector<1x16xf32>,
    %convert_element_type3A_1954 = arith.fptosi %scan3A_1881#13 : vector<16xf32> to vector<16xi32>
    %swap3A_1955 = arith.constant 5 : i32
    %swap3A_1956 = arith.index_cast %swap3A_1955 : i32 to index
    %swap3A_1957 = arith.constant 208 : index
    %swap3A_1958 = tpu.vector_load %arg7[%swap3A_1956, %swap3A_1957] {strides = array<i32>} : memref<8x256xi32, #tpu.memory_space<vmem>>, vector<1x16xi32>,
    %swap3A_1959 = vector.shape_cast %swap3A_1958 : vector<1x16xi32> to vector<16xi32>
    %swap3A_1960 = vector.shape_cast %convert_element_type3A_1954 : vector<16xi32> to vector<1x16xi32>
    tpu.vector_store %arg7[%swap3A_1956, %swap3A_1957], %swap3A_1960 {strides = array<i32>} : memref<8x256xi32, #tpu.memory_space<vmem>>, vector<1x16xi32>,
    %swap3A_1961 = arith.constant 6 : i32
    %swap3A_1962 = arith.index_cast %swap3A_1961 : i32 to index
    %swap3A_1963 = arith.constant 208 : index
    %swap3A_1964 = tpu.vector_load %arg6[%swap3A_1962, %swap3A_1963] {strides = array<i32>} : memref<8x256xf32, #tpu.memory_space<vmem>>, vector<1x16xf32>,
    %swap3A_1965 = vector.shape_cast %swap3A_1964 : vector<1x16xf32> to vector<16xf32>
    %swap3A_1966 = vector.shape_cast %scan3A_1881#6 : vector<16xf32> to vector<1x16xf32>
    tpu.vector_store %arg6[%swap3A_1962, %swap3A_1963], %swap3A_1966 {strides = array<i32>} : memref<8x256xf32, #tpu.memory_space<vmem>>, vector<1x16xf32>,
    %convert_element_type3A_1967 = arith.fptosi %scan3A_1881#14 : vector<16xf32> to vector<16xi32>
    %swap3A_1968 = arith.constant 6 : i32
    %swap3A_1969 = arith.index_cast %swap3A_1968 : i32 to index
    %swap3A_1970 = arith.constant 208 : index
    %swap3A_1971 = tpu.vector_load %arg7[%swap3A_1969, %swap3A_1970] {strides = array<i32>} : memref<8x256xi32, #tpu.memory_space<vmem>>, vector<1x16xi32>,
    %swap3A_1972 = vector.shape_cast %swap3A_1971 : vector<1x16xi32> to vector<16xi32>
    %swap3A_1973 = vector.shape_cast %convert_element_type3A_1967 : vector<16xi32> to vector<1x16xi32>
    tpu.vector_store %arg7[%swap3A_1969, %swap3A_1970], %swap3A_1973 {strides = array<i32>} : memref<8x256xi32, #tpu.memory_space<vmem>>, vector<1x16xi32>,
    %swap3A_1974 = arith.constant 7 : i32
    %swap3A_1975 = arith.index_cast %swap3A_1974 : i32 to index
    %swap3A_1976 = arith.constant 208 : index
    %swap3A_1977 = tpu.vector_load %arg6[%swap3A_1975, %swap3A_1976] {strides = array<i32>} : memref<8x256xf32, #tpu.memory_space<vmem>>, vector<1x16xf32>,
    %swap3A_1978 = vector.shape_cast %swap3A_1977 : vector<1x16xf32> to vector<16xf32>
    %swap3A_1979 = vector.shape_cast %scan3A_1881#7 : vector<16xf32> to vector<1x16xf32>
    tpu.vector_store %arg6[%swap3A_1975, %swap3A_1976], %swap3A_1979 {strides = array<i32>} : memref<8x256xf32, #tpu.memory_space<vmem>>, vector<1x16xf32>,
    %convert_element_type3A_1980 = arith.fptosi %scan3A_1881#15 : vector<16xf32> to vector<16xi32>
    %swap3A_1981 = arith.constant 7 : i32
    %swap3A_1982 = arith.index_cast %swap3A_1981 : i32 to index
    %swap3A_1983 = arith.constant 208 : index
    %swap3A_1984 = tpu.vector_load %arg7[%swap3A_1982, %swap3A_1983] {strides = array<i32>} : memref<8x256xi32, #tpu.memory_space<vmem>>, vector<1x16xi32>,
    %swap3A_1985 = vector.shape_cast %swap3A_1984 : vector<1x16xi32> to vector<16xi32>
    %swap3A_1986 = vector.shape_cast %convert_element_type3A_1980 : vector<16xi32> to vector<1x16xi32>
    tpu.vector_store %arg7[%swap3A_1982, %swap3A_1983], %swap3A_1986 {strides = array<i32>} : memref<8x256xi32, #tpu.memory_space<vmem>>, vector<1x16xi32>,
    %broadcast_in_dim3A_1987 = arith.constant -1.000000e+00 : f32
    %broadcast_in_dim3A_1988 = vector.broadcast %broadcast_in_dim3A_1987 : f32 to vector<16xf32>
    %broadcast_in_dim3A_1989 = arith.constant -1.000000e+00 : f32
    %broadcast_in_dim3A_1990 = vector.broadcast %broadcast_in_dim3A_1989 : f32 to vector<16xf32>
    %broadcast_in_dim3A_1991 = arith.constant -1.000000e+00 : f32
    %broadcast_in_dim3A_1992 = vector.broadcast %broadcast_in_dim3A_1991 : f32 to vector<16xf32>
    %broadcast_in_dim3A_1993 = arith.constant -1.000000e+00 : f32
    %broadcast_in_dim3A_1994 = vector.broadcast %broadcast_in_dim3A_1993 : f32 to vector<16xf32>
    %broadcast_in_dim3A_1995 = arith.constant -1.000000e+00 : f32
    %broadcast_in_dim3A_1996 = vector.broadcast %broadcast_in_dim3A_1995 : f32 to vector<16xf32>
    %broadcast_in_dim3A_1997 = arith.constant -1.000000e+00 : f32
    %broadcast_in_dim3A_1998 = vector.broadcast %broadcast_in_dim3A_1997 : f32 to vector<16xf32>
    %broadcast_in_dim3A_1999 = arith.constant -1.000000e+00 : f32
    %broadcast_in_dim3A_2000 = vector.broadcast %broadcast_in_dim3A_1999 : f32 to vector<16xf32>
    %broadcast_in_dim3A_2001 = arith.constant -1.000000e+00 : f32
    %broadcast_in_dim3A_2002 = vector.broadcast %broadcast_in_dim3A_2001 : f32 to vector<16xf32>
    %broadcast_in_dim3A_2003 = arith.constant 0.000000e+00 : f32
    %broadcast_in_dim3A_2004 = vector.broadcast %broadcast_in_dim3A_2003 : f32 to vector<16xf32>
    %broadcast_in_dim3A_2005 = arith.constant 0.000000e+00 : f32
    %broadcast_in_dim3A_2006 = vector.broadcast %broadcast_in_dim3A_2005 : f32 to vector<16xf32>
    %broadcast_in_dim3A_2007 = arith.constant 0.000000e+00 : f32
    %broadcast_in_dim3A_2008 = vector.broadcast %broadcast_in_dim3A_2007 : f32 to vector<16xf32>
    %broadcast_in_dim3A_2009 = arith.constant 0.000000e+00 : f32
    %broadcast_in_dim3A_2010 = vector.broadcast %broadcast_in_dim3A_2009 : f32 to vector<16xf32>
    %broadcast_in_dim3A_2011 = arith.constant 0.000000e+00 : f32
    %broadcast_in_dim3A_2012 = vector.broadcast %broadcast_in_dim3A_2011 : f32 to vector<16xf32>
    %broadcast_in_dim3A_2013 = arith.constant 0.000000e+00 : f32
    %broadcast_in_dim3A_2014 = vector.broadcast %broadcast_in_dim3A_2013 : f32 to vector<16xf32>
    %broadcast_in_dim3A_2015 = arith.constant 0.000000e+00 : f32
    %broadcast_in_dim3A_2016 = vector.broadcast %broadcast_in_dim3A_2015 : f32 to vector<16xf32>
    %broadcast_in_dim3A_2017 = arith.constant 0.000000e+00 : f32
    %broadcast_in_dim3A_2018 = vector.broadcast %broadcast_in_dim3A_2017 : f32 to vector<16xf32>
    %scan3A_2019 = arith.constant 0 : i32
    %scan3A_2020 = arith.constant 64 : i32
    %scan3A_2021 = arith.addi %scan3A_2019, %scan3A_2020 : i32
    %scan3A_2022 = arith.constant 1 : i32
    %scan3A_2023:16 = scf.for %scan3A_2271 = %scan3A_2019 to %scan3A_2021 step %scan3A_2022 iter_args(%scan3A_2272 = %broadcast_in_dim3A_1988, %scan3A_2273 = %broadcast_in_dim3A_1990, %scan3A_2274 = %broadcast_in_dim3A_1992, %scan3A_2275 = %broadcast_in_dim3A_1994, %scan3A_2276 = %broadcast_in_dim3A_1996, %scan3A_2277 = %broadcast_in_dim3A_1998, %scan3A_2278 = %broadcast_in_dim3A_2000, %scan3A_2279 = %broadcast_in_dim3A_2002, %scan3A_2280 = %broadcast_in_dim3A_2004, %scan3A_2281 = %broadcast_in_dim3A_2006, %scan3A_2282 = %broadcast_in_dim3A_2008, %scan3A_2283 = %broadcast_in_dim3A_2010, %scan3A_2284 = %broadcast_in_dim3A_2012, %scan3A_2285 = %broadcast_in_dim3A_2014, %scan3A_2286 = %broadcast_in_dim3A_2016, %scan3A_2287 = %broadcast_in_dim3A_2018) -> (vector<16xf32>, vector<16xf32>, vector<16xf32>, vector<16xf32>, vector<16xf32>, vector<16xf32>, vector<16xf32>, vector<16xf32>, vector<16xf32>, vector<16xf32>, vector<16xf32>, vector<16xf32>, vector<16xf32>, vector<16xf32>, vector<16xf32>, vector<16xf32>)  : i32 {
      %get3A = arith.index_cast %scan3A_2271 : i32 to index
      %get3A_2288 = arith.constant 224 : index
      %get3A_2289 = tpu.vector_load %arg5[%get3A, %get3A_2288] {strides = array<i32>} : memref<64x256xf32, #tpu.memory_space<vmem>>, vector<1x16xf32>,
      %get3A_2290 = vector.shape_cast %get3A_2289 : vector<1x16xf32> to vector<16xf32>
      %broadcast_in_dim3A_2291 = arith.constant 1.000000e+00 : f32
      %broadcast_in_dim3A_2292 = vector.broadcast %broadcast_in_dim3A_2291 : f32 to vector<16xf32>
      %convert_element_type3A_2293 = arith.sitofp %scan3A_2271 : i32 to f32
      %mul3A_2294 = vector.broadcast %convert_element_type3A_2293 : f32 to vector<16xf32>
      %mul3A_2295 = arith.mulf %broadcast_in_dim3A_2292, %mul3A_2294 : vector<16xf32>
      %gt3A = arith.cmpf ogt, %get3A_2290, %scan3A_2272 : vector<16xf32>
      %gt3A_2296 = arith.cmpf ogt, %get3A_2290, %scan3A_2273 : vector<16xf32>
      %gt3A_2297 = arith.cmpf ogt, %get3A_2290, %scan3A_2274 : vector<16xf32>
      %gt3A_2298 = arith.cmpf ogt, %get3A_2290, %scan3A_2275 : vector<16xf32>
      %gt3A_2299 = arith.cmpf ogt, %get3A_2290, %scan3A_2276 : vector<16xf32>
      %gt3A_2300 = arith.cmpf ogt, %get3A_2290, %scan3A_2277 : vector<16xf32>
      %gt3A_2301 = arith.cmpf ogt, %get3A_2290, %scan3A_2278 : vector<16xf32>
      %gt3A_2302 = arith.cmpf ogt, %get3A_2290, %scan3A_2279 : vector<16xf32>
      %select_n3A = arith.select %gt3A, %get3A_2290, %scan3A_2272 : vector<16xi1>, vector<16xf32>
      %select_n3A_2303 = arith.select %gt3A, %mul3A_2295, %scan3A_2280 : vector<16xi1>, vector<16xf32>
      %select_n3A_2304 = arith.select %gt3A, %scan3A_2272, %get3A_2290 : vector<16xi1>, vector<16xf32>
      %select_n3A_2305 = arith.select %gt3A, %scan3A_2280, %mul3A_2295 : vector<16xi1>, vector<16xf32>
      %select_n3A_2306 = arith.select %gt3A_2296, %select_n3A_2304, %scan3A_2273 : vector<16xi1>, vector<16xf32>
      %select_n3A_2307 = arith.select %gt3A_2296, %select_n3A_2305, %scan3A_2281 : vector<16xi1>, vector<16xf32>
      %select_n3A_2308 = arith.select %gt3A_2296, %scan3A_2273, %get3A_2290 : vector<16xi1>, vector<16xf32>
      %select_n3A_2309 = arith.select %gt3A_2296, %scan3A_2281, %mul3A_2295 : vector<16xi1>, vector<16xf32>
      %select_n3A_2310 = arith.select %gt3A_2297, %select_n3A_2308, %scan3A_2274 : vector<16xi1>, vector<16xf32>
      %select_n3A_2311 = arith.select %gt3A_2297, %select_n3A_2309, %scan3A_2282 : vector<16xi1>, vector<16xf32>
      %select_n3A_2312 = arith.select %gt3A_2297, %scan3A_2274, %get3A_2290 : vector<16xi1>, vector<16xf32>
      %select_n3A_2313 = arith.select %gt3A_2297, %scan3A_2282, %mul3A_2295 : vector<16xi1>, vector<16xf32>
      %select_n3A_2314 = arith.select %gt3A_2298, %select_n3A_2312, %scan3A_2275 : vector<16xi1>, vector<16xf32>
      %select_n3A_2315 = arith.select %gt3A_2298, %select_n3A_2313, %scan3A_2283 : vector<16xi1>, vector<16xf32>
      %select_n3A_2316 = arith.select %gt3A_2298, %scan3A_2275, %get3A_2290 : vector<16xi1>, vector<16xf32>
      %select_n3A_2317 = arith.select %gt3A_2298, %scan3A_2283, %mul3A_2295 : vector<16xi1>, vector<16xf32>
      %select_n3A_2318 = arith.select %gt3A_2299, %select_n3A_2316, %scan3A_2276 : vector<16xi1>, vector<16xf32>
      %select_n3A_2319 = arith.select %gt3A_2299, %select_n3A_2317, %scan3A_2284 : vector<16xi1>, vector<16xf32>
      %select_n3A_2320 = arith.select %gt3A_2299, %scan3A_2276, %get3A_2290 : vector<16xi1>, vector<16xf32>
      %select_n3A_2321 = arith.select %gt3A_2299, %scan3A_2284, %mul3A_2295 : vector<16xi1>, vector<16xf32>
      %select_n3A_2322 = arith.select %gt3A_2300, %select_n3A_2320, %scan3A_2277 : vector<16xi1>, vector<16xf32>
      %select_n3A_2323 = arith.select %gt3A_2300, %select_n3A_2321, %scan3A_2285 : vector<16xi1>, vector<16xf32>
      %select_n3A_2324 = arith.select %gt3A_2300, %scan3A_2277, %get3A_2290 : vector<16xi1>, vector<16xf32>
      %select_n3A_2325 = arith.select %gt3A_2300, %scan3A_2285, %mul3A_2295 : vector<16xi1>, vector<16xf32>
      %select_n3A_2326 = arith.select %gt3A_2301, %select_n3A_2324, %scan3A_2278 : vector<16xi1>, vector<16xf32>
      %select_n3A_2327 = arith.select %gt3A_2301, %select_n3A_2325, %scan3A_2286 : vector<16xi1>, vector<16xf32>
      %select_n3A_2328 = arith.select %gt3A_2301, %scan3A_2278, %get3A_2290 : vector<16xi1>, vector<16xf32>
      %select_n3A_2329 = arith.select %gt3A_2301, %scan3A_2286, %mul3A_2295 : vector<16xi1>, vector<16xf32>
      %select_n3A_2330 = arith.select %gt3A_2302, %select_n3A_2328, %scan3A_2279 : vector<16xi1>, vector<16xf32>
      %select_n3A_2331 = arith.select %gt3A_2302, %select_n3A_2329, %scan3A_2287 : vector<16xi1>, vector<16xf32>
      scf.yield %select_n3A, %select_n3A_2306, %select_n3A_2310, %select_n3A_2314, %select_n3A_2318, %select_n3A_2322, %select_n3A_2326, %select_n3A_2330, %select_n3A_2303, %select_n3A_2307, %select_n3A_2311, %select_n3A_2315, %select_n3A_2319, %select_n3A_2323, %select_n3A_2327, %select_n3A_2331 : vector<16xf32>, vector<16xf32>, vector<16xf32>, vector<16xf32>, vector<16xf32>, vector<16xf32>, vector<16xf32>, vector<16xf32>, vector<16xf32>, vector<16xf32>, vector<16xf32>, vector<16xf32>, vector<16xf32>, vector<16xf32>, vector<16xf32>, vector<16xf32>
    }
    %scan3A_2024 = arith.constant 64 : i32
    %swap3A_2025 = arith.constant 0 : i32
    %swap3A_2026 = arith.index_cast %swap3A_2025 : i32 to index
    %swap3A_2027 = arith.constant 224 : index
    %swap3A_2028 = tpu.vector_load %arg6[%swap3A_2026, %swap3A_2027] {strides = array<i32>} : memref<8x256xf32, #tpu.memory_space<vmem>>, vector<1x16xf32>,
    %swap3A_2029 = vector.shape_cast %swap3A_2028 : vector<1x16xf32> to vector<16xf32>
    %swap3A_2030 = vector.shape_cast %scan3A_2023#0 : vector<16xf32> to vector<1x16xf32>
    tpu.vector_store %arg6[%swap3A_2026, %swap3A_2027], %swap3A_2030 {strides = array<i32>} : memref<8x256xf32, #tpu.memory_space<vmem>>, vector<1x16xf32>,
    %convert_element_type3A_2031 = arith.fptosi %scan3A_2023#8 : vector<16xf32> to vector<16xi32>
    %swap3A_2032 = arith.constant 0 : i32
    %swap3A_2033 = arith.index_cast %swap3A_2032 : i32 to index
    %swap3A_2034 = arith.constant 224 : index
    %swap3A_2035 = tpu.vector_load %arg7[%swap3A_2033, %swap3A_2034] {strides = array<i32>} : memref<8x256xi32, #tpu.memory_space<vmem>>, vector<1x16xi32>,
    %swap3A_2036 = vector.shape_cast %swap3A_2035 : vector<1x16xi32> to vector<16xi32>
    %swap3A_2037 = vector.shape_cast %convert_element_type3A_2031 : vector<16xi32> to vector<1x16xi32>
    tpu.vector_store %arg7[%swap3A_2033, %swap3A_2034], %swap3A_2037 {strides = array<i32>} : memref<8x256xi32, #tpu.memory_space<vmem>>, vector<1x16xi32>,
    %swap3A_2038 = arith.constant 1 : i32
    %swap3A_2039 = arith.index_cast %swap3A_2038 : i32 to index
    %swap3A_2040 = arith.constant 224 : index
    %swap3A_2041 = tpu.vector_load %arg6[%swap3A_2039, %swap3A_2040] {strides = array<i32>} : memref<8x256xf32, #tpu.memory_space<vmem>>, vector<1x16xf32>,
    %swap3A_2042 = vector.shape_cast %swap3A_2041 : vector<1x16xf32> to vector<16xf32>
    %swap3A_2043 = vector.shape_cast %scan3A_2023#1 : vector<16xf32> to vector<1x16xf32>
    tpu.vector_store %arg6[%swap3A_2039, %swap3A_2040], %swap3A_2043 {strides = array<i32>} : memref<8x256xf32, #tpu.memory_space<vmem>>, vector<1x16xf32>,
    %convert_element_type3A_2044 = arith.fptosi %scan3A_2023#9 : vector<16xf32> to vector<16xi32>
    %swap3A_2045 = arith.constant 1 : i32
    %swap3A_2046 = arith.index_cast %swap3A_2045 : i32 to index
    %swap3A_2047 = arith.constant 224 : index
    %swap3A_2048 = tpu.vector_load %arg7[%swap3A_2046, %swap3A_2047] {strides = array<i32>} : memref<8x256xi32, #tpu.memory_space<vmem>>, vector<1x16xi32>,
    %swap3A_2049 = vector.shape_cast %swap3A_2048 : vector<1x16xi32> to vector<16xi32>
    %swap3A_2050 = vector.shape_cast %convert_element_type3A_2044 : vector<16xi32> to vector<1x16xi32>
    tpu.vector_store %arg7[%swap3A_2046, %swap3A_2047], %swap3A_2050 {strides = array<i32>} : memref<8x256xi32, #tpu.memory_space<vmem>>, vector<1x16xi32>,
    %swap3A_2051 = arith.constant 2 : i32
    %swap3A_2052 = arith.index_cast %swap3A_2051 : i32 to index
    %swap3A_2053 = arith.constant 224 : index
    %swap3A_2054 = tpu.vector_load %arg6[%swap3A_2052, %swap3A_2053] {strides = array<i32>} : memref<8x256xf32, #tpu.memory_space<vmem>>, vector<1x16xf32>,
    %swap3A_2055 = vector.shape_cast %swap3A_2054 : vector<1x16xf32> to vector<16xf32>
    %swap3A_2056 = vector.shape_cast %scan3A_2023#2 : vector<16xf32> to vector<1x16xf32>
    tpu.vector_store %arg6[%swap3A_2052, %swap3A_2053], %swap3A_2056 {strides = array<i32>} : memref<8x256xf32, #tpu.memory_space<vmem>>, vector<1x16xf32>,
    %convert_element_type3A_2057 = arith.fptosi %scan3A_2023#10 : vector<16xf32> to vector<16xi32>
    %swap3A_2058 = arith.constant 2 : i32
    %swap3A_2059 = arith.index_cast %swap3A_2058 : i32 to index
    %swap3A_2060 = arith.constant 224 : index
    %swap3A_2061 = tpu.vector_load %arg7[%swap3A_2059, %swap3A_2060] {strides = array<i32>} : memref<8x256xi32, #tpu.memory_space<vmem>>, vector<1x16xi32>,
    %swap3A_2062 = vector.shape_cast %swap3A_2061 : vector<1x16xi32> to vector<16xi32>
    %swap3A_2063 = vector.shape_cast %convert_element_type3A_2057 : vector<16xi32> to vector<1x16xi32>
    tpu.vector_store %arg7[%swap3A_2059, %swap3A_2060], %swap3A_2063 {strides = array<i32>} : memref<8x256xi32, #tpu.memory_space<vmem>>, vector<1x16xi32>,
    %swap3A_2064 = arith.constant 3 : i32
    %swap3A_2065 = arith.index_cast %swap3A_2064 : i32 to index
    %swap3A_2066 = arith.constant 224 : index
    %swap3A_2067 = tpu.vector_load %arg6[%swap3A_2065, %swap3A_2066] {strides = array<i32>} : memref<8x256xf32, #tpu.memory_space<vmem>>, vector<1x16xf32>,
    %swap3A_2068 = vector.shape_cast %swap3A_2067 : vector<1x16xf32> to vector<16xf32>
    %swap3A_2069 = vector.shape_cast %scan3A_2023#3 : vector<16xf32> to vector<1x16xf32>
    tpu.vector_store %arg6[%swap3A_2065, %swap3A_2066], %swap3A_2069 {strides = array<i32>} : memref<8x256xf32, #tpu.memory_space<vmem>>, vector<1x16xf32>,
    %convert_element_type3A_2070 = arith.fptosi %scan3A_2023#11 : vector<16xf32> to vector<16xi32>
    %swap3A_2071 = arith.constant 3 : i32
    %swap3A_2072 = arith.index_cast %swap3A_2071 : i32 to index
    %swap3A_2073 = arith.constant 224 : index
    %swap3A_2074 = tpu.vector_load %arg7[%swap3A_2072, %swap3A_2073] {strides = array<i32>} : memref<8x256xi32, #tpu.memory_space<vmem>>, vector<1x16xi32>,
    %swap3A_2075 = vector.shape_cast %swap3A_2074 : vector<1x16xi32> to vector<16xi32>
    %swap3A_2076 = vector.shape_cast %convert_element_type3A_2070 : vector<16xi32> to vector<1x16xi32>
    tpu.vector_store %arg7[%swap3A_2072, %swap3A_2073], %swap3A_2076 {strides = array<i32>} : memref<8x256xi32, #tpu.memory_space<vmem>>, vector<1x16xi32>,
    %swap3A_2077 = arith.constant 4 : i32
    %swap3A_2078 = arith.index_cast %swap3A_2077 : i32 to index
    %swap3A_2079 = arith.constant 224 : index
    %swap3A_2080 = tpu.vector_load %arg6[%swap3A_2078, %swap3A_2079] {strides = array<i32>} : memref<8x256xf32, #tpu.memory_space<vmem>>, vector<1x16xf32>,
    %swap3A_2081 = vector.shape_cast %swap3A_2080 : vector<1x16xf32> to vector<16xf32>
    %swap3A_2082 = vector.shape_cast %scan3A_2023#4 : vector<16xf32> to vector<1x16xf32>
    tpu.vector_store %arg6[%swap3A_2078, %swap3A_2079], %swap3A_2082 {strides = array<i32>} : memref<8x256xf32, #tpu.memory_space<vmem>>, vector<1x16xf32>,
    %convert_element_type3A_2083 = arith.fptosi %scan3A_2023#12 : vector<16xf32> to vector<16xi32>
    %swap3A_2084 = arith.constant 4 : i32
    %swap3A_2085 = arith.index_cast %swap3A_2084 : i32 to index
    %swap3A_2086 = arith.constant 224 : index
    %swap3A_2087 = tpu.vector_load %arg7[%swap3A_2085, %swap3A_2086] {strides = array<i32>} : memref<8x256xi32, #tpu.memory_space<vmem>>, vector<1x16xi32>,
    %swap3A_2088 = vector.shape_cast %swap3A_2087 : vector<1x16xi32> to vector<16xi32>
    %swap3A_2089 = vector.shape_cast %convert_element_type3A_2083 : vector<16xi32> to vector<1x16xi32>
    tpu.vector_store %arg7[%swap3A_2085, %swap3A_2086], %swap3A_2089 {strides = array<i32>} : memref<8x256xi32, #tpu.memory_space<vmem>>, vector<1x16xi32>,
    %swap3A_2090 = arith.constant 5 : i32
    %swap3A_2091 = arith.index_cast %swap3A_2090 : i32 to index
    %swap3A_2092 = arith.constant 224 : index
    %swap3A_2093 = tpu.vector_load %arg6[%swap3A_2091, %swap3A_2092] {strides = array<i32>} : memref<8x256xf32, #tpu.memory_space<vmem>>, vector<1x16xf32>,
    %swap3A_2094 = vector.shape_cast %swap3A_2093 : vector<1x16xf32> to vector<16xf32>
    %swap3A_2095 = vector.shape_cast %scan3A_2023#5 : vector<16xf32> to vector<1x16xf32>
    tpu.vector_store %arg6[%swap3A_2091, %swap3A_2092], %swap3A_2095 {strides = array<i32>} : memref<8x256xf32, #tpu.memory_space<vmem>>, vector<1x16xf32>,
    %convert_element_type3A_2096 = arith.fptosi %scan3A_2023#13 : vector<16xf32> to vector<16xi32>
    %swap3A_2097 = arith.constant 5 : i32
    %swap3A_2098 = arith.index_cast %swap3A_2097 : i32 to index
    %swap3A_2099 = arith.constant 224 : index
    %swap3A_2100 = tpu.vector_load %arg7[%swap3A_2098, %swap3A_2099] {strides = array<i32>} : memref<8x256xi32, #tpu.memory_space<vmem>>, vector<1x16xi32>,
    %swap3A_2101 = vector.shape_cast %swap3A_2100 : vector<1x16xi32> to vector<16xi32>
    %swap3A_2102 = vector.shape_cast %convert_element_type3A_2096 : vector<16xi32> to vector<1x16xi32>
    tpu.vector_store %arg7[%swap3A_2098, %swap3A_2099], %swap3A_2102 {strides = array<i32>} : memref<8x256xi32, #tpu.memory_space<vmem>>, vector<1x16xi32>,
    %swap3A_2103 = arith.constant 6 : i32
    %swap3A_2104 = arith.index_cast %swap3A_2103 : i32 to index
    %swap3A_2105 = arith.constant 224 : index
    %swap3A_2106 = tpu.vector_load %arg6[%swap3A_2104, %swap3A_2105] {strides = array<i32>} : memref<8x256xf32, #tpu.memory_space<vmem>>, vector<1x16xf32>,
    %swap3A_2107 = vector.shape_cast %swap3A_2106 : vector<1x16xf32> to vector<16xf32>
    %swap3A_2108 = vector.shape_cast %scan3A_2023#6 : vector<16xf32> to vector<1x16xf32>
    tpu.vector_store %arg6[%swap3A_2104, %swap3A_2105], %swap3A_2108 {strides = array<i32>} : memref<8x256xf32, #tpu.memory_space<vmem>>, vector<1x16xf32>,
    %convert_element_type3A_2109 = arith.fptosi %scan3A_2023#14 : vector<16xf32> to vector<16xi32>
    %swap3A_2110 = arith.constant 6 : i32
    %swap3A_2111 = arith.index_cast %swap3A_2110 : i32 to index
    %swap3A_2112 = arith.constant 224 : index
    %swap3A_2113 = tpu.vector_load %arg7[%swap3A_2111, %swap3A_2112] {strides = array<i32>} : memref<8x256xi32, #tpu.memory_space<vmem>>, vector<1x16xi32>,
    %swap3A_2114 = vector.shape_cast %swap3A_2113 : vector<1x16xi32> to vector<16xi32>
    %swap3A_2115 = vector.shape_cast %convert_element_type3A_2109 : vector<16xi32> to vector<1x16xi32>
    tpu.vector_store %arg7[%swap3A_2111, %swap3A_2112], %swap3A_2115 {strides = array<i32>} : memref<8x256xi32, #tpu.memory_space<vmem>>, vector<1x16xi32>,
    %swap3A_2116 = arith.constant 7 : i32
    %swap3A_2117 = arith.index_cast %swap3A_2116 : i32 to index
    %swap3A_2118 = arith.constant 224 : index
    %swap3A_2119 = tpu.vector_load %arg6[%swap3A_2117, %swap3A_2118] {strides = array<i32>} : memref<8x256xf32, #tpu.memory_space<vmem>>, vector<1x16xf32>,
    %swap3A_2120 = vector.shape_cast %swap3A_2119 : vector<1x16xf32> to vector<16xf32>
    %swap3A_2121 = vector.shape_cast %scan3A_2023#7 : vector<16xf32> to vector<1x16xf32>
    tpu.vector_store %arg6[%swap3A_2117, %swap3A_2118], %swap3A_2121 {strides = array<i32>} : memref<8x256xf32, #tpu.memory_space<vmem>>, vector<1x16xf32>,
    %convert_element_type3A_2122 = arith.fptosi %scan3A_2023#15 : vector<16xf32> to vector<16xi32>
    %swap3A_2123 = arith.constant 7 : i32
    %swap3A_2124 = arith.index_cast %swap3A_2123 : i32 to index
    %swap3A_2125 = arith.constant 224 : index
    %swap3A_2126 = tpu.vector_load %arg7[%swap3A_2124, %swap3A_2125] {strides = array<i32>} : memref<8x256xi32, #tpu.memory_space<vmem>>, vector<1x16xi32>,
    %swap3A_2127 = vector.shape_cast %swap3A_2126 : vector<1x16xi32> to vector<16xi32>
    %swap3A_2128 = vector.shape_cast %convert_element_type3A_2122 : vector<16xi32> to vector<1x16xi32>
    tpu.vector_store %arg7[%swap3A_2124, %swap3A_2125], %swap3A_2128 {strides = array<i32>} : memref<8x256xi32, #tpu.memory_space<vmem>>, vector<1x16xi32>,
    %broadcast_in_dim3A_2129 = arith.constant -1.000000e+00 : f32
    %broadcast_in_dim3A_2130 = vector.broadcast %broadcast_in_dim3A_2129 : f32 to vector<16xf32>
    %broadcast_in_dim3A_2131 = arith.constant -1.000000e+00 : f32
    %broadcast_in_dim3A_2132 = vector.broadcast %broadcast_in_dim3A_2131 : f32 to vector<16xf32>
    %broadcast_in_dim3A_2133 = arith.constant -1.000000e+00 : f32
    %broadcast_in_dim3A_2134 = vector.broadcast %broadcast_in_dim3A_2133 : f32 to vector<16xf32>
    %broadcast_in_dim3A_2135 = arith.constant -1.000000e+00 : f32
    %broadcast_in_dim3A_2136 = vector.broadcast %broadcast_in_dim3A_2135 : f32 to vector<16xf32>
    %broadcast_in_dim3A_2137 = arith.constant -1.000000e+00 : f32
    %broadcast_in_dim3A_2138 = vector.broadcast %broadcast_in_dim3A_2137 : f32 to vector<16xf32>
    %broadcast_in_dim3A_2139 = arith.constant -1.000000e+00 : f32
    %broadcast_in_dim3A_2140 = vector.broadcast %broadcast_in_dim3A_2139 : f32 to vector<16xf32>
    %broadcast_in_dim3A_2141 = arith.constant -1.000000e+00 : f32
    %broadcast_in_dim3A_2142 = vector.broadcast %broadcast_in_dim3A_2141 : f32 to vector<16xf32>
    %broadcast_in_dim3A_2143 = arith.constant -1.000000e+00 : f32
    %broadcast_in_dim3A_2144 = vector.broadcast %broadcast_in_dim3A_2143 : f32 to vector<16xf32>
    %broadcast_in_dim3A_2145 = arith.constant 0.000000e+00 : f32
    %broadcast_in_dim3A_2146 = vector.broadcast %broadcast_in_dim3A_2145 : f32 to vector<16xf32>
    %broadcast_in_dim3A_2147 = arith.constant 0.000000e+00 : f32
    %broadcast_in_dim3A_2148 = vector.broadcast %broadcast_in_dim3A_2147 : f32 to vector<16xf32>
    %broadcast_in_dim3A_2149 = arith.constant 0.000000e+00 : f32
    %broadcast_in_dim3A_2150 = vector.broadcast %broadcast_in_dim3A_2149 : f32 to vector<16xf32>
    %broadcast_in_dim3A_2151 = arith.constant 0.000000e+00 : f32
    %broadcast_in_dim3A_2152 = vector.broadcast %broadcast_in_dim3A_2151 : f32 to vector<16xf32>
    %broadcast_in_dim3A_2153 = arith.constant 0.000000e+00 : f32
    %broadcast_in_dim3A_2154 = vector.broadcast %broadcast_in_dim3A_2153 : f32 to vector<16xf32>
    %broadcast_in_dim3A_2155 = arith.constant 0.000000e+00 : f32
    %broadcast_in_dim3A_2156 = vector.broadcast %broadcast_in_dim3A_2155 : f32 to vector<16xf32>
    %broadcast_in_dim3A_2157 = arith.constant 0.000000e+00 : f32
    %broadcast_in_dim3A_2158 = vector.broadcast %broadcast_in_dim3A_2157 : f32 to vector<16xf32>
    %broadcast_in_dim3A_2159 = arith.constant 0.000000e+00 : f32
    %broadcast_in_dim3A_2160 = vector.broadcast %broadcast_in_dim3A_2159 : f32 to vector<16xf32>
    %scan3A_2161 = arith.constant 0 : i32
    %scan3A_2162 = arith.constant 64 : i32
    %scan3A_2163 = arith.addi %scan3A_2161, %scan3A_2162 : i32
    %scan3A_2164 = arith.constant 1 : i32
    %scan3A_2165:16 = scf.for %scan3A_2271 = %scan3A_2161 to %scan3A_2163 step %scan3A_2164 iter_args(%scan3A_2272 = %broadcast_in_dim3A_2130, %scan3A_2273 = %broadcast_in_dim3A_2132, %scan3A_2274 = %broadcast_in_dim3A_2134, %scan3A_2275 = %broadcast_in_dim3A_2136, %scan3A_2276 = %broadcast_in_dim3A_2138, %scan3A_2277 = %broadcast_in_dim3A_2140, %scan3A_2278 = %broadcast_in_dim3A_2142, %scan3A_2279 = %broadcast_in_dim3A_2144, %scan3A_2280 = %broadcast_in_dim3A_2146, %scan3A_2281 = %broadcast_in_dim3A_2148, %scan3A_2282 = %broadcast_in_dim3A_2150, %scan3A_2283 = %broadcast_in_dim3A_2152, %scan3A_2284 = %broadcast_in_dim3A_2154, %scan3A_2285 = %broadcast_in_dim3A_2156, %scan3A_2286 = %broadcast_in_dim3A_2158, %scan3A_2287 = %broadcast_in_dim3A_2160) -> (vector<16xf32>, vector<16xf32>, vector<16xf32>, vector<16xf32>, vector<16xf32>, vector<16xf32>, vector<16xf32>, vector<16xf32>, vector<16xf32>, vector<16xf32>, vector<16xf32>, vector<16xf32>, vector<16xf32>, vector<16xf32>, vector<16xf32>, vector<16xf32>)  : i32 {
      %get3A = arith.index_cast %scan3A_2271 : i32 to index
      %get3A_2288 = arith.constant 240 : index
      %get3A_2289 = tpu.vector_load %arg5[%get3A, %get3A_2288] {strides = array<i32>} : memref<64x256xf32, #tpu.memory_space<vmem>>, vector<1x16xf32>,
      %get3A_2290 = vector.shape_cast %get3A_2289 : vector<1x16xf32> to vector<16xf32>
      %broadcast_in_dim3A_2291 = arith.constant 1.000000e+00 : f32
      %broadcast_in_dim3A_2292 = vector.broadcast %broadcast_in_dim3A_2291 : f32 to vector<16xf32>
      %convert_element_type3A_2293 = arith.sitofp %scan3A_2271 : i32 to f32
      %mul3A_2294 = vector.broadcast %convert_element_type3A_2293 : f32 to vector<16xf32>
      %mul3A_2295 = arith.mulf %broadcast_in_dim3A_2292, %mul3A_2294 : vector<16xf32>
      %gt3A = arith.cmpf ogt, %get3A_2290, %scan3A_2272 : vector<16xf32>
      %gt3A_2296 = arith.cmpf ogt, %get3A_2290, %scan3A_2273 : vector<16xf32>
      %gt3A_2297 = arith.cmpf ogt, %get3A_2290, %scan3A_2274 : vector<16xf32>
      %gt3A_2298 = arith.cmpf ogt, %get3A_2290, %scan3A_2275 : vector<16xf32>
      %gt3A_2299 = arith.cmpf ogt, %get3A_2290, %scan3A_2276 : vector<16xf32>
      %gt3A_2300 = arith.cmpf ogt, %get3A_2290, %scan3A_2277 : vector<16xf32>
      %gt3A_2301 = arith.cmpf ogt, %get3A_2290, %scan3A_2278 : vector<16xf32>
      %gt3A_2302 = arith.cmpf ogt, %get3A_2290, %scan3A_2279 : vector<16xf32>
      %select_n3A = arith.select %gt3A, %get3A_2290, %scan3A_2272 : vector<16xi1>, vector<16xf32>
      %select_n3A_2303 = arith.select %gt3A, %mul3A_2295, %scan3A_2280 : vector<16xi1>, vector<16xf32>
      %select_n3A_2304 = arith.select %gt3A, %scan3A_2272, %get3A_2290 : vector<16xi1>, vector<16xf32>
      %select_n3A_2305 = arith.select %gt3A, %scan3A_2280, %mul3A_2295 : vector<16xi1>, vector<16xf32>
      %select_n3A_2306 = arith.select %gt3A_2296, %select_n3A_2304, %scan3A_2273 : vector<16xi1>, vector<16xf32>
      %select_n3A_2307 = arith.select %gt3A_2296, %select_n3A_2305, %scan3A_2281 : vector<16xi1>, vector<16xf32>
      %select_n3A_2308 = arith.select %gt3A_2296, %scan3A_2273, %get3A_2290 : vector<16xi1>, vector<16xf32>
      %select_n3A_2309 = arith.select %gt3A_2296, %scan3A_2281, %mul3A_2295 : vector<16xi1>, vector<16xf32>
      %select_n3A_2310 = arith.select %gt3A_2297, %select_n3A_2308, %scan3A_2274 : vector<16xi1>, vector<16xf32>
      %select_n3A_2311 = arith.select %gt3A_2297, %select_n3A_2309, %scan3A_2282 : vector<16xi1>, vector<16xf32>
      %select_n3A_2312 = arith.select %gt3A_2297, %scan3A_2274, %get3A_2290 : vector<16xi1>, vector<16xf32>
      %select_n3A_2313 = arith.select %gt3A_2297, %scan3A_2282, %mul3A_2295 : vector<16xi1>, vector<16xf32>
      %select_n3A_2314 = arith.select %gt3A_2298, %select_n3A_2312, %scan3A_2275 : vector<16xi1>, vector<16xf32>
      %select_n3A_2315 = arith.select %gt3A_2298, %select_n3A_2313, %scan3A_2283 : vector<16xi1>, vector<16xf32>
      %select_n3A_2316 = arith.select %gt3A_2298, %scan3A_2275, %get3A_2290 : vector<16xi1>, vector<16xf32>
      %select_n3A_2317 = arith.select %gt3A_2298, %scan3A_2283, %mul3A_2295 : vector<16xi1>, vector<16xf32>
      %select_n3A_2318 = arith.select %gt3A_2299, %select_n3A_2316, %scan3A_2276 : vector<16xi1>, vector<16xf32>
      %select_n3A_2319 = arith.select %gt3A_2299, %select_n3A_2317, %scan3A_2284 : vector<16xi1>, vector<16xf32>
      %select_n3A_2320 = arith.select %gt3A_2299, %scan3A_2276, %get3A_2290 : vector<16xi1>, vector<16xf32>
      %select_n3A_2321 = arith.select %gt3A_2299, %scan3A_2284, %mul3A_2295 : vector<16xi1>, vector<16xf32>
      %select_n3A_2322 = arith.select %gt3A_2300, %select_n3A_2320, %scan3A_2277 : vector<16xi1>, vector<16xf32>
      %select_n3A_2323 = arith.select %gt3A_2300, %select_n3A_2321, %scan3A_2285 : vector<16xi1>, vector<16xf32>
      %select_n3A_2324 = arith.select %gt3A_2300, %scan3A_2277, %get3A_2290 : vector<16xi1>, vector<16xf32>
      %select_n3A_2325 = arith.select %gt3A_2300, %scan3A_2285, %mul3A_2295 : vector<16xi1>, vector<16xf32>
      %select_n3A_2326 = arith.select %gt3A_2301, %select_n3A_2324, %scan3A_2278 : vector<16xi1>, vector<16xf32>
      %select_n3A_2327 = arith.select %gt3A_2301, %select_n3A_2325, %scan3A_2286 : vector<16xi1>, vector<16xf32>
      %select_n3A_2328 = arith.select %gt3A_2301, %scan3A_2278, %get3A_2290 : vector<16xi1>, vector<16xf32>
      %select_n3A_2329 = arith.select %gt3A_2301, %scan3A_2286, %mul3A_2295 : vector<16xi1>, vector<16xf32>
      %select_n3A_2330 = arith.select %gt3A_2302, %select_n3A_2328, %scan3A_2279 : vector<16xi1>, vector<16xf32>
      %select_n3A_2331 = arith.select %gt3A_2302, %select_n3A_2329, %scan3A_2287 : vector<16xi1>, vector<16xf32>
      scf.yield %select_n3A, %select_n3A_2306, %select_n3A_2310, %select_n3A_2314, %select_n3A_2318, %select_n3A_2322, %select_n3A_2326, %select_n3A_2330, %select_n3A_2303, %select_n3A_2307, %select_n3A_2311, %select_n3A_2315, %select_n3A_2319, %select_n3A_2323, %select_n3A_2327, %select_n3A_2331 : vector<16xf32>, vector<16xf32>, vector<16xf32>, vector<16xf32>, vector<16xf32>, vector<16xf32>, vector<16xf32>, vector<16xf32>, vector<16xf32>, vector<16xf32>, vector<16xf32>, vector<16xf32>, vector<16xf32>, vector<16xf32>, vector<16xf32>, vector<16xf32>
    }
    %scan3A_2166 = arith.constant 64 : i32
    %swap3A_2167 = arith.constant 0 : i32
    %swap3A_2168 = arith.index_cast %swap3A_2167 : i32 to index
    %swap3A_2169 = arith.constant 240 : index
    %swap3A_2170 = tpu.vector_load %arg6[%swap3A_2168, %swap3A_2169] {strides = array<i32>} : memref<8x256xf32, #tpu.memory_space<vmem>>, vector<1x16xf32>,
    %swap3A_2171 = vector.shape_cast %swap3A_2170 : vector<1x16xf32> to vector<16xf32>
    %swap3A_2172 = vector.shape_cast %scan3A_2165#0 : vector<16xf32> to vector<1x16xf32>
    tpu.vector_store %arg6[%swap3A_2168, %swap3A_2169], %swap3A_2172 {strides = array<i32>} : memref<8x256xf32, #tpu.memory_space<vmem>>, vector<1x16xf32>,
    %convert_element_type3A_2173 = arith.fptosi %scan3A_2165#8 : vector<16xf32> to vector<16xi32>
    %swap3A_2174 = arith.constant 0 : i32
    %swap3A_2175 = arith.index_cast %swap3A_2174 : i32 to index
    %swap3A_2176 = arith.constant 240 : index
    %swap3A_2177 = tpu.vector_load %arg7[%swap3A_2175, %swap3A_2176] {strides = array<i32>} : memref<8x256xi32, #tpu.memory_space<vmem>>, vector<1x16xi32>,
    %swap3A_2178 = vector.shape_cast %swap3A_2177 : vector<1x16xi32> to vector<16xi32>
    %swap3A_2179 = vector.shape_cast %convert_element_type3A_2173 : vector<16xi32> to vector<1x16xi32>
    tpu.vector_store %arg7[%swap3A_2175, %swap3A_2176], %swap3A_2179 {strides = array<i32>} : memref<8x256xi32, #tpu.memory_space<vmem>>, vector<1x16xi32>,
    %swap3A_2180 = arith.constant 1 : i32
    %swap3A_2181 = arith.index_cast %swap3A_2180 : i32 to index
    %swap3A_2182 = arith.constant 240 : index
    %swap3A_2183 = tpu.vector_load %arg6[%swap3A_2181, %swap3A_2182] {strides = array<i32>} : memref<8x256xf32, #tpu.memory_space<vmem>>, vector<1x16xf32>,
    %swap3A_2184 = vector.shape_cast %swap3A_2183 : vector<1x16xf32> to vector<16xf32>
    %swap3A_2185 = vector.shape_cast %scan3A_2165#1 : vector<16xf32> to vector<1x16xf32>
    tpu.vector_store %arg6[%swap3A_2181, %swap3A_2182], %swap3A_2185 {strides = array<i32>} : memref<8x256xf32, #tpu.memory_space<vmem>>, vector<1x16xf32>,
    %convert_element_type3A_2186 = arith.fptosi %scan3A_2165#9 : vector<16xf32> to vector<16xi32>
    %swap3A_2187 = arith.constant 1 : i32
    %swap3A_2188 = arith.index_cast %swap3A_2187 : i32 to index
    %swap3A_2189 = arith.constant 240 : index
    %swap3A_2190 = tpu.vector_load %arg7[%swap3A_2188, %swap3A_2189] {strides = array<i32>} : memref<8x256xi32, #tpu.memory_space<vmem>>, vector<1x16xi32>,
    %swap3A_2191 = vector.shape_cast %swap3A_2190 : vector<1x16xi32> to vector<16xi32>
    %swap3A_2192 = vector.shape_cast %convert_element_type3A_2186 : vector<16xi32> to vector<1x16xi32>
    tpu.vector_store %arg7[%swap3A_2188, %swap3A_2189], %swap3A_2192 {strides = array<i32>} : memref<8x256xi32, #tpu.memory_space<vmem>>, vector<1x16xi32>,
    %swap3A_2193 = arith.constant 2 : i32
    %swap3A_2194 = arith.index_cast %swap3A_2193 : i32 to index
    %swap3A_2195 = arith.constant 240 : index
    %swap3A_2196 = tpu.vector_load %arg6[%swap3A_2194, %swap3A_2195] {strides = array<i32>} : memref<8x256xf32, #tpu.memory_space<vmem>>, vector<1x16xf32>,
    %swap3A_2197 = vector.shape_cast %swap3A_2196 : vector<1x16xf32> to vector<16xf32>
    %swap3A_2198 = vector.shape_cast %scan3A_2165#2 : vector<16xf32> to vector<1x16xf32>
    tpu.vector_store %arg6[%swap3A_2194, %swap3A_2195], %swap3A_2198 {strides = array<i32>} : memref<8x256xf32, #tpu.memory_space<vmem>>, vector<1x16xf32>,
    %convert_element_type3A_2199 = arith.fptosi %scan3A_2165#10 : vector<16xf32> to vector<16xi32>
    %swap3A_2200 = arith.constant 2 : i32
    %swap3A_2201 = arith.index_cast %swap3A_2200 : i32 to index
    %swap3A_2202 = arith.constant 240 : index
    %swap3A_2203 = tpu.vector_load %arg7[%swap3A_2201, %swap3A_2202] {strides = array<i32>} : memref<8x256xi32, #tpu.memory_space<vmem>>, vector<1x16xi32>,
    %swap3A_2204 = vector.shape_cast %swap3A_2203 : vector<1x16xi32> to vector<16xi32>
    %swap3A_2205 = vector.shape_cast %convert_element_type3A_2199 : vector<16xi32> to vector<1x16xi32>
    tpu.vector_store %arg7[%swap3A_2201, %swap3A_2202], %swap3A_2205 {strides = array<i32>} : memref<8x256xi32, #tpu.memory_space<vmem>>, vector<1x16xi32>,
    %swap3A_2206 = arith.constant 3 : i32
    %swap3A_2207 = arith.index_cast %swap3A_2206 : i32 to index
    %swap3A_2208 = arith.constant 240 : index
    %swap3A_2209 = tpu.vector_load %arg6[%swap3A_2207, %swap3A_2208] {strides = array<i32>} : memref<8x256xf32, #tpu.memory_space<vmem>>, vector<1x16xf32>,
    %swap3A_2210 = vector.shape_cast %swap3A_2209 : vector<1x16xf32> to vector<16xf32>
    %swap3A_2211 = vector.shape_cast %scan3A_2165#3 : vector<16xf32> to vector<1x16xf32>
    tpu.vector_store %arg6[%swap3A_2207, %swap3A_2208], %swap3A_2211 {strides = array<i32>} : memref<8x256xf32, #tpu.memory_space<vmem>>, vector<1x16xf32>,
    %convert_element_type3A_2212 = arith.fptosi %scan3A_2165#11 : vector<16xf32> to vector<16xi32>
    %swap3A_2213 = arith.constant 3 : i32
    %swap3A_2214 = arith.index_cast %swap3A_2213 : i32 to index
    %swap3A_2215 = arith.constant 240 : index
    %swap3A_2216 = tpu.vector_load %arg7[%swap3A_2214, %swap3A_2215] {strides = array<i32>} : memref<8x256xi32, #tpu.memory_space<vmem>>, vector<1x16xi32>,
    %swap3A_2217 = vector.shape_cast %swap3A_2216 : vector<1x16xi32> to vector<16xi32>
    %swap3A_2218 = vector.shape_cast %convert_element_type3A_2212 : vector<16xi32> to vector<1x16xi32>
    tpu.vector_store %arg7[%swap3A_2214, %swap3A_2215], %swap3A_2218 {strides = array<i32>} : memref<8x256xi32, #tpu.memory_space<vmem>>, vector<1x16xi32>,
    %swap3A_2219 = arith.constant 4 : i32
    %swap3A_2220 = arith.index_cast %swap3A_2219 : i32 to index
    %swap3A_2221 = arith.constant 240 : index
    %swap3A_2222 = tpu.vector_load %arg6[%swap3A_2220, %swap3A_2221] {strides = array<i32>} : memref<8x256xf32, #tpu.memory_space<vmem>>, vector<1x16xf32>,
    %swap3A_2223 = vector.shape_cast %swap3A_2222 : vector<1x16xf32> to vector<16xf32>
    %swap3A_2224 = vector.shape_cast %scan3A_2165#4 : vector<16xf32> to vector<1x16xf32>
    tpu.vector_store %arg6[%swap3A_2220, %swap3A_2221], %swap3A_2224 {strides = array<i32>} : memref<8x256xf32, #tpu.memory_space<vmem>>, vector<1x16xf32>,
    %convert_element_type3A_2225 = arith.fptosi %scan3A_2165#12 : vector<16xf32> to vector<16xi32>
    %swap3A_2226 = arith.constant 4 : i32
    %swap3A_2227 = arith.index_cast %swap3A_2226 : i32 to index
    %swap3A_2228 = arith.constant 240 : index
    %swap3A_2229 = tpu.vector_load %arg7[%swap3A_2227, %swap3A_2228] {strides = array<i32>} : memref<8x256xi32, #tpu.memory_space<vmem>>, vector<1x16xi32>,
    %swap3A_2230 = vector.shape_cast %swap3A_2229 : vector<1x16xi32> to vector<16xi32>
    %swap3A_2231 = vector.shape_cast %convert_element_type3A_2225 : vector<16xi32> to vector<1x16xi32>
    tpu.vector_store %arg7[%swap3A_2227, %swap3A_2228], %swap3A_2231 {strides = array<i32>} : memref<8x256xi32, #tpu.memory_space<vmem>>, vector<1x16xi32>,
    %swap3A_2232 = arith.constant 5 : i32
    %swap3A_2233 = arith.index_cast %swap3A_2232 : i32 to index
    %swap3A_2234 = arith.constant 240 : index
    %swap3A_2235 = tpu.vector_load %arg6[%swap3A_2233, %swap3A_2234] {strides = array<i32>} : memref<8x256xf32, #tpu.memory_space<vmem>>, vector<1x16xf32>,
    %swap3A_2236 = vector.shape_cast %swap3A_2235 : vector<1x16xf32> to vector<16xf32>
    %swap3A_2237 = vector.shape_cast %scan3A_2165#5 : vector<16xf32> to vector<1x16xf32>
    tpu.vector_store %arg6[%swap3A_2233, %swap3A_2234], %swap3A_2237 {strides = array<i32>} : memref<8x256xf32, #tpu.memory_space<vmem>>, vector<1x16xf32>,
    %convert_element_type3A_2238 = arith.fptosi %scan3A_2165#13 : vector<16xf32> to vector<16xi32>
    %swap3A_2239 = arith.constant 5 : i32
    %swap3A_2240 = arith.index_cast %swap3A_2239 : i32 to index
    %swap3A_2241 = arith.constant 240 : index
    %swap3A_2242 = tpu.vector_load %arg7[%swap3A_2240, %swap3A_2241] {strides = array<i32>} : memref<8x256xi32, #tpu.memory_space<vmem>>, vector<1x16xi32>,
    %swap3A_2243 = vector.shape_cast %swap3A_2242 : vector<1x16xi32> to vector<16xi32>
    %swap3A_2244 = vector.shape_cast %convert_element_type3A_2238 : vector<16xi32> to vector<1x16xi32>
    tpu.vector_store %arg7[%swap3A_2240, %swap3A_2241], %swap3A_2244 {strides = array<i32>} : memref<8x256xi32, #tpu.memory_space<vmem>>, vector<1x16xi32>,
    %swap3A_2245 = arith.constant 6 : i32
    %swap3A_2246 = arith.index_cast %swap3A_2245 : i32 to index
    %swap3A_2247 = arith.constant 240 : index
    %swap3A_2248 = tpu.vector_load %arg6[%swap3A_2246, %swap3A_2247] {strides = array<i32>} : memref<8x256xf32, #tpu.memory_space<vmem>>, vector<1x16xf32>,
    %swap3A_2249 = vector.shape_cast %swap3A_2248 : vector<1x16xf32> to vector<16xf32>
    %swap3A_2250 = vector.shape_cast %scan3A_2165#6 : vector<16xf32> to vector<1x16xf32>
    tpu.vector_store %arg6[%swap3A_2246, %swap3A_2247], %swap3A_2250 {strides = array<i32>} : memref<8x256xf32, #tpu.memory_space<vmem>>, vector<1x16xf32>,
    %convert_element_type3A_2251 = arith.fptosi %scan3A_2165#14 : vector<16xf32> to vector<16xi32>
    %swap3A_2252 = arith.constant 6 : i32
    %swap3A_2253 = arith.index_cast %swap3A_2252 : i32 to index
    %swap3A_2254 = arith.constant 240 : index
    %swap3A_2255 = tpu.vector_load %arg7[%swap3A_2253, %swap3A_2254] {strides = array<i32>} : memref<8x256xi32, #tpu.memory_space<vmem>>, vector<1x16xi32>,
    %swap3A_2256 = vector.shape_cast %swap3A_2255 : vector<1x16xi32> to vector<16xi32>
    %swap3A_2257 = vector.shape_cast %convert_element_type3A_2251 : vector<16xi32> to vector<1x16xi32>
    tpu.vector_store %arg7[%swap3A_2253, %swap3A_2254], %swap3A_2257 {strides = array<i32>} : memref<8x256xi32, #tpu.memory_space<vmem>>, vector<1x16xi32>,
    %swap3A_2258 = arith.constant 7 : i32
    %swap3A_2259 = arith.index_cast %swap3A_2258 : i32 to index
    %swap3A_2260 = arith.constant 240 : index
    %swap3A_2261 = tpu.vector_load %arg6[%swap3A_2259, %swap3A_2260] {strides = array<i32>} : memref<8x256xf32, #tpu.memory_space<vmem>>, vector<1x16xf32>,
    %swap3A_2262 = vector.shape_cast %swap3A_2261 : vector<1x16xf32> to vector<16xf32>
    %swap3A_2263 = vector.shape_cast %scan3A_2165#7 : vector<16xf32> to vector<1x16xf32>
    tpu.vector_store %arg6[%swap3A_2259, %swap3A_2260], %swap3A_2263 {strides = array<i32>} : memref<8x256xf32, #tpu.memory_space<vmem>>, vector<1x16xf32>,
    %convert_element_type3A_2264 = arith.fptosi %scan3A_2165#15 : vector<16xf32> to vector<16xi32>
    %swap3A_2265 = arith.constant 7 : i32
    %swap3A_2266 = arith.index_cast %swap3A_2265 : i32 to index
    %swap3A_2267 = arith.constant 240 : index
    %swap3A_2268 = tpu.vector_load %arg7[%swap3A_2266, %swap3A_2267] {strides = array<i32>} : memref<8x256xi32, #tpu.memory_space<vmem>>, vector<1x16xi32>,
    %swap3A_2269 = vector.shape_cast %swap3A_2268 : vector<1x16xi32> to vector<16xi32>
    %swap3A_2270 = vector.shape_cast %convert_element_type3A_2264 : vector<16xi32> to vector<1x16xi32>
    tpu.vector_store %arg7[%swap3A_2266, %swap3A_2267], %swap3A_2270 {strides = array<i32>} : memref<8x256xi32, #tpu.memory_space<vmem>>, vector<1x16xi32>,
    "tpu.region"() ({
      %run_scoped3A = tpu.sem_alloc : memref<!tpu.dma_semaphore, #tpu.memory_space<semaphore_mem>>
      %dma_start3A = arith.constant 0 : i32
      %dma_start3A_2271 = tpu.memref_slice %arg3[%dma_start3A, %mul3A_2] : memref<8x8192xf32, #tpu.memory_space<hbm>> -> memref<8x256xf32, #tpu.memory_space<hbm>>
      %dma_start3A_2272 = arith.constant 0 : i32
      %dma_start3A_2273 = tpu.memref_slice %arg3[%dma_start3A_2272, %mul3A_2] : memref<8x8192xf32, #tpu.memory_space<hbm>> -> memref<8x256xf32, #tpu.memory_space<hbm>>
      tpu.enqueue_dma source(%arg6 : memref<8x256xf32, #tpu.memory_space<vmem>>) target(%dma_start3A_2273 : memref<8x256xf32, #tpu.memory_space<hbm>>) target_semaphore(%run_scoped3A : memref<!tpu.dma_semaphore, #tpu.memory_space<semaphore_mem>>)
      %dma_wait3A = arith.constant 0 : i32
      %dma_wait3A_2274 = tpu.memref_slice %arg3[%dma_wait3A, %mul3A_2] : memref<8x8192xf32, #tpu.memory_space<hbm>> -> memref<8x256xf32, #tpu.memory_space<hbm>>
      %dma_wait3A_2275 = arith.constant 0 : i32
      %dma_wait3A_2276 = tpu.memref_slice %arg3[%dma_wait3A_2275, %mul3A_2] : memref<8x8192xf32, #tpu.memory_space<hbm>> -> memref<8x256xf32, #tpu.memory_space<hbm>>
      tpu.wait_dma2 semaphore(%run_scoped3A : memref<!tpu.dma_semaphore, #tpu.memory_space<semaphore_mem>>) src(%arg6 : memref<8x256xf32, #tpu.memory_space<vmem>>) dst(%dma_wait3A_2276 : memref<8x256xf32, #tpu.memory_space<hbm>>)
      tpu.yield
    }) : () -> ()
    "tpu.region"() ({
      %run_scoped3A = tpu.sem_alloc : memref<!tpu.dma_semaphore, #tpu.memory_space<semaphore_mem>>
      %dma_start3A = arith.constant 0 : i32
      %dma_start3A_2271 = tpu.memref_slice %arg4[%dma_start3A, %mul3A_2] : memref<8x8192xi32, #tpu.memory_space<hbm>> -> memref<8x256xi32, #tpu.memory_space<hbm>>
      %dma_start3A_2272 = arith.constant 0 : i32
      %dma_start3A_2273 = tpu.memref_slice %arg4[%dma_start3A_2272, %mul3A_2] : memref<8x8192xi32, #tpu.memory_space<hbm>> -> memref<8x256xi32, #tpu.memory_space<hbm>>
      tpu.enqueue_dma source(%arg7 : memref<8x256xi32, #tpu.memory_space<vmem>>) target(%dma_start3A_2273 : memref<8x256xi32, #tpu.memory_space<hbm>>) target_semaphore(%run_scoped3A : memref<!tpu.dma_semaphore, #tpu.memory_space<semaphore_mem>>)
      %dma_wait3A = arith.constant 0 : i32
      %dma_wait3A_2274 = tpu.memref_slice %arg4[%dma_wait3A, %mul3A_2] : memref<8x8192xi32, #tpu.memory_space<hbm>> -> memref<8x256xi32, #tpu.memory_space<hbm>>
      %dma_wait3A_2275 = arith.constant 0 : i32
      %dma_wait3A_2276 = tpu.memref_slice %arg4[%dma_wait3A_2275, %mul3A_2] : memref<8x8192xi32, #tpu.memory_space<hbm>> -> memref<8x256xi32, #tpu.memory_space<hbm>>
      tpu.wait_dma2 semaphore(%run_scoped3A : memref<!tpu.dma_semaphore, #tpu.memory_space<semaphore_mem>>) src(%arg7 : memref<8x256xi32, #tpu.memory_space<vmem>>) dst(%dma_wait3A_2276 : memref<8x256xi32, #tpu.memory_space<hbm>>)
      tpu.yield
    }) : () -> ()
    return
  }
}

module attributes {stable_mosaic.version = 14 : i64} {
  func.func @_probs_block(%arg0: i32, %arg1: memref<1024x2048xf32, #tpu.memory_space<vmem>>, %arg2: memref<64x2048xf32, #tpu.memory_space<vmem>>, %arg3: memref<64x1024xf32, #tpu.memory_space<vmem>>) attributes {dimension_semantics = [#tpu.dimension_semantics<arbitrary>], iteration_bounds = array<i64: 8>, scalar_prefetch = 0 : i64, scratch_operands = 0 : i64, tpu.core_type = #tpu.core_type<tc>, window_params = [{transform_indices = @transform_0, window_bounds = array<i64: 1024, 2048>}, {pipeline_mode = #tpu.pipeline_mode<synchronous>, transform_indices = @transform_1, window_bounds = array<i64: 64, 2048>}, {transform_indices = @transform_2, window_bounds = array<i64: 64, 1024>}]} {
    %get3A = arith.constant 0 : index
    %get3A_0 = arith.constant 0 : index
    %get3A_1 = vector.load %arg2[%get3A, %get3A_0] : memref<64x2048xf32, #tpu.memory_space<vmem>>, vector<64x2048xf32>
    %get3A_2 = arith.constant 0 : index
    %get3A_3 = arith.constant 0 : index
    %get3A_4 = vector.load %arg1[%get3A_2, %get3A_3] : memref<1024x2048xf32, #tpu.memory_space<vmem>>, vector<1024x2048xf32>
    %dot_general3A = arith.constant dense<0.000000e+00> : vector<64x1024xf32>
    %dot_general3A_5 = tpu.matmul %get3A_1, %get3A_4, %dot_general3A {dimension_numbers = #tpu.dot_dimension_numbers<[1], [1], [0], [0], [0, 0, 1, 0], [], []>, transpose_lhs_hint = false} : vector<64x2048xf32>, vector<1024x2048xf32>, vector<64x1024xf32> -> vector<64x1024xf32>
    %reduce_max3A = arith.constant dense<0xFF800000> : vector<1024xf32>
    %reduce_max3A_6 = vector.multi_reduction <maximumf>, %dot_general3A_5, %reduce_max3A [0] : vector<64x1024xf32> to vector<1024xf32>
    %broadcast_in_dim3A = vector.shape_cast %reduce_max3A_6 : vector<1024xf32> to vector<1x1024xf32>
    %sub3A = vector.broadcast %broadcast_in_dim3A : vector<1x1024xf32> to vector<64x1024xf32>
    %sub3A_7 = arith.subf %dot_general3A_5, %sub3A : vector<64x1024xf32>
    %exp3A = math.exp %sub3A_7 : vector<64x1024xf32>
    %reduce_sum3A = arith.constant dense<0.000000e+00> : vector<1024xf32>
    %reduce_sum3A_8 = vector.multi_reduction <add>, %exp3A, %reduce_sum3A [0] : vector<64x1024xf32> to vector<1024xf32>
    %broadcast_in_dim3A_9 = vector.shape_cast %reduce_sum3A_8 : vector<1024xf32> to vector<1x1024xf32>
    %div3A = arith.constant 1.000000e+00 : f32
    %div3A_10 = vector.broadcast %div3A : f32 to vector<1x1024xf32>
    %div3A_11 = arith.divf %div3A_10, %broadcast_in_dim3A_9 : vector<1x1024xf32>
    %mul3A = vector.broadcast %div3A_11 : vector<1x1024xf32> to vector<64x1024xf32>
    %mul3A_12 = arith.mulf %exp3A, %mul3A : vector<64x1024xf32>
    %swap3A = arith.constant 0 : index
    %swap3A_13 = arith.constant 0 : index
    %swap3A_14 = vector.load %arg3[%swap3A, %swap3A_13] : memref<64x1024xf32, #tpu.memory_space<vmem>>, vector<64x1024xf32>
    tpu.vector_store %arg3[%swap3A, %swap3A_13], %mul3A_12 {strides = array<i32>} : memref<64x1024xf32, #tpu.memory_space<vmem>>, vector<64x1024xf32>,
    return
  }
  func.func @transform_0(%arg0: i32) -> (i32, i32) {
    %c0_i32 = arith.constant 0 : i32
    %c0_i32_0 = arith.constant 0 : i32
    return %arg0, %c0_i32 : i32, i32
  }
  func.func @transform_1(%arg0: i32) -> (i32, i32) {
    %c0_i32 = arith.constant 0 : i32
    %c0_i32_0 = arith.constant 0 : i32
    %c0_i32_1 = arith.constant 0 : i32
    return %c0_i32, %c0_i32_0 : i32, i32
  }
  func.func @transform_2(%arg0: i32) -> (i32, i32) {
    %c0_i32 = arith.constant 0 : i32
    %c0_i32_0 = arith.constant 0 : i32
    return %c0_i32, %arg0 : i32, i32
  }
}

</mosaic_0001>

<sc_bundles>
// kernel: kernel.4.cloned.1.call-start
scs
__scs_entry_jumppad:
0x0: {  	(pc) =	sbr.rel $0x88, $3  }
0x1: {  	(tag) =	ssettag $0x0;
	lr =	simm.s32 $0x1  }
0x2: {  	[smem:$0x3F9F] =	sst lr;
	_ =	strace $0xD0000000  }
0x3: {  	_ = 	snop  }
0x4: {  	_ = 	snop  }
0x5: {  	_ = 	snop  }
0x6: {  	_ = 	snop  }
0x7: {  	_ = 	snop  }
__scs_overlays_trampoline_lowered:
0x8: {  	[smem:$0x3FAE] =	sst s0  }
0x9: {  	[smem:$0x3FAF] =	sst s1  }
0xa: {  	[smem:$0x3FB0] =	sst s2  }
0xb: {  	[smem:$0x3FB1] =	sst s3  }
0xc: {  	[smem:$0x3FB2] =	sst s4  }
0xd: {  	[smem:$0x3FB3] =	sst s5  }
0xe: {  	[smem:$0x3FB4] =	sst s6  }
0xf: {  	[smem:$0x3FB5] =	sst s7  }
0x10: {  	[smem:$0x3FB6] =	sst s8  }
0x11: {  	[smem:$0x3FB7] =	sst s9;
	s0 =	simm.s32 @!p0 $0x0  }
0x12: {  	s1 =	sld [smem:$0x3F9D];
	s0 =	simm.s32 @p0 $0x1  }
0x13: {  	[smem:$0x3FB8] =	sst s0;
	s0 =	simm.s32 @!p1 $0x0  }
0x14: {  	s2 =	sld [smem:$0x3F9C];
	s0 =	simm.s32 @p1 $0x1  }
0x15: {  	[smem:$0x3FB9] =	sst s0;
	s0 =	simm.s32 @!p2 $0x0  }
0x16: {  	s3 =	sld [smem:$0x3FDB];
	s0 =	simm.s32 @p2 $0x1  }
0x17: {  	s4 =	simm.s32 $0x1BF5;
	[smem:$0x3FBB] =	sst s0  }
0x18: {  	s0 =	sld [smem:$0x3F9E];
	_ =	swait.ge [sflag:s4], $0x0  }
0x19: {  	s7 =	sld [smem:$0x3F9F]  }
0x1a: {  	s8 =	sadd.s32 $0xFFFFE003, lr  }
0x1b: {  	s9 =	sadd.s32 $0xFFFFFEF7, lr;
	s5 =	simm.s32 $0xFFFFFFFF;
	p2 =	slt.u32 s8, $0xFFFFF086  }
0x1c: {  	p1 =	slt.u32 s9, $0xF7A;
	s5 =	simm.s32 @!p2 $0x0  }
0x1d: {  	s5 =	simm.s32 @p1 $0x1;
	p0 =	seq.s32 s7, s2  }
0x1e: {  	s7 =	smul.u32 @!p0 $0xF7A, s2;
	p2 =	seq.s32 @!p0 s5, $0x0  }
0x1f: {  	s9 =	smul.u32 $0xF7A, s1;
	s8 =	simm.s32 @!p0 $0x1BF5;
	p2 =	por !p2, p0  }
0x20: {  	[sflag:s8] =	ssyncset.s32 @!p0 $0xFFFFF086;
	s6 =	sadd.s32 @!p0 s3, s7;
	s7 =	simm.s32 @!p0 $0x108  }
0x21: {  	s3 =	sadd.s32 s3, s9;
	s6 =	sadd.s32 @!p0 $0x88, s6;
	s7 =	simm.s32 @p2 $0x1082  }
0x22: {  	[simem:s7], [sflag:s8] =	dma.local @!p0 [hbm:s6], $0xF7A  }
0x23: {  	s9 =	sor.u32 $0xD0000000, s2;
	s6 =	simm.s32 $0x108;
	_ =	swait.ge @!p0 [sflag:s8], $0x0  }
0x24: {  	s3 =	sadd.s32 $0x88, s3;
	s6 =	simm.s32 @!p1 $0x1082;
	[sflag:s4] =	ssyncset.s32 $0xFFFFF086  }
0x25: {  	[simem:s6], [sflag:s4] =	dma.local [hbm:s3], $0xF7A  }
0x26: {  	[smem:$0x3F9F] =	sst s1;
	(tag) =	ssettag s2;
	_ =	strace s9  }
0x27: {  	s1 =	sld [smem:$0x3FAF]  }
0x28: {  	s2 =	sld [smem:$0x3FB0]  }
0x29: {  	s4 =	sld [smem:$0x3FB2]  }
0x2a: {  	p0 =	seq.s32 s5, $0x0;
	s5 =	sld [smem:$0x3FB3]  }
0x2b: {  	s6 =	sld [smem:$0x3FB4]  }
0x2c: {  	s7 =	sld [smem:$0x3FB5]  }
0x2d: {  	s3 =	simm.s32 $0x108;
	s8 =	sld [smem:$0x3FB6]  }
0x2e: {  	s3 =	simm.s32 @!p0 $0x1082;
	s9 =	sld [smem:$0x3FB7]  }
0x2f: {  	lr =	sadd.s32 s0, s3;
	s0 =	sld [smem:$0x3FAE]  }
0x30: {  	s3 =	sld [smem:$0x3FB1]  }
0x31: {  	[smem:$0x3FBA] =	sst s10  }
0x32: {  	s10 =	sld [smem:$0x3FB8];
	_ =	sdelay $0x3  }
0x33: {  	p0 =	seq.s32 s10, $0x1;
	s10 =	sld [smem:$0x3FBA];
	_ =	sdelay $0x3  }
0x34: {  	[smem:$0x3FBA] =	sst s10  }
0x35: {  	s10 =	sld [smem:$0x3FB9];
	_ =	sdelay $0x3  }
0x36: {  	p1 =	seq.s32 s10, $0x1;
	s10 =	sld [smem:$0x3FBA];
	_ =	sdelay $0x3  }
0x37: {  	[smem:$0x3FBA] =	sst s10  }
0x38: {  	s10 =	sld [smem:$0x3FBB]  }
0x39: {  	_ = 	snop;
	(pc) =	sbr.ind lr, $3  }
0x3a: {  	_ = 	snop  }
0x3b: {  	_ = 	snop  }
0x3c: {  	p2 =	seq.s32 s10, $0x1;
	s10 =	sld [smem:$0x3FBA]  }
0x3d: {  	_ =	shalt  }
0x3e: {  	_ =	shalt  }
0x3f: {  	_ =	shalt  }
0x40: {  	_ =	shalt  }
0x41: {  	_ =	shalt  }
0x42: {  	_ =	shalt  }
0x43: {  	_ =	shalt  }
0x44: {  	_ =	shalt  }
0x45: {  	_ =	shalt  }
0x46: {  	_ =	shalt  }
0x47: {  	_ =	shalt  }
0x48: {  	_ =	shalt  }
0x49: {  	_ =	shalt  }
0x4a: {  	_ =	shalt  }
0x4b: {  	_ =	shalt  }
0x4c: {  	_ =	shalt  }
0x4d: {  	_ =	shalt  }
0x4e: {  	_ =	shalt  }
0x4f: {  	_ =	shalt  }
0x50: {  	_ =	shalt  }
0x51: {  	_ =	shalt  }
0x52: {  	_ =	shalt  }
0x53: {  	_ =	shalt  }
0x54: {  	_ =	shalt  }
0x55: {  	_ =	shalt  }
0x56: {  	_ =	shalt  }
0x57: {  	_ =	shalt  }
0x58: {  	_ =	shalt  }
0x59: {  	_ =	shalt  }
0x5a: {  	_ =	shalt  }
0x5b: {  	_ =	shalt  }
0x5c: {  	_ =	shalt  }
0x5d: {  	_ =	shalt  }
0x5e: {  	_ =	shalt  }
0x5f: {  	_ =	shalt  }
0x60: {  	_ =	shalt  }
0x61: {  	_ =	shalt  }
0x62: {  	_ =	shalt  }
0x63: {  	_ =	shalt  }
0x64: {  	_ =	shalt  }
0x65: {  	_ =	shalt  }
0x66: {  	_ =	shalt  }
0x67: {  	_ =	shalt  }
0x68: {  	_ =	shalt  }
0x69: {  	_ =	shalt  }
0x6a: {  	_ =	shalt  }
0x6b: {  	_ =	shalt  }
0x6c: {  	_ =	shalt  }
0x6d: {  	_ =	shalt  }
0x6e: {  	_ =	shalt  }
0x6f: {  	_ =	shalt  }
0x70: {  	_ =	shalt  }
0x71: {  	_ =	shalt  }
0x72: {  	_ =	shalt  }
0x73: {  	_ =	shalt  }
0x74: {  	_ =	shalt  }
0x75: {  	_ =	shalt  }
0x76: {  	_ =	shalt  }
0x77: {  	_ =	shalt  }
0x78: {  	_ =	shalt  }
0x79: {  	_ =	shalt  }
0x7a: {  	_ =	shalt  }
0x7b: {  	_ =	shalt  }
0x7c: {  	_ =	shalt  }
0x7d: {  	_ =	shalt  }
0x7e: {  	_ =	shalt  }
0x7f: {  	_ =	shalt  }
0x80: {  	_ =	shalt  }
0x81: {  	_ =	shalt  }
0x82: {  	_ =	shalt  }
0x83: {  	_ =	shalt  }
0x84: {  	_ =	shalt  }
0x85: {  	_ =	shalt  }
0x86: {  	_ =	shalt  }
0x87: {  	_ =	shalt  }
.Lfunc_end0:
.L_simem_size_0:
called_computation_lowered:
.L_overlay_start_0:
0x88: {  	s2 =	sld [smem:$0x3FD9]  }
0x89: {  	s3 =	sld [smem:$0x3FFE];
	_ =	sdelay $0x1  }
0x8a: {  	s1 =	srdreg.scid  }
0x8b: {  	s0 =	sand.u32 $0x1, s1  }
0x8c: {  	s14 =	sshll.u32 s0, $0xA;
	s2 =	sadd.s32 s3, s2  }
0x8d: {  	s2 =	sadd.s32 s2, s14  }
0x8e: {  	[smem:$0x3FC6] =	sst s2  }
0x8f: {  	_ = 	snop  }
0x90: {  	s2 =	sld [smem:$0x3FD0];
	_ =	sdelay $0x2  }
0x91: {  	s15 =	simm.s32 $0xA;
	s4 =	simm.s32 $0x10  }
0x92: {  	[smem:s4], [sflag:s15] =	dma.local [hbm:s2], $0x1  }
0x93: {  	_ =	swait.eq [sflag:s15], $0x1  }
0x94: {  	[sflag:s15] =	ssyncset.done $0x0  }
0x95: {  	s16 =	sld [smem:$0x10];
	[sflag:s15] =	ssyncadd.s32 $0xFFFFFFFF  }
0x96: {  	s17 =	sld [smem:$0x11];
	(tm) =	ssettm $0x1  }
0x97: {  	s18 =	sld [smem:$0x3FFB];
	_ =	sdelay $0x3  }
0x98: {  	_ =	strace s18  }
0x99: {  	s4 =	sld [smem:$0x3FFC];
	_ =	sdelay $0x3  }
0x9a: {  	_ =	strace s4  }
0x9b: {  	s4 =	sld [smem:$0x3FFD];
	_ =	sdelay $0x3  }
0x9c: {  	_ =	strace s4  }
0x9d: {  	_ =	strace $0x8FFFFFFF  }
0x9e: {  	s19 =	sld [smem:$0x3FDB];
	_ =	sdelay $0x1  }
0x9f: {  	s5 =	simm.s32 $_scs_section_size  }
0xa0: {  	s6 =	simm.s32 $_size__tile_overlayer_lowered;
	s7 =	simm.s32 $_tile_overlayer_lowered  }
0xa1: {  	s22 =	simm.s32 $0x1BFF;
	s21 =	sshll.u32 s7, $0x1;
	s4 =	sadd.s32 s5, s19  }
0xa2: {  	s8 =	simm.s32 $0x0;
	s20 =	sshll.u32 s6, $0x1;
	s6 =	sadd.s32 s21, s4  }
0xa3: {  	[timem:s8], [sflag:s22] =	dma.local [hbm:s6], s20  }
0xa4: {  	_ =	swait.ge [sflag:s22], s20  }
0xa5: {  	s5 =	ssub.s32 $0x0, s20;
	[sflag:s22] =	ssyncset.done $0x0  }
0xa6: {  	[sflag:s22] =	ssyncadd.s32 s5;
	_ =	sdelay $0x1  }
0xa7: {  	s23 =	simm.s32 $0x1B8B  }
0xa8: {  	_ =	swait.ge [sflag:s23], $0x1  }
0xa9: {  	[sflag:s23] =	ssyncset.done $0x0  }
0xaa: {  	s25 =	simm.s32 $0x1B8E;
	s24 =	sld [smem:$0x3FFE];
	[sflag:s23] =	ssyncadd.s32 $0xFFFFFFFF  }
0xab: {  	s26 =	simm.s32 $execute0_lowered;
	[smem:$0x3FD2] =	sst s25  }
0xac: {  	s6 =	sshll.u32 s26, $0x1;
	_ =	strace $0x80000046;
	[dreg:$0x1] =	wrdreg $0xFFFFFFFF  }
0xad: {  	s28 =	simm.s32 $_size_execute0_lowered;
	s4 =	sadd.s32 s4, s6;
	[dreg:$0x0] =	wrdreg $0x0  }
0xae: {  	s6 =	sshll.u32 s28, $0x1;
	[dreg:$0x2] =	wrdreg s4  }
0xaf: {  	[dreg:$0x3] =	wrdreg s6  }
0xb0: {  	[dreg:$0x4] =	wrdreg $0xC0  }
0xb1: {  	_ =	task [dreg:s8], $0x5FFFF  }
0xb2: {  	[dreg:$0x1] =	wrdreg $0xFFFFFFFF  }
0xb3: {  	[dreg:$0x0] =	wrdreg $0x60  }
0xb4: {  	[dreg:$0x2] =	wrdreg s24  }
0xb5: {  	[dreg:$0x3] =	wrdreg s16  }
0xb6: {  	[dreg:$0x4] =	wrdreg s17  }
0xb7: {  	[dreg:$0x5] =	wrdreg $0x9  }
0xb8: {  	_ =	task.clear_ibuf [dreg:s8], $0x6FFFF;
	_ =	strace $0x90000046  }
0xb9: {  	s29 =	simm.s32 $0x9;
	_ =	strace $0x80000048  }
0xba: {  	_ =	swait.ge [sflag:s29], $0x1  }
0xbb: {  	[sflag:s29] =	ssyncadd.s32 $0xFFFFFFFF  }
0xbc: {  	_ =	strace $0x90000048  }
0xbd: {  	_ =	sfence  }
0xbe: {  	s30 =	sld [smem:$0x0];
	_ =	sdelay $0x2  }
0xbf: {  	s31 =	sshll.u32 s1, $0xD;
	s1 =	sshrl.u32 s1, $0x2  }
0xc0: {  	s3 =	sand.u32 $0x4000, s31;
	s1 =	sadd.s32 s1, s30  }
0xc1: {  	s0 =	sor.u32 s3, s0;
	s1 =	sshll.u32 s1, $0x11  }
0xc2: {  	s0 =	sor.u32 s1, s0  }
0xc3: {  	s0 =	sadd.s32 $0x8F2B, s0  }
0xc4: {  	[sflag:s0] =	ssyncadd.remote.s32 $0x1  }
0xc5: {  	_ =	sfence.sel $0xFFFF  }
0xc6: {  	[dreg:$0x0] =	wrdreg $0xFFFFFFFF;
	(pc) =	sbr.abs _section_cstart, $3  }
0xc7: {  	[dreg:$0x1] =	wrdreg $0xFFFFFFFF  }
0xc8: {  	_ =	task.clear_ibuf [dreg:s8], $0x2FFFF;
	_ =	strace $0x9FFFFFFF  }
0xc9: {  	(tm) =	ssettm $0x7FFFFFFF  }
tec
execute0_lowered:
.L_overlay_start_1:
0x0: {  	(tag) =	ssettag $0x1  }
0x1: {  	s3 =	rddreg [dreg:$0x0]  }
0x2: {  	s4 =	rddreg [dreg:$0x1];
	s0 =	srdreg.scid  }
0x3: {  	s5 =	rddreg [dreg:$0x2];
	s1 =	stileid.u32;
	s2 =	simm.s32 $0x0  }
0x4: {  	s9 =	simm.s32 $0x1;
	s10 =	simm.s32 $0x4000;
	s11 =	simm.s32 $0x4800  }
0x5: {  	s12 =	simm.s32 $0x0;
	s6 =	sand.u32 $0x1, s0;
	s0 =	rddreg [dreg:$0x3]  }
0x6: {  	s7 =	sshll.u32 s1, $0x9;
	[smem:$0x7FF] =	sst s2;
	s8 =	sshll.u32 s6, $0x8  }
0x7: {  	s6 =	ssub.s32 $0x2, s6;
	_ =	strace $0x80000047;
	s7 =	sor.u32 s8, s7  }
0x8: {  	s31 =	sshrl.u32 s6, $0x1;
	s8 =	simm.s32 $0x10000;
	s3 =	sadd.s32 s7, s3  }
0x9: {  	s6 =	ssub.s32 s6, s31;
	s4 =	sadd.s32 s4, s7;
	s5 =	sadd.s32 s5, s7  }
0xa: {  	s7 =	simm.s32 $0x800;
	s3 =	sadd.s32 $0xC00, s3;
	s6 =	smax.u32 s6, $0x1  }
.LBB2_1:
0xb: {  	[tilespmem:s2], [sflag:$0x1] =	stream.strided.gather [hbm4b:s3+s7], $0x4000, s8, s7, $0x38;
	[tilespmem:$0x5000] =	vst v63  }
0xc: {  	_ =	swait.ge [sflag:s9], $0x4000  }
0xd: {  	s13 =	sand.u32 $0x3800, s2;
	s14 =	sand.u32 $0x380, s2;
	[sflag:s9] =	ssyncset.done $0x0  }
0xe: {  	s13 =	sor.u32 s14, s13;
	[sflag:s9] =	ssyncadd.s32 $0xFFFFC000  }
0xf: {  	v3 =	vld [tilespmem:s13+$0x0]  }
0x10: {  	v4 =	vimm.f32 $-1.000000000e+00  }
0x11: {  	v0 =	vimm.f32 $0.0e+00;
	v6 =	vimm.f32 $-1.000000000e+00;
	v15 =	vimm.f32 $0.0e+00  }
0x12: {  	v13 =	vimm.f32 $0.0e+00;
	v5 =	vimm.f32 $-1.000000000e+00;
	v17 =	vimm.f32 $-1.000000000e+00  }
0x13: {  	v7 =	vimm.f32 $0.0e+00;
	v10 =	vimm.f32 $0.0e+00;
	v20 =	vimm.f32 $0.0e+00;
	s13 =	scvt.s32.f32 s2  }
0x14: {  	v9 =	vimm.f32 $0.0e+00;
	v19 =	vimm.f32 $-1.000000000e+00;
	vm1 =	vgt.f32 v3, v4  }
0x15: {  	vm5 =	vgt.f32 v3, v4;
	v14 =	vsel vm1, s13, v0;
	v11 =	vsel vm1, v3, v4  }
0x16: {  	v16 =	vsel vm5, v4, v3;
	v1 =	vnsel vm1, s13, v0;
	v18 =	vnsel vm5, s13, v0  }
0x17: {  	v2 =	vsel vm1, v4, v3;
	v22 =	vsel vm1, v4, v3;
	v21 =	vnsel vm1, s13, v0  }
0x18: {  	vm3 =	vmmov vm5;
	vm4 =	vmmov vm5;
	vm0 =	vmmov vm5  }
0x19: {  	vm2 =	vmmov vm5;
	vm6 =	vmmov vm1;
	v12 =	vsel vm1, v2, v4  }
0x1a: {  	s15 =	simm.s32 $0x80;
	s16 =	simm.s32 $0x100;
	s14 =	simm.s32 $0x1;
	v8 =	vsel vm5, v1, v0;
	v2 =	vimm.f32 $-1.000000000e+00;
	v1 =	vimm.f32 $-1.000000000e+00  }
.LBB2_2:
0x1b: {  	s17 =	sand.u32 $0x3800, s16;
	s18 =	sand.u32 $0x380, s15;
	p0 =	sne.s32 s14, $0x3F;
	v4 =	vsel vm5, v22, v4;
	v22 =	vsel vm3, v6, v3;
	v0 =	vsel vm4, v18, v0;
	v23 =	vmovc v14  }
0x1c: {  	v18 =	vnsel vm1, s13, v15;
	v24 =	vnsel vm5, s13, v13;
	v25 =	vsel vm0, v2, v3;
	v26 =	vmovc v11;
	v13 =	vmovc v8;
	s17 =	sor.u32 s18, s17;
	s18 =	smov.u32 s14;
	s14 =	sadd.s32 $0x1, s14  }
0x1d: {  	v6 =	vsel vm3, v16, v6;
	v16 =	vsel vm2, v5, v3;
	v1 =	vsel vm4, v25, v1;
	v27 =	vld [tilespmem:s17+$0x0]  }
0x1e: {  	v3 =	vsel vm1, v17, v3;
	v17 =	vmovc v12;
	v5 =	vsel vm2, v22, v5;
	v22 =	vnsel vm2, s13, v7  }
0x1f: {  	v15 =	vsel vm1, v21, v15;
	v21 =	vnsel vm3, s13, v10;
	v10 =	vsel vm3, v24, v10  }
0x20: {  	v20 =	vsel vm6, v18, v20;
	v7 =	vsel vm2, v21, v7;
	v9 =	vsel vm0, v22, v9  }
0x21: {  	v19 =	vsel vm6, v3, v19;
	v2 =	vsel vm0, v16, v2;
	s13 =	scvt.s32.f32 s18  }
0x22: {  	vm7 =	vgt.f32 v27, v11;
	vm1 =	vgt.f32 v27, v12;
	vm6 =	vgt.f32 v27, v19;
	v3 =	vmovc v27  }
.Ltmp0:
0x23: {  	vm5 =	vgt.f32 v3, v4;
	vm3 =	vgt.f32 v3, v6;
	v14 =	vsel vm7, s13, v14;
	(pc) =	sbr.rel @p0 .LBB2_2-.Ltmp0, $4  }
0x24: {  	vm0 =	vgt.f32 v3, v2;
	v11 =	vsel vm7, v3, v11;
	v16 =	vsel vm5, v4, v3  }
0x25: {  	vm2 =	vgt.f32 v3, v5;
	v24 =	vnsel vm6, s13, v20;
	v18 =	vnsel vm0, s13, v9  }
0x26: {  	vm4 =	vgt.f32 v3, v1;
	v25 =	vsel vm7, v26, v3;
	v22 =	vsel vm6, v19, v3  }
0x27: {  	s15 =	sadd.s32 $0x80, s15;
	s16 =	sadd.s32 $0x100, s16;
	v21 =	vnsel vm7, s13, v23;
	v12 =	vsel vm1, v25, v12;
	v8 =	vsel vm5, v24, v8  }
0x28: {  	v14 =	vtrunc.f32 v14;
	v21 =	vsel vm1, v21, v15;
	[tilespmem:$0x4000] =	vst v11  }
0x29: {  	[tilespmem:$0x4080] =	vst v12;
	v8 =	vtrunc.f32 v8;
	v4 =	vsel vm5, v22, v4;
	v14 =	vcvt.f32.s32 v14  }
0x2a: {  	v0 =	vsel vm4, v18, v0;
	v11 =	vtrunc.f32 v21;
	v8 =	vcvt.f32.s32 v8;
	[tilespmem:$0x4180] =	vst v4  }
0x2b: {  	v15 =	vnsel vm1, s13, v15;
	v0 =	vtrunc.f32 v0;
	v11 =	vcvt.f32.s32 v11;
	[tilespmem:$0x4800] =	vst v14  }
0x2c: {  	v15 =	vsel vm6, v15, v20;
	v0 =	vcvt.f32.s32 v0;
	[tilespmem:$0x4980] =	vst v8  }
0x2d: {  	v12 =	vtrunc.f32 v15;
	v14 =	vsel vm1, v17, v3;
	[tilespmem:$0x4880] =	vst v11  }
0x2e: {  	v14 =	vsel vm6, v14, v19;
	v11 =	vcvt.f32.s32 v12;
	v12 =	vnsel vm5, s13, v13;
	[tilespmem:$0x4B80] =	vst v0  }
0x2f: {  	[tilespmem:$0x4100] =	vst v14;
	v12 =	vsel vm3, v12, v10;
	v10 =	vnsel vm3, s13, v10  }
0x30: {  	[tilespmem:$0x4900] =	vst v11;
	v4 =	vtrunc.f32 v12;
	v11 =	vsel vm3, v16, v6;
	v6 =	vsel vm3, v6, v3  }
0x31: {  	v10 =	vsel vm2, v10, v7;
	v4 =	vcvt.f32.s32 v4;
	[tilespmem:$0x4200] =	vst v11;
	v6 =	vsel vm2, v6, v5  }
0x32: {  	v7 =	vnsel vm2, s13, v7;
	v8 =	vtrunc.f32 v10;
	v5 =	vsel vm2, v5, v3;
	[tilespmem:$0x4280] =	vst v6  }
0x33: {  	v7 =	vsel vm0, v7, v9;
	v5 =	vsel vm0, v5, v2;
	[tilespmem:$0x4A00] =	vst v4;
	v4 =	vcvt.f32.s32 v8  }
0x34: {  	v6 =	vtrunc.f32 v7;
	v2 =	vsel vm0, v2, v3;
	[tilespmem:$0x4300] =	vst v5  }
0x35: {  	s31 =	simm.s32 $0x0;
	v1 =	vsel vm4, v2, v1;
	[tilespmem:$0x4A80] =	vst v4;
	v4 =	vcvt.f32.s32 v6  }
0x36: {  	s14 =	sand.u32 $0x3800, s31;
	s15 =	sand.u32 $0x380, s31;
	[tilespmem:$0x4380] =	vst v1  }
0x37: {  	s14 =	sor.u32 s15, s14;
	[tilespmem:$0x4B00] =	vst v4  }
0x38: {  	v3 =	vld [tilespmem:s14+$0x10]  }
0x39: {  	v20 =	vimm.f32 $0.0e+00  }
0x3a: {  	v15 =	vimm.f32 $0.0e+00;
	v17 =	vimm.f32 $-1.000000000e+00;
	v0 =	vimm.f32 $0.0e+00  }
0x3b: {  	v13 =	vimm.f32 $0.0e+00;
	v19 =	vimm.f32 $-1.000000000e+00;
	v10 =	vimm.f32 $0.0e+00  }
0x3c: {  	s13 =	scvt.s32.f32 s31;
	v9 =	vimm.f32 $0.0e+00;
	v7 =	vimm.f32 $0.0e+00;
	v4 =	vimm.f32 $-1.000000000e+00  }
0x3d: {  	v5 =	vimm.f32 $-1.000000000e+00;
	v6 =	vimm.f32 $-1.000000000e+00;
	vm1 =	vgt.f32 v3, v4  }
0x3e: {  	vm5 =	vgt.f32 v3, v4;
	v14 =	vsel vm1, s13, v0;
	v11 =	vsel vm1, v3, v4  }
0x3f: {  	v16 =	vsel vm5, v4, v3;
	v1 =	vnsel vm1, s13, v0;
	v18 =	vnsel vm5, s13, v0  }
0x40: {  	v2 =	vsel vm1, v4, v3;
	v22 =	vsel vm1, v4, v3;
	v21 =	vnsel vm1, s13, v0  }
0x41: {  	vm3 =	vmmov vm5;
	vm4 =	vmmov vm5;
	vm0 =	vmmov vm5  }
0x42: {  	vm2 =	vmmov vm5;
	vm6 =	vmmov vm1;
	v12 =	vsel vm1, v2, v4  }
0x43: {  	s16 =	simm.s32 $0x100;
	s15 =	simm.s32 $0x80;
	s14 =	simm.s32 $0x1;
	v8 =	vsel vm5, v1, v0;
	v2 =	vimm.f32 $-1.000000000e+00;
	v1 =	vimm.f32 $-1.000000000e+00  }
.LBB2_4:
0x44: {  	s17 =	sand.u32 $0x3800, s16;
	s18 =	sand.u32 $0x380, s15;
	p0 =	sne.s32 s14, $0x3F;
	v4 =	vsel vm5, v22, v4;
	v22 =	vsel vm3, v6, v3;
	v0 =	vsel vm4, v18, v0;
	v23 =	vmovc v14  }
0x45: {  	v18 =	vnsel vm1, s13, v15;
	v24 =	vnsel vm5, s13, v13;
	v25 =	vsel vm0, v2, v3;
	v26 =	vmovc v11;
	v13 =	vmovc v8;
	s17 =	sor.u32 s18, s17;
	s18 =	smov.u32 s14;
	s14 =	sadd.s32 $0x1, s14  }
0x46: {  	v6 =	vsel vm3, v16, v6;
	v16 =	vsel vm2, v5, v3;
	v1 =	vsel vm4, v25, v1;
	v27 =	vld [tilespmem:s17+$0x10]  }
0x47: {  	v3 =	vsel vm1, v17, v3;
	v17 =	vmovc v12;
	v5 =	vsel vm2, v22, v5;
	v22 =	vnsel vm2, s13, v7  }
0x48: {  	v15 =	vsel vm1, v21, v15;
	v21 =	vnsel vm3, s13, v10;
	v10 =	vsel vm3, v24, v10  }
0x49: {  	v20 =	vsel vm6, v18, v20;
	v7 =	vsel vm2, v21, v7;
	v9 =	vsel vm0, v22, v9  }
0x4a: {  	v19 =	vsel vm6, v3, v19;
	v2 =	vsel vm0, v16, v2;
	s13 =	scvt.s32.f32 s18  }
0x4b: {  	vm7 =	vgt.f32 v27, v11;
	vm1 =	vgt.f32 v27, v12;
	vm6 =	vgt.f32 v27, v19;
	v3 =	vmovc v27  }
.Ltmp1:
0x4c: {  	vm5 =	vgt.f32 v3, v4;
	vm3 =	vgt.f32 v3, v6;
	v14 =	vsel vm7, s13, v14;
	(pc) =	sbr.rel @p0 .LBB2_4-.Ltmp1, $4  }
0x4d: {  	vm0 =	vgt.f32 v3, v2;
	v11 =	vsel vm7, v3, v11;
	v16 =	vsel vm5, v4, v3  }
0x4e: {  	vm2 =	vgt.f32 v3, v5;
	v24 =	vnsel vm6, s13, v20;
	v18 =	vnsel vm0, s13, v9  }
0x4f: {  	vm4 =	vgt.f32 v3, v1;
	v25 =	vsel vm7, v26, v3;
	v22 =	vsel vm6, v19, v3  }
0x50: {  	s15 =	sadd.s32 $0x80, s15;
	s16 =	sadd.s32 $0x100, s16;
	v21 =	vnsel vm7, s13, v23;
	v12 =	vsel vm1, v25, v12;
	v8 =	vsel vm5, v24, v8  }
0x51: {  	v14 =	vtrunc.f32 v14;
	v21 =	vsel vm1, v21, v15;
	[tilespmem:$0x4010] =	vst v11  }
0x52: {  	[tilespmem:$0x4090] =	vst v12;
	v8 =	vtrunc.f32 v8;
	v4 =	vsel vm5, v22, v4;
	v14 =	vcvt.f32.s32 v14  }
0x53: {  	v0 =	vsel vm4, v18, v0;
	v11 =	vtrunc.f32 v21;
	v8 =	vcvt.f32.s32 v8;
	[tilespmem:$0x4190] =	vst v4  }
0x54: {  	v15 =	vnsel vm1, s13, v15;
	v0 =	vtrunc.f32 v0;
	v11 =	vcvt.f32.s32 v11;
	[tilespmem:$0x4810] =	vst v14  }
0x55: {  	v15 =	vsel vm6, v15, v20;
	v0 =	vcvt.f32.s32 v0;
	[tilespmem:$0x4990] =	vst v8  }
0x56: {  	v12 =	vtrunc.f32 v15;
	v14 =	vsel vm1, v17, v3;
	[tilespmem:$0x4890] =	vst v11  }
0x57: {  	v14 =	vsel vm6, v14, v19;
	v11 =	vcvt.f32.s32 v12;
	v12 =	vnsel vm5, s13, v13;
	[tilespmem:$0x4B90] =	vst v0  }
0x58: {  	[tilespmem:$0x4110] =	vst v14;
	v12 =	vsel vm3, v12, v10;
	v10 =	vnsel vm3, s13, v10  }
0x59: {  	[tilespmem:$0x4910] =	vst v11;
	v4 =	vtrunc.f32 v12;
	v11 =	vsel vm3, v16, v6;
	v6 =	vsel vm3, v6, v3  }
0x5a: {  	v10 =	vsel vm2, v10, v7;
	v4 =	vcvt.f32.s32 v4;
	[tilespmem:$0x4210] =	vst v11;
	v6 =	vsel vm2, v6, v5  }
0x5b: {  	v7 =	vnsel vm2, s13, v7;
	v8 =	vtrunc.f32 v10;
	v5 =	vsel vm2, v5, v3;
	[tilespmem:$0x4290] =	vst v6  }
0x5c: {  	v7 =	vsel vm0, v7, v9;
	v5 =	vsel vm0, v5, v2;
	[tilespmem:$0x4A10] =	vst v4;
	v4 =	vcvt.f32.s32 v8  }
0x5d: {  	v6 =	vtrunc.f32 v7;
	v2 =	vsel vm0, v2, v3;
	[tilespmem:$0x4310] =	vst v5  }
0x5e: {  	s31 =	simm.s32 $0x0;
	v1 =	vsel vm4, v2, v1;
	[tilespmem:$0x4A90] =	vst v4;
	v4 =	vcvt.f32.s32 v6  }
0x5f: {  	s14 =	sand.u32 $0x3800, s31;
	s15 =	sand.u32 $0x380, s31;
	[tilespmem:$0x4390] =	vst v1  }
0x60: {  	s14 =	sor.u32 s15, s14;
	[tilespmem:$0x4B10] =	vst v4  }
0x61: {  	v3 =	vld [tilespmem:s14+$0x20]  }
0x62: {  	v20 =	vimm.f32 $0.0e+00  }
0x63: {  	v15 =	vimm.f32 $0.0e+00;
	v17 =	vimm.f32 $-1.000000000e+00;
	v0 =	vimm.f32 $0.0e+00  }
0x64: {  	v13 =	vimm.f32 $0.0e+00;
	v19 =	vimm.f32 $-1.000000000e+00;
	v10 =	vimm.f32 $0.0e+00  }
0x65: {  	s13 =	scvt.s32.f32 s31;
	v9 =	vimm.f32 $0.0e+00;
	v7 =	vimm.f32 $0.0e+00;
	v4 =	vimm.f32 $-1.000000000e+00  }
0x66: {  	v5 =	vimm.f32 $-1.000000000e+00;
	v6 =	vimm.f32 $-1.000000000e+00;
	vm1 =	vgt.f32 v3, v4  }
0x67: {  	vm5 =	vgt.f32 v3, v4;
	v14 =	vsel vm1, s13, v0;
	v11 =	vsel vm1, v3, v4  }
0x68: {  	v16 =	vsel vm5, v4, v3;
	v1 =	vnsel vm1, s13, v0;
	v18 =	vnsel vm5, s13, v0  }
0x69: {  	v2 =	vsel vm1, v4, v3;
	v22 =	vsel vm1, v4, v3;
	v21 =	vnsel vm1, s13, v0  }
0x6a: {  	vm3 =	vmmov vm5;
	vm4 =	vmmov vm5;
	vm0 =	vmmov vm5  }
0x6b: {  	vm2 =	vmmov vm5;
	vm6 =	vmmov vm1;
	v12 =	vsel vm1, v2, v4  }
0x6c: {  	s16 =	simm.s32 $0x100;
	s15 =	simm.s32 $0x80;
	s14 =	simm.s32 $0x1;
	v8 =	vsel vm5, v1, v0;
	v2 =	vimm.f32 $-1.000000000e+00;
	v1 =	vimm.f32 $-1.000000000e+00  }
.LBB2_6:
0x6d: {  	s17 =	sand.u32 $0x3800, s16;
	s18 =	sand.u32 $0x380, s15;
	p0 =	sne.s32 s14, $0x3F;
	v4 =	vsel vm5, v22, v4;
	v22 =	vsel vm3, v6, v3;
	v0 =	vsel vm4, v18, v0;
	v23 =	vmovc v14  }
0x6e: {  	v18 =	vnsel vm1, s13, v15;
	v24 =	vnsel vm5, s13, v13;
	v25 =	vsel vm0, v2, v3;
	v26 =	vmovc v11;
	v13 =	vmovc v8;
	s17 =	sor.u32 s18, s17;
	s18 =	smov.u32 s14;
	s14 =	sadd.s32 $0x1, s14  }
0x6f: {  	v6 =	vsel vm3, v16, v6;
	v16 =	vsel vm2, v5, v3;
	v1 =	vsel vm4, v25, v1;
	v27 =	vld [tilespmem:s17+$0x20]  }
0x70: {  	v3 =	vsel vm1, v17, v3;
	v17 =	vmovc v12;
	v5 =	vsel vm2, v22, v5;
	v22 =	vnsel vm2, s13, v7  }
0x71: {  	v15 =	vsel vm1, v21, v15;
	v21 =	vnsel vm3, s13, v10;
	v10 =	vsel vm3, v24, v10  }
0x72: {  	v20 =	vsel vm6, v18, v20;
	v7 =	vsel vm2, v21, v7;
	v9 =	vsel vm0, v22, v9  }
0x73: {  	v19 =	vsel vm6, v3, v19;
	v2 =	vsel vm0, v16, v2;
	s13 =	scvt.s32.f32 s18  }
0x74: {  	vm7 =	vgt.f32 v27, v11;
	vm1 =	vgt.f32 v27, v12;
	vm6 =	vgt.f32 v27, v19;
	v3 =	vmovc v27  }
.Ltmp2:
0x75: {  	vm5 =	vgt.f32 v3, v4;
	vm3 =	vgt.f32 v3, v6;
	v14 =	vsel vm7, s13, v14;
	(pc) =	sbr.rel @p0 .LBB2_6-.Ltmp2, $4  }
0x76: {  	vm0 =	vgt.f32 v3, v2;
	v11 =	vsel vm7, v3, v11;
	v16 =	vsel vm5, v4, v3  }
0x77: {  	vm2 =	vgt.f32 v3, v5;
	v24 =	vnsel vm6, s13, v20;
	v18 =	vnsel vm0, s13, v9  }
0x78: {  	vm4 =	vgt.f32 v3, v1;
	v25 =	vsel vm7, v26, v3;
	v22 =	vsel vm6, v19, v3  }
0x79: {  	s15 =	sadd.s32 $0x80, s15;
	s16 =	sadd.s32 $0x100, s16;
	v21 =	vnsel vm7, s13, v23;
	v12 =	vsel vm1, v25, v12;
	v8 =	vsel vm5, v24, v8  }
0x7a: {  	v14 =	vtrunc.f32 v14;
	v21 =	vsel vm1, v21, v15;
	[tilespmem:$0x4020] =	vst v11  }
0x7b: {  	[tilespmem:$0x40A0] =	vst v12;
	v8 =	vtrunc.f32 v8;
	v4 =	vsel vm5, v22, v4;
	v14 =	vcvt.f32.s32 v14  }
0x7c: {  	v0 =	vsel vm4, v18, v0;
	v11 =	vtrunc.f32 v21;
	v8 =	vcvt.f32.s32 v8;
	[tilespmem:$0x41A0] =	vst v4  }
0x7d: {  	v15 =	vnsel vm1, s13, v15;
	v0 =	vtrunc.f32 v0;
	v11 =	vcvt.f32.s32 v11;
	[tilespmem:$0x4820] =	vst v14  }
0x7e: {  	v15 =	vsel vm6, v15, v20;
	v0 =	vcvt.f32.s32 v0;
	[tilespmem:$0x49A0] =	vst v8  }
0x7f: {  	v12 =	vtrunc.f32 v15;
	v14 =	vsel vm1, v17, v3;
	[tilespmem:$0x48A0] =	vst v11  }
0x80: {  	v14 =	vsel vm6, v14, v19;
	v11 =	vcvt.f32.s32 v12;
	v12 =	vnsel vm5, s13, v13;
	[tilespmem:$0x4BA0] =	vst v0  }
0x81: {  	[tilespmem:$0x4120] =	vst v14;
	v12 =	vsel vm3, v12, v10;
	v10 =	vnsel vm3, s13, v10  }
0x82: {  	[tilespmem:$0x4920] =	vst v11;
	v4 =	vtrunc.f32 v12;
	v11 =	vsel vm3, v16, v6;
	v6 =	vsel vm3, v6, v3  }
0x83: {  	v10 =	vsel vm2, v10, v7;
	v4 =	vcvt.f32.s32 v4;
	[tilespmem:$0x4220] =	vst v11;
	v6 =	vsel vm2, v6, v5  }
0x84: {  	v7 =	vnsel vm2, s13, v7;
	v8 =	vtrunc.f32 v10;
	v5 =	vsel vm2, v5, v3;
	[tilespmem:$0x42A0] =	vst v6  }
0x85: {  	v7 =	vsel vm0, v7, v9;
	v5 =	vsel vm0, v5, v2;
	[tilespmem:$0x4A20] =	vst v4;
	v4 =	vcvt.f32.s32 v8  }
0x86: {  	v6 =	vtrunc.f32 v7;
	v2 =	vsel vm0, v2, v3;
	[tilespmem:$0x4320] =	vst v5  }
0x87: {  	s31 =	simm.s32 $0x0;
	v1 =	vsel vm4, v2, v1;
	[tilespmem:$0x4AA0] =	vst v4;
	v4 =	vcvt.f32.s32 v6  }
0x88: {  	s14 =	sand.u32 $0x3800, s31;
	s15 =	sand.u32 $0x380, s31;
	[tilespmem:$0x43A0] =	vst v1  }
0x89: {  	s14 =	sor.u32 s15, s14;
	[tilespmem:$0x4B20] =	vst v4  }
0x8a: {  	v3 =	vld [tilespmem:s14+$0x30]  }
0x8b: {  	v20 =	vimm.f32 $0.0e+00  }
0x8c: {  	v15 =	vimm.f32 $0.0e+00;
	v17 =	vimm.f32 $-1.000000000e+00;
	v0 =	vimm.f32 $0.0e+00  }
0x8d: {  	v13 =	vimm.f32 $0.0e+00;
	v19 =	vimm.f32 $-1.000000000e+00;
	v10 =	vimm.f32 $0.0e+00  }
0x8e: {  	s13 =	scvt.s32.f32 s31;
	v9 =	vimm.f32 $0.0e+00;
	v7 =	vimm.f32 $0.0e+00;
	v4 =	vimm.f32 $-1.000000000e+00  }
0x8f: {  	v5 =	vimm.f32 $-1.000000000e+00;
	v6 =	vimm.f32 $-1.000000000e+00;
	vm1 =	vgt.f32 v3, v4  }
0x90: {  	vm5 =	vgt.f32 v3, v4;
	v14 =	vsel vm1, s13, v0;
	v11 =	vsel vm1, v3, v4  }
0x91: {  	v16 =	vsel vm5, v4, v3;
	v1 =	vnsel vm1, s13, v0;
	v18 =	vnsel vm5, s13, v0  }
0x92: {  	v2 =	vsel vm1, v4, v3;
	v22 =	vsel vm1, v4, v3;
	v21 =	vnsel vm1, s13, v0  }
0x93: {  	vm3 =	vmmov vm5;
	vm4 =	vmmov vm5;
	vm0 =	vmmov vm5  }
0x94: {  	vm2 =	vmmov vm5;
	vm6 =	vmmov vm1;
	v12 =	vsel vm1, v2, v4  }
0x95: {  	s16 =	simm.s32 $0x100;
	s15 =	simm.s32 $0x80;
	s14 =	simm.s32 $0x1;
	v8 =	vsel vm5, v1, v0;
	v2 =	vimm.f32 $-1.000000000e+00;
	v1 =	vimm.f32 $-1.000000000e+00  }
.LBB2_8:
0x96: {  	s17 =	sand.u32 $0x3800, s16;
	s18 =	sand.u32 $0x380, s15;
	p0 =	sne.s32 s14, $0x3F;
	v4 =	vsel vm5, v22, v4;
	v22 =	vsel vm3, v6, v3;
	v0 =	vsel vm4, v18, v0;
	v23 =	vmovc v14  }
0x97: {  	v18 =	vnsel vm1, s13, v15;
	v24 =	vnsel vm5, s13, v13;
	v25 =	vsel vm0, v2, v3;
	v26 =	vmovc v11;
	v13 =	vmovc v8;
	s17 =	sor.u32 s18, s17;
	s18 =	smov.u32 s14;
	s14 =	sadd.s32 $0x1, s14  }
0x98: {  	v6 =	vsel vm3, v16, v6;
	v16 =	vsel vm2, v5, v3;
	v1 =	vsel vm4, v25, v1;
	v27 =	vld [tilespmem:s17+$0x30]  }
0x99: {  	v3 =	vsel vm1, v17, v3;
	v17 =	vmovc v12;
	v5 =	vsel vm2, v22, v5;
	v22 =	vnsel vm2, s13, v7  }
0x9a: {  	v15 =	vsel vm1, v21, v15;
	v21 =	vnsel vm3, s13, v10;
	v10 =	vsel vm3, v24, v10  }
0x9b: {  	v20 =	vsel vm6, v18, v20;
	v7 =	vsel vm2, v21, v7;
	v9 =	vsel vm0, v22, v9  }
0x9c: {  	v19 =	vsel vm6, v3, v19;
	v2 =	vsel vm0, v16, v2;
	s13 =	scvt.s32.f32 s18  }
0x9d: {  	vm7 =	vgt.f32 v27, v11;
	vm1 =	vgt.f32 v27, v12;
	vm6 =	vgt.f32 v27, v19;
	v3 =	vmovc v27  }
.Ltmp3:
0x9e: {  	vm5 =	vgt.f32 v3, v4;
	vm3 =	vgt.f32 v3, v6;
	v14 =	vsel vm7, s13, v14;
	(pc) =	sbr.rel @p0 .LBB2_8-.Ltmp3, $4  }
0x9f: {  	vm0 =	vgt.f32 v3, v2;
	v11 =	vsel vm7, v3, v11;
	v16 =	vsel vm5, v4, v3  }
0xa0: {  	vm2 =	vgt.f32 v3, v5;
	v24 =	vnsel vm6, s13, v20;
	v18 =	vnsel vm0, s13, v9  }
0xa1: {  	vm4 =	vgt.f32 v3, v1;
	v25 =	vsel vm7, v26, v3;
	v22 =	vsel vm6, v19, v3  }
0xa2: {  	s15 =	sadd.s32 $0x80, s15;
	s16 =	sadd.s32 $0x100, s16;
	v21 =	vnsel vm7, s13, v23;
	v12 =	vsel vm1, v25, v12;
	v8 =	vsel vm5, v24, v8  }
0xa3: {  	v14 =	vtrunc.f32 v14;
	v21 =	vsel vm1, v21, v15;
	[tilespmem:$0x4030] =	vst v11  }
0xa4: {  	[tilespmem:$0x40B0] =	vst v12;
	v8 =	vtrunc.f32 v8;
	v4 =	vsel vm5, v22, v4;
	v14 =	vcvt.f32.s32 v14  }
0xa5: {  	v0 =	vsel vm4, v18, v0;
	v11 =	vtrunc.f32 v21;
	v8 =	vcvt.f32.s32 v8;
	[tilespmem:$0x41B0] =	vst v4  }
0xa6: {  	v15 =	vnsel vm1, s13, v15;
	v0 =	vtrunc.f32 v0;
	v11 =	vcvt.f32.s32 v11;
	[tilespmem:$0x4830] =	vst v14  }
0xa7: {  	v15 =	vsel vm6, v15, v20;
	v0 =	vcvt.f32.s32 v0;
	[tilespmem:$0x49B0] =	vst v8  }
0xa8: {  	v12 =	vtrunc.f32 v15;
	v14 =	vsel vm1, v17, v3;
	[tilespmem:$0x48B0] =	vst v11  }
0xa9: {  	v14 =	vsel vm6, v14, v19;
	v11 =	vcvt.f32.s32 v12;
	v12 =	vnsel vm5, s13, v13;
	[tilespmem:$0x4BB0] =	vst v0  }
0xaa: {  	[tilespmem:$0x4130] =	vst v14;
	v12 =	vsel vm3, v12, v10;
	v10 =	vnsel vm3, s13, v10  }
0xab: {  	[tilespmem:$0x4930] =	vst v11;
	v4 =	vtrunc.f32 v12;
	v11 =	vsel vm3, v16, v6;
	v6 =	vsel vm3, v6, v3  }
0xac: {  	v10 =	vsel vm2, v10, v7;
	v4 =	vcvt.f32.s32 v4;
	[tilespmem:$0x4230] =	vst v11;
	v6 =	vsel vm2, v6, v5  }
0xad: {  	v7 =	vnsel vm2, s13, v7;
	v8 =	vtrunc.f32 v10;
	v5 =	vsel vm2, v5, v3;
	[tilespmem:$0x42B0] =	vst v6  }
0xae: {  	v7 =	vsel vm0, v7, v9;
	v5 =	vsel vm0, v5, v2;
	[tilespmem:$0x4A30] =	vst v4;
	v4 =	vcvt.f32.s32 v8  }
0xaf: {  	v6 =	vtrunc.f32 v7;
	v2 =	vsel vm0, v2, v3;
	[tilespmem:$0x4330] =	vst v5  }
0xb0: {  	s31 =	simm.s32 $0x0;
	v1 =	vsel vm4, v2, v1;
	[tilespmem:$0x4AB0] =	vst v4;
	v4 =	vcvt.f32.s32 v6  }
0xb1: {  	s14 =	sand.u32 $0x3800, s31;
	s15 =	sand.u32 $0x380, s31;
	[tilespmem:$0x43B0] =	vst v1  }
0xb2: {  	s14 =	sor.u32 s15, s14;
	[tilespmem:$0x4B30] =	vst v4  }
0xb3: {  	v3 =	vld [tilespmem:s14+$0x40]  }
0xb4: {  	v20 =	vimm.f32 $0.0e+00  }
0xb5: {  	v15 =	vimm.f32 $0.0e+00;
	v17 =	vimm.f32 $-1.000000000e+00;
	v0 =	vimm.f32 $0.0e+00  }
0xb6: {  	v13 =	vimm.f32 $0.0e+00;
	v19 =	vimm.f32 $-1.000000000e+00;
	v10 =	vimm.f32 $0.0e+00  }
0xb7: {  	s13 =	scvt.s32.f32 s31;
	v9 =	vimm.f32 $0.0e+00;
	v7 =	vimm.f32 $0.0e+00;
	v4 =	vimm.f32 $-1.000000000e+00  }
0xb8: {  	v5 =	vimm.f32 $-1.000000000e+00;
	v6 =	vimm.f32 $-1.000000000e+00;
	vm1 =	vgt.f32 v3, v4  }
0xb9: {  	vm5 =	vgt.f32 v3, v4;
	v14 =	vsel vm1, s13, v0;
	v11 =	vsel vm1, v3, v4  }
0xba: {  	v16 =	vsel vm5, v4, v3;
	v1 =	vnsel vm1, s13, v0;
	v18 =	vnsel vm5, s13, v0  }
0xbb: {  	v2 =	vsel vm1, v4, v3;
	v22 =	vsel vm1, v4, v3;
	v21 =	vnsel vm1, s13, v0  }
0xbc: {  	vm3 =	vmmov vm5;
	vm4 =	vmmov vm5;
	vm0 =	vmmov vm5  }
0xbd: {  	vm2 =	vmmov vm5;
	vm6 =	vmmov vm1;
	v12 =	vsel vm1, v2, v4  }
0xbe: {  	s16 =	simm.s32 $0x100;
	s15 =	simm.s32 $0x80;
	s14 =	simm.s32 $0x1;
	v8 =	vsel vm5, v1, v0;
	v2 =	vimm.f32 $-1.000000000e+00;
	v1 =	vimm.f32 $-1.000000000e+00  }
.LBB2_10:
0xbf: {  	s17 =	sand.u32 $0x3800, s16;
	s18 =	sand.u32 $0x380, s15;
	p0 =	sne.s32 s14, $0x3F;
	v4 =	vsel vm5, v22, v4;
	v22 =	vsel vm3, v6, v3;
	v0 =	vsel vm4, v18, v0;
	v23 =	vmovc v14  }
0xc0: {  	v18 =	vnsel vm1, s13, v15;
	v24 =	vnsel vm5, s13, v13;
	v25 =	vsel vm0, v2, v3;
	v26 =	vmovc v11;
	v13 =	vmovc v8;
	s17 =	sor.u32 s18, s17;
	s18 =	smov.u32 s14;
	s14 =	sadd.s32 $0x1, s14  }
0xc1: {  	v6 =	vsel vm3, v16, v6;
	v16 =	vsel vm2, v5, v3;
	v1 =	vsel vm4, v25, v1;
	v27 =	vld [tilespmem:s17+$0x40]  }
0xc2: {  	v3 =	vsel vm1, v17, v3;
	v17 =	vmovc v12;
	v5 =	vsel vm2, v22, v5;
	v22 =	vnsel vm2, s13, v7  }
0xc3: {  	v15 =	vsel vm1, v21, v15;
	v21 =	vnsel vm3, s13, v10;
	v10 =	vsel vm3, v24, v10  }
0xc4: {  	v20 =	vsel vm6, v18, v20;
	v7 =	vsel vm2, v21, v7;
	v9 =	vsel vm0, v22, v9  }
0xc5: {  	v19 =	vsel vm6, v3, v19;
	v2 =	vsel vm0, v16, v2;
	s13 =	scvt.s32.f32 s18  }
0xc6: {  	vm7 =	vgt.f32 v27, v11;
	vm1 =	vgt.f32 v27, v12;
	vm6 =	vgt.f32 v27, v19;
	v3 =	vmovc v27  }
.Ltmp4:
0xc7: {  	vm5 =	vgt.f32 v3, v4;
	vm3 =	vgt.f32 v3, v6;
	v14 =	vsel vm7, s13, v14;
	(pc) =	sbr.rel @p0 .LBB2_10-.Ltmp4, $4  }
0xc8: {  	vm0 =	vgt.f32 v3, v2;
	v11 =	vsel vm7, v3, v11;
	v16 =	vsel vm5, v4, v3  }
0xc9: {  	vm2 =	vgt.f32 v3, v5;
	v24 =	vnsel vm6, s13, v20;
	v18 =	vnsel vm0, s13, v9  }
0xca: {  	vm4 =	vgt.f32 v3, v1;
	v25 =	vsel vm7, v26, v3;
	v22 =	vsel vm6, v19, v3  }
0xcb: {  	s15 =	sadd.s32 $0x80, s15;
	s16 =	sadd.s32 $0x100, s16;
	v21 =	vnsel vm7, s13, v23;
	v12 =	vsel vm1, v25, v12;
	v8 =	vsel vm5, v24, v8  }
0xcc: {  	v14 =	vtrunc.f32 v14;
	v21 =	vsel vm1, v21, v15;
	[tilespmem:$0x4040] =	vst v11  }
0xcd: {  	[tilespmem:$0x40C0] =	vst v12;
	v8 =	vtrunc.f32 v8;
	v4 =	vsel vm5, v22, v4;
	v14 =	vcvt.f32.s32 v14  }
0xce: {  	v0 =	vsel vm4, v18, v0;
	v11 =	vtrunc.f32 v21;
	v8 =	vcvt.f32.s32 v8;
	[tilespmem:$0x41C0] =	vst v4  }
0xcf: {  	v15 =	vnsel vm1, s13, v15;
	v0 =	vtrunc.f32 v0;
	v11 =	vcvt.f32.s32 v11;
	[tilespmem:$0x4840] =	vst v14  }
0xd0: {  	v15 =	vsel vm6, v15, v20;
	v0 =	vcvt.f32.s32 v0;
	[tilespmem:$0x49C0] =	vst v8  }
0xd1: {  	v12 =	vtrunc.f32 v15;
	v14 =	vsel vm1, v17, v3;
	[tilespmem:$0x48C0] =	vst v11  }
0xd2: {  	v14 =	vsel vm6, v14, v19;
	v11 =	vcvt.f32.s32 v12;
	v12 =	vnsel vm5, s13, v13;
	[tilespmem:$0x4BC0] =	vst v0  }
0xd3: {  	[tilespmem:$0x4140] =	vst v14;
	v12 =	vsel vm3, v12, v10;
	v10 =	vnsel vm3, s13, v10  }
0xd4: {  	[tilespmem:$0x4940] =	vst v11;
	v4 =	vtrunc.f32 v12;
	v11 =	vsel vm3, v16, v6;
	v6 =	vsel vm3, v6, v3  }
0xd5: {  	v10 =	vsel vm2, v10, v7;
	v4 =	vcvt.f32.s32 v4;
	[tilespmem:$0x4240] =	vst v11;
	v6 =	vsel vm2, v6, v5  }
0xd6: {  	v7 =	vnsel vm2, s13, v7;
	v8 =	vtrunc.f32 v10;
	v5 =	vsel vm2, v5, v3;
	[tilespmem:$0x42C0] =	vst v6  }
0xd7: {  	v7 =	vsel vm0, v7, v9;
	v5 =	vsel vm0, v5, v2;
	[tilespmem:$0x4A40] =	vst v4;
	v4 =	vcvt.f32.s32 v8  }
0xd8: {  	v6 =	vtrunc.f32 v7;
	v2 =	vsel vm0, v2, v3;
	[tilespmem:$0x4340] =	vst v5  }
0xd9: {  	s31 =	simm.s32 $0x0;
	v1 =	vsel vm4, v2, v1;
	[tilespmem:$0x4AC0] =	vst v4;
	v4 =	vcvt.f32.s32 v6  }
0xda: {  	s14 =	sand.u32 $0x3800, s31;
	s15 =	sand.u32 $0x380, s31;
	[tilespmem:$0x43C0] =	vst v1  }
0xdb: {  	s14 =	sor.u32 s15, s14;
	[tilespmem:$0x4B40] =	vst v4  }
0xdc: {  	v3 =	vld [tilespmem:s14+$0x50]  }
0xdd: {  	v20 =	vimm.f32 $0.0e+00  }
0xde: {  	v15 =	vimm.f32 $0.0e+00;
	v17 =	vimm.f32 $-1.000000000e+00;
	v0 =	vimm.f32 $0.0e+00  }
0xdf: {  	v13 =	vimm.f32 $0.0e+00;
	v19 =	vimm.f32 $-1.000000000e+00;
	v10 =	vimm.f32 $0.0e+00  }
0xe0: {  	s13 =	scvt.s32.f32 s31;
	v9 =	vimm.f32 $0.0e+00;
	v7 =	vimm.f32 $0.0e+00;
	v4 =	vimm.f32 $-1.000000000e+00  }
0xe1: {  	v5 =	vimm.f32 $-1.000000000e+00;
	v6 =	vimm.f32 $-1.000000000e+00;
	vm1 =	vgt.f32 v3, v4  }
0xe2: {  	vm5 =	vgt.f32 v3, v4;
	v14 =	vsel vm1, s13, v0;
	v11 =	vsel vm1, v3, v4  }
0xe3: {  	v16 =	vsel vm5, v4, v3;
	v1 =	vnsel vm1, s13, v0;
	v18 =	vnsel vm5, s13, v0  }
0xe4: {  	v2 =	vsel vm1, v4, v3;
	v22 =	vsel vm1, v4, v3;
	v21 =	vnsel vm1, s13, v0  }
0xe5: {  	vm3 =	vmmov vm5;
	vm4 =	vmmov vm5;
	vm0 =	vmmov vm5  }
0xe6: {  	vm2 =	vmmov vm5;
	vm6 =	vmmov vm1;
	v12 =	vsel vm1, v2, v4  }
0xe7: {  	s16 =	simm.s32 $0x100;
	s15 =	simm.s32 $0x80;
	s14 =	simm.s32 $0x1;
	v8 =	vsel vm5, v1, v0;
	v2 =	vimm.f32 $-1.000000000e+00;
	v1 =	vimm.f32 $-1.000000000e+00  }
.LBB2_12:
0xe8: {  	s17 =	sand.u32 $0x3800, s16;
	s18 =	sand.u32 $0x380, s15;
	p0 =	sne.s32 s14, $0x3F;
	v4 =	vsel vm5, v22, v4;
	v22 =	vsel vm3, v6, v3;
	v0 =	vsel vm4, v18, v0;
	v23 =	vmovc v14  }
0xe9: {  	v18 =	vnsel vm1, s13, v15;
	v24 =	vnsel vm5, s13, v13;
	v25 =	vsel vm0, v2, v3;
	v26 =	vmovc v11;
	v13 =	vmovc v8;
	s17 =	sor.u32 s18, s17;
	s18 =	smov.u32 s14;
	s14 =	sadd.s32 $0x1, s14  }
0xea: {  	v6 =	vsel vm3, v16, v6;
	v16 =	vsel vm2, v5, v3;
	v1 =	vsel vm4, v25, v1;
	v27 =	vld [tilespmem:s17+$0x50]  }
0xeb: {  	v3 =	vsel vm1, v17, v3;
	v17 =	vmovc v12;
	v5 =	vsel vm2, v22, v5;
	v22 =	vnsel vm2, s13, v7  }
0xec: {  	v15 =	vsel vm1, v21, v15;
	v21 =	vnsel vm3, s13, v10;
	v10 =	vsel vm3, v24, v10  }
0xed: {  	v20 =	vsel vm6, v18, v20;
	v7 =	vsel vm2, v21, v7;
	v9 =	vsel vm0, v22, v9  }
0xee: {  	v19 =	vsel vm6, v3, v19;
	v2 =	vsel vm0, v16, v2;
	s13 =	scvt.s32.f32 s18  }
0xef: {  	vm7 =	vgt.f32 v27, v11;
	vm1 =	vgt.f32 v27, v12;
	vm6 =	vgt.f32 v27, v19;
	v3 =	vmovc v27  }
.Ltmp5:
0xf0: {  	vm5 =	vgt.f32 v3, v4;
	vm3 =	vgt.f32 v3, v6;
	v14 =	vsel vm7, s13, v14;
	(pc) =	sbr.rel @p0 .LBB2_12-.Ltmp5, $4  }
0xf1: {  	vm0 =	vgt.f32 v3, v2;
	v11 =	vsel vm7, v3, v11;
	v16 =	vsel vm5, v4, v3  }
0xf2: {  	vm2 =	vgt.f32 v3, v5;
	v24 =	vnsel vm6, s13, v20;
	v18 =	vnsel vm0, s13, v9  }
0xf3: {  	vm4 =	vgt.f32 v3, v1;
	v25 =	vsel vm7, v26, v3;
	v22 =	vsel vm6, v19, v3  }
0xf4: {  	s15 =	sadd.s32 $0x80, s15;
	s16 =	sadd.s32 $0x100, s16;
	v21 =	vnsel vm7, s13, v23;
	v12 =	vsel vm1, v25, v12;
	v8 =	vsel vm5, v24, v8  }
0xf5: {  	v14 =	vtrunc.f32 v14;
	v21 =	vsel vm1, v21, v15;
	[tilespmem:$0x4050] =	vst v11  }
0xf6: {  	[tilespmem:$0x40D0] =	vst v12;
	v8 =	vtrunc.f32 v8;
	v4 =	vsel vm5, v22, v4;
	v14 =	vcvt.f32.s32 v14  }
0xf7: {  	v0 =	vsel vm4, v18, v0;
	v11 =	vtrunc.f32 v21;
	v8 =	vcvt.f32.s32 v8;
	[tilespmem:$0x41D0] =	vst v4  }
0xf8: {  	v15 =	vnsel vm1, s13, v15;
	v0 =	vtrunc.f32 v0;
	v11 =	vcvt.f32.s32 v11;
	[tilespmem:$0x4850] =	vst v14  }
0xf9: {  	v15 =	vsel vm6, v15, v20;
	v0 =	vcvt.f32.s32 v0;
	[tilespmem:$0x49D0] =	vst v8  }
0xfa: {  	v12 =	vtrunc.f32 v15;
	v14 =	vsel vm1, v17, v3;
	[tilespmem:$0x48D0] =	vst v11  }
0xfb: {  	v14 =	vsel vm6, v14, v19;
	v11 =	vcvt.f32.s32 v12;
	v12 =	vnsel vm5, s13, v13;
	[tilespmem:$0x4BD0] =	vst v0  }
0xfc: {  	[tilespmem:$0x4150] =	vst v14;
	v12 =	vsel vm3, v12, v10;
	v10 =	vnsel vm3, s13, v10  }
0xfd: {  	[tilespmem:$0x4950] =	vst v11;
	v4 =	vtrunc.f32 v12;
	v11 =	vsel vm3, v16, v6;
	v6 =	vsel vm3, v6, v3  }
0xfe: {  	v10 =	vsel vm2, v10, v7;
	v4 =	vcvt.f32.s32 v4;
	[tilespmem:$0x4250] =	vst v11;
	v6 =	vsel vm2, v6, v5  }
0xff: {  	v7 =	vnsel vm2, s13, v7;
	v8 =	vtrunc.f32 v10;
	v5 =	vsel vm2, v5, v3;
	[tilespmem:$0x42D0] =	vst v6  }
0x100: {  	v7 =	vsel vm0, v7, v9;
	v5 =	vsel vm0, v5, v2;
	[tilespmem:$0x4A50] =	vst v4;
	v4 =	vcvt.f32.s32 v8  }
0x101: {  	v6 =	vtrunc.f32 v7;
	v2 =	vsel vm0, v2, v3;
	[tilespmem:$0x4350] =	vst v5  }
0x102: {  	s31 =	simm.s32 $0x0;
	v1 =	vsel vm4, v2, v1;
	[tilespmem:$0x4AD0] =	vst v4;
	v4 =	vcvt.f32.s32 v6  }
0x103: {  	s14 =	sand.u32 $0x3800, s31;
	s15 =	sand.u32 $0x380, s31;
	[tilespmem:$0x43D0] =	vst v1  }
0x104: {  	s14 =	sor.u32 s15, s14;
	[tilespmem:$0x4B50] =	vst v4  }
0x105: {  	v3 =	vld [tilespmem:s14+$0x60]  }
0x106: {  	v20 =	vimm.f32 $0.0e+00  }
0x107: {  	v15 =	vimm.f32 $0.0e+00;
	v17 =	vimm.f32 $-1.000000000e+00;
	v0 =	vimm.f32 $0.0e+00  }
0x108: {  	v13 =	vimm.f32 $0.0e+00;
	v19 =	vimm.f32 $-1.000000000e+00;
	v10 =	vimm.f32 $0.0e+00  }
0x109: {  	s13 =	scvt.s32.f32 s31;
	v9 =	vimm.f32 $0.0e+00;
	v7 =	vimm.f32 $0.0e+00;
	v4 =	vimm.f32 $-1.000000000e+00  }
0x10a: {  	v5 =	vimm.f32 $-1.000000000e+00;
	v6 =	vimm.f32 $-1.000000000e+00;
	vm1 =	vgt.f32 v3, v4  }
0x10b: {  	vm5 =	vgt.f32 v3, v4;
	v14 =	vsel vm1, s13, v0;
	v11 =	vsel vm1, v3, v4  }
0x10c: {  	v16 =	vsel vm5, v4, v3;
	v1 =	vnsel vm1, s13, v0;
	v18 =	vnsel vm5, s13, v0  }
0x10d: {  	v2 =	vsel vm1, v4, v3;
	v22 =	vsel vm1, v4, v3;
	v21 =	vnsel vm1, s13, v0  }
0x10e: {  	vm3 =	vmmov vm5;
	vm4 =	vmmov vm5;
	vm0 =	vmmov vm5  }
0x10f: {  	vm2 =	vmmov vm5;
	vm6 =	vmmov vm1;
	v12 =	vsel vm1, v2, v4  }
0x110: {  	s16 =	simm.s32 $0x100;
	s15 =	simm.s32 $0x80;
	s14 =	simm.s32 $0x1;
	v8 =	vsel vm5, v1, v0;
	v2 =	vimm.f32 $-1.000000000e+00;
	v1 =	vimm.f32 $-1.000000000e+00  }
.LBB2_14:
0x111: {  	s17 =	sand.u32 $0x3800, s16;
	s18 =	sand.u32 $0x380, s15;
	p0 =	sne.s32 s14, $0x3F;
	v4 =	vsel vm5, v22, v4;
	v22 =	vsel vm3, v6, v3;
	v0 =	vsel vm4, v18, v0;
	v23 =	vmovc v14  }
0x112: {  	v18 =	vnsel vm1, s13, v15;
	v24 =	vnsel vm5, s13, v13;
	v25 =	vsel vm0, v2, v3;
	v26 =	vmovc v11;
	v13 =	vmovc v8;
	s17 =	sor.u32 s18, s17;
	s18 =	smov.u32 s14;
	s14 =	sadd.s32 $0x1, s14  }
0x113: {  	v6 =	vsel vm3, v16, v6;
	v16 =	vsel vm2, v5, v3;
	v1 =	vsel vm4, v25, v1;
	v27 =	vld [tilespmem:s17+$0x60]  }
0x114: {  	v3 =	vsel vm1, v17, v3;
	v17 =	vmovc v12;
	v5 =	vsel vm2, v22, v5;
	v22 =	vnsel vm2, s13, v7  }
0x115: {  	v15 =	vsel vm1, v21, v15;
	v21 =	vnsel vm3, s13, v10;
	v10 =	vsel vm3, v24, v10  }
0x116: {  	v20 =	vsel vm6, v18, v20;
	v7 =	vsel vm2, v21, v7;
	v9 =	vsel vm0, v22, v9  }
0x117: {  	v19 =	vsel vm6, v3, v19;
	v2 =	vsel vm0, v16, v2;
	s13 =	scvt.s32.f32 s18  }
0x118: {  	vm7 =	vgt.f32 v27, v11;
	vm1 =	vgt.f32 v27, v12;
	vm6 =	vgt.f32 v27, v19;
	v3 =	vmovc v27  }
.Ltmp6:
0x119: {  	vm5 =	vgt.f32 v3, v4;
	vm3 =	vgt.f32 v3, v6;
	v14 =	vsel vm7, s13, v14;
	(pc) =	sbr.rel @p0 .LBB2_14-.Ltmp6, $4  }
0x11a: {  	vm0 =	vgt.f32 v3, v2;
	v11 =	vsel vm7, v3, v11;
	v16 =	vsel vm5, v4, v3  }
0x11b: {  	vm2 =	vgt.f32 v3, v5;
	v24 =	vnsel vm6, s13, v20;
	v18 =	vnsel vm0, s13, v9  }
0x11c: {  	vm4 =	vgt.f32 v3, v1;
	v25 =	vsel vm7, v26, v3;
	v22 =	vsel vm6, v19, v3  }
0x11d: {  	s15 =	sadd.s32 $0x80, s15;
	s16 =	sadd.s32 $0x100, s16;
	v21 =	vnsel vm7, s13, v23;
	v12 =	vsel vm1, v25, v12;
	v8 =	vsel vm5, v24, v8  }
0x11e: {  	v14 =	vtrunc.f32 v14;
	v21 =	vsel vm1, v21, v15;
	[tilespmem:$0x4060] =	vst v11  }
0x11f: {  	[tilespmem:$0x40E0] =	vst v12;
	v8 =	vtrunc.f32 v8;
	v4 =	vsel vm5, v22, v4;
	v14 =	vcvt.f32.s32 v14  }
0x120: {  	v0 =	vsel vm4, v18, v0;
	v11 =	vtrunc.f32 v21;
	v8 =	vcvt.f32.s32 v8;
	[tilespmem:$0x41E0] =	vst v4  }
0x121: {  	v15 =	vnsel vm1, s13, v15;
	v0 =	vtrunc.f32 v0;
	v11 =	vcvt.f32.s32 v11;
	[tilespmem:$0x4860] =	vst v14  }
0x122: {  	v15 =	vsel vm6, v15, v20;
	v0 =	vcvt.f32.s32 v0;
	[tilespmem:$0x49E0] =	vst v8  }
0x123: {  	v12 =	vtrunc.f32 v15;
	v14 =	vsel vm1, v17, v3;
	[tilespmem:$0x48E0] =	vst v11  }
0x124: {  	v14 =	vsel vm6, v14, v19;
	v11 =	vcvt.f32.s32 v12;
	v12 =	vnsel vm5, s13, v13;
	[tilespmem:$0x4BE0] =	vst v0  }
0x125: {  	[tilespmem:$0x4160] =	vst v14;
	v12 =	vsel vm3, v12, v10;
	v10 =	vnsel vm3, s13, v10  }
0x126: {  	[tilespmem:$0x4960] =	vst v11;
	v4 =	vtrunc.f32 v12;
	v11 =	vsel vm3, v16, v6;
	v6 =	vsel vm3, v6, v3  }
0x127: {  	v10 =	vsel vm2, v10, v7;
	v4 =	vcvt.f32.s32 v4;
	[tilespmem:$0x4260] =	vst v11;
	v6 =	vsel vm2, v6, v5  }
0x128: {  	v7 =	vnsel vm2, s13, v7;
	v8 =	vtrunc.f32 v10;
	v5 =	vsel vm2, v5, v3;
	[tilespmem:$0x42E0] =	vst v6  }
0x129: {  	v7 =	vsel vm0, v7, v9;
	v5 =	vsel vm0, v5, v2;
	[tilespmem:$0x4A60] =	vst v4;
	v4 =	vcvt.f32.s32 v8  }
0x12a: {  	v6 =	vtrunc.f32 v7;
	v2 =	vsel vm0, v2, v3;
	[tilespmem:$0x4360] =	vst v5  }
0x12b: {  	s31 =	simm.s32 $0x0;
	v1 =	vsel vm4, v2, v1;
	[tilespmem:$0x4AE0] =	vst v4;
	v4 =	vcvt.f32.s32 v6  }
0x12c: {  	s14 =	sand.u32 $0x3800, s31;
	s15 =	sand.u32 $0x380, s31;
	[tilespmem:$0x43E0] =	vst v1  }
0x12d: {  	s14 =	sor.u32 s15, s14;
	[tilespmem:$0x4B60] =	vst v4  }
0x12e: {  	v3 =	vld [tilespmem:s14+$0x70]  }
0x12f: {  	v20 =	vimm.f32 $0.0e+00  }
0x130: {  	v15 =	vimm.f32 $0.0e+00;
	v17 =	vimm.f32 $-1.000000000e+00;
	v0 =	vimm.f32 $0.0e+00  }
0x131: {  	v13 =	vimm.f32 $0.0e+00;
	v19 =	vimm.f32 $-1.000000000e+00;
	v10 =	vimm.f32 $0.0e+00  }
0x132: {  	s13 =	scvt.s32.f32 s31;
	v9 =	vimm.f32 $0.0e+00;
	v7 =	vimm.f32 $0.0e+00;
	v4 =	vimm.f32 $-1.000000000e+00  }
0x133: {  	v5 =	vimm.f32 $-1.000000000e+00;
	v6 =	vimm.f32 $-1.000000000e+00;
	vm1 =	vgt.f32 v3, v4  }
0x134: {  	vm5 =	vgt.f32 v3, v4;
	v14 =	vsel vm1, s13, v0;
	v11 =	vsel vm1, v3, v4  }
0x135: {  	v16 =	vsel vm5, v4, v3;
	v1 =	vnsel vm1, s13, v0;
	v18 =	vnsel vm5, s13, v0  }
0x136: {  	v2 =	vsel vm1, v4, v3;
	v22 =	vsel vm1, v4, v3;
	v21 =	vnsel vm1, s13, v0  }
0x137: {  	vm3 =	vmmov vm5;
	vm4 =	vmmov vm5;
	vm0 =	vmmov vm5  }
0x138: {  	vm2 =	vmmov vm5;
	vm6 =	vmmov vm1;
	v12 =	vsel vm1, v2, v4  }
0x139: {  	s16 =	simm.s32 $0x100;
	s15 =	simm.s32 $0x80;
	s14 =	simm.s32 $0x1;
	v8 =	vsel vm5, v1, v0;
	v2 =	vimm.f32 $-1.000000000e+00;
	v1 =	vimm.f32 $-1.000000000e+00  }
.LBB2_16:
0x13a: {  	s17 =	sand.u32 $0x3800, s16;
	s18 =	sand.u32 $0x380, s15;
	p0 =	sne.s32 s14, $0x3F;
	v4 =	vsel vm5, v22, v4;
	v22 =	vsel vm3, v6, v3;
	v0 =	vsel vm4, v18, v0;
	v23 =	vmovc v14  }
0x13b: {  	v18 =	vnsel vm1, s13, v15;
	v24 =	vnsel vm5, s13, v13;
	v25 =	vsel vm0, v2, v3;
	v26 =	vmovc v11;
	v13 =	vmovc v8;
	s17 =	sor.u32 s18, s17;
	s18 =	smov.u32 s14;
	s14 =	sadd.s32 $0x1, s14  }
0x13c: {  	v6 =	vsel vm3, v16, v6;
	v16 =	vsel vm2, v5, v3;
	v1 =	vsel vm4, v25, v1;
	v27 =	vld [tilespmem:s17+$0x70]  }
0x13d: {  	v3 =	vsel vm1, v17, v3;
	v17 =	vmovc v12;
	v5 =	vsel vm2, v22, v5;
	v22 =	vnsel vm2, s13, v7  }
0x13e: {  	v15 =	vsel vm1, v21, v15;
	v21 =	vnsel vm3, s13, v10;
	v10 =	vsel vm3, v24, v10  }
0x13f: {  	v20 =	vsel vm6, v18, v20;
	v7 =	vsel vm2, v21, v7;
	v9 =	vsel vm0, v22, v9  }
0x140: {  	v19 =	vsel vm6, v3, v19;
	v2 =	vsel vm0, v16, v2;
	s13 =	scvt.s32.f32 s18  }
0x141: {  	vm7 =	vgt.f32 v27, v11;
	vm1 =	vgt.f32 v27, v12;
	vm6 =	vgt.f32 v27, v19;
	v3 =	vmovc v27  }
.Ltmp7:
0x142: {  	vm5 =	vgt.f32 v3, v4;
	vm3 =	vgt.f32 v3, v6;
	v14 =	vsel vm7, s13, v14;
	(pc) =	sbr.rel @p0 .LBB2_16-.Ltmp7, $4  }
0x143: {  	vm0 =	vgt.f32 v3, v2;
	v11 =	vsel vm7, v3, v11;
	v16 =	vsel vm5, v4, v3  }
0x144: {  	vm2 =	vgt.f32 v3, v5;
	v24 =	vnsel vm6, s13, v20;
	v18 =	vnsel vm0, s13, v9  }
0x145: {  	vm4 =	vgt.f32 v3, v1;
	v25 =	vsel vm7, v26, v3;
	v22 =	vsel vm6, v19, v3  }
0x146: {  	s15 =	sadd.s32 $0x80, s15;
	s16 =	sadd.s32 $0x100, s16;
	v21 =	vnsel vm7, s13, v23;
	v12 =	vsel vm1, v25, v12;
	v8 =	vsel vm5, v24, v8  }
0x147: {  	v14 =	vtrunc.f32 v14;
	v21 =	vsel vm1, v21, v15;
	[tilespmem:$0x4070] =	vst v11  }
0x148: {  	[tilespmem:$0x40F0] =	vst v12;
	v8 =	vtrunc.f32 v8;
	v4 =	vsel vm5, v22, v4;
	v14 =	vcvt.f32.s32 v14  }
0x149: {  	v0 =	vsel vm4, v18, v0;
	v11 =	vtrunc.f32 v21;
	v8 =	vcvt.f32.s32 v8;
	[tilespmem:$0x41F0] =	vst v4  }
0x14a: {  	v15 =	vnsel vm1, s13, v15;
	v0 =	vtrunc.f32 v0;
	v11 =	vcvt.f32.s32 v11;
	[tilespmem:$0x4870] =	vst v14  }
0x14b: {  	v15 =	vsel vm6, v15, v20;
	v0 =	vcvt.f32.s32 v0;
	[tilespmem:$0x49F0] =	vst v8  }
0x14c: {  	v12 =	vtrunc.f32 v15;
	v14 =	vsel vm1, v17, v3;
	[tilespmem:$0x48F0] =	vst v11  }
0x14d: {  	v14 =	vsel vm6, v14, v19;
	v11 =	vcvt.f32.s32 v12;
	v12 =	vnsel vm5, s13, v13;
	[tilespmem:$0x4BF0] =	vst v0  }
0x14e: {  	[tilespmem:$0x4170] =	vst v14;
	v12 =	vsel vm3, v12, v10;
	v10 =	vnsel vm3, s13, v10  }
0x14f: {  	[tilespmem:$0x4970] =	vst v11;
	v4 =	vtrunc.f32 v12;
	v11 =	vsel vm3, v16, v6;
	v6 =	vsel vm3, v6, v3  }
0x150: {  	v10 =	vsel vm2, v10, v7;
	v4 =	vcvt.f32.s32 v4;
	[tilespmem:$0x4270] =	vst v11;
	v6 =	vsel vm2, v6, v5  }
0x151: {  	v7 =	vnsel vm2, s13, v7;
	v8 =	vtrunc.f32 v10;
	v5 =	vsel vm2, v5, v3;
	[tilespmem:$0x42F0] =	vst v6  }
0x152: {  	v7 =	vsel vm0, v7, v9;
	v5 =	vsel vm0, v5, v2;
	[tilespmem:$0x4A70] =	vst v4;
	v4 =	vcvt.f32.s32 v8  }
0x153: {  	v6 =	vtrunc.f32 v7;
	v2 =	vsel vm0, v2, v3;
	[tilespmem:$0x4370] =	vst v5  }
0x154: {  	s31 =	simm.s32 $0x0;
	v1 =	vsel vm4, v2, v1;
	[tilespmem:$0x4AF0] =	vst v4;
	v4 =	vcvt.f32.s32 v6  }
0x155: {  	s14 =	sand.u32 $0x3800, s31;
	s15 =	sand.u32 $0x380, s31;
	[tilespmem:$0x43F0] =	vst v1  }
0x156: {  	s14 =	sor.u32 s15, s14;
	[tilespmem:$0x4B70] =	vst v4  }
0x157: {  	v3 =	vld [tilespmem:s14+$0x400]  }
0x158: {  	v20 =	vimm.f32 $0.0e+00  }
0x159: {  	v15 =	vimm.f32 $0.0e+00;
	v17 =	vimm.f32 $-1.000000000e+00;
	v0 =	vimm.f32 $0.0e+00  }
0x15a: {  	v13 =	vimm.f32 $0.0e+00;
	v19 =	vimm.f32 $-1.000000000e+00;
	v10 =	vimm.f32 $0.0e+00  }
0x15b: {  	s13 =	scvt.s32.f32 s31;
	v9 =	vimm.f32 $0.0e+00;
	v7 =	vimm.f32 $0.0e+00;
	v4 =	vimm.f32 $-1.000000000e+00  }
0x15c: {  	v5 =	vimm.f32 $-1.000000000e+00;
	v6 =	vimm.f32 $-1.000000000e+00;
	vm1 =	vgt.f32 v3, v4  }
0x15d: {  	vm5 =	vgt.f32 v3, v4;
	v14 =	vsel vm1, s13, v0;
	v11 =	vsel vm1, v3, v4  }
0x15e: {  	v16 =	vsel vm5, v4, v3;
	v1 =	vnsel vm1, s13, v0;
	v18 =	vnsel vm5, s13, v0  }
0x15f: {  	v2 =	vsel vm1, v4, v3;
	v22 =	vsel vm1, v4, v3;
	v21 =	vnsel vm1, s13, v0  }
0x160: {  	vm3 =	vmmov vm5;
	vm4 =	vmmov vm5;
	vm0 =	vmmov vm5  }
0x161: {  	vm2 =	vmmov vm5;
	vm6 =	vmmov vm1;
	v12 =	vsel vm1, v2, v4  }
0x162: {  	s16 =	simm.s32 $0x100;
	s15 =	simm.s32 $0x80;
	s14 =	simm.s32 $0x1;
	v8 =	vsel vm5, v1, v0;
	v2 =	vimm.f32 $-1.000000000e+00;
	v1 =	vimm.f32 $-1.000000000e+00  }
.LBB2_18:
0x163: {  	s17 =	sand.u32 $0x3800, s16;
	s18 =	sand.u32 $0x380, s15;
	p0 =	sne.s32 s14, $0x3F;
	v4 =	vsel vm5, v22, v4;
	v22 =	vsel vm3, v6, v3;
	v0 =	vsel vm4, v18, v0;
	v23 =	vmovc v14  }
0x164: {  	v18 =	vnsel vm1, s13, v15;
	v24 =	vnsel vm5, s13, v13;
	v25 =	vsel vm0, v2, v3;
	v26 =	vmovc v11;
	v13 =	vmovc v8;
	s17 =	sor.u32 s18, s17;
	s18 =	smov.u32 s14;
	s14 =	sadd.s32 $0x1, s14  }
0x165: {  	v6 =	vsel vm3, v16, v6;
	v16 =	vsel vm2, v5, v3;
	v1 =	vsel vm4, v25, v1;
	v27 =	vld [tilespmem:s17+$0x400]  }
0x166: {  	v3 =	vsel vm1, v17, v3;
	v17 =	vmovc v12;
	v5 =	vsel vm2, v22, v5;
	v22 =	vnsel vm2, s13, v7  }
0x167: {  	v15 =	vsel vm1, v21, v15;
	v21 =	vnsel vm3, s13, v10;
	v10 =	vsel vm3, v24, v10  }
0x168: {  	v20 =	vsel vm6, v18, v20;
	v7 =	vsel vm2, v21, v7;
	v9 =	vsel vm0, v22, v9  }
0x169: {  	v19 =	vsel vm6, v3, v19;
	v2 =	vsel vm0, v16, v2;
	s13 =	scvt.s32.f32 s18  }
0x16a: {  	vm7 =	vgt.f32 v27, v11;
	vm1 =	vgt.f32 v27, v12;
	vm6 =	vgt.f32 v27, v19;
	v3 =	vmovc v27  }
.Ltmp8:
0x16b: {  	vm5 =	vgt.f32 v3, v4;
	vm3 =	vgt.f32 v3, v6;
	v14 =	vsel vm7, s13, v14;
	(pc) =	sbr.rel @p0 .LBB2_18-.Ltmp8, $4  }
0x16c: {  	vm0 =	vgt.f32 v3, v2;
	v11 =	vsel vm7, v3, v11;
	v16 =	vsel vm5, v4, v3  }
0x16d: {  	vm2 =	vgt.f32 v3, v5;
	v24 =	vnsel vm6, s13, v20;
	v18 =	vnsel vm0, s13, v9  }
0x16e: {  	vm4 =	vgt.f32 v3, v1;
	v25 =	vsel vm7, v26, v3;
	v22 =	vsel vm6, v19, v3  }
0x16f: {  	s15 =	sadd.s32 $0x80, s15;
	s16 =	sadd.s32 $0x100, s16;
	v21 =	vnsel vm7, s13, v23;
	v12 =	vsel vm1, v25, v12;
	v8 =	vsel vm5, v24, v8  }
0x170: {  	v14 =	vtrunc.f32 v14;
	v21 =	vsel vm1, v21, v15;
	[tilespmem:$0x4400] =	vst v11  }
0x171: {  	[tilespmem:$0x4480] =	vst v12;
	v8 =	vtrunc.f32 v8;
	v4 =	vsel vm5, v22, v4;
	v14 =	vcvt.f32.s32 v14  }
0x172: {  	v0 =	vsel vm4, v18, v0;
	v11 =	vtrunc.f32 v21;
	v8 =	vcvt.f32.s32 v8;
	[tilespmem:$0x4580] =	vst v4  }
0x173: {  	v15 =	vnsel vm1, s13, v15;
	v0 =	vtrunc.f32 v0;
	v11 =	vcvt.f32.s32 v11;
	[tilespmem:$0x4C00] =	vst v14  }
0x174: {  	v15 =	vsel vm6, v15, v20;
	v0 =	vcvt.f32.s32 v0;
	[tilespmem:$0x4D80] =	vst v8  }
0x175: {  	v12 =	vtrunc.f32 v15;
	v14 =	vsel vm1, v17, v3;
	[tilespmem:$0x4C80] =	vst v11  }
0x176: {  	v14 =	vsel vm6, v14, v19;
	v11 =	vcvt.f32.s32 v12;
	v12 =	vnsel vm5, s13, v13;
	[tilespmem:$0x4F80] =	vst v0  }
0x177: {  	[tilespmem:$0x4500] =	vst v14;
	v12 =	vsel vm3, v12, v10;
	v10 =	vnsel vm3, s13, v10  }
0x178: {  	[tilespmem:$0x4D00] =	vst v11;
	v4 =	vtrunc.f32 v12;
	v11 =	vsel vm3, v16, v6;
	v6 =	vsel vm3, v6, v3  }
0x179: {  	v10 =	vsel vm2, v10, v7;
	v4 =	vcvt.f32.s32 v4;
	[tilespmem:$0x4600] =	vst v11;
	v6 =	vsel vm2, v6, v5  }
0x17a: {  	v7 =	vnsel vm2, s13, v7;
	v8 =	vtrunc.f32 v10;
	v5 =	vsel vm2, v5, v3;
	[tilespmem:$0x4680] =	vst v6  }
0x17b: {  	v7 =	vsel vm0, v7, v9;
	v5 =	vsel vm0, v5, v2;
	[tilespmem:$0x4E00] =	vst v4;
	v4 =	vcvt.f32.s32 v8  }
0x17c: {  	v6 =	vtrunc.f32 v7;
	v2 =	vsel vm0, v2, v3;
	[tilespmem:$0x4700] =	vst v5  }
0x17d: {  	s31 =	simm.s32 $0x0;
	v1 =	vsel vm4, v2, v1;
	[tilespmem:$0x4E80] =	vst v4;
	v4 =	vcvt.f32.s32 v6  }
0x17e: {  	s14 =	sand.u32 $0x3800, s31;
	s15 =	sand.u32 $0x380, s31;
	[tilespmem:$0x4780] =	vst v1  }
0x17f: {  	s14 =	sor.u32 s15, s14;
	[tilespmem:$0x4F00] =	vst v4  }
0x180: {  	v3 =	vld [tilespmem:s14+$0x410]  }
0x181: {  	v20 =	vimm.f32 $0.0e+00  }
0x182: {  	v15 =	vimm.f32 $0.0e+00;
	v17 =	vimm.f32 $-1.000000000e+00;
	v0 =	vimm.f32 $0.0e+00  }
0x183: {  	v13 =	vimm.f32 $0.0e+00;
	v19 =	vimm.f32 $-1.000000000e+00;
	v10 =	vimm.f32 $0.0e+00  }
0x184: {  	s13 =	scvt.s32.f32 s31;
	v9 =	vimm.f32 $0.0e+00;
	v7 =	vimm.f32 $0.0e+00;
	v4 =	vimm.f32 $-1.000000000e+00  }
0x185: {  	v5 =	vimm.f32 $-1.000000000e+00;
	v6 =	vimm.f32 $-1.000000000e+00;
	vm1 =	vgt.f32 v3, v4  }
0x186: {  	vm5 =	vgt.f32 v3, v4;
	v14 =	vsel vm1, s13, v0;
	v11 =	vsel vm1, v3, v4  }
0x187: {  	v16 =	vsel vm5, v4, v3;
	v1 =	vnsel vm1, s13, v0;
	v18 =	vnsel vm5, s13, v0  }
0x188: {  	v2 =	vsel vm1, v4, v3;
	v22 =	vsel vm1, v4, v3;
	v21 =	vnsel vm1, s13, v0  }
0x189: {  	vm3 =	vmmov vm5;
	vm4 =	vmmov vm5;
	vm0 =	vmmov vm5  }
0x18a: {  	vm2 =	vmmov vm5;
	vm6 =	vmmov vm1;
	v12 =	vsel vm1, v2, v4  }
0x18b: {  	s16 =	simm.s32 $0x100;
	s15 =	simm.s32 $0x80;
	s14 =	simm.s32 $0x1;
	v8 =	vsel vm5, v1, v0;
	v2 =	vimm.f32 $-1.000000000e+00;
	v1 =	vimm.f32 $-1.000000000e+00  }
.LBB2_20:
0x18c: {  	s17 =	sand.u32 $0x3800, s16;
	s18 =	sand.u32 $0x380, s15;
	p0 =	sne.s32 s14, $0x3F;
	v4 =	vsel vm5, v22, v4;
	v22 =	vsel vm3, v6, v3;
	v0 =	vsel vm4, v18, v0;
	v23 =	vmovc v14  }
0x18d: {  	v18 =	vnsel vm1, s13, v15;
	v24 =	vnsel vm5, s13, v13;
	v25 =	vsel vm0, v2, v3;
	v26 =	vmovc v11;
	v13 =	vmovc v8;
	s17 =	sor.u32 s18, s17;
	s18 =	smov.u32 s14;
	s14 =	sadd.s32 $0x1, s14  }
0x18e: {  	v6 =	vsel vm3, v16, v6;
	v16 =	vsel vm2, v5, v3;
	v1 =	vsel vm4, v25, v1;
	v27 =	vld [tilespmem:s17+$0x410]  }
0x18f: {  	v3 =	vsel vm1, v17, v3;
	v17 =	vmovc v12;
	v5 =	vsel vm2, v22, v5;
	v22 =	vnsel vm2, s13, v7  }
0x190: {  	v15 =	vsel vm1, v21, v15;
	v21 =	vnsel vm3, s13, v10;
	v10 =	vsel vm3, v24, v10  }
0x191: {  	v20 =	vsel vm6, v18, v20;
	v7 =	vsel vm2, v21, v7;
	v9 =	vsel vm0, v22, v9  }
0x192: {  	v19 =	vsel vm6, v3, v19;
	v2 =	vsel vm0, v16, v2;
	s13 =	scvt.s32.f32 s18  }
0x193: {  	vm7 =	vgt.f32 v27, v11;
	vm1 =	vgt.f32 v27, v12;
	vm6 =	vgt.f32 v27, v19;
	v3 =	vmovc v27  }
.Ltmp9:
0x194: {  	vm5 =	vgt.f32 v3, v4;
	vm3 =	vgt.f32 v3, v6;
	v14 =	vsel vm7, s13, v14;
	(pc) =	sbr.rel @p0 .LBB2_20-.Ltmp9, $4  }
0x195: {  	vm0 =	vgt.f32 v3, v2;
	v11 =	vsel vm7, v3, v11;
	v16 =	vsel vm5, v4, v3  }
0x196: {  	vm2 =	vgt.f32 v3, v5;
	v24 =	vnsel vm6, s13, v20;
	v18 =	vnsel vm0, s13, v9  }
0x197: {  	vm4 =	vgt.f32 v3, v1;
	v25 =	vsel vm7, v26, v3;
	v22 =	vsel vm6, v19, v3  }
0x198: {  	s15 =	sadd.s32 $0x80, s15;
	s16 =	sadd.s32 $0x100, s16;
	v21 =	vnsel vm7, s13, v23;
	v12 =	vsel vm1, v25, v12;
	v8 =	vsel vm5, v24, v8  }
0x199: {  	v14 =	vtrunc.f32 v14;
	v21 =	vsel vm1, v21, v15;
	[tilespmem:$0x4410] =	vst v11  }
0x19a: {  	[tilespmem:$0x4490] =	vst v12;
	v8 =	vtrunc.f32 v8;
	v4 =	vsel vm5, v22, v4;
	v14 =	vcvt.f32.s32 v14  }
0x19b: {  	v0 =	vsel vm4, v18, v0;
	v11 =	vtrunc.f32 v21;
	v8 =	vcvt.f32.s32 v8;
	[tilespmem:$0x4590] =	vst v4  }
0x19c: {  	v15 =	vnsel vm1, s13, v15;
	v0 =	vtrunc.f32 v0;
	v11 =	vcvt.f32.s32 v11;
	[tilespmem:$0x4C10] =	vst v14  }
0x19d: {  	v15 =	vsel vm6, v15, v20;
	v0 =	vcvt.f32.s32 v0;
	[tilespmem:$0x4D90] =	vst v8  }
0x19e: {  	v12 =	vtrunc.f32 v15;
	v14 =	vsel vm1, v17, v3;
	[tilespmem:$0x4C90] =	vst v11  }
0x19f: {  	v14 =	vsel vm6, v14, v19;
	v11 =	vcvt.f32.s32 v12;
	v12 =	vnsel vm5, s13, v13;
	[tilespmem:$0x4F90] =	vst v0  }
0x1a0: {  	[tilespmem:$0x4510] =	vst v14;
	v12 =	vsel vm3, v12, v10;
	v10 =	vnsel vm3, s13, v10  }
0x1a1: {  	[tilespmem:$0x4D10] =	vst v11;
	v4 =	vtrunc.f32 v12;
	v11 =	vsel vm3, v16, v6;
	v6 =	vsel vm3, v6, v3  }
0x1a2: {  	v10 =	vsel vm2, v10, v7;
	v4 =	vcvt.f32.s32 v4;
	[tilespmem:$0x4610] =	vst v11;
	v6 =	vsel vm2, v6, v5  }
0x1a3: {  	v7 =	vnsel vm2, s13, v7;
	v8 =	vtrunc.f32 v10;
	v5 =	vsel vm2, v5, v3;
	[tilespmem:$0x4690] =	vst v6  }
0x1a4: {  	v7 =	vsel vm0, v7, v9;
	v5 =	vsel vm0, v5, v2;
	[tilespmem:$0x4E10] =	vst v4;
	v4 =	vcvt.f32.s32 v8  }
0x1a5: {  	v6 =	vtrunc.f32 v7;
	v2 =	vsel vm0, v2, v3;
	[tilespmem:$0x4710] =	vst v5  }
0x1a6: {  	s31 =	simm.s32 $0x0;
	v1 =	vsel vm4, v2, v1;
	[tilespmem:$0x4E90] =	vst v4;
	v4 =	vcvt.f32.s32 v6  }
0x1a7: {  	s14 =	sand.u32 $0x3800, s31;
	s15 =	sand.u32 $0x380, s31;
	[tilespmem:$0x4790] =	vst v1  }
0x1a8: {  	s14 =	sor.u32 s15, s14;
	[tilespmem:$0x4F10] =	vst v4  }
0x1a9: {  	v3 =	vld [tilespmem:s14+$0x420]  }
0x1aa: {  	v20 =	vimm.f32 $0.0e+00  }
0x1ab: {  	v15 =	vimm.f32 $0.0e+00;
	v17 =	vimm.f32 $-1.000000000e+00;
	v0 =	vimm.f32 $0.0e+00  }
0x1ac: {  	v13 =	vimm.f32 $0.0e+00;
	v19 =	vimm.f32 $-1.000000000e+00;
	v10 =	vimm.f32 $0.0e+00  }
0x1ad: {  	s13 =	scvt.s32.f32 s31;
	v9 =	vimm.f32 $0.0e+00;
	v7 =	vimm.f32 $0.0e+00;
	v4 =	vimm.f32 $-1.000000000e+00  }
0x1ae: {  	v5 =	vimm.f32 $-1.000000000e+00;
	v6 =	vimm.f32 $-1.000000000e+00;
	vm1 =	vgt.f32 v3, v4  }
0x1af: {  	vm5 =	vgt.f32 v3, v4;
	v14 =	vsel vm1, s13, v0;
	v11 =	vsel vm1, v3, v4  }
0x1b0: {  	v16 =	vsel vm5, v4, v3;
	v1 =	vnsel vm1, s13, v0;
	v18 =	vnsel vm5, s13, v0  }
0x1b1: {  	v2 =	vsel vm1, v4, v3;
	v22 =	vsel vm1, v4, v3;
	v21 =	vnsel vm1, s13, v0  }
0x1b2: {  	vm3 =	vmmov vm5;
	vm4 =	vmmov vm5;
	vm0 =	vmmov vm5  }
0x1b3: {  	vm2 =	vmmov vm5;
	vm6 =	vmmov vm1;
	v12 =	vsel vm1, v2, v4  }
0x1b4: {  	s16 =	simm.s32 $0x100;
	s15 =	simm.s32 $0x80;
	s14 =	simm.s32 $0x1;
	v8 =	vsel vm5, v1, v0;
	v2 =	vimm.f32 $-1.000000000e+00;
	v1 =	vimm.f32 $-1.000000000e+00  }
.LBB2_22:
0x1b5: {  	s17 =	sand.u32 $0x3800, s16;
	s18 =	sand.u32 $0x380, s15;
	p0 =	sne.s32 s14, $0x3F;
	v4 =	vsel vm5, v22, v4;
	v22 =	vsel vm3, v6, v3;
	v0 =	vsel vm4, v18, v0;
	v23 =	vmovc v14  }
0x1b6: {  	v18 =	vnsel vm1, s13, v15;
	v24 =	vnsel vm5, s13, v13;
	v25 =	vsel vm0, v2, v3;
	v26 =	vmovc v11;
	v13 =	vmovc v8;
	s17 =	sor.u32 s18, s17;
	s18 =	smov.u32 s14;
	s14 =	sadd.s32 $0x1, s14  }
0x1b7: {  	v6 =	vsel vm3, v16, v6;
	v16 =	vsel vm2, v5, v3;
	v1 =	vsel vm4, v25, v1;
	v27 =	vld [tilespmem:s17+$0x420]  }
0x1b8: {  	v3 =	vsel vm1, v17, v3;
	v17 =	vmovc v12;
	v5 =	vsel vm2, v22, v5;
	v22 =	vnsel vm2, s13, v7  }
0x1b9: {  	v15 =	vsel vm1, v21, v15;
	v21 =	vnsel vm3, s13, v10;
	v10 =	vsel vm3, v24, v10  }
0x1ba: {  	v20 =	vsel vm6, v18, v20;
	v7 =	vsel vm2, v21, v7;
	v9 =	vsel vm0, v22, v9  }
0x1bb: {  	v19 =	vsel vm6, v3, v19;
	v2 =	vsel vm0, v16, v2;
	s13 =	scvt.s32.f32 s18  }
0x1bc: {  	vm7 =	vgt.f32 v27, v11;
	vm1 =	vgt.f32 v27, v12;
	vm6 =	vgt.f32 v27, v19;
	v3 =	vmovc v27  }
.Ltmp10:
0x1bd: {  	vm5 =	vgt.f32 v3, v4;
	vm3 =	vgt.f32 v3, v6;
	v14 =	vsel vm7, s13, v14;
	(pc) =	sbr.rel @p0 .LBB2_22-.Ltmp10, $4  }
0x1be: {  	vm0 =	vgt.f32 v3, v2;
	v11 =	vsel vm7, v3, v11;
	v16 =	vsel vm5, v4, v3  }
0x1bf: {  	vm2 =	vgt.f32 v3, v5;
	v24 =	vnsel vm6, s13, v20;
	v18 =	vnsel vm0, s13, v9  }
0x1c0: {  	vm4 =	vgt.f32 v3, v1;
	v25 =	vsel vm7, v26, v3;
	v22 =	vsel vm6, v19, v3  }
0x1c1: {  	s15 =	sadd.s32 $0x80, s15;
	s16 =	sadd.s32 $0x100, s16;
	v21 =	vnsel vm7, s13, v23;
	v12 =	vsel vm1, v25, v12;
	v8 =	vsel vm5, v24, v8  }
0x1c2: {  	v14 =	vtrunc.f32 v14;
	v21 =	vsel vm1, v21, v15;
	[tilespmem:$0x4420] =	vst v11  }
0x1c3: {  	[tilespmem:$0x44A0] =	vst v12;
	v8 =	vtrunc.f32 v8;
	v4 =	vsel vm5, v22, v4;
	v14 =	vcvt.f32.s32 v14  }
0x1c4: {  	v0 =	vsel vm4, v18, v0;
	v11 =	vtrunc.f32 v21;
	v8 =	vcvt.f32.s32 v8;
	[tilespmem:$0x45A0] =	vst v4  }
0x1c5: {  	v15 =	vnsel vm1, s13, v15;
	v0 =	vtrunc.f32 v0;
	v11 =	vcvt.f32.s32 v11;
	[tilespmem:$0x4C20] =	vst v14  }
0x1c6: {  	v15 =	vsel vm6, v15, v20;
	v0 =	vcvt.f32.s32 v0;
	[tilespmem:$0x4DA0] =	vst v8  }
0x1c7: {  	v12 =	vtrunc.f32 v15;
	v14 =	vsel vm1, v17, v3;
	[tilespmem:$0x4CA0] =	vst v11  }
0x1c8: {  	v14 =	vsel vm6, v14, v19;
	v11 =	vcvt.f32.s32 v12;
	v12 =	vnsel vm5, s13, v13;
	[tilespmem:$0x4FA0] =	vst v0  }
0x1c9: {  	[tilespmem:$0x4520] =	vst v14;
	v12 =	vsel vm3, v12, v10;
	v10 =	vnsel vm3, s13, v10  }
0x1ca: {  	[tilespmem:$0x4D20] =	vst v11;
	v4 =	vtrunc.f32 v12;
	v11 =	vsel vm3, v16, v6;
	v6 =	vsel vm3, v6, v3  }
0x1cb: {  	v10 =	vsel vm2, v10, v7;
	v4 =	vcvt.f32.s32 v4;
	[tilespmem:$0x4620] =	vst v11;
	v6 =	vsel vm2, v6, v5  }
0x1cc: {  	v7 =	vnsel vm2, s13, v7;
	v8 =	vtrunc.f32 v10;
	v5 =	vsel vm2, v5, v3;
	[tilespmem:$0x46A0] =	vst v6  }
0x1cd: {  	v7 =	vsel vm0, v7, v9;
	v5 =	vsel vm0, v5, v2;
	[tilespmem:$0x4E20] =	vst v4;
	v4 =	vcvt.f32.s32 v8  }
0x1ce: {  	v6 =	vtrunc.f32 v7;
	v2 =	vsel vm0, v2, v3;
	[tilespmem:$0x4720] =	vst v5  }
0x1cf: {  	s31 =	simm.s32 $0x0;
	v1 =	vsel vm4, v2, v1;
	[tilespmem:$0x4EA0] =	vst v4;
	v4 =	vcvt.f32.s32 v6  }
0x1d0: {  	s14 =	sand.u32 $0x3800, s31;
	s15 =	sand.u32 $0x380, s31;
	[tilespmem:$0x47A0] =	vst v1  }
0x1d1: {  	s14 =	sor.u32 s15, s14;
	[tilespmem:$0x4F20] =	vst v4  }
0x1d2: {  	v3 =	vld [tilespmem:s14+$0x430]  }
0x1d3: {  	v20 =	vimm.f32 $0.0e+00  }
0x1d4: {  	v15 =	vimm.f32 $0.0e+00;
	v17 =	vimm.f32 $-1.000000000e+00;
	v0 =	vimm.f32 $0.0e+00  }
0x1d5: {  	v13 =	vimm.f32 $0.0e+00;
	v19 =	vimm.f32 $-1.000000000e+00;
	v10 =	vimm.f32 $0.0e+00  }
0x1d6: {  	s13 =	scvt.s32.f32 s31;
	v9 =	vimm.f32 $0.0e+00;
	v7 =	vimm.f32 $0.0e+00;
	v4 =	vimm.f32 $-1.000000000e+00  }
0x1d7: {  	v5 =	vimm.f32 $-1.000000000e+00;
	v6 =	vimm.f32 $-1.000000000e+00;
	vm1 =	vgt.f32 v3, v4  }
0x1d8: {  	vm5 =	vgt.f32 v3, v4;
	v14 =	vsel vm1, s13, v0;
	v11 =	vsel vm1, v3, v4  }
0x1d9: {  	v16 =	vsel vm5, v4, v3;
	v1 =	vnsel vm1, s13, v0;
	v18 =	vnsel vm5, s13, v0  }
0x1da: {  	v2 =	vsel vm1, v4, v3;
	v22 =	vsel vm1, v4, v3;
	v21 =	vnsel vm1, s13, v0  }
0x1db: {  	vm3 =	vmmov vm5;
	vm4 =	vmmov vm5;
	vm0 =	vmmov vm5  }
0x1dc: {  	vm2 =	vmmov vm5;
	vm6 =	vmmov vm1;
	v12 =	vsel vm1, v2, v4  }
0x1dd: {  	s16 =	simm.s32 $0x100;
	s15 =	simm.s32 $0x80;
	s14 =	simm.s32 $0x1;
	v8 =	vsel vm5, v1, v0;
	v2 =	vimm.f32 $-1.000000000e+00;
	v1 =	vimm.f32 $-1.000000000e+00  }
.LBB2_24:
0x1de: {  	s17 =	sand.u32 $0x3800, s16;
	s18 =	sand.u32 $0x380, s15;
	p0 =	sne.s32 s14, $0x3F;
	v4 =	vsel vm5, v22, v4;
	v22 =	vsel vm3, v6, v3;
	v0 =	vsel vm4, v18, v0;
	v23 =	vmovc v14  }
0x1df: {  	v18 =	vnsel vm1, s13, v15;
	v24 =	vnsel vm5, s13, v13;
	v25 =	vsel vm0, v2, v3;
	v26 =	vmovc v11;
	v13 =	vmovc v8;
	s17 =	sor.u32 s18, s17;
	s18 =	smov.u32 s14;
	s14 =	sadd.s32 $0x1, s14  }
0x1e0: {  	v6 =	vsel vm3, v16, v6;
	v16 =	vsel vm2, v5, v3;
	v1 =	vsel vm4, v25, v1;
	v27 =	vld [tilespmem:s17+$0x430]  }
0x1e1: {  	v3 =	vsel vm1, v17, v3;
	v17 =	vmovc v12;
	v5 =	vsel vm2, v22, v5;
	v22 =	vnsel vm2, s13, v7  }
0x1e2: {  	v15 =	vsel vm1, v21, v15;
	v21 =	vnsel vm3, s13, v10;
	v10 =	vsel vm3, v24, v10  }
0x1e3: {  	v20 =	vsel vm6, v18, v20;
	v7 =	vsel vm2, v21, v7;
	v9 =	vsel vm0, v22, v9  }
0x1e4: {  	v19 =	vsel vm6, v3, v19;
	v2 =	vsel vm0, v16, v2;
	s13 =	scvt.s32.f32 s18  }
0x1e5: {  	vm7 =	vgt.f32 v27, v11;
	vm1 =	vgt.f32 v27, v12;
	vm6 =	vgt.f32 v27, v19;
	v3 =	vmovc v27  }
.Ltmp11:
0x1e6: {  	vm5 =	vgt.f32 v3, v4;
	vm3 =	vgt.f32 v3, v6;
	v14 =	vsel vm7, s13, v14;
	(pc) =	sbr.rel @p0 .LBB2_24-.Ltmp11, $4  }
0x1e7: {  	vm0 =	vgt.f32 v3, v2;
	v11 =	vsel vm7, v3, v11;
	v16 =	vsel vm5, v4, v3  }
0x1e8: {  	vm2 =	vgt.f32 v3, v5;
	v24 =	vnsel vm6, s13, v20;
	v18 =	vnsel vm0, s13, v9  }
0x1e9: {  	vm4 =	vgt.f32 v3, v1;
	v25 =	vsel vm7, v26, v3;
	v22 =	vsel vm6, v19, v3  }
0x1ea: {  	s15 =	sadd.s32 $0x80, s15;
	s16 =	sadd.s32 $0x100, s16;
	v21 =	vnsel vm7, s13, v23;
	v12 =	vsel vm1, v25, v12;
	v8 =	vsel vm5, v24, v8  }
0x1eb: {  	v14 =	vtrunc.f32 v14;
	v21 =	vsel vm1, v21, v15;
	[tilespmem:$0x4430] =	vst v11  }
0x1ec: {  	[tilespmem:$0x44B0] =	vst v12;
	v8 =	vtrunc.f32 v8;
	v4 =	vsel vm5, v22, v4;
	v14 =	vcvt.f32.s32 v14  }
0x1ed: {  	v0 =	vsel vm4, v18, v0;
	v11 =	vtrunc.f32 v21;
	v8 =	vcvt.f32.s32 v8;
	[tilespmem:$0x45B0] =	vst v4  }
0x1ee: {  	v15 =	vnsel vm1, s13, v15;
	v0 =	vtrunc.f32 v0;
	v11 =	vcvt.f32.s32 v11;
	[tilespmem:$0x4C30] =	vst v14  }
0x1ef: {  	v15 =	vsel vm6, v15, v20;
	v0 =	vcvt.f32.s32 v0;
	[tilespmem:$0x4DB0] =	vst v8  }
0x1f0: {  	v12 =	vtrunc.f32 v15;
	v14 =	vsel vm1, v17, v3;
	[tilespmem:$0x4CB0] =	vst v11  }
0x1f1: {  	v14 =	vsel vm6, v14, v19;
	v11 =	vcvt.f32.s32 v12;
	v12 =	vnsel vm5, s13, v13;
	[tilespmem:$0x4FB0] =	vst v0  }
0x1f2: {  	[tilespmem:$0x4530] =	vst v14;
	v12 =	vsel vm3, v12, v10;
	v10 =	vnsel vm3, s13, v10  }
0x1f3: {  	[tilespmem:$0x4D30] =	vst v11;
	v4 =	vtrunc.f32 v12;
	v11 =	vsel vm3, v16, v6;
	v6 =	vsel vm3, v6, v3  }
0x1f4: {  	v10 =	vsel vm2, v10, v7;
	v4 =	vcvt.f32.s32 v4;
	[tilespmem:$0x4630] =	vst v11;
	v6 =	vsel vm2, v6, v5  }
0x1f5: {  	v7 =	vnsel vm2, s13, v7;
	v8 =	vtrunc.f32 v10;
	v5 =	vsel vm2, v5, v3;
	[tilespmem:$0x46B0] =	vst v6  }
0x1f6: {  	v7 =	vsel vm0, v7, v9;
	v5 =	vsel vm0, v5, v2;
	[tilespmem:$0x4E30] =	vst v4;
	v4 =	vcvt.f32.s32 v8  }
0x1f7: {  	v6 =	vtrunc.f32 v7;
	v2 =	vsel vm0, v2, v3;
	[tilespmem:$0x4730] =	vst v5  }
0x1f8: {  	s31 =	simm.s32 $0x0;
	v1 =	vsel vm4, v2, v1;
	[tilespmem:$0x4EB0] =	vst v4;
	v4 =	vcvt.f32.s32 v6  }
0x1f9: {  	s14 =	sand.u32 $0x3800, s31;
	s15 =	sand.u32 $0x380, s31;
	[tilespmem:$0x47B0] =	vst v1  }
0x1fa: {  	s14 =	sor.u32 s15, s14;
	[tilespmem:$0x4F30] =	vst v4  }
0x1fb: {  	v3 =	vld [tilespmem:s14+$0x440]  }
0x1fc: {  	v20 =	vimm.f32 $0.0e+00  }
0x1fd: {  	v15 =	vimm.f32 $0.0e+00;
	v17 =	vimm.f32 $-1.000000000e+00;
	v0 =	vimm.f32 $0.0e+00  }
0x1fe: {  	v13 =	vimm.f32 $0.0e+00;
	v19 =	vimm.f32 $-1.000000000e+00;
	v10 =	vimm.f32 $0.0e+00  }
0x1ff: {  	s13 =	scvt.s32.f32 s31;
	v9 =	vimm.f32 $0.0e+00;
	v7 =	vimm.f32 $0.0e+00;
	v4 =	vimm.f32 $-1.000000000e+00  }
0x200: {  	v5 =	vimm.f32 $-1.000000000e+00;
	v6 =	vimm.f32 $-1.000000000e+00;
	vm1 =	vgt.f32 v3, v4  }
0x201: {  	vm5 =	vgt.f32 v3, v4;
	v14 =	vsel vm1, s13, v0;
	v11 =	vsel vm1, v3, v4  }
0x202: {  	v16 =	vsel vm5, v4, v3;
	v1 =	vnsel vm1, s13, v0;
	v18 =	vnsel vm5, s13, v0  }
0x203: {  	v2 =	vsel vm1, v4, v3;
	v22 =	vsel vm1, v4, v3;
	v21 =	vnsel vm1, s13, v0  }
0x204: {  	vm3 =	vmmov vm5;
	vm4 =	vmmov vm5;
	vm0 =	vmmov vm5  }
0x205: {  	vm2 =	vmmov vm5;
	vm6 =	vmmov vm1;
	v12 =	vsel vm1, v2, v4  }
0x206: {  	s16 =	simm.s32 $0x100;
	s15 =	simm.s32 $0x80;
	s14 =	simm.s32 $0x1;
	v8 =	vsel vm5, v1, v0;
	v2 =	vimm.f32 $-1.000000000e+00;
	v1 =	vimm.f32 $-1.000000000e+00  }
.LBB2_26:
0x207: {  	s17 =	sand.u32 $0x3800, s16;
	s18 =	sand.u32 $0x380, s15;
	p0 =	sne.s32 s14, $0x3F;
	v4 =	vsel vm5, v22, v4;
	v22 =	vsel vm3, v6, v3;
	v0 =	vsel vm4, v18, v0;
	v23 =	vmovc v14  }
0x208: {  	v18 =	vnsel vm1, s13, v15;
	v24 =	vnsel vm5, s13, v13;
	v25 =	vsel vm0, v2, v3;
	v26 =	vmovc v11;
	v13 =	vmovc v8;
	s17 =	sor.u32 s18, s17;
	s18 =	smov.u32 s14;
	s14 =	sadd.s32 $0x1, s14  }
0x209: {  	v6 =	vsel vm3, v16, v6;
	v16 =	vsel vm2, v5, v3;
	v1 =	vsel vm4, v25, v1;
	v27 =	vld [tilespmem:s17+$0x440]  }
0x20a: {  	v3 =	vsel vm1, v17, v3;
	v17 =	vmovc v12;
	v5 =	vsel vm2, v22, v5;
	v22 =	vnsel vm2, s13, v7  }
0x20b: {  	v15 =	vsel vm1, v21, v15;
	v21 =	vnsel vm3, s13, v10;
	v10 =	vsel vm3, v24, v10  }
0x20c: {  	v20 =	vsel vm6, v18, v20;
	v7 =	vsel vm2, v21, v7;
	v9 =	vsel vm0, v22, v9  }
0x20d: {  	v19 =	vsel vm6, v3, v19;
	v2 =	vsel vm0, v16, v2;
	s13 =	scvt.s32.f32 s18  }
0x20e: {  	vm7 =	vgt.f32 v27, v11;
	vm1 =	vgt.f32 v27, v12;
	vm6 =	vgt.f32 v27, v19;
	v3 =	vmovc v27  }
.Ltmp12:
0x20f: {  	vm5 =	vgt.f32 v3, v4;
	vm3 =	vgt.f32 v3, v6;
	v14 =	vsel vm7, s13, v14;
	(pc) =	sbr.rel @p0 .LBB2_26-.Ltmp12, $4  }
0x210: {  	vm0 =	vgt.f32 v3, v2;
	v11 =	vsel vm7, v3, v11;
	v16 =	vsel vm5, v4, v3  }
0x211: {  	vm2 =	vgt.f32 v3, v5;
	v24 =	vnsel vm6, s13, v20;
	v18 =	vnsel vm0, s13, v9  }
0x212: {  	vm4 =	vgt.f32 v3, v1;
	v25 =	vsel vm7, v26, v3;
	v22 =	vsel vm6, v19, v3  }
0x213: {  	s15 =	sadd.s32 $0x80, s15;
	s16 =	sadd.s32 $0x100, s16;
	v21 =	vnsel vm7, s13, v23;
	v12 =	vsel vm1, v25, v12;
	v8 =	vsel vm5, v24, v8  }
0x214: {  	v14 =	vtrunc.f32 v14;
	v21 =	vsel vm1, v21, v15;
	[tilespmem:$0x4440] =	vst v11  }
0x215: {  	[tilespmem:$0x44C0] =	vst v12;
	v8 =	vtrunc.f32 v8;
	v4 =	vsel vm5, v22, v4;
	v14 =	vcvt.f32.s32 v14  }
0x216: {  	v0 =	vsel vm4, v18, v0;
	v11 =	vtrunc.f32 v21;
	v8 =	vcvt.f32.s32 v8;
	[tilespmem:$0x45C0] =	vst v4  }
0x217: {  	v15 =	vnsel vm1, s13, v15;
	v0 =	vtrunc.f32 v0;
	v11 =	vcvt.f32.s32 v11;
	[tilespmem:$0x4C40] =	vst v14  }
0x218: {  	v15 =	vsel vm6, v15, v20;
	v0 =	vcvt.f32.s32 v0;
	[tilespmem:$0x4DC0] =	vst v8  }
0x219: {  	v12 =	vtrunc.f32 v15;
	v14 =	vsel vm1, v17, v3;
	[tilespmem:$0x4CC0] =	vst v11  }
0x21a: {  	v14 =	vsel vm6, v14, v19;
	v11 =	vcvt.f32.s32 v12;
	v12 =	vnsel vm5, s13, v13;
	[tilespmem:$0x4FC0] =	vst v0  }
0x21b: {  	[tilespmem:$0x4540] =	vst v14;
	v12 =	vsel vm3, v12, v10;
	v10 =	vnsel vm3, s13, v10  }
0x21c: {  	[tilespmem:$0x4D40] =	vst v11;
	v4 =	vtrunc.f32 v12;
	v11 =	vsel vm3, v16, v6;
	v6 =	vsel vm3, v6, v3  }
0x21d: {  	v10 =	vsel vm2, v10, v7;
	v4 =	vcvt.f32.s32 v4;
	[tilespmem:$0x4640] =	vst v11;
	v6 =	vsel vm2, v6, v5  }
0x21e: {  	v7 =	vnsel vm2, s13, v7;
	v8 =	vtrunc.f32 v10;
	v5 =	vsel vm2, v5, v3;
	[tilespmem:$0x46C0] =	vst v6  }
0x21f: {  	v7 =	vsel vm0, v7, v9;
	v5 =	vsel vm0, v5, v2;
	[tilespmem:$0x4E40] =	vst v4;
	v4 =	vcvt.f32.s32 v8  }
0x220: {  	v6 =	vtrunc.f32 v7;
	v2 =	vsel vm0, v2, v3;
	[tilespmem:$0x4740] =	vst v5  }
0x221: {  	s31 =	simm.s32 $0x0;
	v1 =	vsel vm4, v2, v1;
	[tilespmem:$0x4EC0] =	vst v4;
	v4 =	vcvt.f32.s32 v6  }
0x222: {  	s14 =	sand.u32 $0x3800, s31;
	s15 =	sand.u32 $0x380, s31;
	[tilespmem:$0x47C0] =	vst v1  }
0x223: {  	s14 =	sor.u32 s15, s14;
	[tilespmem:$0x4F40] =	vst v4  }
0x224: {  	v3 =	vld [tilespmem:s14+$0x450]  }
0x225: {  	v20 =	vimm.f32 $0.0e+00  }
0x226: {  	v15 =	vimm.f32 $0.0e+00;
	v17 =	vimm.f32 $-1.000000000e+00;
	v0 =	vimm.f32 $0.0e+00  }
0x227: {  	v13 =	vimm.f32 $0.0e+00;
	v19 =	vimm.f32 $-1.000000000e+00;
	v10 =	vimm.f32 $0.0e+00  }
0x228: {  	s13 =	scvt.s32.f32 s31;
	v9 =	vimm.f32 $0.0e+00;
	v7 =	vimm.f32 $0.0e+00;
	v4 =	vimm.f32 $-1.000000000e+00  }
0x229: {  	v5 =	vimm.f32 $-1.000000000e+00;
	v6 =	vimm.f32 $-1.000000000e+00;
	vm1 =	vgt.f32 v3, v4  }
0x22a: {  	vm5 =	vgt.f32 v3, v4;
	v14 =	vsel vm1, s13, v0;
	v11 =	vsel vm1, v3, v4  }
0x22b: {  	v16 =	vsel vm5, v4, v3;
	v1 =	vnsel vm1, s13, v0;
	v18 =	vnsel vm5, s13, v0  }
0x22c: {  	v2 =	vsel vm1, v4, v3;
	v22 =	vsel vm1, v4, v3;
	v21 =	vnsel vm1, s13, v0  }
0x22d: {  	vm3 =	vmmov vm5;
	vm4 =	vmmov vm5;
	vm0 =	vmmov vm5  }
0x22e: {  	vm2 =	vmmov vm5;
	vm6 =	vmmov vm1;
	v12 =	vsel vm1, v2, v4  }
0x22f: {  	s16 =	simm.s32 $0x100;
	s15 =	simm.s32 $0x80;
	s14 =	simm.s32 $0x1;
	v8 =	vsel vm5, v1, v0;
	v2 =	vimm.f32 $-1.000000000e+00;
	v1 =	vimm.f32 $-1.000000000e+00  }
.LBB2_28:
0x230: {  	s17 =	sand.u32 $0x3800, s16;
	s18 =	sand.u32 $0x380, s15;
	p0 =	sne.s32 s14, $0x3F;
	v4 =	vsel vm5, v22, v4;
	v22 =	vsel vm3, v6, v3;
	v0 =	vsel vm4, v18, v0;
	v23 =	vmovc v14  }
0x231: {  	v18 =	vnsel vm1, s13, v15;
	v24 =	vnsel vm5, s13, v13;
	v25 =	vsel vm0, v2, v3;
	v26 =	vmovc v11;
	v13 =	vmovc v8;
	s17 =	sor.u32 s18, s17;
	s18 =	smov.u32 s14;
	s14 =	sadd.s32 $0x1, s14  }
0x232: {  	v6 =	vsel vm3, v16, v6;
	v16 =	vsel vm2, v5, v3;
	v1 =	vsel vm4, v25, v1;
	v27 =	vld [tilespmem:s17+$0x450]  }
0x233: {  	v3 =	vsel vm1, v17, v3;
	v17 =	vmovc v12;
	v5 =	vsel vm2, v22, v5;
	v22 =	vnsel vm2, s13, v7  }
0x234: {  	v15 =	vsel vm1, v21, v15;
	v21 =	vnsel vm3, s13, v10;
	v10 =	vsel vm3, v24, v10  }
0x235: {  	v20 =	vsel vm6, v18, v20;
	v7 =	vsel vm2, v21, v7;
	v9 =	vsel vm0, v22, v9  }
0x236: {  	v19 =	vsel vm6, v3, v19;
	v2 =	vsel vm0, v16, v2;
	s13 =	scvt.s32.f32 s18  }
0x237: {  	vm7 =	vgt.f32 v27, v11;
	vm1 =	vgt.f32 v27, v12;
	vm6 =	vgt.f32 v27, v19;
	v3 =	vmovc v27  }
.Ltmp13:
0x238: {  	vm5 =	vgt.f32 v3, v4;
	vm3 =	vgt.f32 v3, v6;
	v14 =	vsel vm7, s13, v14;
	(pc) =	sbr.rel @p0 .LBB2_28-.Ltmp13, $4  }
0x239: {  	vm0 =	vgt.f32 v3, v2;
	v11 =	vsel vm7, v3, v11;
	v16 =	vsel vm5, v4, v3  }
0x23a: {  	vm2 =	vgt.f32 v3, v5;
	v24 =	vnsel vm6, s13, v20;
	v18 =	vnsel vm0, s13, v9  }
0x23b: {  	vm4 =	vgt.f32 v3, v1;
	v25 =	vsel vm7, v26, v3;
	v22 =	vsel vm6, v19, v3  }
0x23c: {  	s15 =	sadd.s32 $0x80, s15;
	s16 =	sadd.s32 $0x100, s16;
	v21 =	vnsel vm7, s13, v23;
	v12 =	vsel vm1, v25, v12;
	v8 =	vsel vm5, v24, v8  }
0x23d: {  	v14 =	vtrunc.f32 v14;
	v21 =	vsel vm1, v21, v15;
	[tilespmem:$0x4450] =	vst v11  }
0x23e: {  	[tilespmem:$0x44D0] =	vst v12;
	v8 =	vtrunc.f32 v8;
	v4 =	vsel vm5, v22, v4;
	v14 =	vcvt.f32.s32 v14  }
0x23f: {  	v0 =	vsel vm4, v18, v0;
	v11 =	vtrunc.f32 v21;
	v8 =	vcvt.f32.s32 v8;
	[tilespmem:$0x45D0] =	vst v4  }
0x240: {  	v15 =	vnsel vm1, s13, v15;
	v0 =	vtrunc.f32 v0;
	v11 =	vcvt.f32.s32 v11;
	[tilespmem:$0x4C50] =	vst v14  }
0x241: {  	v15 =	vsel vm6, v15, v20;
	v0 =	vcvt.f32.s32 v0;
	[tilespmem:$0x4DD0] =	vst v8  }
0x242: {  	v12 =	vtrunc.f32 v15;
	v14 =	vsel vm1, v17, v3;
	[tilespmem:$0x4CD0] =	vst v11  }
0x243: {  	v14 =	vsel vm6, v14, v19;
	v11 =	vcvt.f32.s32 v12;
	v12 =	vnsel vm5, s13, v13;
	[tilespmem:$0x4FD0] =	vst v0  }
0x244: {  	[tilespmem:$0x4550] =	vst v14;
	v12 =	vsel vm3, v12, v10;
	v10 =	vnsel vm3, s13, v10  }
0x245: {  	[tilespmem:$0x4D50] =	vst v11;
	v4 =	vtrunc.f32 v12;
	v11 =	vsel vm3, v16, v6;
	v6 =	vsel vm3, v6, v3  }
0x246: {  	v10 =	vsel vm2, v10, v7;
	v4 =	vcvt.f32.s32 v4;
	[tilespmem:$0x4650] =	vst v11;
	v6 =	vsel vm2, v6, v5  }
0x247: {  	v7 =	vnsel vm2, s13, v7;
	v8 =	vtrunc.f32 v10;
	v5 =	vsel vm2, v5, v3;
	[tilespmem:$0x46D0] =	vst v6  }
0x248: {  	v7 =	vsel vm0, v7, v9;
	v5 =	vsel vm0, v5, v2;
	[tilespmem:$0x4E50] =	vst v4;
	v4 =	vcvt.f32.s32 v8  }
0x249: {  	v6 =	vtrunc.f32 v7;
	v2 =	vsel vm0, v2, v3;
	[tilespmem:$0x4750] =	vst v5  }
0x24a: {  	s31 =	simm.s32 $0x0;
	v1 =	vsel vm4, v2, v1;
	[tilespmem:$0x4ED0] =	vst v4;
	v4 =	vcvt.f32.s32 v6  }
0x24b: {  	s14 =	sand.u32 $0x3800, s31;
	s15 =	sand.u32 $0x380, s31;
	[tilespmem:$0x47D0] =	vst v1  }
0x24c: {  	s14 =	sor.u32 s15, s14;
	[tilespmem:$0x4F50] =	vst v4  }
0x24d: {  	v3 =	vld [tilespmem:s14+$0x460]  }
0x24e: {  	v20 =	vimm.f32 $0.0e+00  }
0x24f: {  	v15 =	vimm.f32 $0.0e+00;
	v17 =	vimm.f32 $-1.000000000e+00;
	v0 =	vimm.f32 $0.0e+00  }
0x250: {  	v13 =	vimm.f32 $0.0e+00;
	v19 =	vimm.f32 $-1.000000000e+00;
	v10 =	vimm.f32 $0.0e+00  }
0x251: {  	s13 =	scvt.s32.f32 s31;
	v9 =	vimm.f32 $0.0e+00;
	v7 =	vimm.f32 $0.0e+00;
	v4 =	vimm.f32 $-1.000000000e+00  }
0x252: {  	v5 =	vimm.f32 $-1.000000000e+00;
	v6 =	vimm.f32 $-1.000000000e+00;
	vm1 =	vgt.f32 v3, v4  }
0x253: {  	vm5 =	vgt.f32 v3, v4;
	v14 =	vsel vm1, s13, v0;
	v11 =	vsel vm1, v3, v4  }
0x254: {  	v16 =	vsel vm5, v4, v3;
	v1 =	vnsel vm1, s13, v0;
	v18 =	vnsel vm5, s13, v0  }
0x255: {  	v2 =	vsel vm1, v4, v3;
	v22 =	vsel vm1, v4, v3;
	v21 =	vnsel vm1, s13, v0  }
0x256: {  	vm3 =	vmmov vm5;
	vm4 =	vmmov vm5;
	vm0 =	vmmov vm5  }
0x257: {  	vm2 =	vmmov vm5;
	vm6 =	vmmov vm1;
	v12 =	vsel vm1, v2, v4  }
0x258: {  	s16 =	simm.s32 $0x100;
	s15 =	simm.s32 $0x80;
	s14 =	simm.s32 $0x1;
	v8 =	vsel vm5, v1, v0;
	v2 =	vimm.f32 $-1.000000000e+00;
	v1 =	vimm.f32 $-1.000000000e+00  }
.LBB2_30:
0x259: {  	s17 =	sand.u32 $0x3800, s16;
	s18 =	sand.u32 $0x380, s15;
	p0 =	sne.s32 s14, $0x3F;
	v4 =	vsel vm5, v22, v4;
	v22 =	vsel vm3, v6, v3;
	v0 =	vsel vm4, v18, v0;
	v23 =	vmovc v14  }
0x25a: {  	v18 =	vnsel vm1, s13, v15;
	v24 =	vnsel vm5, s13, v13;
	v25 =	vsel vm0, v2, v3;
	v26 =	vmovc v11;
	v13 =	vmovc v8;
	s17 =	sor.u32 s18, s17;
	s18 =	smov.u32 s14;
	s14 =	sadd.s32 $0x1, s14  }
0x25b: {  	v6 =	vsel vm3, v16, v6;
	v16 =	vsel vm2, v5, v3;
	v1 =	vsel vm4, v25, v1;
	v27 =	vld [tilespmem:s17+$0x460]  }
0x25c: {  	v3 =	vsel vm1, v17, v3;
	v17 =	vmovc v12;
	v5 =	vsel vm2, v22, v5;
	v22 =	vnsel vm2, s13, v7  }
0x25d: {  	v15 =	vsel vm1, v21, v15;
	v21 =	vnsel vm3, s13, v10;
	v10 =	vsel vm3, v24, v10  }
0x25e: {  	v20 =	vsel vm6, v18, v20;
	v7 =	vsel vm2, v21, v7;
	v9 =	vsel vm0, v22, v9  }
0x25f: {  	v19 =	vsel vm6, v3, v19;
	v2 =	vsel vm0, v16, v2;
	s13 =	scvt.s32.f32 s18  }
0x260: {  	vm7 =	vgt.f32 v27, v11;
	vm1 =	vgt.f32 v27, v12;
	vm6 =	vgt.f32 v27, v19;
	v3 =	vmovc v27  }
.Ltmp14:
0x261: {  	vm5 =	vgt.f32 v3, v4;
	vm3 =	vgt.f32 v3, v6;
	v14 =	vsel vm7, s13, v14;
	(pc) =	sbr.rel @p0 .LBB2_30-.Ltmp14, $4  }
0x262: {  	vm0 =	vgt.f32 v3, v2;
	v11 =	vsel vm7, v3, v11;
	v16 =	vsel vm5, v4, v3  }
0x263: {  	vm2 =	vgt.f32 v3, v5;
	v24 =	vnsel vm6, s13, v20;
	v18 =	vnsel vm0, s13, v9  }
0x264: {  	vm4 =	vgt.f32 v3, v1;
	v25 =	vsel vm7, v26, v3;
	v22 =	vsel vm6, v19, v3  }
0x265: {  	s15 =	sadd.s32 $0x80, s15;
	s16 =	sadd.s32 $0x100, s16;
	v21 =	vnsel vm7, s13, v23;
	v12 =	vsel vm1, v25, v12;
	v8 =	vsel vm5, v24, v8  }
0x266: {  	v14 =	vtrunc.f32 v14;
	v21 =	vsel vm1, v21, v15;
	[tilespmem:$0x4460] =	vst v11  }
0x267: {  	[tilespmem:$0x44E0] =	vst v12;
	v8 =	vtrunc.f32 v8;
	v4 =	vsel vm5, v22, v4;
	v14 =	vcvt.f32.s32 v14  }
0x268: {  	v0 =	vsel vm4, v18, v0;
	v11 =	vtrunc.f32 v21;
	v8 =	vcvt.f32.s32 v8;
	[tilespmem:$0x45E0] =	vst v4  }
0x269: {  	v15 =	vnsel vm1, s13, v15;
	v0 =	vtrunc.f32 v0;
	v11 =	vcvt.f32.s32 v11;
	[tilespmem:$0x4C60] =	vst v14  }
0x26a: {  	v15 =	vsel vm6, v15, v20;
	v0 =	vcvt.f32.s32 v0;
	[tilespmem:$0x4DE0] =	vst v8  }
0x26b: {  	v12 =	vtrunc.f32 v15;
	v14 =	vsel vm1, v17, v3;
	[tilespmem:$0x4CE0] =	vst v11  }
0x26c: {  	v14 =	vsel vm6, v14, v19;
	v11 =	vcvt.f32.s32 v12;
	v12 =	vnsel vm5, s13, v13;
	[tilespmem:$0x4FE0] =	vst v0  }
0x26d: {  	[tilespmem:$0x4560] =	vst v14;
	v12 =	vsel vm3, v12, v10;
	v10 =	vnsel vm3, s13, v10  }
0x26e: {  	[tilespmem:$0x4D60] =	vst v11;
	v4 =	vtrunc.f32 v12;
	v11 =	vsel vm3, v16, v6;
	v6 =	vsel vm3, v6, v3  }
0x26f: {  	v10 =	vsel vm2, v10, v7;
	v4 =	vcvt.f32.s32 v4;
	[tilespmem:$0x4660] =	vst v11;
	v6 =	vsel vm2, v6, v5  }
0x270: {  	v7 =	vnsel vm2, s13, v7;
	v8 =	vtrunc.f32 v10;
	v5 =	vsel vm2, v5, v3;
	[tilespmem:$0x46E0] =	vst v6  }
0x271: {  	v7 =	vsel vm0, v7, v9;
	v5 =	vsel vm0, v5, v2;
	[tilespmem:$0x4E60] =	vst v4;
	v4 =	vcvt.f32.s32 v8  }
0x272: {  	v6 =	vtrunc.f32 v7;
	v2 =	vsel vm0, v2, v3;
	[tilespmem:$0x4760] =	vst v5  }
0x273: {  	s31 =	simm.s32 $0x0;
	v1 =	vsel vm4, v2, v1;
	[tilespmem:$0x4EE0] =	vst v4;
	v4 =	vcvt.f32.s32 v6  }
0x274: {  	s14 =	sand.u32 $0x3800, s31;
	s15 =	sand.u32 $0x380, s31;
	[tilespmem:$0x47E0] =	vst v1  }
0x275: {  	s14 =	sor.u32 s15, s14;
	[tilespmem:$0x4F60] =	vst v4  }
0x276: {  	v3 =	vld [tilespmem:s14+$0x470]  }
0x277: {  	v20 =	vimm.f32 $0.0e+00  }
0x278: {  	v15 =	vimm.f32 $0.0e+00;
	v17 =	vimm.f32 $-1.000000000e+00;
	v0 =	vimm.f32 $0.0e+00  }
0x279: {  	v13 =	vimm.f32 $0.0e+00;
	v19 =	vimm.f32 $-1.000000000e+00;
	v10 =	vimm.f32 $0.0e+00  }
0x27a: {  	s13 =	scvt.s32.f32 s31;
	v9 =	vimm.f32 $0.0e+00;
	v7 =	vimm.f32 $0.0e+00;
	v4 =	vimm.f32 $-1.000000000e+00  }
0x27b: {  	v5 =	vimm.f32 $-1.000000000e+00;
	v6 =	vimm.f32 $-1.000000000e+00;
	vm1 =	vgt.f32 v3, v4  }
0x27c: {  	vm5 =	vgt.f32 v3, v4;
	v14 =	vsel vm1, s13, v0;
	v11 =	vsel vm1, v3, v4  }
0x27d: {  	v16 =	vsel vm5, v4, v3;
	v1 =	vnsel vm1, s13, v0;
	v18 =	vnsel vm5, s13, v0  }
0x27e: {  	v2 =	vsel vm1, v4, v3;
	v22 =	vsel vm1, v4, v3;
	v21 =	vnsel vm1, s13, v0  }
0x27f: {  	vm3 =	vmmov vm5;
	vm4 =	vmmov vm5;
	vm0 =	vmmov vm5  }
0x280: {  	vm2 =	vmmov vm5;
	vm6 =	vmmov vm1;
	v12 =	vsel vm1, v2, v4  }
0x281: {  	s16 =	simm.s32 $0x100;
	s15 =	simm.s32 $0x80;
	s14 =	simm.s32 $0x1;
	v8 =	vsel vm5, v1, v0;
	v2 =	vimm.f32 $-1.000000000e+00;
	v1 =	vimm.f32 $-1.000000000e+00  }
.LBB2_32:
0x282: {  	s17 =	sand.u32 $0x3800, s16;
	s18 =	sand.u32 $0x380, s15;
	p0 =	sne.s32 s14, $0x3F;
	v4 =	vsel vm5, v22, v4;
	v22 =	vsel vm3, v6, v3;
	v0 =	vsel vm4, v18, v0;
	v23 =	vmovc v14  }
0x283: {  	v18 =	vnsel vm1, s13, v15;
	v24 =	vnsel vm5, s13, v13;
	v25 =	vsel vm0, v2, v3;
	v26 =	vmovc v11;
	v13 =	vmovc v8;
	s17 =	sor.u32 s18, s17;
	s18 =	smov.u32 s14;
	s14 =	sadd.s32 $0x1, s14  }
0x284: {  	v6 =	vsel vm3, v16, v6;
	v16 =	vsel vm2, v5, v3;
	v1 =	vsel vm4, v25, v1;
	v27 =	vld [tilespmem:s17+$0x470]  }
0x285: {  	v3 =	vsel vm1, v17, v3;
	v17 =	vmovc v12;
	v5 =	vsel vm2, v22, v5;
	v22 =	vnsel vm2, s13, v7  }
0x286: {  	v15 =	vsel vm1, v21, v15;
	v21 =	vnsel vm3, s13, v10;
	v10 =	vsel vm3, v24, v10  }
0x287: {  	v20 =	vsel vm6, v18, v20;
	v7 =	vsel vm2, v21, v7;
	v9 =	vsel vm0, v22, v9  }
0x288: {  	v19 =	vsel vm6, v3, v19;
	v2 =	vsel vm0, v16, v2;
	s13 =	scvt.s32.f32 s18  }
0x289: {  	vm7 =	vgt.f32 v27, v11;
	vm1 =	vgt.f32 v27, v12;
	vm6 =	vgt.f32 v27, v19;
	v3 =	vmovc v27  }
.Ltmp15:
0x28a: {  	vm5 =	vgt.f32 v3, v4;
	vm3 =	vgt.f32 v3, v6;
	v14 =	vsel vm7, s13, v14;
	(pc) =	sbr.rel @p0 .LBB2_32-.Ltmp15, $4  }
0x28b: {  	vm0 =	vgt.f32 v3, v2;
	v11 =	vsel vm7, v3, v11;
	v16 =	vsel vm5, v4, v3  }
0x28c: {  	vm2 =	vgt.f32 v3, v5;
	v24 =	vnsel vm6, s13, v20;
	v18 =	vnsel vm0, s13, v9  }
0x28d: {  	vm4 =	vgt.f32 v3, v1;
	v25 =	vsel vm7, v26, v3;
	v22 =	vsel vm6, v19, v3  }
0x28e: {  	s15 =	sadd.s32 $0x80, s15;
	s16 =	sadd.s32 $0x100, s16;
	v21 =	vnsel vm7, s13, v23;
	v12 =	vsel vm1, v25, v12;
	v8 =	vsel vm5, v24, v8  }
0x28f: {  	[tilespmem:$0x4470] =	vst v11  }
0x290: {  	v14 =	vtrunc.f32 v14;
	v21 =	vsel vm1, v21, v15;
	[tilespmem:$0x44F0] =	vst v12;
	v4 =	vsel vm5, v22, v4  }
0x291: {  	v47 =	vnsel vm1, s13, v15;
	v55 =	vsel vm3, v16, v6;
	v56 =	vsel vm3, v6, v3;
	[tilespmem:$0x45F0] =	vst v4  }
0x292: {  	v49 =	vsel vm1, v17, v3;
	v60 =	vsel vm2, v5, v3;
	[tilespmem:$0x4670] =	vst v55;
	v6 =	vsel vm2, v56, v5  }
0x293: {  	v52 =	vnsel vm5, s13, v13;
	v63 =	vsel vm0, v2, v3;
	v5 =	vsel vm0, v60, v2;
	[tilespmem:$0x46F0] =	vst v6  }
0x294: {  	v8 =	vtrunc.f32 v8;
	v14 =	vcvt.f32.s32 v14;
	v1 =	vsel vm4, v63, v1;
	[tilespmem:$0x4770] =	vst v5  }
0x295: {  	v53 =	vnsel vm3, s13, v10;
	v48 =	vtrunc.f32 v21;
	v8 =	vcvt.f32.s32 v8;
	[tilespmem:$0x47F0] =	vst v1  }
0x296: {  	v57 =	vnsel vm2, s13, v7;
	v0 =	vsel vm4, v18, v0;
	v11 =	vcvt.f32.s32 v48;
	[tilespmem:$0x4C70] =	vst v14  }
0x297: {  	v15 =	vsel vm6, v47, v20;
	v12 =	vsel vm3, v52, v10;
	v0 =	vtrunc.f32 v0;
	[tilespmem:$0x4DF0] =	vst v8  }
0x298: {  	v50 =	vtrunc.f32 v15;
	v0 =	vcvt.f32.s32 v0;
	v14 =	vsel vm6, v49, v19;
	[tilespmem:$0x4CF0] =	vst v11  }
0x299: {  	v10 =	vsel vm2, v53, v7;
	v54 =	vtrunc.f32 v12;
	v51 =	vcvt.f32.s32 v50;
	[tilespmem:$0x4570] =	vst v14  }
0x29a: {  	v7 =	vsel vm0, v57, v9;
	v58 =	vtrunc.f32 v10;
	v4 =	vcvt.f32.s32 v54;
	[tilespmem:$0x4FF0] =	vst v0  }
0x29b: {  	v61 =	vtrunc.f32 v7;
	v59 =	vcvt.f32.s32 v58;
	[tilespmem:$0x4D70] =	vst v51  }
0x29c: {  	v62 =	vcvt.f32.s32 v61;
	[tilespmem:$0x4E70] =	vst v4  }
0x29d: {  	[tilespmem:$0x4EF0] =	vst v59  }
0x29e: {  	[tilespmem:$0x4F70] =	vst v62  }
0x29f: {  	[hbm4b:s4+s2] =	stream.linear.scatter [tilespmem:s10], [sflag:$0x1], $0x800, $0x38;
	[tilespmem:$0x5000] =	vst v63  }
0x2a0: {  	s12 =	sadd.s32 $0x1, s12;
	_ =	swait.ge [sflag:s9], $0x800  }
0x2a1: {  	p0 =	sne.s32 s12, s6;
	[sflag:s9] =	ssyncset.done $0x0  }
.Ltmp16:
0x2a2: {  	[sflag:s9] =	ssyncadd.s32 $0xFFFFF800;
	(pc) =	sbr.rel @p0 .LBB2_1-.Ltmp16, $4  }
0x2a3: {  	[hbm4b:s5+s2] =	stream.linear.scatter [tilespmem:s11], [sflag:$0x1], $0x800, $0x38;
	[tilespmem:$0x5000] =	vst v63  }
0x2a4: {  	_ =	swait.ge [sflag:s9], $0x800  }
0x2a5: {  	[sflag:s9] =	ssyncset.done $0x0  }
0x2a6: {  	[sflag:s9] =	ssyncadd.s32 $0xFFFFF800  }
0x2a7: {  	_ =	sfence.sel $0x180000  }
0x2a8: {  	[bflag:$0x0] =	sbarrier.arrive $0xFFFF  }
0x2a9: {  	p0 =	sne.s32 s1, $0x0;
	_ =	strace $0x90000047  }
0x2aa: {  	s0 =	sadd.s32 @!p0 $0x100000, s0;
	[bflag:$0x2] =	sbarrier.arrive $0xFFFF  }
0x2ab: {  	[sflag:s0] =	ssyncadd.tile.s32 @!p0 $0x1;
	_ =	shalt  }
.Lfunc_end2:
_tile_overlayer_lowered:
.L_overlay_start_2:
0x2ac: {  	(tag) =	ssettag $0x2  }
0x2ad: {  	s0 =	rddreg [dreg:$0x0];
	s2 =	stileid.u32  }
0x2ae: {  	s1 =	rddreg [dreg:$0x1];
	p0 =	sne.s32 s2, $0x0  }
0x2af: {  	s3 =	rddreg [dreg:$0x2];
	[bflag:$0x3] =	sbarrier.arrive $0xFFFF;
	s2 =	simm.s32 @!p0 $0x1C01  }
0x2b0: {  	[timem:s3], [sflag:s2] =	dma.local @!p0 [hbm:s0], s1  }
0x2b1: {  	s0 =	simm.s32 @!p0 $0x1  }
0x2b2: {  	_ =	swait.ge @!p0 [sflag:s0], s1  }
0x2b3: {  	s1 =	ssub.s32 @!p0 $0x0, s1;
	[sflag:s0] =	ssyncset.done @!p0 $0x0  }
0x2b4: {  	[sflag:s0] =	ssyncadd.s32 @!p0 s1  }
0x2b5: {  	[bflag:$0x3] =	sbarrier.arrive $0xFFFF  }
0x2b6: {  	_ =	shalt  }

</sc_bundles>
